<compile_context>
chip_gen: v7x
topology: tpu7x:2x2x1
jax: 0.10.2.dev20260603
libtpu: 0.0.44.dev20260713+nightly
codegen_flags: <defaults>
</compile_context>

<pallas_src>
import jax
import jax.numpy as jnp
from jax import lax
from jax.experimental import pallas as pl
from jax.experimental.pallas import tpu as pltpu
from jax.experimental.pallas import tpu_sc as plsc

B = 16384
C = 1000
MARGIN = 1.0

TC_COLS = 12288
BN = 2048
NB = TC_COLS // BN

NC = 2
NS = 16
NW = NC * NS
CG = 128
PR = 256
P_R0 = (0, 256, 512, 744)
P_LO = (0, 256, 512, 768)
P_HI = (256, 512, 768, 1000)
P_SKIP = (0, 0, 0, 24)

_sc_mesh = plsc.VectorSubcoreMesh(core_axis_name="c", subcore_axis_name="s")


def _hinge_tc(x_ref, y_ref, out_ref):
    i = pl.program_id(0)
    x = x_ref[...]
    yv = y_ref[...].reshape(1, BN)
    rows = jax.lax.broadcasted_iota(jnp.int32, (C, BN), 0)
    g = jnp.sum(jnp.where(rows == yv, x, 0.0), axis=0, keepdims=True)
    s1 = jnp.sum(x, axis=0, keepdims=True)
    s2 = jnp.sum(x * x, axis=0, keepdims=True)
    omg = MARGIN - g
    row_tot = s2 + 2.0 * omg * s1 + C * (omg * omg) - 1.0
    partial = jnp.sum(row_tot).reshape(1, 1)

    @pl.when(i == 0)
    def _init():
        out_ref[...] = jnp.zeros((1, 1), jnp.float32)

    out_ref[...] += partial


def _hinge_sc(xt_hbm, y_hbm, out_hbm, y_v, xa, xb, outv, s1_v, g_sm,
              sem_y, sem_a, sem_b):
    wid = lax.axis_index("s") * NC + lax.axis_index("c")
    cbase = TC_COLS + wid * CG

    pltpu.make_async_copy(y_hbm.at[pl.ds(cbase, CG)], y_v, sem_y).start()
    pltpu.make_async_copy(y_hbm.at[pl.ds(cbase, CG)], y_v, sem_y).wait()

    bufs = (xa, xb)
    sems = (sem_a, sem_b)

    def dma(p):
        return pltpu.make_async_copy(
            xt_hbm.at[pl.ds(P_R0[p], PR), pl.ds(cbase, CG)],
            bufs[p % 2], sems[p % 2])

    dma(0).start()
    dma(1).start()

    zeros = jnp.zeros((16,), jnp.float32)
    tot = zeros
    for p in range(4):
        dma(p).wait()
        buf = bufs[p % 2]

        def sgbody(sg, tot_in, p=p, buf=buf):
            rpt = 16 if P_SKIP[p] == 0 else 8

            def rbody(r, c):
                acc = list(c)
                for k in range(rpt):
                    v = buf[P_SKIP[p] + r * rpt + k, pl.ds(sg * 16, 16)]
                    j = k % 4
                    acc[j] = acc[j] + v
                    acc[4 + j] = acc[4 + j] + v * v
                return tuple(acc)

            n_tr = (P_HI[p] - P_LO[p]) // rpt
            a = lax.fori_loop(0, n_tr, rbody, (zeros,) * 8)
            s1p = (a[0] + a[1]) + (a[2] + a[3])
            s2p = (a[4] + a[5]) + (a[6] + a[7])
            if p == 0:
                s1_v[sg] = s1p
            else:
                s1_v[sg] = s1_v[sg] + s1p
            y16 = y_v[pl.ds(sg * 16, 16)]
            for k in range(16):
                yk = y16[k]
                in_p = (yk >> 8) == p
                row = jnp.clip(yk - P_R0[p], 0, PR - 1)
                val = buf[row, pl.ds(sg * 16, 16)][k]
                if p == 0:
                    g_sm[sg * 16 + k] = jnp.where(in_p, val, 0.0)
                else:
                    g_sm[sg * 16 + k] = jnp.where(in_p, val,
                                                  g_sm[sg * 16 + k])
            return tot_in + s2p

        tot = lax.fori_loop(0, CG // 16, sgbody, tot)
        if p < 2:
            dma(p + 2).start()

    def algebra(sg, ts):
        s1vec = s1_v[sg]
        for k in range(16):
            g = g_sm[sg * 16 + k]
            omg = MARGIN - g
            ts = ts + 2.0 * omg * s1vec[k] + C * (omg * omg) - 1.0
        return ts

    tot_s = lax.fori_loop(0, CG // 16, algebra, jnp.float32(0.0))
    outv[...] = tot + tot_s * 0.0625
    pltpu.make_async_copy(outv, out_hbm.at[wid], sem_y).start()
    pltpu.make_async_copy(outv, out_hbm.at[wid], sem_y).wait()


def kernel(output, y):
    xt = output.T

    sc_partials = pl.kernel(
        _hinge_sc,
        mesh=_sc_mesh,
        out_type=jax.ShapeDtypeStruct((NW, 16), jnp.float32),
        scratch_types=[
            pltpu.VMEM((CG,), jnp.int32),
            pltpu.VMEM((PR, CG), jnp.float32),
            pltpu.VMEM((PR, CG), jnp.float32),
            pltpu.VMEM((16,), jnp.float32),
            pltpu.VMEM((CG // 16, 16), jnp.float32),
            pltpu.SMEM((CG,), jnp.float32),
            pltpu.SemaphoreType.DMA,
            pltpu.SemaphoreType.DMA,
            pltpu.SemaphoreType.DMA,
        ],
    )(xt, y)

    tc_total = pl.pallas_call(
        _hinge_tc,
        grid=(NB,),
        in_specs=[
            pl.BlockSpec((C, BN), lambda i: (0, i)),
            pl.BlockSpec((BN,), lambda i: (i,)),
        ],
        out_specs=pl.BlockSpec((1, 1), lambda i: (0, 0)),
        out_shape=jax.ShapeDtypeStruct((1, 1), jnp.float32),
        compiler_params=pltpu.CompilerParams(
            dimension_semantics=("arbitrary",),
        ),
    )(xt, y)

    return (tc_total[0, 0] + jnp.sum(sc_partials)) / B

# --- scband reference (transcript-rebuilt; emitter-appended) ---
"""Pipeline reference for scband-multi-class-hinge-loss-52355651338686 (READ-ONLY COPY).

The authoritative reference and input builder live on the scoring server;
editing this copy changes nothing except your own understanding.
"""

import jax, jax.numpy as jnp
import numpy as np

B = 16384
C = 1000
P = 2
MARGIN = 1.0


def setup_inputs(seed: int = 0) -> dict:
    key = jax.random.key(seed)
    k1, k2 = jax.random.split(key)
    output = jax.random.normal(k1, (B, C), dtype=jnp.float32)
    y = jax.random.randint(k2, (B,), 0, C, dtype=jnp.int32)
    return {"output": output, "y": y}


def reference(output, y):
    # Faithful translation of MultiClassHingeLoss.forward
    n = output.shape[0]
    rows = jnp.arange(n)
    # output_y = output[arange(B), y].view(-1, 1)
    output_y = output[rows, y].reshape(-1, 1)
    loss = output - output_y + MARGIN
    # zero out the entries at the true class (loss[arange, y] = 0)
    loss = loss.at[rows, y].set(0.0)
    # p != 1 -> elementwise power (note: original code has NO clamp at 0)
    if P != 1:
        loss = jnp.power(loss, P)
    # weight is None -> no reweighting
    total = jnp.sum(loss)
    # size_average=True
    total = total / n
    return total

if __name__ == "__main__":
    import jax
    _d = setup_inputs()
    print(jax.jit(kernel)(*tuple(_d.values())))

</pallas_src>

<mosaic_0001>
#map = affine_map<(d0, d1) -> (0, 0)>
#map1 = affine_map<(d0, d1) -> (0)>
module attributes {stable_mosaic.version = 14 : i64} {
  func.func @_hinge_sc(%arg0: i32, %arg1: i32, %arg2: memref<1000x16384xf32, #tpu.memory_space<hbm>>, %arg3: memref<16384xi32, #tpu.memory_space<hbm>>, %arg4: memref<32x16xf32, #tpu.memory_space<hbm>>, %arg5: memref<128xi32, #tpu.memory_space<vmem>>, %arg6: memref<256x128xf32, #tpu.memory_space<vmem>>, %arg7: memref<256x128xf32, #tpu.memory_space<vmem>>, %arg8: memref<16xf32, #tpu.memory_space<vmem>>, %arg9: memref<8x16xf32, #tpu.memory_space<vmem>>, %arg10: memref<128xf32, #tpu.memory_space<smem>>, %arg11: memref<!tpu.dma_semaphore, #tpu.memory_space<semaphore_mem>>, %arg12: memref<!tpu.dma_semaphore, #tpu.memory_space<semaphore_mem>>, %arg13: memref<!tpu.dma_semaphore, #tpu.memory_space<semaphore_mem>>) attributes {dimension_semantics = [#tpu.dimension_semantics<core_parallel>, #tpu.dimension_semantics<subcore_parallel>], iteration_bounds = array<i64: 2, 16>, scalar_prefetch = 0 : i64, scratch_operands = 9 : i64, tpu.core_type = #tpu.core_type<sc_vector_subcore>, window_params = [{transform_indices = #map}, {transform_indices = #map1}, {transform_indices = #map}]} {
    %mul3A = arith.constant 2 : i32
    %mul3A_0 = arith.muli %arg1, %mul3A : i32
    %add3A = arith.addi %mul3A_0, %arg0 : i32
    %mul3A_1 = arith.constant 128 : i32
    %mul3A_2 = arith.muli %add3A, %mul3A_1 : i32
    %add3A_3 = arith.constant 12288 : i32
    %add3A_4 = arith.addi %add3A_3, %mul3A_2 : i32
    %dma_start3A = tpu.memref_slice %arg3[%add3A_4] : memref<16384xi32, #tpu.memory_space<hbm>> -> memref<128xi32, #tpu.memory_space<hbm>>
    %dma_start3A_5 = tpu.memref_slice %arg3[%add3A_4] : memref<16384xi32, #tpu.memory_space<hbm>> -> memref<128xi32, #tpu.memory_space<hbm>>
    tpu.enqueue_dma source(%dma_start3A_5 : memref<128xi32, #tpu.memory_space<hbm>>) target(%arg5 : memref<128xi32, #tpu.memory_space<vmem>>) target_semaphore(%arg11 : memref<!tpu.dma_semaphore, #tpu.memory_space<semaphore_mem>>)
    %dma_wait3A = tpu.memref_slice %arg3[%add3A_4] : memref<16384xi32, #tpu.memory_space<hbm>> -> memref<128xi32, #tpu.memory_space<hbm>>
    %dma_wait3A_6 = tpu.memref_slice %arg3[%add3A_4] : memref<16384xi32, #tpu.memory_space<hbm>> -> memref<128xi32, #tpu.memory_space<hbm>>
    tpu.wait_dma2 semaphore(%arg11 : memref<!tpu.dma_semaphore, #tpu.memory_space<semaphore_mem>>) src(%dma_wait3A_6 : memref<128xi32, #tpu.memory_space<hbm>>) dst(%arg5 : memref<128xi32, #tpu.memory_space<vmem>>)
    %dma_start3A_7 = arith.constant 0 : i32
    %dma_start3A_8 = tpu.memref_slice %arg2[%dma_start3A_7, %add3A_4] : memref<1000x16384xf32, #tpu.memory_space<hbm>> -> memref<256x128xf32, #tpu.memory_space<hbm>>
    %dma_start3A_9 = arith.constant 0 : i32
    %dma_start3A_10 = tpu.memref_slice %arg2[%dma_start3A_9, %add3A_4] : memref<1000x16384xf32, #tpu.memory_space<hbm>> -> memref<256x128xf32, #tpu.memory_space<hbm>>
    tpu.enqueue_dma source(%dma_start3A_10 : memref<256x128xf32, #tpu.memory_space<hbm>>) target(%arg6 : memref<256x128xf32, #tpu.memory_space<vmem>>) target_semaphore(%arg12 : memref<!tpu.dma_semaphore, #tpu.memory_space<semaphore_mem>>)
    %dma_start3A_11 = arith.constant 256 : i32
    %dma_start3A_12 = tpu.memref_slice %arg2[%dma_start3A_11, %add3A_4] : memref<1000x16384xf32, #tpu.memory_space<hbm>> -> memref<256x128xf32, #tpu.memory_space<hbm>>
    %dma_start3A_13 = arith.constant 256 : i32
    %dma_start3A_14 = tpu.memref_slice %arg2[%dma_start3A_13, %add3A_4] : memref<1000x16384xf32, #tpu.memory_space<hbm>> -> memref<256x128xf32, #tpu.memory_space<hbm>>
    tpu.enqueue_dma source(%dma_start3A_14 : memref<256x128xf32, #tpu.memory_space<hbm>>) target(%arg7 : memref<256x128xf32, #tpu.memory_space<vmem>>) target_semaphore(%arg13 : memref<!tpu.dma_semaphore, #tpu.memory_space<semaphore_mem>>)
    %broadcast_in_dim3A = arith.constant 0.000000e+00 : f32
    %broadcast_in_dim3A_15 = vector.broadcast %broadcast_in_dim3A : f32 to vector<16xf32>
    %dma_wait3A_16 = arith.constant 0 : i32
    %dma_wait3A_17 = tpu.memref_slice %arg2[%dma_wait3A_16, %add3A_4] : memref<1000x16384xf32, #tpu.memory_space<hbm>> -> memref<256x128xf32, #tpu.memory_space<hbm>>
    %dma_wait3A_18 = arith.constant 0 : i32
    %dma_wait3A_19 = tpu.memref_slice %arg2[%dma_wait3A_18, %add3A_4] : memref<1000x16384xf32, #tpu.memory_space<hbm>> -> memref<256x128xf32, #tpu.memory_space<hbm>>
    tpu.wait_dma2 semaphore(%arg12 : memref<!tpu.dma_semaphore, #tpu.memory_space<semaphore_mem>>) src(%dma_wait3A_19 : memref<256x128xf32, #tpu.memory_space<hbm>>) dst(%arg6 : memref<256x128xf32, #tpu.memory_space<vmem>>)
    %scan3A = arith.constant 0 : i32
    %scan3A_20 = arith.constant 8 : i32
    %scan3A_21 = arith.addi %scan3A, %scan3A_20 : i32
    %scan3A_22 = arith.constant 1 : i32
    %scan3A_23 = scf.for %scan3A_89 = %scan3A to %scan3A_21 step %scan3A_22 iter_args(%scan3A_90 = %broadcast_in_dim3A_15) -> (vector<16xf32>)  : i32 {
      %scan3A_91 = arith.constant 0 : i32
      %scan3A_92 = arith.constant 16 : i32
      %scan3A_93 = arith.addi %scan3A_91, %scan3A_92 : i32
      %scan3A_94 = arith.constant 1 : i32
      %scan3A_95:8 = scf.for %scan3A_552 = %scan3A_91 to %scan3A_93 step %scan3A_94 iter_args(%scan3A_553 = %broadcast_in_dim3A_15, %scan3A_554 = %broadcast_in_dim3A_15, %scan3A_555 = %broadcast_in_dim3A_15, %scan3A_556 = %broadcast_in_dim3A_15, %scan3A_557 = %broadcast_in_dim3A_15, %scan3A_558 = %broadcast_in_dim3A_15, %scan3A_559 = %broadcast_in_dim3A_15, %scan3A_560 = %broadcast_in_dim3A_15) -> (vector<16xf32>, vector<16xf32>, vector<16xf32>, vector<16xf32>, vector<16xf32>, vector<16xf32>, vector<16xf32>, vector<16xf32>)  : i32 {
        %mul3A_561 = arith.constant 16 : i32
        %mul3A_562 = arith.muli %scan3A_552, %mul3A_561 : i32
        %add3A_563 = arith.constant 0 : i32
        %add3A_564 = arith.addi %add3A_563, %mul3A_562 : i32
        %add3A_565 = arith.constant 0 : i32
        %add3A_566 = arith.addi %add3A_564, %add3A_565 : i32
        %mul3A_567 = arith.constant 16 : i32
        %mul3A_568 = arith.muli %scan3A_89, %mul3A_567 : i32
        %get3A_569 = arith.index_cast %add3A_566 : i32 to index
        %get3A_570 = arith.index_cast %mul3A_568 : i32 to index
        %get3A_571 = tpu.vector_load %arg6[%get3A_569, %get3A_570] {strides = array<i32>} : memref<256x128xf32, #tpu.memory_space<vmem>>, vector<1x16xf32>,
        %get3A_572 = vector.shape_cast %get3A_571 : vector<1x16xf32> to vector<16xf32>
        %add3A_573 = arith.addf %scan3A_553, %get3A_572 : vector<16xf32>
        %mul3A_574 = arith.mulf %get3A_572, %get3A_572 : vector<16xf32>
        %add3A_575 = arith.addf %scan3A_557, %mul3A_574 : vector<16xf32>
        %mul3A_576 = arith.constant 16 : i32
        %mul3A_577 = arith.muli %scan3A_552, %mul3A_576 : i32
        %add3A_578 = arith.constant 0 : i32
        %add3A_579 = arith.addi %add3A_578, %mul3A_577 : i32
        %add3A_580 = arith.constant 1 : i32
        %add3A_581 = arith.addi %add3A_579, %add3A_580 : i32
        %mul3A_582 = arith.constant 16 : i32
        %mul3A_583 = arith.muli %scan3A_89, %mul3A_582 : i32
        %get3A_584 = arith.index_cast %add3A_581 : i32 to index
        %get3A_585 = arith.index_cast %mul3A_583 : i32 to index
        %get3A_586 = tpu.vector_load %arg6[%get3A_584, %get3A_585] {strides = array<i32>} : memref<256x128xf32, #tpu.memory_space<vmem>>, vector<1x16xf32>,
        %get3A_587 = vector.shape_cast %get3A_586 : vector<1x16xf32> to vector<16xf32>
        %add3A_588 = arith.addf %scan3A_554, %get3A_587 : vector<16xf32>
        %mul3A_589 = arith.mulf %get3A_587, %get3A_587 : vector<16xf32>
        %add3A_590 = arith.addf %scan3A_558, %mul3A_589 : vector<16xf32>
        %mul3A_591 = arith.constant 16 : i32
        %mul3A_592 = arith.muli %scan3A_552, %mul3A_591 : i32
        %add3A_593 = arith.constant 0 : i32
        %add3A_594 = arith.addi %add3A_593, %mul3A_592 : i32
        %add3A_595 = arith.constant 2 : i32
        %add3A_596 = arith.addi %add3A_594, %add3A_595 : i32
        %mul3A_597 = arith.constant 16 : i32
        %mul3A_598 = arith.muli %scan3A_89, %mul3A_597 : i32
        %get3A_599 = arith.index_cast %add3A_596 : i32 to index
        %get3A_600 = arith.index_cast %mul3A_598 : i32 to index
        %get3A_601 = tpu.vector_load %arg6[%get3A_599, %get3A_600] {strides = array<i32>} : memref<256x128xf32, #tpu.memory_space<vmem>>, vector<1x16xf32>,
        %get3A_602 = vector.shape_cast %get3A_601 : vector<1x16xf32> to vector<16xf32>
        %add3A_603 = arith.addf %scan3A_555, %get3A_602 : vector<16xf32>
        %mul3A_604 = arith.mulf %get3A_602, %get3A_602 : vector<16xf32>
        %add3A_605 = arith.addf %scan3A_559, %mul3A_604 : vector<16xf32>
        %mul3A_606 = arith.constant 16 : i32
        %mul3A_607 = arith.muli %scan3A_552, %mul3A_606 : i32
        %add3A_608 = arith.constant 0 : i32
        %add3A_609 = arith.addi %add3A_608, %mul3A_607 : i32
        %add3A_610 = arith.constant 3 : i32
        %add3A_611 = arith.addi %add3A_609, %add3A_610 : i32
        %mul3A_612 = arith.constant 16 : i32
        %mul3A_613 = arith.muli %scan3A_89, %mul3A_612 : i32
        %get3A_614 = arith.index_cast %add3A_611 : i32 to index
        %get3A_615 = arith.index_cast %mul3A_613 : i32 to index
        %get3A_616 = tpu.vector_load %arg6[%get3A_614, %get3A_615] {strides = array<i32>} : memref<256x128xf32, #tpu.memory_space<vmem>>, vector<1x16xf32>,
        %get3A_617 = vector.shape_cast %get3A_616 : vector<1x16xf32> to vector<16xf32>
        %add3A_618 = arith.addf %scan3A_556, %get3A_617 : vector<16xf32>
        %mul3A_619 = arith.mulf %get3A_617, %get3A_617 : vector<16xf32>
        %add3A_620 = arith.addf %scan3A_560, %mul3A_619 : vector<16xf32>
        %mul3A_621 = arith.constant 16 : i32
        %mul3A_622 = arith.muli %scan3A_552, %mul3A_621 : i32
        %add3A_623 = arith.constant 0 : i32
        %add3A_624 = arith.addi %add3A_623, %mul3A_622 : i32
        %add3A_625 = arith.constant 4 : i32
        %add3A_626 = arith.addi %add3A_624, %add3A_625 : i32
        %mul3A_627 = arith.constant 16 : i32
        %mul3A_628 = arith.muli %scan3A_89, %mul3A_627 : i32
        %get3A_629 = arith.index_cast %add3A_626 : i32 to index
        %get3A_630 = arith.index_cast %mul3A_628 : i32 to index
        %get3A_631 = tpu.vector_load %arg6[%get3A_629, %get3A_630] {strides = array<i32>} : memref<256x128xf32, #tpu.memory_space<vmem>>, vector<1x16xf32>,
        %get3A_632 = vector.shape_cast %get3A_631 : vector<1x16xf32> to vector<16xf32>
        %add3A_633 = arith.addf %add3A_573, %get3A_632 : vector<16xf32>
        %mul3A_634 = arith.mulf %get3A_632, %get3A_632 : vector<16xf32>
        %add3A_635 = arith.addf %add3A_575, %mul3A_634 : vector<16xf32>
        %mul3A_636 = arith.constant 16 : i32
        %mul3A_637 = arith.muli %scan3A_552, %mul3A_636 : i32
        %add3A_638 = arith.constant 0 : i32
        %add3A_639 = arith.addi %add3A_638, %mul3A_637 : i32
        %add3A_640 = arith.constant 5 : i32
        %add3A_641 = arith.addi %add3A_639, %add3A_640 : i32
        %mul3A_642 = arith.constant 16 : i32
        %mul3A_643 = arith.muli %scan3A_89, %mul3A_642 : i32
        %get3A_644 = arith.index_cast %add3A_641 : i32 to index
        %get3A_645 = arith.index_cast %mul3A_643 : i32 to index
        %get3A_646 = tpu.vector_load %arg6[%get3A_644, %get3A_645] {strides = array<i32>} : memref<256x128xf32, #tpu.memory_space<vmem>>, vector<1x16xf32>,
        %get3A_647 = vector.shape_cast %get3A_646 : vector<1x16xf32> to vector<16xf32>
        %add3A_648 = arith.addf %add3A_588, %get3A_647 : vector<16xf32>
        %mul3A_649 = arith.mulf %get3A_647, %get3A_647 : vector<16xf32>
        %add3A_650 = arith.addf %add3A_590, %mul3A_649 : vector<16xf32>
        %mul3A_651 = arith.constant 16 : i32
        %mul3A_652 = arith.muli %scan3A_552, %mul3A_651 : i32
        %add3A_653 = arith.constant 0 : i32
        %add3A_654 = arith.addi %add3A_653, %mul3A_652 : i32
        %add3A_655 = arith.constant 6 : i32
        %add3A_656 = arith.addi %add3A_654, %add3A_655 : i32
        %mul3A_657 = arith.constant 16 : i32
        %mul3A_658 = arith.muli %scan3A_89, %mul3A_657 : i32
        %get3A_659 = arith.index_cast %add3A_656 : i32 to index
        %get3A_660 = arith.index_cast %mul3A_658 : i32 to index
        %get3A_661 = tpu.vector_load %arg6[%get3A_659, %get3A_660] {strides = array<i32>} : memref<256x128xf32, #tpu.memory_space<vmem>>, vector<1x16xf32>,
        %get3A_662 = vector.shape_cast %get3A_661 : vector<1x16xf32> to vector<16xf32>
        %add3A_663 = arith.addf %add3A_603, %get3A_662 : vector<16xf32>
        %mul3A_664 = arith.mulf %get3A_662, %get3A_662 : vector<16xf32>
        %add3A_665 = arith.addf %add3A_605, %mul3A_664 : vector<16xf32>
        %mul3A_666 = arith.constant 16 : i32
        %mul3A_667 = arith.muli %scan3A_552, %mul3A_666 : i32
        %add3A_668 = arith.constant 0 : i32
        %add3A_669 = arith.addi %add3A_668, %mul3A_667 : i32
        %add3A_670 = arith.constant 7 : i32
        %add3A_671 = arith.addi %add3A_669, %add3A_670 : i32
        %mul3A_672 = arith.constant 16 : i32
        %mul3A_673 = arith.muli %scan3A_89, %mul3A_672 : i32
        %get3A_674 = arith.index_cast %add3A_671 : i32 to index
        %get3A_675 = arith.index_cast %mul3A_673 : i32 to index
        %get3A_676 = tpu.vector_load %arg6[%get3A_674, %get3A_675] {strides = array<i32>} : memref<256x128xf32, #tpu.memory_space<vmem>>, vector<1x16xf32>,
        %get3A_677 = vector.shape_cast %get3A_676 : vector<1x16xf32> to vector<16xf32>
        %add3A_678 = arith.addf %add3A_618, %get3A_677 : vector<16xf32>
        %mul3A_679 = arith.mulf %get3A_677, %get3A_677 : vector<16xf32>
        %add3A_680 = arith.addf %add3A_620, %mul3A_679 : vector<16xf32>
        %mul3A_681 = arith.constant 16 : i32
        %mul3A_682 = arith.muli %scan3A_552, %mul3A_681 : i32
        %add3A_683 = arith.constant 0 : i32
        %add3A_684 = arith.addi %add3A_683, %mul3A_682 : i32
        %add3A_685 = arith.constant 8 : i32
        %add3A_686 = arith.addi %add3A_684, %add3A_685 : i32
        %mul3A_687 = arith.constant 16 : i32
        %mul3A_688 = arith.muli %scan3A_89, %mul3A_687 : i32
        %get3A_689 = arith.index_cast %add3A_686 : i32 to index
        %get3A_690 = arith.index_cast %mul3A_688 : i32 to index
        %get3A_691 = tpu.vector_load %arg6[%get3A_689, %get3A_690] {strides = array<i32>} : memref<256x128xf32, #tpu.memory_space<vmem>>, vector<1x16xf32>,
        %get3A_692 = vector.shape_cast %get3A_691 : vector<1x16xf32> to vector<16xf32>
        %add3A_693 = arith.addf %add3A_633, %get3A_692 : vector<16xf32>
        %mul3A_694 = arith.mulf %get3A_692, %get3A_692 : vector<16xf32>
        %add3A_695 = arith.addf %add3A_635, %mul3A_694 : vector<16xf32>
        %mul3A_696 = arith.constant 16 : i32
        %mul3A_697 = arith.muli %scan3A_552, %mul3A_696 : i32
        %add3A_698 = arith.constant 0 : i32
        %add3A_699 = arith.addi %add3A_698, %mul3A_697 : i32
        %add3A_700 = arith.constant 9 : i32
        %add3A_701 = arith.addi %add3A_699, %add3A_700 : i32
        %mul3A_702 = arith.constant 16 : i32
        %mul3A_703 = arith.muli %scan3A_89, %mul3A_702 : i32
        %get3A_704 = arith.index_cast %add3A_701 : i32 to index
        %get3A_705 = arith.index_cast %mul3A_703 : i32 to index
        %get3A_706 = tpu.vector_load %arg6[%get3A_704, %get3A_705] {strides = array<i32>} : memref<256x128xf32, #tpu.memory_space<vmem>>, vector<1x16xf32>,
        %get3A_707 = vector.shape_cast %get3A_706 : vector<1x16xf32> to vector<16xf32>
        %add3A_708 = arith.addf %add3A_648, %get3A_707 : vector<16xf32>
        %mul3A_709 = arith.mulf %get3A_707, %get3A_707 : vector<16xf32>
        %add3A_710 = arith.addf %add3A_650, %mul3A_709 : vector<16xf32>
        %mul3A_711 = arith.constant 16 : i32
        %mul3A_712 = arith.muli %scan3A_552, %mul3A_711 : i32
        %add3A_713 = arith.constant 0 : i32
        %add3A_714 = arith.addi %add3A_713, %mul3A_712 : i32
        %add3A_715 = arith.constant 10 : i32
        %add3A_716 = arith.addi %add3A_714, %add3A_715 : i32
        %mul3A_717 = arith.constant 16 : i32
        %mul3A_718 = arith.muli %scan3A_89, %mul3A_717 : i32
        %get3A_719 = arith.index_cast %add3A_716 : i32 to index
        %get3A_720 = arith.index_cast %mul3A_718 : i32 to index
        %get3A_721 = tpu.vector_load %arg6[%get3A_719, %get3A_720] {strides = array<i32>} : memref<256x128xf32, #tpu.memory_space<vmem>>, vector<1x16xf32>,
        %get3A_722 = vector.shape_cast %get3A_721 : vector<1x16xf32> to vector<16xf32>
        %add3A_723 = arith.addf %add3A_663, %get3A_722 : vector<16xf32>
        %mul3A_724 = arith.mulf %get3A_722, %get3A_722 : vector<16xf32>
        %add3A_725 = arith.addf %add3A_665, %mul3A_724 : vector<16xf32>
        %mul3A_726 = arith.constant 16 : i32
        %mul3A_727 = arith.muli %scan3A_552, %mul3A_726 : i32
        %add3A_728 = arith.constant 0 : i32
        %add3A_729 = arith.addi %add3A_728, %mul3A_727 : i32
        %add3A_730 = arith.constant 11 : i32
        %add3A_731 = arith.addi %add3A_729, %add3A_730 : i32
        %mul3A_732 = arith.constant 16 : i32
        %mul3A_733 = arith.muli %scan3A_89, %mul3A_732 : i32
        %get3A_734 = arith.index_cast %add3A_731 : i32 to index
        %get3A_735 = arith.index_cast %mul3A_733 : i32 to index
        %get3A_736 = tpu.vector_load %arg6[%get3A_734, %get3A_735] {strides = array<i32>} : memref<256x128xf32, #tpu.memory_space<vmem>>, vector<1x16xf32>,
        %get3A_737 = vector.shape_cast %get3A_736 : vector<1x16xf32> to vector<16xf32>
        %add3A_738 = arith.addf %add3A_678, %get3A_737 : vector<16xf32>
        %mul3A_739 = arith.mulf %get3A_737, %get3A_737 : vector<16xf32>
        %add3A_740 = arith.addf %add3A_680, %mul3A_739 : vector<16xf32>
        %mul3A_741 = arith.constant 16 : i32
        %mul3A_742 = arith.muli %scan3A_552, %mul3A_741 : i32
        %add3A_743 = arith.constant 0 : i32
        %add3A_744 = arith.addi %add3A_743, %mul3A_742 : i32
        %add3A_745 = arith.constant 12 : i32
        %add3A_746 = arith.addi %add3A_744, %add3A_745 : i32
        %mul3A_747 = arith.constant 16 : i32
        %mul3A_748 = arith.muli %scan3A_89, %mul3A_747 : i32
        %get3A_749 = arith.index_cast %add3A_746 : i32 to index
        %get3A_750 = arith.index_cast %mul3A_748 : i32 to index
        %get3A_751 = tpu.vector_load %arg6[%get3A_749, %get3A_750] {strides = array<i32>} : memref<256x128xf32, #tpu.memory_space<vmem>>, vector<1x16xf32>,
        %get3A_752 = vector.shape_cast %get3A_751 : vector<1x16xf32> to vector<16xf32>
        %add3A_753 = arith.addf %add3A_693, %get3A_752 : vector<16xf32>
        %mul3A_754 = arith.mulf %get3A_752, %get3A_752 : vector<16xf32>
        %add3A_755 = arith.addf %add3A_695, %mul3A_754 : vector<16xf32>
        %mul3A_756 = arith.constant 16 : i32
        %mul3A_757 = arith.muli %scan3A_552, %mul3A_756 : i32
        %add3A_758 = arith.constant 0 : i32
        %add3A_759 = arith.addi %add3A_758, %mul3A_757 : i32
        %add3A_760 = arith.constant 13 : i32
        %add3A_761 = arith.addi %add3A_759, %add3A_760 : i32
        %mul3A_762 = arith.constant 16 : i32
        %mul3A_763 = arith.muli %scan3A_89, %mul3A_762 : i32
        %get3A_764 = arith.index_cast %add3A_761 : i32 to index
        %get3A_765 = arith.index_cast %mul3A_763 : i32 to index
        %get3A_766 = tpu.vector_load %arg6[%get3A_764, %get3A_765] {strides = array<i32>} : memref<256x128xf32, #tpu.memory_space<vmem>>, vector<1x16xf32>,
        %get3A_767 = vector.shape_cast %get3A_766 : vector<1x16xf32> to vector<16xf32>
        %add3A_768 = arith.addf %add3A_708, %get3A_767 : vector<16xf32>
        %mul3A_769 = arith.mulf %get3A_767, %get3A_767 : vector<16xf32>
        %add3A_770 = arith.addf %add3A_710, %mul3A_769 : vector<16xf32>
        %mul3A_771 = arith.constant 16 : i32
        %mul3A_772 = arith.muli %scan3A_552, %mul3A_771 : i32
        %add3A_773 = arith.constant 0 : i32
        %add3A_774 = arith.addi %add3A_773, %mul3A_772 : i32
        %add3A_775 = arith.constant 14 : i32
        %add3A_776 = arith.addi %add3A_774, %add3A_775 : i32
        %mul3A_777 = arith.constant 16 : i32
        %mul3A_778 = arith.muli %scan3A_89, %mul3A_777 : i32
        %get3A_779 = arith.index_cast %add3A_776 : i32 to index
        %get3A_780 = arith.index_cast %mul3A_778 : i32 to index
        %get3A_781 = tpu.vector_load %arg6[%get3A_779, %get3A_780] {strides = array<i32>} : memref<256x128xf32, #tpu.memory_space<vmem>>, vector<1x16xf32>,
        %get3A_782 = vector.shape_cast %get3A_781 : vector<1x16xf32> to vector<16xf32>
        %add3A_783 = arith.addf %add3A_723, %get3A_782 : vector<16xf32>
        %mul3A_784 = arith.mulf %get3A_782, %get3A_782 : vector<16xf32>
        %add3A_785 = arith.addf %add3A_725, %mul3A_784 : vector<16xf32>
        %mul3A_786 = arith.constant 16 : i32
        %mul3A_787 = arith.muli %scan3A_552, %mul3A_786 : i32
        %add3A_788 = arith.constant 0 : i32
        %add3A_789 = arith.addi %add3A_788, %mul3A_787 : i32
        %add3A_790 = arith.constant 15 : i32
        %add3A_791 = arith.addi %add3A_789, %add3A_790 : i32
        %mul3A_792 = arith.constant 16 : i32
        %mul3A_793 = arith.muli %scan3A_89, %mul3A_792 : i32
        %get3A_794 = arith.index_cast %add3A_791 : i32 to index
        %get3A_795 = arith.index_cast %mul3A_793 : i32 to index
        %get3A_796 = tpu.vector_load %arg6[%get3A_794, %get3A_795] {strides = array<i32>} : memref<256x128xf32, #tpu.memory_space<vmem>>, vector<1x16xf32>,
        %get3A_797 = vector.shape_cast %get3A_796 : vector<1x16xf32> to vector<16xf32>
        %add3A_798 = arith.addf %add3A_738, %get3A_797 : vector<16xf32>
        %mul3A_799 = arith.mulf %get3A_797, %get3A_797 : vector<16xf32>
        %add3A_800 = arith.addf %add3A_740, %mul3A_799 : vector<16xf32>
        scf.yield %add3A_753, %add3A_768, %add3A_783, %add3A_798, %add3A_755, %add3A_770, %add3A_785, %add3A_800 : vector<16xf32>, vector<16xf32>, vector<16xf32>, vector<16xf32>, vector<16xf32>, vector<16xf32>, vector<16xf32>, vector<16xf32>
      }
      %scan3A_96 = arith.constant 16 : i32
      %add3A_97 = arith.addf %scan3A_95#0, %scan3A_95#1 : vector<16xf32>
      %add3A_98 = arith.addf %scan3A_95#2, %scan3A_95#3 : vector<16xf32>
      %add3A_99 = arith.addf %add3A_97, %add3A_98 : vector<16xf32>
      %add3A_100 = arith.addf %scan3A_95#4, %scan3A_95#5 : vector<16xf32>
      %add3A_101 = arith.addf %scan3A_95#6, %scan3A_95#7 : vector<16xf32>
      %add3A_102 = arith.addf %add3A_100, %add3A_101 : vector<16xf32>
      %swap3A_103 = arith.index_cast %scan3A_89 : i32 to index
      %swap3A_104 = arith.constant 0 : index
      %swap3A_105 = tpu.vector_load %arg9[%swap3A_103, %swap3A_104] {strides = array<i32>} : memref<8x16xf32, #tpu.memory_space<vmem>>, vector<1x16xf32>,
      %swap3A_106 = vector.shape_cast %swap3A_105 : vector<1x16xf32> to vector<16xf32>
      %swap3A_107 = vector.shape_cast %add3A_99 : vector<16xf32> to vector<1x16xf32>
      tpu.vector_store %arg9[%swap3A_103, %swap3A_104], %swap3A_107 {strides = array<i32>} : memref<8x16xf32, #tpu.memory_space<vmem>>, vector<1x16xf32>,
      %mul3A_108 = arith.constant 16 : i32
      %mul3A_109 = arith.muli %scan3A_89, %mul3A_108 : i32
      %get3A = arith.index_cast %mul3A_109 : i32 to index
      %get3A_110 = tpu.vector_load %arg5[%get3A] {strides = array<i32>} : memref<128xi32, #tpu.memory_space<vmem>>, vector<16xi32>,
      %get3A_111 = vector.shape_cast %get3A_110 : vector<16xi32> to vector<16xi32>
      %slice3A = vector.extract_strided_slice %get3A_111 {offsets = [0], sizes = [1], strides = [1]} : vector<16xi32> to vector<1xi32>
      %squeeze3A = vector.extract %slice3A[0] : i32 from vector<1xi32>
      %shift_right_arithmetic3A = arith.constant 8 : i32
      %shift_right_arithmetic3A_112 = arith.shrsi %squeeze3A, %shift_right_arithmetic3A : i32
      %eq3A = arith.constant 0 : i32
      %eq3A_113 = arith.cmpi eq, %shift_right_arithmetic3A_112, %eq3A : i32
      %sub3A = arith.constant 0 : i32
      %sub3A_114 = arith.subi %squeeze3A, %sub3A : i32
      %jit3A = arith.constant 0 : i32
      %jit3A_115 = arith.constant 255 : i32
      %max3A = arith.maxsi %jit3A, %sub3A_114 : i32
      %min3A = arith.minsi %jit3A_115, %max3A : i32
      %mul3A_116 = arith.constant 16 : i32
      %mul3A_117 = arith.muli %scan3A_89, %mul3A_116 : i32
      %get3A_118 = arith.index_cast %min3A : i32 to index
      %get3A_119 = arith.index_cast %mul3A_117 : i32 to index
      %get3A_120 = tpu.vector_load %arg6[%get3A_118, %get3A_119] {strides = array<i32>} : memref<256x128xf32, #tpu.memory_space<vmem>>, vector<1x16xf32>,
      %get3A_121 = vector.shape_cast %get3A_120 : vector<1x16xf32> to vector<16xf32>
      %slice3A_122 = vector.extract_strided_slice %get3A_121 {offsets = [0], sizes = [1], strides = [1]} : vector<16xf32> to vector<1xf32>
      %squeeze3A_123 = vector.extract %slice3A_122[0] : f32 from vector<1xf32>
      %jit3A_124 = arith.constant 0.000000e+00 : f32
      %select_n3A = arith.select %eq3A_113, %squeeze3A_123, %jit3A_124 : f32
      %mul3A_125 = arith.constant 16 : i32
      %mul3A_126 = arith.muli %scan3A_89, %mul3A_125 : i32
      %add3A_127 = arith.constant 0 : i32
      %add3A_128 = arith.addi %mul3A_126, %add3A_127 : i32
      %swap3A_129 = arith.index_cast %add3A_128 : i32 to index
      %swap3A_130 = memref.load %arg10[%swap3A_129] : memref<128xf32, #tpu.memory_space<smem>>
      memref.store %select_n3A, %arg10[%swap3A_129] : memref<128xf32, #tpu.memory_space<smem>>
      %slice3A_131 = vector.extract_strided_slice %get3A_111 {offsets = [1], sizes = [1], strides = [1]} : vector<16xi32> to vector<1xi32>
      %squeeze3A_132 = vector.extract %slice3A_131[0] : i32 from vector<1xi32>
      %shift_right_arithmetic3A_133 = arith.constant 8 : i32
      %shift_right_arithmetic3A_134 = arith.shrsi %squeeze3A_132, %shift_right_arithmetic3A_133 : i32
      %eq3A_135 = arith.constant 0 : i32
      %eq3A_136 = arith.cmpi eq, %shift_right_arithmetic3A_134, %eq3A_135 : i32
      %sub3A_137 = arith.constant 0 : i32
      %sub3A_138 = arith.subi %squeeze3A_132, %sub3A_137 : i32
      %jit3A_139 = arith.constant 0 : i32
      %jit3A_140 = arith.constant 255 : i32
      %max3A_141 = arith.maxsi %jit3A_139, %sub3A_138 : i32
      %min3A_142 = arith.minsi %jit3A_140, %max3A_141 : i32
      %mul3A_143 = arith.constant 16 : i32
      %mul3A_144 = arith.muli %scan3A_89, %mul3A_143 : i32
      %get3A_145 = arith.index_cast %min3A_142 : i32 to index
      %get3A_146 = arith.index_cast %mul3A_144 : i32 to index
      %get3A_147 = tpu.vector_load %arg6[%get3A_145, %get3A_146] {strides = array<i32>} : memref<256x128xf32, #tpu.memory_space<vmem>>, vector<1x16xf32>,
      %get3A_148 = vector.shape_cast %get3A_147 : vector<1x16xf32> to vector<16xf32>
      %slice3A_149 = vector.extract_strided_slice %get3A_148 {offsets = [1], sizes = [1], strides = [1]} : vector<16xf32> to vector<1xf32>
      %squeeze3A_150 = vector.extract %slice3A_149[0] : f32 from vector<1xf32>
      %jit3A_151 = arith.constant 0.000000e+00 : f32
      %select_n3A_152 = arith.select %eq3A_136, %squeeze3A_150, %jit3A_151 : f32
      %mul3A_153 = arith.constant 16 : i32
      %mul3A_154 = arith.muli %scan3A_89, %mul3A_153 : i32
      %add3A_155 = arith.constant 1 : i32
      %add3A_156 = arith.addi %mul3A_154, %add3A_155 : i32
      %swap3A_157 = arith.index_cast %add3A_156 : i32 to index
      %swap3A_158 = memref.load %arg10[%swap3A_157] : memref<128xf32, #tpu.memory_space<smem>>
      memref.store %select_n3A_152, %arg10[%swap3A_157] : memref<128xf32, #tpu.memory_space<smem>>
      %slice3A_159 = vector.extract_strided_slice %get3A_111 {offsets = [2], sizes = [1], strides = [1]} : vector<16xi32> to vector<1xi32>
      %squeeze3A_160 = vector.extract %slice3A_159[0] : i32 from vector<1xi32>
      %shift_right_arithmetic3A_161 = arith.constant 8 : i32
      %shift_right_arithmetic3A_162 = arith.shrsi %squeeze3A_160, %shift_right_arithmetic3A_161 : i32
      %eq3A_163 = arith.constant 0 : i32
      %eq3A_164 = arith.cmpi eq, %shift_right_arithmetic3A_162, %eq3A_163 : i32
      %sub3A_165 = arith.constant 0 : i32
      %sub3A_166 = arith.subi %squeeze3A_160, %sub3A_165 : i32
      %jit3A_167 = arith.constant 0 : i32
      %jit3A_168 = arith.constant 255 : i32
      %max3A_169 = arith.maxsi %jit3A_167, %sub3A_166 : i32
      %min3A_170 = arith.minsi %jit3A_168, %max3A_169 : i32
      %mul3A_171 = arith.constant 16 : i32
      %mul3A_172 = arith.muli %scan3A_89, %mul3A_171 : i32
      %get3A_173 = arith.index_cast %min3A_170 : i32 to index
      %get3A_174 = arith.index_cast %mul3A_172 : i32 to index
      %get3A_175 = tpu.vector_load %arg6[%get3A_173, %get3A_174] {strides = array<i32>} : memref<256x128xf32, #tpu.memory_space<vmem>>, vector<1x16xf32>,
      %get3A_176 = vector.shape_cast %get3A_175 : vector<1x16xf32> to vector<16xf32>
      %slice3A_177 = vector.extract_strided_slice %get3A_176 {offsets = [2], sizes = [1], strides = [1]} : vector<16xf32> to vector<1xf32>
      %squeeze3A_178 = vector.extract %slice3A_177[0] : f32 from vector<1xf32>
      %jit3A_179 = arith.constant 0.000000e+00 : f32
      %select_n3A_180 = arith.select %eq3A_164, %squeeze3A_178, %jit3A_179 : f32
      %mul3A_181 = arith.constant 16 : i32
      %mul3A_182 = arith.muli %scan3A_89, %mul3A_181 : i32
      %add3A_183 = arith.constant 2 : i32
      %add3A_184 = arith.addi %mul3A_182, %add3A_183 : i32
      %swap3A_185 = arith.index_cast %add3A_184 : i32 to index
      %swap3A_186 = memref.load %arg10[%swap3A_185] : memref<128xf32, #tpu.memory_space<smem>>
      memref.store %select_n3A_180, %arg10[%swap3A_185] : memref<128xf32, #tpu.memory_space<smem>>
      %slice3A_187 = vector.extract_strided_slice %get3A_111 {offsets = [3], sizes = [1], strides = [1]} : vector<16xi32> to vector<1xi32>
      %squeeze3A_188 = vector.extract %slice3A_187[0] : i32 from vector<1xi32>
      %shift_right_arithmetic3A_189 = arith.constant 8 : i32
      %shift_right_arithmetic3A_190 = arith.shrsi %squeeze3A_188, %shift_right_arithmetic3A_189 : i32
      %eq3A_191 = arith.constant 0 : i32
      %eq3A_192 = arith.cmpi eq, %shift_right_arithmetic3A_190, %eq3A_191 : i32
      %sub3A_193 = arith.constant 0 : i32
      %sub3A_194 = arith.subi %squeeze3A_188, %sub3A_193 : i32
      %jit3A_195 = arith.constant 0 : i32
      %jit3A_196 = arith.constant 255 : i32
      %max3A_197 = arith.maxsi %jit3A_195, %sub3A_194 : i32
      %min3A_198 = arith.minsi %jit3A_196, %max3A_197 : i32
      %mul3A_199 = arith.constant 16 : i32
      %mul3A_200 = arith.muli %scan3A_89, %mul3A_199 : i32
      %get3A_201 = arith.index_cast %min3A_198 : i32 to index
      %get3A_202 = arith.index_cast %mul3A_200 : i32 to index
      %get3A_203 = tpu.vector_load %arg6[%get3A_201, %get3A_202] {strides = array<i32>} : memref<256x128xf32, #tpu.memory_space<vmem>>, vector<1x16xf32>,
      %get3A_204 = vector.shape_cast %get3A_203 : vector<1x16xf32> to vector<16xf32>
      %slice3A_205 = vector.extract_strided_slice %get3A_204 {offsets = [3], sizes = [1], strides = [1]} : vector<16xf32> to vector<1xf32>
      %squeeze3A_206 = vector.extract %slice3A_205[0] : f32 from vector<1xf32>
      %jit3A_207 = arith.constant 0.000000e+00 : f32
      %select_n3A_208 = arith.select %eq3A_192, %squeeze3A_206, %jit3A_207 : f32
      %mul3A_209 = arith.constant 16 : i32
      %mul3A_210 = arith.muli %scan3A_89, %mul3A_209 : i32
      %add3A_211 = arith.constant 3 : i32
      %add3A_212 = arith.addi %mul3A_210, %add3A_211 : i32
      %swap3A_213 = arith.index_cast %add3A_212 : i32 to index
      %swap3A_214 = memref.load %arg10[%swap3A_213] : memref<128xf32, #tpu.memory_space<smem>>
      memref.store %select_n3A_208, %arg10[%swap3A_213] : memref<128xf32, #tpu.memory_space<smem>>
      %slice3A_215 = vector.extract_strided_slice %get3A_111 {offsets = [4], sizes = [1], strides = [1]} : vector<16xi32> to vector<1xi32>
      %squeeze3A_216 = vector.extract %slice3A_215[0] : i32 from vector<1xi32>
      %shift_right_arithmetic3A_217 = arith.constant 8 : i32
      %shift_right_arithmetic3A_218 = arith.shrsi %squeeze3A_216, %shift_right_arithmetic3A_217 : i32
      %eq3A_219 = arith.constant 0 : i32
      %eq3A_220 = arith.cmpi eq, %shift_right_arithmetic3A_218, %eq3A_219 : i32
      %sub3A_221 = arith.constant 0 : i32
      %sub3A_222 = arith.subi %squeeze3A_216, %sub3A_221 : i32
      %jit3A_223 = arith.constant 0 : i32
      %jit3A_224 = arith.constant 255 : i32
      %max3A_225 = arith.maxsi %jit3A_223, %sub3A_222 : i32
      %min3A_226 = arith.minsi %jit3A_224, %max3A_225 : i32
      %mul3A_227 = arith.constant 16 : i32
      %mul3A_228 = arith.muli %scan3A_89, %mul3A_227 : i32
      %get3A_229 = arith.index_cast %min3A_226 : i32 to index
      %get3A_230 = arith.index_cast %mul3A_228 : i32 to index
      %get3A_231 = tpu.vector_load %arg6[%get3A_229, %get3A_230] {strides = array<i32>} : memref<256x128xf32, #tpu.memory_space<vmem>>, vector<1x16xf32>,
      %get3A_232 = vector.shape_cast %get3A_231 : vector<1x16xf32> to vector<16xf32>
      %slice3A_233 = vector.extract_strided_slice %get3A_232 {offsets = [4], sizes = [1], strides = [1]} : vector<16xf32> to vector<1xf32>
      %squeeze3A_234 = vector.extract %slice3A_233[0] : f32 from vector<1xf32>
      %jit3A_235 = arith.constant 0.000000e+00 : f32
      %select_n3A_236 = arith.select %eq3A_220, %squeeze3A_234, %jit3A_235 : f32
      %mul3A_237 = arith.constant 16 : i32
      %mul3A_238 = arith.muli %scan3A_89, %mul3A_237 : i32
      %add3A_239 = arith.constant 4 : i32
      %add3A_240 = arith.addi %mul3A_238, %add3A_239 : i32
      %swap3A_241 = arith.index_cast %add3A_240 : i32 to index
      %swap3A_242 = memref.load %arg10[%swap3A_241] : memref<128xf32, #tpu.memory_space<smem>>
      memref.store %select_n3A_236, %arg10[%swap3A_241] : memref<128xf32, #tpu.memory_space<smem>>
      %slice3A_243 = vector.extract_strided_slice %get3A_111 {offsets = [5], sizes = [1], strides = [1]} : vector<16xi32> to vector<1xi32>
      %squeeze3A_244 = vector.extract %slice3A_243[0] : i32 from vector<1xi32>
      %shift_right_arithmetic3A_245 = arith.constant 8 : i32
      %shift_right_arithmetic3A_246 = arith.shrsi %squeeze3A_244, %shift_right_arithmetic3A_245 : i32
      %eq3A_247 = arith.constant 0 : i32
      %eq3A_248 = arith.cmpi eq, %shift_right_arithmetic3A_246, %eq3A_247 : i32
      %sub3A_249 = arith.constant 0 : i32
      %sub3A_250 = arith.subi %squeeze3A_244, %sub3A_249 : i32
      %jit3A_251 = arith.constant 0 : i32
      %jit3A_252 = arith.constant 255 : i32
      %max3A_253 = arith.maxsi %jit3A_251, %sub3A_250 : i32
      %min3A_254 = arith.minsi %jit3A_252, %max3A_253 : i32
      %mul3A_255 = arith.constant 16 : i32
      %mul3A_256 = arith.muli %scan3A_89, %mul3A_255 : i32
      %get3A_257 = arith.index_cast %min3A_254 : i32 to index
      %get3A_258 = arith.index_cast %mul3A_256 : i32 to index
      %get3A_259 = tpu.vector_load %arg6[%get3A_257, %get3A_258] {strides = array<i32>} : memref<256x128xf32, #tpu.memory_space<vmem>>, vector<1x16xf32>,
      %get3A_260 = vector.shape_cast %get3A_259 : vector<1x16xf32> to vector<16xf32>
      %slice3A_261 = vector.extract_strided_slice %get3A_260 {offsets = [5], sizes = [1], strides = [1]} : vector<16xf32> to vector<1xf32>
      %squeeze3A_262 = vector.extract %slice3A_261[0] : f32 from vector<1xf32>
      %jit3A_263 = arith.constant 0.000000e+00 : f32
      %select_n3A_264 = arith.select %eq3A_248, %squeeze3A_262, %jit3A_263 : f32
      %mul3A_265 = arith.constant 16 : i32
      %mul3A_266 = arith.muli %scan3A_89, %mul3A_265 : i32
      %add3A_267 = arith.constant 5 : i32
      %add3A_268 = arith.addi %mul3A_266, %add3A_267 : i32
      %swap3A_269 = arith.index_cast %add3A_268 : i32 to index
      %swap3A_270 = memref.load %arg10[%swap3A_269] : memref<128xf32, #tpu.memory_space<smem>>
      memref.store %select_n3A_264, %arg10[%swap3A_269] : memref<128xf32, #tpu.memory_space<smem>>
      %slice3A_271 = vector.extract_strided_slice %get3A_111 {offsets = [6], sizes = [1], strides = [1]} : vector<16xi32> to vector<1xi32>
      %squeeze3A_272 = vector.extract %slice3A_271[0] : i32 from vector<1xi32>
      %shift_right_arithmetic3A_273 = arith.constant 8 : i32
      %shift_right_arithmetic3A_274 = arith.shrsi %squeeze3A_272, %shift_right_arithmetic3A_273 : i32
      %eq3A_275 = arith.constant 0 : i32
      %eq3A_276 = arith.cmpi eq, %shift_right_arithmetic3A_274, %eq3A_275 : i32
      %sub3A_277 = arith.constant 0 : i32
      %sub3A_278 = arith.subi %squeeze3A_272, %sub3A_277 : i32
      %jit3A_279 = arith.constant 0 : i32
      %jit3A_280 = arith.constant 255 : i32
      %max3A_281 = arith.maxsi %jit3A_279, %sub3A_278 : i32
      %min3A_282 = arith.minsi %jit3A_280, %max3A_281 : i32
      %mul3A_283 = arith.constant 16 : i32
      %mul3A_284 = arith.muli %scan3A_89, %mul3A_283 : i32
      %get3A_285 = arith.index_cast %min3A_282 : i32 to index
      %get3A_286 = arith.index_cast %mul3A_284 : i32 to index
      %get3A_287 = tpu.vector_load %arg6[%get3A_285, %get3A_286] {strides = array<i32>} : memref<256x128xf32, #tpu.memory_space<vmem>>, vector<1x16xf32>,
      %get3A_288 = vector.shape_cast %get3A_287 : vector<1x16xf32> to vector<16xf32>
      %slice3A_289 = vector.extract_strided_slice %get3A_288 {offsets = [6], sizes = [1], strides = [1]} : vector<16xf32> to vector<1xf32>
      %squeeze3A_290 = vector.extract %slice3A_289[0] : f32 from vector<1xf32>
      %jit3A_291 = arith.constant 0.000000e+00 : f32
      %select_n3A_292 = arith.select %eq3A_276, %squeeze3A_290, %jit3A_291 : f32
      %mul3A_293 = arith.constant 16 : i32
      %mul3A_294 = arith.muli %scan3A_89, %mul3A_293 : i32
      %add3A_295 = arith.constant 6 : i32
      %add3A_296 = arith.addi %mul3A_294, %add3A_295 : i32
      %swap3A_297 = arith.index_cast %add3A_296 : i32 to index
      %swap3A_298 = memref.load %arg10[%swap3A_297] : memref<128xf32, #tpu.memory_space<smem>>
      memref.store %select_n3A_292, %arg10[%swap3A_297] : memref<128xf32, #tpu.memory_space<smem>>
      %slice3A_299 = vector.extract_strided_slice %get3A_111 {offsets = [7], sizes = [1], strides = [1]} : vector<16xi32> to vector<1xi32>
      %squeeze3A_300 = vector.extract %slice3A_299[0] : i32 from vector<1xi32>
      %shift_right_arithmetic3A_301 = arith.constant 8 : i32
      %shift_right_arithmetic3A_302 = arith.shrsi %squeeze3A_300, %shift_right_arithmetic3A_301 : i32
      %eq3A_303 = arith.constant 0 : i32
      %eq3A_304 = arith.cmpi eq, %shift_right_arithmetic3A_302, %eq3A_303 : i32
      %sub3A_305 = arith.constant 0 : i32
      %sub3A_306 = arith.subi %squeeze3A_300, %sub3A_305 : i32
      %jit3A_307 = arith.constant 0 : i32
      %jit3A_308 = arith.constant 255 : i32
      %max3A_309 = arith.maxsi %jit3A_307, %sub3A_306 : i32
      %min3A_310 = arith.minsi %jit3A_308, %max3A_309 : i32
      %mul3A_311 = arith.constant 16 : i32
      %mul3A_312 = arith.muli %scan3A_89, %mul3A_311 : i32
      %get3A_313 = arith.index_cast %min3A_310 : i32 to index
      %get3A_314 = arith.index_cast %mul3A_312 : i32 to index
      %get3A_315 = tpu.vector_load %arg6[%get3A_313, %get3A_314] {strides = array<i32>} : memref<256x128xf32, #tpu.memory_space<vmem>>, vector<1x16xf32>,
      %get3A_316 = vector.shape_cast %get3A_315 : vector<1x16xf32> to vector<16xf32>
      %slice3A_317 = vector.extract_strided_slice %get3A_316 {offsets = [7], sizes = [1], strides = [1]} : vector<16xf32> to vector<1xf32>
      %squeeze3A_318 = vector.extract %slice3A_317[0] : f32 from vector<1xf32>
      %jit3A_319 = arith.constant 0.000000e+00 : f32
      %select_n3A_320 = arith.select %eq3A_304, %squeeze3A_318, %jit3A_319 : f32
      %mul3A_321 = arith.constant 16 : i32
      %mul3A_322 = arith.muli %scan3A_89, %mul3A_321 : i32
      %add3A_323 = arith.constant 7 : i32
      %add3A_324 = arith.addi %mul3A_322, %add3A_323 : i32
      %swap3A_325 = arith.index_cast %add3A_324 : i32 to index
      %swap3A_326 = memref.load %arg10[%swap3A_325] : memref<128xf32, #tpu.memory_space<smem>>
      memref.store %select_n3A_320, %arg10[%swap3A_325] : memref<128xf32, #tpu.memory_space<smem>>
      %slice3A_327 = vector.extract_strided_slice %get3A_111 {offsets = [8], sizes = [1], strides = [1]} : vector<16xi32> to vector<1xi32>
      %squeeze3A_328 = vector.extract %slice3A_327[0] : i32 from vector<1xi32>
      %shift_right_arithmetic3A_329 = arith.constant 8 : i32
      %shift_right_arithmetic3A_330 = arith.shrsi %squeeze3A_328, %shift_right_arithmetic3A_329 : i32
      %eq3A_331 = arith.constant 0 : i32
      %eq3A_332 = arith.cmpi eq, %shift_right_arithmetic3A_330, %eq3A_331 : i32
      %sub3A_333 = arith.constant 0 : i32
      %sub3A_334 = arith.subi %squeeze3A_328, %sub3A_333 : i32
      %jit3A_335 = arith.constant 0 : i32
      %jit3A_336 = arith.constant 255 : i32
      %max3A_337 = arith.maxsi %jit3A_335, %sub3A_334 : i32
      %min3A_338 = arith.minsi %jit3A_336, %max3A_337 : i32
      %mul3A_339 = arith.constant 16 : i32
      %mul3A_340 = arith.muli %scan3A_89, %mul3A_339 : i32
      %get3A_341 = arith.index_cast %min3A_338 : i32 to index
      %get3A_342 = arith.index_cast %mul3A_340 : i32 to index
      %get3A_343 = tpu.vector_load %arg6[%get3A_341, %get3A_342] {strides = array<i32>} : memref<256x128xf32, #tpu.memory_space<vmem>>, vector<1x16xf32>,
      %get3A_344 = vector.shape_cast %get3A_343 : vector<1x16xf32> to vector<16xf32>
      %slice3A_345 = vector.extract_strided_slice %get3A_344 {offsets = [8], sizes = [1], strides = [1]} : vector<16xf32> to vector<1xf32>
      %squeeze3A_346 = vector.extract %slice3A_345[0] : f32 from vector<1xf32>
      %jit3A_347 = arith.constant 0.000000e+00 : f32
      %select_n3A_348 = arith.select %eq3A_332, %squeeze3A_346, %jit3A_347 : f32
      %mul3A_349 = arith.constant 16 : i32
      %mul3A_350 = arith.muli %scan3A_89, %mul3A_349 : i32
      %add3A_351 = arith.constant 8 : i32
      %add3A_352 = arith.addi %mul3A_350, %add3A_351 : i32
      %swap3A_353 = arith.index_cast %add3A_352 : i32 to index
      %swap3A_354 = memref.load %arg10[%swap3A_353] : memref<128xf32, #tpu.memory_space<smem>>
      memref.store %select_n3A_348, %arg10[%swap3A_353] : memref<128xf32, #tpu.memory_space<smem>>
      %slice3A_355 = vector.extract_strided_slice %get3A_111 {offsets = [9], sizes = [1], strides = [1]} : vector<16xi32> to vector<1xi32>
      %squeeze3A_356 = vector.extract %slice3A_355[0] : i32 from vector<1xi32>
      %shift_right_arithmetic3A_357 = arith.constant 8 : i32
      %shift_right_arithmetic3A_358 = arith.shrsi %squeeze3A_356, %shift_right_arithmetic3A_357 : i32
      %eq3A_359 = arith.constant 0 : i32
      %eq3A_360 = arith.cmpi eq, %shift_right_arithmetic3A_358, %eq3A_359 : i32
      %sub3A_361 = arith.constant 0 : i32
      %sub3A_362 = arith.subi %squeeze3A_356, %sub3A_361 : i32
      %jit3A_363 = arith.constant 0 : i32
      %jit3A_364 = arith.constant 255 : i32
      %max3A_365 = arith.maxsi %jit3A_363, %sub3A_362 : i32
      %min3A_366 = arith.minsi %jit3A_364, %max3A_365 : i32
      %mul3A_367 = arith.constant 16 : i32
      %mul3A_368 = arith.muli %scan3A_89, %mul3A_367 : i32
      %get3A_369 = arith.index_cast %min3A_366 : i32 to index
      %get3A_370 = arith.index_cast %mul3A_368 : i32 to index
      %get3A_371 = tpu.vector_load %arg6[%get3A_369, %get3A_370] {strides = array<i32>} : memref<256x128xf32, #tpu.memory_space<vmem>>, vector<1x16xf32>,
      %get3A_372 = vector.shape_cast %get3A_371 : vector<1x16xf32> to vector<16xf32>
      %slice3A_373 = vector.extract_strided_slice %get3A_372 {offsets = [9], sizes = [1], strides = [1]} : vector<16xf32> to vector<1xf32>
      %squeeze3A_374 = vector.extract %slice3A_373[0] : f32 from vector<1xf32>
      %jit3A_375 = arith.constant 0.000000e+00 : f32
      %select_n3A_376 = arith.select %eq3A_360, %squeeze3A_374, %jit3A_375 : f32
      %mul3A_377 = arith.constant 16 : i32
      %mul3A_378 = arith.muli %scan3A_89, %mul3A_377 : i32
      %add3A_379 = arith.constant 9 : i32
      %add3A_380 = arith.addi %mul3A_378, %add3A_379 : i32
      %swap3A_381 = arith.index_cast %add3A_380 : i32 to index
      %swap3A_382 = memref.load %arg10[%swap3A_381] : memref<128xf32, #tpu.memory_space<smem>>
      memref.store %select_n3A_376, %arg10[%swap3A_381] : memref<128xf32, #tpu.memory_space<smem>>
      %slice3A_383 = vector.extract_strided_slice %get3A_111 {offsets = [10], sizes = [1], strides = [1]} : vector<16xi32> to vector<1xi32>
      %squeeze3A_384 = vector.extract %slice3A_383[0] : i32 from vector<1xi32>
      %shift_right_arithmetic3A_385 = arith.constant 8 : i32
      %shift_right_arithmetic3A_386 = arith.shrsi %squeeze3A_384, %shift_right_arithmetic3A_385 : i32
      %eq3A_387 = arith.constant 0 : i32
      %eq3A_388 = arith.cmpi eq, %shift_right_arithmetic3A_386, %eq3A_387 : i32
      %sub3A_389 = arith.constant 0 : i32
      %sub3A_390 = arith.subi %squeeze3A_384, %sub3A_389 : i32
      %jit3A_391 = arith.constant 0 : i32
      %jit3A_392 = arith.constant 255 : i32
      %max3A_393 = arith.maxsi %jit3A_391, %sub3A_390 : i32
      %min3A_394 = arith.minsi %jit3A_392, %max3A_393 : i32
      %mul3A_395 = arith.constant 16 : i32
      %mul3A_396 = arith.muli %scan3A_89, %mul3A_395 : i32
      %get3A_397 = arith.index_cast %min3A_394 : i32 to index
      %get3A_398 = arith.index_cast %mul3A_396 : i32 to index
      %get3A_399 = tpu.vector_load %arg6[%get3A_397, %get3A_398] {strides = array<i32>} : memref<256x128xf32, #tpu.memory_space<vmem>>, vector<1x16xf32>,
      %get3A_400 = vector.shape_cast %get3A_399 : vector<1x16xf32> to vector<16xf32>
      %slice3A_401 = vector.extract_strided_slice %get3A_400 {offsets = [10], sizes = [1], strides = [1]} : vector<16xf32> to vector<1xf32>
      %squeeze3A_402 = vector.extract %slice3A_401[0] : f32 from vector<1xf32>
      %jit3A_403 = arith.constant 0.000000e+00 : f32
      %select_n3A_404 = arith.select %eq3A_388, %squeeze3A_402, %jit3A_403 : f32
      %mul3A_405 = arith.constant 16 : i32
      %mul3A_406 = arith.muli %scan3A_89, %mul3A_405 : i32
      %add3A_407 = arith.constant 10 : i32
      %add3A_408 = arith.addi %mul3A_406, %add3A_407 : i32
      %swap3A_409 = arith.index_cast %add3A_408 : i32 to index
      %swap3A_410 = memref.load %arg10[%swap3A_409] : memref<128xf32, #tpu.memory_space<smem>>
      memref.store %select_n3A_404, %arg10[%swap3A_409] : memref<128xf32, #tpu.memory_space<smem>>
      %slice3A_411 = vector.extract_strided_slice %get3A_111 {offsets = [11], sizes = [1], strides = [1]} : vector<16xi32> to vector<1xi32>
      %squeeze3A_412 = vector.extract %slice3A_411[0] : i32 from vector<1xi32>
      %shift_right_arithmetic3A_413 = arith.constant 8 : i32
      %shift_right_arithmetic3A_414 = arith.shrsi %squeeze3A_412, %shift_right_arithmetic3A_413 : i32
      %eq3A_415 = arith.constant 0 : i32
      %eq3A_416 = arith.cmpi eq, %shift_right_arithmetic3A_414, %eq3A_415 : i32
      %sub3A_417 = arith.constant 0 : i32
      %sub3A_418 = arith.subi %squeeze3A_412, %sub3A_417 : i32
      %jit3A_419 = arith.constant 0 : i32
      %jit3A_420 = arith.constant 255 : i32
      %max3A_421 = arith.maxsi %jit3A_419, %sub3A_418 : i32
      %min3A_422 = arith.minsi %jit3A_420, %max3A_421 : i32
      %mul3A_423 = arith.constant 16 : i32
      %mul3A_424 = arith.muli %scan3A_89, %mul3A_423 : i32
      %get3A_425 = arith.index_cast %min3A_422 : i32 to index
      %get3A_426 = arith.index_cast %mul3A_424 : i32 to index
      %get3A_427 = tpu.vector_load %arg6[%get3A_425, %get3A_426] {strides = array<i32>} : memref<256x128xf32, #tpu.memory_space<vmem>>, vector<1x16xf32>,
      %get3A_428 = vector.shape_cast %get3A_427 : vector<1x16xf32> to vector<16xf32>
      %slice3A_429 = vector.extract_strided_slice %get3A_428 {offsets = [11], sizes = [1], strides = [1]} : vector<16xf32> to vector<1xf32>
      %squeeze3A_430 = vector.extract %slice3A_429[0] : f32 from vector<1xf32>
      %jit3A_431 = arith.constant 0.000000e+00 : f32
      %select_n3A_432 = arith.select %eq3A_416, %squeeze3A_430, %jit3A_431 : f32
      %mul3A_433 = arith.constant 16 : i32
      %mul3A_434 = arith.muli %scan3A_89, %mul3A_433 : i32
      %add3A_435 = arith.constant 11 : i32
      %add3A_436 = arith.addi %mul3A_434, %add3A_435 : i32
      %swap3A_437 = arith.index_cast %add3A_436 : i32 to index
      %swap3A_438 = memref.load %arg10[%swap3A_437] : memref<128xf32, #tpu.memory_space<smem>>
      memref.store %select_n3A_432, %arg10[%swap3A_437] : memref<128xf32, #tpu.memory_space<smem>>
      %slice3A_439 = vector.extract_strided_slice %get3A_111 {offsets = [12], sizes = [1], strides = [1]} : vector<16xi32> to vector<1xi32>
      %squeeze3A_440 = vector.extract %slice3A_439[0] : i32 from vector<1xi32>
      %shift_right_arithmetic3A_441 = arith.constant 8 : i32
      %shift_right_arithmetic3A_442 = arith.shrsi %squeeze3A_440, %shift_right_arithmetic3A_441 : i32
      %eq3A_443 = arith.constant 0 : i32
      %eq3A_444 = arith.cmpi eq, %shift_right_arithmetic3A_442, %eq3A_443 : i32
      %sub3A_445 = arith.constant 0 : i32
      %sub3A_446 = arith.subi %squeeze3A_440, %sub3A_445 : i32
      %jit3A_447 = arith.constant 0 : i32
      %jit3A_448 = arith.constant 255 : i32
      %max3A_449 = arith.maxsi %jit3A_447, %sub3A_446 : i32
      %min3A_450 = arith.minsi %jit3A_448, %max3A_449 : i32
      %mul3A_451 = arith.constant 16 : i32
      %mul3A_452 = arith.muli %scan3A_89, %mul3A_451 : i32
      %get3A_453 = arith.index_cast %min3A_450 : i32 to index
      %get3A_454 = arith.index_cast %mul3A_452 : i32 to index
      %get3A_455 = tpu.vector_load %arg6[%get3A_453, %get3A_454] {strides = array<i32>} : memref<256x128xf32, #tpu.memory_space<vmem>>, vector<1x16xf32>,
      %get3A_456 = vector.shape_cast %get3A_455 : vector<1x16xf32> to vector<16xf32>
      %slice3A_457 = vector.extract_strided_slice %get3A_456 {offsets = [12], sizes = [1], strides = [1]} : vector<16xf32> to vector<1xf32>
      %squeeze3A_458 = vector.extract %slice3A_457[0] : f32 from vector<1xf32>
      %jit3A_459 = arith.constant 0.000000e+00 : f32
      %select_n3A_460 = arith.select %eq3A_444, %squeeze3A_458, %jit3A_459 : f32
      %mul3A_461 = arith.constant 16 : i32
      %mul3A_462 = arith.muli %scan3A_89, %mul3A_461 : i32
      %add3A_463 = arith.constant 12 : i32
      %add3A_464 = arith.addi %mul3A_462, %add3A_463 : i32
      %swap3A_465 = arith.index_cast %add3A_464 : i32 to index
      %swap3A_466 = memref.load %arg10[%swap3A_465] : memref<128xf32, #tpu.memory_space<smem>>
      memref.store %select_n3A_460, %arg10[%swap3A_465] : memref<128xf32, #tpu.memory_space<smem>>
      %slice3A_467 = vector.extract_strided_slice %get3A_111 {offsets = [13], sizes = [1], strides = [1]} : vector<16xi32> to vector<1xi32>
      %squeeze3A_468 = vector.extract %slice3A_467[0] : i32 from vector<1xi32>
      %shift_right_arithmetic3A_469 = arith.constant 8 : i32
      %shift_right_arithmetic3A_470 = arith.shrsi %squeeze3A_468, %shift_right_arithmetic3A_469 : i32
      %eq3A_471 = arith.constant 0 : i32
      %eq3A_472 = arith.cmpi eq, %shift_right_arithmetic3A_470, %eq3A_471 : i32
      %sub3A_473 = arith.constant 0 : i32
      %sub3A_474 = arith.subi %squeeze3A_468, %sub3A_473 : i32
      %jit3A_475 = arith.constant 0 : i32
      %jit3A_476 = arith.constant 255 : i32
      %max3A_477 = arith.maxsi %jit3A_475, %sub3A_474 : i32
      %min3A_478 = arith.minsi %jit3A_476, %max3A_477 : i32
      %mul3A_479 = arith.constant 16 : i32
      %mul3A_480 = arith.muli %scan3A_89, %mul3A_479 : i32
      %get3A_481 = arith.index_cast %min3A_478 : i32 to index
      %get3A_482 = arith.index_cast %mul3A_480 : i32 to index
      %get3A_483 = tpu.vector_load %arg6[%get3A_481, %get3A_482] {strides = array<i32>} : memref<256x128xf32, #tpu.memory_space<vmem>>, vector<1x16xf32>,
      %get3A_484 = vector.shape_cast %get3A_483 : vector<1x16xf32> to vector<16xf32>
      %slice3A_485 = vector.extract_strided_slice %get3A_484 {offsets = [13], sizes = [1], strides = [1]} : vector<16xf32> to vector<1xf32>
      %squeeze3A_486 = vector.extract %slice3A_485[0] : f32 from vector<1xf32>
      %jit3A_487 = arith.constant 0.000000e+00 : f32
      %select_n3A_488 = arith.select %eq3A_472, %squeeze3A_486, %jit3A_487 : f32
      %mul3A_489 = arith.constant 16 : i32
      %mul3A_490 = arith.muli %scan3A_89, %mul3A_489 : i32
      %add3A_491 = arith.constant 13 : i32
      %add3A_492 = arith.addi %mul3A_490, %add3A_491 : i32
      %swap3A_493 = arith.index_cast %add3A_492 : i32 to index
      %swap3A_494 = memref.load %arg10[%swap3A_493] : memref<128xf32, #tpu.memory_space<smem>>
      memref.store %select_n3A_488, %arg10[%swap3A_493] : memref<128xf32, #tpu.memory_space<smem>>
      %slice3A_495 = vector.extract_strided_slice %get3A_111 {offsets = [14], sizes = [1], strides = [1]} : vector<16xi32> to vector<1xi32>
      %squeeze3A_496 = vector.extract %slice3A_495[0] : i32 from vector<1xi32>
      %shift_right_arithmetic3A_497 = arith.constant 8 : i32
      %shift_right_arithmetic3A_498 = arith.shrsi %squeeze3A_496, %shift_right_arithmetic3A_497 : i32
      %eq3A_499 = arith.constant 0 : i32
      %eq3A_500 = arith.cmpi eq, %shift_right_arithmetic3A_498, %eq3A_499 : i32
      %sub3A_501 = arith.constant 0 : i32
      %sub3A_502 = arith.subi %squeeze3A_496, %sub3A_501 : i32
      %jit3A_503 = arith.constant 0 : i32
      %jit3A_504 = arith.constant 255 : i32
      %max3A_505 = arith.maxsi %jit3A_503, %sub3A_502 : i32
      %min3A_506 = arith.minsi %jit3A_504, %max3A_505 : i32
      %mul3A_507 = arith.constant 16 : i32
      %mul3A_508 = arith.muli %scan3A_89, %mul3A_507 : i32
      %get3A_509 = arith.index_cast %min3A_506 : i32 to index
      %get3A_510 = arith.index_cast %mul3A_508 : i32 to index
      %get3A_511 = tpu.vector_load %arg6[%get3A_509, %get3A_510] {strides = array<i32>} : memref<256x128xf32, #tpu.memory_space<vmem>>, vector<1x16xf32>,
      %get3A_512 = vector.shape_cast %get3A_511 : vector<1x16xf32> to vector<16xf32>
      %slice3A_513 = vector.extract_strided_slice %get3A_512 {offsets = [14], sizes = [1], strides = [1]} : vector<16xf32> to vector<1xf32>
      %squeeze3A_514 = vector.extract %slice3A_513[0] : f32 from vector<1xf32>
      %jit3A_515 = arith.constant 0.000000e+00 : f32
      %select_n3A_516 = arith.select %eq3A_500, %squeeze3A_514, %jit3A_515 : f32
      %mul3A_517 = arith.constant 16 : i32
      %mul3A_518 = arith.muli %scan3A_89, %mul3A_517 : i32
      %add3A_519 = arith.constant 14 : i32
      %add3A_520 = arith.addi %mul3A_518, %add3A_519 : i32
      %swap3A_521 = arith.index_cast %add3A_520 : i32 to index
      %swap3A_522 = memref.load %arg10[%swap3A_521] : memref<128xf32, #tpu.memory_space<smem>>
      memref.store %select_n3A_516, %arg10[%swap3A_521] : memref<128xf32, #tpu.memory_space<smem>>
      %slice3A_523 = vector.extract_strided_slice %get3A_111 {offsets = [15], sizes = [1], strides = [1]} : vector<16xi32> to vector<1xi32>
      %squeeze3A_524 = vector.extract %slice3A_523[0] : i32 from vector<1xi32>
      %shift_right_arithmetic3A_525 = arith.constant 8 : i32
      %shift_right_arithmetic3A_526 = arith.shrsi %squeeze3A_524, %shift_right_arithmetic3A_525 : i32
      %eq3A_527 = arith.constant 0 : i32
      %eq3A_528 = arith.cmpi eq, %shift_right_arithmetic3A_526, %eq3A_527 : i32
      %sub3A_529 = arith.constant 0 : i32
      %sub3A_530 = arith.subi %squeeze3A_524, %sub3A_529 : i32
      %jit3A_531 = arith.constant 0 : i32
      %jit3A_532 = arith.constant 255 : i32
      %max3A_533 = arith.maxsi %jit3A_531, %sub3A_530 : i32
      %min3A_534 = arith.minsi %jit3A_532, %max3A_533 : i32
      %mul3A_535 = arith.constant 16 : i32
      %mul3A_536 = arith.muli %scan3A_89, %mul3A_535 : i32
      %get3A_537 = arith.index_cast %min3A_534 : i32 to index
      %get3A_538 = arith.index_cast %mul3A_536 : i32 to index
      %get3A_539 = tpu.vector_load %arg6[%get3A_537, %get3A_538] {strides = array<i32>} : memref<256x128xf32, #tpu.memory_space<vmem>>, vector<1x16xf32>,
      %get3A_540 = vector.shape_cast %get3A_539 : vector<1x16xf32> to vector<16xf32>
      %slice3A_541 = vector.extract_strided_slice %get3A_540 {offsets = [15], sizes = [1], strides = [1]} : vector<16xf32> to vector<1xf32>
      %squeeze3A_542 = vector.extract %slice3A_541[0] : f32 from vector<1xf32>
      %jit3A_543 = arith.constant 0.000000e+00 : f32
      %select_n3A_544 = arith.select %eq3A_528, %squeeze3A_542, %jit3A_543 : f32
      %mul3A_545 = arith.constant 16 : i32
      %mul3A_546 = arith.muli %scan3A_89, %mul3A_545 : i32
      %add3A_547 = arith.constant 15 : i32
      %add3A_548 = arith.addi %mul3A_546, %add3A_547 : i32
      %swap3A_549 = arith.index_cast %add3A_548 : i32 to index
      %swap3A_550 = memref.load %arg10[%swap3A_549] : memref<128xf32, #tpu.memory_space<smem>>
      memref.store %select_n3A_544, %arg10[%swap3A_549] : memref<128xf32, #tpu.memory_space<smem>>
      %add3A_551 = arith.addf %scan3A_90, %add3A_102 : vector<16xf32>
      scf.yield %add3A_551 : vector<16xf32>
    }
    %scan3A_24 = arith.constant 8 : i32
    %dma_start3A_25 = arith.constant 512 : i32
    %dma_start3A_26 = tpu.memref_slice %arg2[%dma_start3A_25, %add3A_4] : memref<1000x16384xf32, #tpu.memory_space<hbm>> -> memref<256x128xf32, #tpu.memory_space<hbm>>
    %dma_start3A_27 = arith.constant 512 : i32
    %dma_start3A_28 = tpu.memref_slice %arg2[%dma_start3A_27, %add3A_4] : memref<1000x16384xf32, #tpu.memory_space<hbm>> -> memref<256x128xf32, #tpu.memory_space<hbm>>
    tpu.enqueue_dma source(%dma_start3A_28 : memref<256x128xf32, #tpu.memory_space<hbm>>) target(%arg6 : memref<256x128xf32, #tpu.memory_space<vmem>>) target_semaphore(%arg12 : memref<!tpu.dma_semaphore, #tpu.memory_space<semaphore_mem>>)
    %dma_wait3A_29 = arith.constant 256 : i32
    %dma_wait3A_30 = tpu.memref_slice %arg2[%dma_wait3A_29, %add3A_4] : memref<1000x16384xf32, #tpu.memory_space<hbm>> -> memref<256x128xf32, #tpu.memory_space<hbm>>
    %dma_wait3A_31 = arith.constant 256 : i32
    %dma_wait3A_32 = tpu.memref_slice %arg2[%dma_wait3A_31, %add3A_4] : memref<1000x16384xf32, #tpu.memory_space<hbm>> -> memref<256x128xf32, #tpu.memory_space<hbm>>
    tpu.wait_dma2 semaphore(%arg13 : memref<!tpu.dma_semaphore, #tpu.memory_space<semaphore_mem>>) src(%dma_wait3A_32 : memref<256x128xf32, #tpu.memory_space<hbm>>) dst(%arg7 : memref<256x128xf32, #tpu.memory_space<vmem>>)
    %scan3A_33 = arith.constant 0 : i32
    %scan3A_34 = arith.constant 8 : i32
    %scan3A_35 = arith.addi %scan3A_33, %scan3A_34 : i32
    %scan3A_36 = arith.constant 1 : i32
    %scan3A_37 = scf.for %scan3A_89 = %scan3A_33 to %scan3A_35 step %scan3A_36 iter_args(%scan3A_90 = %scan3A_23) -> (vector<16xf32>)  : i32 {
      %scan3A_91 = arith.constant 0 : i32
      %scan3A_92 = arith.constant 16 : i32
      %scan3A_93 = arith.addi %scan3A_91, %scan3A_92 : i32
      %scan3A_94 = arith.constant 1 : i32
      %scan3A_95:8 = scf.for %scan3A_637 = %scan3A_91 to %scan3A_93 step %scan3A_94 iter_args(%scan3A_638 = %broadcast_in_dim3A_15, %scan3A_639 = %broadcast_in_dim3A_15, %scan3A_640 = %broadcast_in_dim3A_15, %scan3A_641 = %broadcast_in_dim3A_15, %scan3A_642 = %broadcast_in_dim3A_15, %scan3A_643 = %broadcast_in_dim3A_15, %scan3A_644 = %broadcast_in_dim3A_15, %scan3A_645 = %broadcast_in_dim3A_15) -> (vector<16xf32>, vector<16xf32>, vector<16xf32>, vector<16xf32>, vector<16xf32>, vector<16xf32>, vector<16xf32>, vector<16xf32>)  : i32 {
        %mul3A_646 = arith.constant 16 : i32
        %mul3A_647 = arith.muli %scan3A_637, %mul3A_646 : i32
        %add3A_648 = arith.constant 0 : i32
        %add3A_649 = arith.addi %add3A_648, %mul3A_647 : i32
        %add3A_650 = arith.constant 0 : i32
        %add3A_651 = arith.addi %add3A_649, %add3A_650 : i32
        %mul3A_652 = arith.constant 16 : i32
        %mul3A_653 = arith.muli %scan3A_89, %mul3A_652 : i32
        %get3A_654 = arith.index_cast %add3A_651 : i32 to index
        %get3A_655 = arith.index_cast %mul3A_653 : i32 to index
        %get3A_656 = tpu.vector_load %arg7[%get3A_654, %get3A_655] {strides = array<i32>} : memref<256x128xf32, #tpu.memory_space<vmem>>, vector<1x16xf32>,
        %get3A_657 = vector.shape_cast %get3A_656 : vector<1x16xf32> to vector<16xf32>
        %add3A_658 = arith.addf %scan3A_638, %get3A_657 : vector<16xf32>
        %mul3A_659 = arith.mulf %get3A_657, %get3A_657 : vector<16xf32>
        %add3A_660 = arith.addf %scan3A_642, %mul3A_659 : vector<16xf32>
        %mul3A_661 = arith.constant 16 : i32
        %mul3A_662 = arith.muli %scan3A_637, %mul3A_661 : i32
        %add3A_663 = arith.constant 0 : i32
        %add3A_664 = arith.addi %add3A_663, %mul3A_662 : i32
        %add3A_665 = arith.constant 1 : i32
        %add3A_666 = arith.addi %add3A_664, %add3A_665 : i32
        %mul3A_667 = arith.constant 16 : i32
        %mul3A_668 = arith.muli %scan3A_89, %mul3A_667 : i32
        %get3A_669 = arith.index_cast %add3A_666 : i32 to index
        %get3A_670 = arith.index_cast %mul3A_668 : i32 to index
        %get3A_671 = tpu.vector_load %arg7[%get3A_669, %get3A_670] {strides = array<i32>} : memref<256x128xf32, #tpu.memory_space<vmem>>, vector<1x16xf32>,
        %get3A_672 = vector.shape_cast %get3A_671 : vector<1x16xf32> to vector<16xf32>
        %add3A_673 = arith.addf %scan3A_639, %get3A_672 : vector<16xf32>
        %mul3A_674 = arith.mulf %get3A_672, %get3A_672 : vector<16xf32>
        %add3A_675 = arith.addf %scan3A_643, %mul3A_674 : vector<16xf32>
        %mul3A_676 = arith.constant 16 : i32
        %mul3A_677 = arith.muli %scan3A_637, %mul3A_676 : i32
        %add3A_678 = arith.constant 0 : i32
        %add3A_679 = arith.addi %add3A_678, %mul3A_677 : i32
        %add3A_680 = arith.constant 2 : i32
        %add3A_681 = arith.addi %add3A_679, %add3A_680 : i32
        %mul3A_682 = arith.constant 16 : i32
        %mul3A_683 = arith.muli %scan3A_89, %mul3A_682 : i32
        %get3A_684 = arith.index_cast %add3A_681 : i32 to index
        %get3A_685 = arith.index_cast %mul3A_683 : i32 to index
        %get3A_686 = tpu.vector_load %arg7[%get3A_684, %get3A_685] {strides = array<i32>} : memref<256x128xf32, #tpu.memory_space<vmem>>, vector<1x16xf32>,
        %get3A_687 = vector.shape_cast %get3A_686 : vector<1x16xf32> to vector<16xf32>
        %add3A_688 = arith.addf %scan3A_640, %get3A_687 : vector<16xf32>
        %mul3A_689 = arith.mulf %get3A_687, %get3A_687 : vector<16xf32>
        %add3A_690 = arith.addf %scan3A_644, %mul3A_689 : vector<16xf32>
        %mul3A_691 = arith.constant 16 : i32
        %mul3A_692 = arith.muli %scan3A_637, %mul3A_691 : i32
        %add3A_693 = arith.constant 0 : i32
        %add3A_694 = arith.addi %add3A_693, %mul3A_692 : i32
        %add3A_695 = arith.constant 3 : i32
        %add3A_696 = arith.addi %add3A_694, %add3A_695 : i32
        %mul3A_697 = arith.constant 16 : i32
        %mul3A_698 = arith.muli %scan3A_89, %mul3A_697 : i32
        %get3A_699 = arith.index_cast %add3A_696 : i32 to index
        %get3A_700 = arith.index_cast %mul3A_698 : i32 to index
        %get3A_701 = tpu.vector_load %arg7[%get3A_699, %get3A_700] {strides = array<i32>} : memref<256x128xf32, #tpu.memory_space<vmem>>, vector<1x16xf32>,
        %get3A_702 = vector.shape_cast %get3A_701 : vector<1x16xf32> to vector<16xf32>
        %add3A_703 = arith.addf %scan3A_641, %get3A_702 : vector<16xf32>
        %mul3A_704 = arith.mulf %get3A_702, %get3A_702 : vector<16xf32>
        %add3A_705 = arith.addf %scan3A_645, %mul3A_704 : vector<16xf32>
        %mul3A_706 = arith.constant 16 : i32
        %mul3A_707 = arith.muli %scan3A_637, %mul3A_706 : i32
        %add3A_708 = arith.constant 0 : i32
        %add3A_709 = arith.addi %add3A_708, %mul3A_707 : i32
        %add3A_710 = arith.constant 4 : i32
        %add3A_711 = arith.addi %add3A_709, %add3A_710 : i32
        %mul3A_712 = arith.constant 16 : i32
        %mul3A_713 = arith.muli %scan3A_89, %mul3A_712 : i32
        %get3A_714 = arith.index_cast %add3A_711 : i32 to index
        %get3A_715 = arith.index_cast %mul3A_713 : i32 to index
        %get3A_716 = tpu.vector_load %arg7[%get3A_714, %get3A_715] {strides = array<i32>} : memref<256x128xf32, #tpu.memory_space<vmem>>, vector<1x16xf32>,
        %get3A_717 = vector.shape_cast %get3A_716 : vector<1x16xf32> to vector<16xf32>
        %add3A_718 = arith.addf %add3A_658, %get3A_717 : vector<16xf32>
        %mul3A_719 = arith.mulf %get3A_717, %get3A_717 : vector<16xf32>
        %add3A_720 = arith.addf %add3A_660, %mul3A_719 : vector<16xf32>
        %mul3A_721 = arith.constant 16 : i32
        %mul3A_722 = arith.muli %scan3A_637, %mul3A_721 : i32
        %add3A_723 = arith.constant 0 : i32
        %add3A_724 = arith.addi %add3A_723, %mul3A_722 : i32
        %add3A_725 = arith.constant 5 : i32
        %add3A_726 = arith.addi %add3A_724, %add3A_725 : i32
        %mul3A_727 = arith.constant 16 : i32
        %mul3A_728 = arith.muli %scan3A_89, %mul3A_727 : i32
        %get3A_729 = arith.index_cast %add3A_726 : i32 to index
        %get3A_730 = arith.index_cast %mul3A_728 : i32 to index
        %get3A_731 = tpu.vector_load %arg7[%get3A_729, %get3A_730] {strides = array<i32>} : memref<256x128xf32, #tpu.memory_space<vmem>>, vector<1x16xf32>,
        %get3A_732 = vector.shape_cast %get3A_731 : vector<1x16xf32> to vector<16xf32>
        %add3A_733 = arith.addf %add3A_673, %get3A_732 : vector<16xf32>
        %mul3A_734 = arith.mulf %get3A_732, %get3A_732 : vector<16xf32>
        %add3A_735 = arith.addf %add3A_675, %mul3A_734 : vector<16xf32>
        %mul3A_736 = arith.constant 16 : i32
        %mul3A_737 = arith.muli %scan3A_637, %mul3A_736 : i32
        %add3A_738 = arith.constant 0 : i32
        %add3A_739 = arith.addi %add3A_738, %mul3A_737 : i32
        %add3A_740 = arith.constant 6 : i32
        %add3A_741 = arith.addi %add3A_739, %add3A_740 : i32
        %mul3A_742 = arith.constant 16 : i32
        %mul3A_743 = arith.muli %scan3A_89, %mul3A_742 : i32
        %get3A_744 = arith.index_cast %add3A_741 : i32 to index
        %get3A_745 = arith.index_cast %mul3A_743 : i32 to index
        %get3A_746 = tpu.vector_load %arg7[%get3A_744, %get3A_745] {strides = array<i32>} : memref<256x128xf32, #tpu.memory_space<vmem>>, vector<1x16xf32>,
        %get3A_747 = vector.shape_cast %get3A_746 : vector<1x16xf32> to vector<16xf32>
        %add3A_748 = arith.addf %add3A_688, %get3A_747 : vector<16xf32>
        %mul3A_749 = arith.mulf %get3A_747, %get3A_747 : vector<16xf32>
        %add3A_750 = arith.addf %add3A_690, %mul3A_749 : vector<16xf32>
        %mul3A_751 = arith.constant 16 : i32
        %mul3A_752 = arith.muli %scan3A_637, %mul3A_751 : i32
        %add3A_753 = arith.constant 0 : i32
        %add3A_754 = arith.addi %add3A_753, %mul3A_752 : i32
        %add3A_755 = arith.constant 7 : i32
        %add3A_756 = arith.addi %add3A_754, %add3A_755 : i32
        %mul3A_757 = arith.constant 16 : i32
        %mul3A_758 = arith.muli %scan3A_89, %mul3A_757 : i32
        %get3A_759 = arith.index_cast %add3A_756 : i32 to index
        %get3A_760 = arith.index_cast %mul3A_758 : i32 to index
        %get3A_761 = tpu.vector_load %arg7[%get3A_759, %get3A_760] {strides = array<i32>} : memref<256x128xf32, #tpu.memory_space<vmem>>, vector<1x16xf32>,
        %get3A_762 = vector.shape_cast %get3A_761 : vector<1x16xf32> to vector<16xf32>
        %add3A_763 = arith.addf %add3A_703, %get3A_762 : vector<16xf32>
        %mul3A_764 = arith.mulf %get3A_762, %get3A_762 : vector<16xf32>
        %add3A_765 = arith.addf %add3A_705, %mul3A_764 : vector<16xf32>
        %mul3A_766 = arith.constant 16 : i32
        %mul3A_767 = arith.muli %scan3A_637, %mul3A_766 : i32
        %add3A_768 = arith.constant 0 : i32
        %add3A_769 = arith.addi %add3A_768, %mul3A_767 : i32
        %add3A_770 = arith.constant 8 : i32
        %add3A_771 = arith.addi %add3A_769, %add3A_770 : i32
        %mul3A_772 = arith.constant 16 : i32
        %mul3A_773 = arith.muli %scan3A_89, %mul3A_772 : i32
        %get3A_774 = arith.index_cast %add3A_771 : i32 to index
        %get3A_775 = arith.index_cast %mul3A_773 : i32 to index
        %get3A_776 = tpu.vector_load %arg7[%get3A_774, %get3A_775] {strides = array<i32>} : memref<256x128xf32, #tpu.memory_space<vmem>>, vector<1x16xf32>,
        %get3A_777 = vector.shape_cast %get3A_776 : vector<1x16xf32> to vector<16xf32>
        %add3A_778 = arith.addf %add3A_718, %get3A_777 : vector<16xf32>
        %mul3A_779 = arith.mulf %get3A_777, %get3A_777 : vector<16xf32>
        %add3A_780 = arith.addf %add3A_720, %mul3A_779 : vector<16xf32>
        %mul3A_781 = arith.constant 16 : i32
        %mul3A_782 = arith.muli %scan3A_637, %mul3A_781 : i32
        %add3A_783 = arith.constant 0 : i32
        %add3A_784 = arith.addi %add3A_783, %mul3A_782 : i32
        %add3A_785 = arith.constant 9 : i32
        %add3A_786 = arith.addi %add3A_784, %add3A_785 : i32
        %mul3A_787 = arith.constant 16 : i32
        %mul3A_788 = arith.muli %scan3A_89, %mul3A_787 : i32
        %get3A_789 = arith.index_cast %add3A_786 : i32 to index
        %get3A_790 = arith.index_cast %mul3A_788 : i32 to index
        %get3A_791 = tpu.vector_load %arg7[%get3A_789, %get3A_790] {strides = array<i32>} : memref<256x128xf32, #tpu.memory_space<vmem>>, vector<1x16xf32>,
        %get3A_792 = vector.shape_cast %get3A_791 : vector<1x16xf32> to vector<16xf32>
        %add3A_793 = arith.addf %add3A_733, %get3A_792 : vector<16xf32>
        %mul3A_794 = arith.mulf %get3A_792, %get3A_792 : vector<16xf32>
        %add3A_795 = arith.addf %add3A_735, %mul3A_794 : vector<16xf32>
        %mul3A_796 = arith.constant 16 : i32
        %mul3A_797 = arith.muli %scan3A_637, %mul3A_796 : i32
        %add3A_798 = arith.constant 0 : i32
        %add3A_799 = arith.addi %add3A_798, %mul3A_797 : i32
        %add3A_800 = arith.constant 10 : i32
        %add3A_801 = arith.addi %add3A_799, %add3A_800 : i32
        %mul3A_802 = arith.constant 16 : i32
        %mul3A_803 = arith.muli %scan3A_89, %mul3A_802 : i32
        %get3A_804 = arith.index_cast %add3A_801 : i32 to index
        %get3A_805 = arith.index_cast %mul3A_803 : i32 to index
        %get3A_806 = tpu.vector_load %arg7[%get3A_804, %get3A_805] {strides = array<i32>} : memref<256x128xf32, #tpu.memory_space<vmem>>, vector<1x16xf32>,
        %get3A_807 = vector.shape_cast %get3A_806 : vector<1x16xf32> to vector<16xf32>
        %add3A_808 = arith.addf %add3A_748, %get3A_807 : vector<16xf32>
        %mul3A_809 = arith.mulf %get3A_807, %get3A_807 : vector<16xf32>
        %add3A_810 = arith.addf %add3A_750, %mul3A_809 : vector<16xf32>
        %mul3A_811 = arith.constant 16 : i32
        %mul3A_812 = arith.muli %scan3A_637, %mul3A_811 : i32
        %add3A_813 = arith.constant 0 : i32
        %add3A_814 = arith.addi %add3A_813, %mul3A_812 : i32
        %add3A_815 = arith.constant 11 : i32
        %add3A_816 = arith.addi %add3A_814, %add3A_815 : i32
        %mul3A_817 = arith.constant 16 : i32
        %mul3A_818 = arith.muli %scan3A_89, %mul3A_817 : i32
        %get3A_819 = arith.index_cast %add3A_816 : i32 to index
        %get3A_820 = arith.index_cast %mul3A_818 : i32 to index
        %get3A_821 = tpu.vector_load %arg7[%get3A_819, %get3A_820] {strides = array<i32>} : memref<256x128xf32, #tpu.memory_space<vmem>>, vector<1x16xf32>,
        %get3A_822 = vector.shape_cast %get3A_821 : vector<1x16xf32> to vector<16xf32>
        %add3A_823 = arith.addf %add3A_763, %get3A_822 : vector<16xf32>
        %mul3A_824 = arith.mulf %get3A_822, %get3A_822 : vector<16xf32>
        %add3A_825 = arith.addf %add3A_765, %mul3A_824 : vector<16xf32>
        %mul3A_826 = arith.constant 16 : i32
        %mul3A_827 = arith.muli %scan3A_637, %mul3A_826 : i32
        %add3A_828 = arith.constant 0 : i32
        %add3A_829 = arith.addi %add3A_828, %mul3A_827 : i32
        %add3A_830 = arith.constant 12 : i32
        %add3A_831 = arith.addi %add3A_829, %add3A_830 : i32
        %mul3A_832 = arith.constant 16 : i32
        %mul3A_833 = arith.muli %scan3A_89, %mul3A_832 : i32
        %get3A_834 = arith.index_cast %add3A_831 : i32 to index
        %get3A_835 = arith.index_cast %mul3A_833 : i32 to index
        %get3A_836 = tpu.vector_load %arg7[%get3A_834, %get3A_835] {strides = array<i32>} : memref<256x128xf32, #tpu.memory_space<vmem>>, vector<1x16xf32>,
        %get3A_837 = vector.shape_cast %get3A_836 : vector<1x16xf32> to vector<16xf32>
        %add3A_838 = arith.addf %add3A_778, %get3A_837 : vector<16xf32>
        %mul3A_839 = arith.mulf %get3A_837, %get3A_837 : vector<16xf32>
        %add3A_840 = arith.addf %add3A_780, %mul3A_839 : vector<16xf32>
        %mul3A_841 = arith.constant 16 : i32
        %mul3A_842 = arith.muli %scan3A_637, %mul3A_841 : i32
        %add3A_843 = arith.constant 0 : i32
        %add3A_844 = arith.addi %add3A_843, %mul3A_842 : i32
        %add3A_845 = arith.constant 13 : i32
        %add3A_846 = arith.addi %add3A_844, %add3A_845 : i32
        %mul3A_847 = arith.constant 16 : i32
        %mul3A_848 = arith.muli %scan3A_89, %mul3A_847 : i32
        %get3A_849 = arith.index_cast %add3A_846 : i32 to index
        %get3A_850 = arith.index_cast %mul3A_848 : i32 to index
        %get3A_851 = tpu.vector_load %arg7[%get3A_849, %get3A_850] {strides = array<i32>} : memref<256x128xf32, #tpu.memory_space<vmem>>, vector<1x16xf32>,
        %get3A_852 = vector.shape_cast %get3A_851 : vector<1x16xf32> to vector<16xf32>
        %add3A_853 = arith.addf %add3A_793, %get3A_852 : vector<16xf32>
        %mul3A_854 = arith.mulf %get3A_852, %get3A_852 : vector<16xf32>
        %add3A_855 = arith.addf %add3A_795, %mul3A_854 : vector<16xf32>
        %mul3A_856 = arith.constant 16 : i32
        %mul3A_857 = arith.muli %scan3A_637, %mul3A_856 : i32
        %add3A_858 = arith.constant 0 : i32
        %add3A_859 = arith.addi %add3A_858, %mul3A_857 : i32
        %add3A_860 = arith.constant 14 : i32
        %add3A_861 = arith.addi %add3A_859, %add3A_860 : i32
        %mul3A_862 = arith.constant 16 : i32
        %mul3A_863 = arith.muli %scan3A_89, %mul3A_862 : i32
        %get3A_864 = arith.index_cast %add3A_861 : i32 to index
        %get3A_865 = arith.index_cast %mul3A_863 : i32 to index
        %get3A_866 = tpu.vector_load %arg7[%get3A_864, %get3A_865] {strides = array<i32>} : memref<256x128xf32, #tpu.memory_space<vmem>>, vector<1x16xf32>,
        %get3A_867 = vector.shape_cast %get3A_866 : vector<1x16xf32> to vector<16xf32>
        %add3A_868 = arith.addf %add3A_808, %get3A_867 : vector<16xf32>
        %mul3A_869 = arith.mulf %get3A_867, %get3A_867 : vector<16xf32>
        %add3A_870 = arith.addf %add3A_810, %mul3A_869 : vector<16xf32>
        %mul3A_871 = arith.constant 16 : i32
        %mul3A_872 = arith.muli %scan3A_637, %mul3A_871 : i32
        %add3A_873 = arith.constant 0 : i32
        %add3A_874 = arith.addi %add3A_873, %mul3A_872 : i32
        %add3A_875 = arith.constant 15 : i32
        %add3A_876 = arith.addi %add3A_874, %add3A_875 : i32
        %mul3A_877 = arith.constant 16 : i32
        %mul3A_878 = arith.muli %scan3A_89, %mul3A_877 : i32
        %get3A_879 = arith.index_cast %add3A_876 : i32 to index
        %get3A_880 = arith.index_cast %mul3A_878 : i32 to index
        %get3A_881 = tpu.vector_load %arg7[%get3A_879, %get3A_880] {strides = array<i32>} : memref<256x128xf32, #tpu.memory_space<vmem>>, vector<1x16xf32>,
        %get3A_882 = vector.shape_cast %get3A_881 : vector<1x16xf32> to vector<16xf32>
        %add3A_883 = arith.addf %add3A_823, %get3A_882 : vector<16xf32>
        %mul3A_884 = arith.mulf %get3A_882, %get3A_882 : vector<16xf32>
        %add3A_885 = arith.addf %add3A_825, %mul3A_884 : vector<16xf32>
        scf.yield %add3A_838, %add3A_853, %add3A_868, %add3A_883, %add3A_840, %add3A_855, %add3A_870, %add3A_885 : vector<16xf32>, vector<16xf32>, vector<16xf32>, vector<16xf32>, vector<16xf32>, vector<16xf32>, vector<16xf32>, vector<16xf32>
      }
      %scan3A_96 = arith.constant 16 : i32
      %add3A_97 = arith.addf %scan3A_95#0, %scan3A_95#1 : vector<16xf32>
      %add3A_98 = arith.addf %scan3A_95#2, %scan3A_95#3 : vector<16xf32>
      %add3A_99 = arith.addf %add3A_97, %add3A_98 : vector<16xf32>
      %add3A_100 = arith.addf %scan3A_95#4, %scan3A_95#5 : vector<16xf32>
      %add3A_101 = arith.addf %scan3A_95#6, %scan3A_95#7 : vector<16xf32>
      %add3A_102 = arith.addf %add3A_100, %add3A_101 : vector<16xf32>
      %get3A = arith.index_cast %scan3A_89 : i32 to index
      %get3A_103 = arith.constant 0 : index
      %get3A_104 = tpu.vector_load %arg9[%get3A, %get3A_103] {strides = array<i32>} : memref<8x16xf32, #tpu.memory_space<vmem>>, vector<1x16xf32>,
      %get3A_105 = vector.shape_cast %get3A_104 : vector<1x16xf32> to vector<16xf32>
      %add3A_106 = arith.addf %get3A_105, %add3A_99 : vector<16xf32>
      %swap3A_107 = arith.index_cast %scan3A_89 : i32 to index
      %swap3A_108 = arith.constant 0 : index
      %swap3A_109 = tpu.vector_load %arg9[%swap3A_107, %swap3A_108] {strides = array<i32>} : memref<8x16xf32, #tpu.memory_space<vmem>>, vector<1x16xf32>,
      %swap3A_110 = vector.shape_cast %swap3A_109 : vector<1x16xf32> to vector<16xf32>
      %swap3A_111 = vector.shape_cast %add3A_106 : vector<16xf32> to vector<1x16xf32>
      tpu.vector_store %arg9[%swap3A_107, %swap3A_108], %swap3A_111 {strides = array<i32>} : memref<8x16xf32, #tpu.memory_space<vmem>>, vector<1x16xf32>,
      %mul3A_112 = arith.constant 16 : i32
      %mul3A_113 = arith.muli %scan3A_89, %mul3A_112 : i32
      %get3A_114 = arith.index_cast %mul3A_113 : i32 to index
      %get3A_115 = tpu.vector_load %arg5[%get3A_114] {strides = array<i32>} : memref<128xi32, #tpu.memory_space<vmem>>, vector<16xi32>,
      %get3A_116 = vector.shape_cast %get3A_115 : vector<16xi32> to vector<16xi32>
      %slice3A = vector.extract_strided_slice %get3A_116 {offsets = [0], sizes = [1], strides = [1]} : vector<16xi32> to vector<1xi32>
      %squeeze3A = vector.extract %slice3A[0] : i32 from vector<1xi32>
      %shift_right_arithmetic3A = arith.constant 8 : i32
      %shift_right_arithmetic3A_117 = arith.shrsi %squeeze3A, %shift_right_arithmetic3A : i32
      %eq3A = arith.constant 1 : i32
      %eq3A_118 = arith.cmpi eq, %shift_right_arithmetic3A_117, %eq3A : i32
      %sub3A = arith.constant 256 : i32
      %sub3A_119 = arith.subi %squeeze3A, %sub3A : i32
      %jit3A = arith.constant 0 : i32
      %jit3A_120 = arith.constant 255 : i32
      %max3A = arith.maxsi %jit3A, %sub3A_119 : i32
      %min3A = arith.minsi %jit3A_120, %max3A : i32
      %mul3A_121 = arith.constant 16 : i32
      %mul3A_122 = arith.muli %scan3A_89, %mul3A_121 : i32
      %get3A_123 = arith.index_cast %min3A : i32 to index
      %get3A_124 = arith.index_cast %mul3A_122 : i32 to index
      %get3A_125 = tpu.vector_load %arg7[%get3A_123, %get3A_124] {strides = array<i32>} : memref<256x128xf32, #tpu.memory_space<vmem>>, vector<1x16xf32>,
      %get3A_126 = vector.shape_cast %get3A_125 : vector<1x16xf32> to vector<16xf32>
      %slice3A_127 = vector.extract_strided_slice %get3A_126 {offsets = [0], sizes = [1], strides = [1]} : vector<16xf32> to vector<1xf32>
      %squeeze3A_128 = vector.extract %slice3A_127[0] : f32 from vector<1xf32>
      %mul3A_129 = arith.constant 16 : i32
      %mul3A_130 = arith.muli %scan3A_89, %mul3A_129 : i32
      %add3A_131 = arith.constant 0 : i32
      %add3A_132 = arith.addi %mul3A_130, %add3A_131 : i32
      %get3A_133 = arith.index_cast %add3A_132 : i32 to index
      %get3A_134 = memref.load %arg10[%get3A_133] : memref<128xf32, #tpu.memory_space<smem>>
      %select_n3A = arith.select %eq3A_118, %squeeze3A_128, %get3A_134 : f32
      %mul3A_135 = arith.constant 16 : i32
      %mul3A_136 = arith.muli %scan3A_89, %mul3A_135 : i32
      %add3A_137 = arith.constant 0 : i32
      %add3A_138 = arith.addi %mul3A_136, %add3A_137 : i32
      %swap3A_139 = arith.index_cast %add3A_138 : i32 to index
      %swap3A_140 = memref.load %arg10[%swap3A_139] : memref<128xf32, #tpu.memory_space<smem>>
      memref.store %select_n3A, %arg10[%swap3A_139] : memref<128xf32, #tpu.memory_space<smem>>
      %slice3A_141 = vector.extract_strided_slice %get3A_116 {offsets = [1], sizes = [1], strides = [1]} : vector<16xi32> to vector<1xi32>
      %squeeze3A_142 = vector.extract %slice3A_141[0] : i32 from vector<1xi32>
      %shift_right_arithmetic3A_143 = arith.constant 8 : i32
      %shift_right_arithmetic3A_144 = arith.shrsi %squeeze3A_142, %shift_right_arithmetic3A_143 : i32
      %eq3A_145 = arith.constant 1 : i32
      %eq3A_146 = arith.cmpi eq, %shift_right_arithmetic3A_144, %eq3A_145 : i32
      %sub3A_147 = arith.constant 256 : i32
      %sub3A_148 = arith.subi %squeeze3A_142, %sub3A_147 : i32
      %jit3A_149 = arith.constant 0 : i32
      %jit3A_150 = arith.constant 255 : i32
      %max3A_151 = arith.maxsi %jit3A_149, %sub3A_148 : i32
      %min3A_152 = arith.minsi %jit3A_150, %max3A_151 : i32
      %mul3A_153 = arith.constant 16 : i32
      %mul3A_154 = arith.muli %scan3A_89, %mul3A_153 : i32
      %get3A_155 = arith.index_cast %min3A_152 : i32 to index
      %get3A_156 = arith.index_cast %mul3A_154 : i32 to index
      %get3A_157 = tpu.vector_load %arg7[%get3A_155, %get3A_156] {strides = array<i32>} : memref<256x128xf32, #tpu.memory_space<vmem>>, vector<1x16xf32>,
      %get3A_158 = vector.shape_cast %get3A_157 : vector<1x16xf32> to vector<16xf32>
      %slice3A_159 = vector.extract_strided_slice %get3A_158 {offsets = [1], sizes = [1], strides = [1]} : vector<16xf32> to vector<1xf32>
      %squeeze3A_160 = vector.extract %slice3A_159[0] : f32 from vector<1xf32>
      %mul3A_161 = arith.constant 16 : i32
      %mul3A_162 = arith.muli %scan3A_89, %mul3A_161 : i32
      %add3A_163 = arith.constant 1 : i32
      %add3A_164 = arith.addi %mul3A_162, %add3A_163 : i32
      %get3A_165 = arith.index_cast %add3A_164 : i32 to index
      %get3A_166 = memref.load %arg10[%get3A_165] : memref<128xf32, #tpu.memory_space<smem>>
      %select_n3A_167 = arith.select %eq3A_146, %squeeze3A_160, %get3A_166 : f32
      %mul3A_168 = arith.constant 16 : i32
      %mul3A_169 = arith.muli %scan3A_89, %mul3A_168 : i32
      %add3A_170 = arith.constant 1 : i32
      %add3A_171 = arith.addi %mul3A_169, %add3A_170 : i32
      %swap3A_172 = arith.index_cast %add3A_171 : i32 to index
      %swap3A_173 = memref.load %arg10[%swap3A_172] : memref<128xf32, #tpu.memory_space<smem>>
      memref.store %select_n3A_167, %arg10[%swap3A_172] : memref<128xf32, #tpu.memory_space<smem>>
      %slice3A_174 = vector.extract_strided_slice %get3A_116 {offsets = [2], sizes = [1], strides = [1]} : vector<16xi32> to vector<1xi32>
      %squeeze3A_175 = vector.extract %slice3A_174[0] : i32 from vector<1xi32>
      %shift_right_arithmetic3A_176 = arith.constant 8 : i32
      %shift_right_arithmetic3A_177 = arith.shrsi %squeeze3A_175, %shift_right_arithmetic3A_176 : i32
      %eq3A_178 = arith.constant 1 : i32
      %eq3A_179 = arith.cmpi eq, %shift_right_arithmetic3A_177, %eq3A_178 : i32
      %sub3A_180 = arith.constant 256 : i32
      %sub3A_181 = arith.subi %squeeze3A_175, %sub3A_180 : i32
      %jit3A_182 = arith.constant 0 : i32
      %jit3A_183 = arith.constant 255 : i32
      %max3A_184 = arith.maxsi %jit3A_182, %sub3A_181 : i32
      %min3A_185 = arith.minsi %jit3A_183, %max3A_184 : i32
      %mul3A_186 = arith.constant 16 : i32
      %mul3A_187 = arith.muli %scan3A_89, %mul3A_186 : i32
      %get3A_188 = arith.index_cast %min3A_185 : i32 to index
      %get3A_189 = arith.index_cast %mul3A_187 : i32 to index
      %get3A_190 = tpu.vector_load %arg7[%get3A_188, %get3A_189] {strides = array<i32>} : memref<256x128xf32, #tpu.memory_space<vmem>>, vector<1x16xf32>,
      %get3A_191 = vector.shape_cast %get3A_190 : vector<1x16xf32> to vector<16xf32>
      %slice3A_192 = vector.extract_strided_slice %get3A_191 {offsets = [2], sizes = [1], strides = [1]} : vector<16xf32> to vector<1xf32>
      %squeeze3A_193 = vector.extract %slice3A_192[0] : f32 from vector<1xf32>
      %mul3A_194 = arith.constant 16 : i32
      %mul3A_195 = arith.muli %scan3A_89, %mul3A_194 : i32
      %add3A_196 = arith.constant 2 : i32
      %add3A_197 = arith.addi %mul3A_195, %add3A_196 : i32
      %get3A_198 = arith.index_cast %add3A_197 : i32 to index
      %get3A_199 = memref.load %arg10[%get3A_198] : memref<128xf32, #tpu.memory_space<smem>>
      %select_n3A_200 = arith.select %eq3A_179, %squeeze3A_193, %get3A_199 : f32
      %mul3A_201 = arith.constant 16 : i32
      %mul3A_202 = arith.muli %scan3A_89, %mul3A_201 : i32
      %add3A_203 = arith.constant 2 : i32
      %add3A_204 = arith.addi %mul3A_202, %add3A_203 : i32
      %swap3A_205 = arith.index_cast %add3A_204 : i32 to index
      %swap3A_206 = memref.load %arg10[%swap3A_205] : memref<128xf32, #tpu.memory_space<smem>>
      memref.store %select_n3A_200, %arg10[%swap3A_205] : memref<128xf32, #tpu.memory_space<smem>>
      %slice3A_207 = vector.extract_strided_slice %get3A_116 {offsets = [3], sizes = [1], strides = [1]} : vector<16xi32> to vector<1xi32>
      %squeeze3A_208 = vector.extract %slice3A_207[0] : i32 from vector<1xi32>
      %shift_right_arithmetic3A_209 = arith.constant 8 : i32
      %shift_right_arithmetic3A_210 = arith.shrsi %squeeze3A_208, %shift_right_arithmetic3A_209 : i32
      %eq3A_211 = arith.constant 1 : i32
      %eq3A_212 = arith.cmpi eq, %shift_right_arithmetic3A_210, %eq3A_211 : i32
      %sub3A_213 = arith.constant 256 : i32
      %sub3A_214 = arith.subi %squeeze3A_208, %sub3A_213 : i32
      %jit3A_215 = arith.constant 0 : i32
      %jit3A_216 = arith.constant 255 : i32
      %max3A_217 = arith.maxsi %jit3A_215, %sub3A_214 : i32
      %min3A_218 = arith.minsi %jit3A_216, %max3A_217 : i32
      %mul3A_219 = arith.constant 16 : i32
      %mul3A_220 = arith.muli %scan3A_89, %mul3A_219 : i32
      %get3A_221 = arith.index_cast %min3A_218 : i32 to index
      %get3A_222 = arith.index_cast %mul3A_220 : i32 to index
      %get3A_223 = tpu.vector_load %arg7[%get3A_221, %get3A_222] {strides = array<i32>} : memref<256x128xf32, #tpu.memory_space<vmem>>, vector<1x16xf32>,
      %get3A_224 = vector.shape_cast %get3A_223 : vector<1x16xf32> to vector<16xf32>
      %slice3A_225 = vector.extract_strided_slice %get3A_224 {offsets = [3], sizes = [1], strides = [1]} : vector<16xf32> to vector<1xf32>
      %squeeze3A_226 = vector.extract %slice3A_225[0] : f32 from vector<1xf32>
      %mul3A_227 = arith.constant 16 : i32
      %mul3A_228 = arith.muli %scan3A_89, %mul3A_227 : i32
      %add3A_229 = arith.constant 3 : i32
      %add3A_230 = arith.addi %mul3A_228, %add3A_229 : i32
      %get3A_231 = arith.index_cast %add3A_230 : i32 to index
      %get3A_232 = memref.load %arg10[%get3A_231] : memref<128xf32, #tpu.memory_space<smem>>
      %select_n3A_233 = arith.select %eq3A_212, %squeeze3A_226, %get3A_232 : f32
      %mul3A_234 = arith.constant 16 : i32
      %mul3A_235 = arith.muli %scan3A_89, %mul3A_234 : i32
      %add3A_236 = arith.constant 3 : i32
      %add3A_237 = arith.addi %mul3A_235, %add3A_236 : i32
      %swap3A_238 = arith.index_cast %add3A_237 : i32 to index
      %swap3A_239 = memref.load %arg10[%swap3A_238] : memref<128xf32, #tpu.memory_space<smem>>
      memref.store %select_n3A_233, %arg10[%swap3A_238] : memref<128xf32, #tpu.memory_space<smem>>
      %slice3A_240 = vector.extract_strided_slice %get3A_116 {offsets = [4], sizes = [1], strides = [1]} : vector<16xi32> to vector<1xi32>
      %squeeze3A_241 = vector.extract %slice3A_240[0] : i32 from vector<1xi32>
      %shift_right_arithmetic3A_242 = arith.constant 8 : i32
      %shift_right_arithmetic3A_243 = arith.shrsi %squeeze3A_241, %shift_right_arithmetic3A_242 : i32
      %eq3A_244 = arith.constant 1 : i32
      %eq3A_245 = arith.cmpi eq, %shift_right_arithmetic3A_243, %eq3A_244 : i32
      %sub3A_246 = arith.constant 256 : i32
      %sub3A_247 = arith.subi %squeeze3A_241, %sub3A_246 : i32
      %jit3A_248 = arith.constant 0 : i32
      %jit3A_249 = arith.constant 255 : i32
      %max3A_250 = arith.maxsi %jit3A_248, %sub3A_247 : i32
      %min3A_251 = arith.minsi %jit3A_249, %max3A_250 : i32
      %mul3A_252 = arith.constant 16 : i32
      %mul3A_253 = arith.muli %scan3A_89, %mul3A_252 : i32
      %get3A_254 = arith.index_cast %min3A_251 : i32 to index
      %get3A_255 = arith.index_cast %mul3A_253 : i32 to index
      %get3A_256 = tpu.vector_load %arg7[%get3A_254, %get3A_255] {strides = array<i32>} : memref<256x128xf32, #tpu.memory_space<vmem>>, vector<1x16xf32>,
      %get3A_257 = vector.shape_cast %get3A_256 : vector<1x16xf32> to vector<16xf32>
      %slice3A_258 = vector.extract_strided_slice %get3A_257 {offsets = [4], sizes = [1], strides = [1]} : vector<16xf32> to vector<1xf32>
      %squeeze3A_259 = vector.extract %slice3A_258[0] : f32 from vector<1xf32>
      %mul3A_260 = arith.constant 16 : i32
      %mul3A_261 = arith.muli %scan3A_89, %mul3A_260 : i32
      %add3A_262 = arith.constant 4 : i32
      %add3A_263 = arith.addi %mul3A_261, %add3A_262 : i32
      %get3A_264 = arith.index_cast %add3A_263 : i32 to index
      %get3A_265 = memref.load %arg10[%get3A_264] : memref<128xf32, #tpu.memory_space<smem>>
      %select_n3A_266 = arith.select %eq3A_245, %squeeze3A_259, %get3A_265 : f32
      %mul3A_267 = arith.constant 16 : i32
      %mul3A_268 = arith.muli %scan3A_89, %mul3A_267 : i32
      %add3A_269 = arith.constant 4 : i32
      %add3A_270 = arith.addi %mul3A_268, %add3A_269 : i32
      %swap3A_271 = arith.index_cast %add3A_270 : i32 to index
      %swap3A_272 = memref.load %arg10[%swap3A_271] : memref<128xf32, #tpu.memory_space<smem>>
      memref.store %select_n3A_266, %arg10[%swap3A_271] : memref<128xf32, #tpu.memory_space<smem>>
      %slice3A_273 = vector.extract_strided_slice %get3A_116 {offsets = [5], sizes = [1], strides = [1]} : vector<16xi32> to vector<1xi32>
      %squeeze3A_274 = vector.extract %slice3A_273[0] : i32 from vector<1xi32>
      %shift_right_arithmetic3A_275 = arith.constant 8 : i32
      %shift_right_arithmetic3A_276 = arith.shrsi %squeeze3A_274, %shift_right_arithmetic3A_275 : i32
      %eq3A_277 = arith.constant 1 : i32
      %eq3A_278 = arith.cmpi eq, %shift_right_arithmetic3A_276, %eq3A_277 : i32
      %sub3A_279 = arith.constant 256 : i32
      %sub3A_280 = arith.subi %squeeze3A_274, %sub3A_279 : i32
      %jit3A_281 = arith.constant 0 : i32
      %jit3A_282 = arith.constant 255 : i32
      %max3A_283 = arith.maxsi %jit3A_281, %sub3A_280 : i32
      %min3A_284 = arith.minsi %jit3A_282, %max3A_283 : i32
      %mul3A_285 = arith.constant 16 : i32
      %mul3A_286 = arith.muli %scan3A_89, %mul3A_285 : i32
      %get3A_287 = arith.index_cast %min3A_284 : i32 to index
      %get3A_288 = arith.index_cast %mul3A_286 : i32 to index
      %get3A_289 = tpu.vector_load %arg7[%get3A_287, %get3A_288] {strides = array<i32>} : memref<256x128xf32, #tpu.memory_space<vmem>>, vector<1x16xf32>,
      %get3A_290 = vector.shape_cast %get3A_289 : vector<1x16xf32> to vector<16xf32>
      %slice3A_291 = vector.extract_strided_slice %get3A_290 {offsets = [5], sizes = [1], strides = [1]} : vector<16xf32> to vector<1xf32>
      %squeeze3A_292 = vector.extract %slice3A_291[0] : f32 from vector<1xf32>
      %mul3A_293 = arith.constant 16 : i32
      %mul3A_294 = arith.muli %scan3A_89, %mul3A_293 : i32
      %add3A_295 = arith.constant 5 : i32
      %add3A_296 = arith.addi %mul3A_294, %add3A_295 : i32
      %get3A_297 = arith.index_cast %add3A_296 : i32 to index
      %get3A_298 = memref.load %arg10[%get3A_297] : memref<128xf32, #tpu.memory_space<smem>>
      %select_n3A_299 = arith.select %eq3A_278, %squeeze3A_292, %get3A_298 : f32
      %mul3A_300 = arith.constant 16 : i32
      %mul3A_301 = arith.muli %scan3A_89, %mul3A_300 : i32
      %add3A_302 = arith.constant 5 : i32
      %add3A_303 = arith.addi %mul3A_301, %add3A_302 : i32
      %swap3A_304 = arith.index_cast %add3A_303 : i32 to index
      %swap3A_305 = memref.load %arg10[%swap3A_304] : memref<128xf32, #tpu.memory_space<smem>>
      memref.store %select_n3A_299, %arg10[%swap3A_304] : memref<128xf32, #tpu.memory_space<smem>>
      %slice3A_306 = vector.extract_strided_slice %get3A_116 {offsets = [6], sizes = [1], strides = [1]} : vector<16xi32> to vector<1xi32>
      %squeeze3A_307 = vector.extract %slice3A_306[0] : i32 from vector<1xi32>
      %shift_right_arithmetic3A_308 = arith.constant 8 : i32
      %shift_right_arithmetic3A_309 = arith.shrsi %squeeze3A_307, %shift_right_arithmetic3A_308 : i32
      %eq3A_310 = arith.constant 1 : i32
      %eq3A_311 = arith.cmpi eq, %shift_right_arithmetic3A_309, %eq3A_310 : i32
      %sub3A_312 = arith.constant 256 : i32
      %sub3A_313 = arith.subi %squeeze3A_307, %sub3A_312 : i32
      %jit3A_314 = arith.constant 0 : i32
      %jit3A_315 = arith.constant 255 : i32
      %max3A_316 = arith.maxsi %jit3A_314, %sub3A_313 : i32
      %min3A_317 = arith.minsi %jit3A_315, %max3A_316 : i32
      %mul3A_318 = arith.constant 16 : i32
      %mul3A_319 = arith.muli %scan3A_89, %mul3A_318 : i32
      %get3A_320 = arith.index_cast %min3A_317 : i32 to index
      %get3A_321 = arith.index_cast %mul3A_319 : i32 to index
      %get3A_322 = tpu.vector_load %arg7[%get3A_320, %get3A_321] {strides = array<i32>} : memref<256x128xf32, #tpu.memory_space<vmem>>, vector<1x16xf32>,
      %get3A_323 = vector.shape_cast %get3A_322 : vector<1x16xf32> to vector<16xf32>
      %slice3A_324 = vector.extract_strided_slice %get3A_323 {offsets = [6], sizes = [1], strides = [1]} : vector<16xf32> to vector<1xf32>
      %squeeze3A_325 = vector.extract %slice3A_324[0] : f32 from vector<1xf32>
      %mul3A_326 = arith.constant 16 : i32
      %mul3A_327 = arith.muli %scan3A_89, %mul3A_326 : i32
      %add3A_328 = arith.constant 6 : i32
      %add3A_329 = arith.addi %mul3A_327, %add3A_328 : i32
      %get3A_330 = arith.index_cast %add3A_329 : i32 to index
      %get3A_331 = memref.load %arg10[%get3A_330] : memref<128xf32, #tpu.memory_space<smem>>
      %select_n3A_332 = arith.select %eq3A_311, %squeeze3A_325, %get3A_331 : f32
      %mul3A_333 = arith.constant 16 : i32
      %mul3A_334 = arith.muli %scan3A_89, %mul3A_333 : i32
      %add3A_335 = arith.constant 6 : i32
      %add3A_336 = arith.addi %mul3A_334, %add3A_335 : i32
      %swap3A_337 = arith.index_cast %add3A_336 : i32 to index
      %swap3A_338 = memref.load %arg10[%swap3A_337] : memref<128xf32, #tpu.memory_space<smem>>
      memref.store %select_n3A_332, %arg10[%swap3A_337] : memref<128xf32, #tpu.memory_space<smem>>
      %slice3A_339 = vector.extract_strided_slice %get3A_116 {offsets = [7], sizes = [1], strides = [1]} : vector<16xi32> to vector<1xi32>
      %squeeze3A_340 = vector.extract %slice3A_339[0] : i32 from vector<1xi32>
      %shift_right_arithmetic3A_341 = arith.constant 8 : i32
      %shift_right_arithmetic3A_342 = arith.shrsi %squeeze3A_340, %shift_right_arithmetic3A_341 : i32
      %eq3A_343 = arith.constant 1 : i32
      %eq3A_344 = arith.cmpi eq, %shift_right_arithmetic3A_342, %eq3A_343 : i32
      %sub3A_345 = arith.constant 256 : i32
      %sub3A_346 = arith.subi %squeeze3A_340, %sub3A_345 : i32
      %jit3A_347 = arith.constant 0 : i32
      %jit3A_348 = arith.constant 255 : i32
      %max3A_349 = arith.maxsi %jit3A_347, %sub3A_346 : i32
      %min3A_350 = arith.minsi %jit3A_348, %max3A_349 : i32
      %mul3A_351 = arith.constant 16 : i32
      %mul3A_352 = arith.muli %scan3A_89, %mul3A_351 : i32
      %get3A_353 = arith.index_cast %min3A_350 : i32 to index
      %get3A_354 = arith.index_cast %mul3A_352 : i32 to index
      %get3A_355 = tpu.vector_load %arg7[%get3A_353, %get3A_354] {strides = array<i32>} : memref<256x128xf32, #tpu.memory_space<vmem>>, vector<1x16xf32>,
      %get3A_356 = vector.shape_cast %get3A_355 : vector<1x16xf32> to vector<16xf32>
      %slice3A_357 = vector.extract_strided_slice %get3A_356 {offsets = [7], sizes = [1], strides = [1]} : vector<16xf32> to vector<1xf32>
      %squeeze3A_358 = vector.extract %slice3A_357[0] : f32 from vector<1xf32>
      %mul3A_359 = arith.constant 16 : i32
      %mul3A_360 = arith.muli %scan3A_89, %mul3A_359 : i32
      %add3A_361 = arith.constant 7 : i32
      %add3A_362 = arith.addi %mul3A_360, %add3A_361 : i32
      %get3A_363 = arith.index_cast %add3A_362 : i32 to index
      %get3A_364 = memref.load %arg10[%get3A_363] : memref<128xf32, #tpu.memory_space<smem>>
      %select_n3A_365 = arith.select %eq3A_344, %squeeze3A_358, %get3A_364 : f32
      %mul3A_366 = arith.constant 16 : i32
      %mul3A_367 = arith.muli %scan3A_89, %mul3A_366 : i32
      %add3A_368 = arith.constant 7 : i32
      %add3A_369 = arith.addi %mul3A_367, %add3A_368 : i32
      %swap3A_370 = arith.index_cast %add3A_369 : i32 to index
      %swap3A_371 = memref.load %arg10[%swap3A_370] : memref<128xf32, #tpu.memory_space<smem>>
      memref.store %select_n3A_365, %arg10[%swap3A_370] : memref<128xf32, #tpu.memory_space<smem>>
      %slice3A_372 = vector.extract_strided_slice %get3A_116 {offsets = [8], sizes = [1], strides = [1]} : vector<16xi32> to vector<1xi32>
      %squeeze3A_373 = vector.extract %slice3A_372[0] : i32 from vector<1xi32>
      %shift_right_arithmetic3A_374 = arith.constant 8 : i32
      %shift_right_arithmetic3A_375 = arith.shrsi %squeeze3A_373, %shift_right_arithmetic3A_374 : i32
      %eq3A_376 = arith.constant 1 : i32
      %eq3A_377 = arith.cmpi eq, %shift_right_arithmetic3A_375, %eq3A_376 : i32
      %sub3A_378 = arith.constant 256 : i32
      %sub3A_379 = arith.subi %squeeze3A_373, %sub3A_378 : i32
      %jit3A_380 = arith.constant 0 : i32
      %jit3A_381 = arith.constant 255 : i32
      %max3A_382 = arith.maxsi %jit3A_380, %sub3A_379 : i32
      %min3A_383 = arith.minsi %jit3A_381, %max3A_382 : i32
      %mul3A_384 = arith.constant 16 : i32
      %mul3A_385 = arith.muli %scan3A_89, %mul3A_384 : i32
      %get3A_386 = arith.index_cast %min3A_383 : i32 to index
      %get3A_387 = arith.index_cast %mul3A_385 : i32 to index
      %get3A_388 = tpu.vector_load %arg7[%get3A_386, %get3A_387] {strides = array<i32>} : memref<256x128xf32, #tpu.memory_space<vmem>>, vector<1x16xf32>,
      %get3A_389 = vector.shape_cast %get3A_388 : vector<1x16xf32> to vector<16xf32>
      %slice3A_390 = vector.extract_strided_slice %get3A_389 {offsets = [8], sizes = [1], strides = [1]} : vector<16xf32> to vector<1xf32>
      %squeeze3A_391 = vector.extract %slice3A_390[0] : f32 from vector<1xf32>
      %mul3A_392 = arith.constant 16 : i32
      %mul3A_393 = arith.muli %scan3A_89, %mul3A_392 : i32
      %add3A_394 = arith.constant 8 : i32
      %add3A_395 = arith.addi %mul3A_393, %add3A_394 : i32
      %get3A_396 = arith.index_cast %add3A_395 : i32 to index
      %get3A_397 = memref.load %arg10[%get3A_396] : memref<128xf32, #tpu.memory_space<smem>>
      %select_n3A_398 = arith.select %eq3A_377, %squeeze3A_391, %get3A_397 : f32
      %mul3A_399 = arith.constant 16 : i32
      %mul3A_400 = arith.muli %scan3A_89, %mul3A_399 : i32
      %add3A_401 = arith.constant 8 : i32
      %add3A_402 = arith.addi %mul3A_400, %add3A_401 : i32
      %swap3A_403 = arith.index_cast %add3A_402 : i32 to index
      %swap3A_404 = memref.load %arg10[%swap3A_403] : memref<128xf32, #tpu.memory_space<smem>>
      memref.store %select_n3A_398, %arg10[%swap3A_403] : memref<128xf32, #tpu.memory_space<smem>>
      %slice3A_405 = vector.extract_strided_slice %get3A_116 {offsets = [9], sizes = [1], strides = [1]} : vector<16xi32> to vector<1xi32>
      %squeeze3A_406 = vector.extract %slice3A_405[0] : i32 from vector<1xi32>
      %shift_right_arithmetic3A_407 = arith.constant 8 : i32
      %shift_right_arithmetic3A_408 = arith.shrsi %squeeze3A_406, %shift_right_arithmetic3A_407 : i32
      %eq3A_409 = arith.constant 1 : i32
      %eq3A_410 = arith.cmpi eq, %shift_right_arithmetic3A_408, %eq3A_409 : i32
      %sub3A_411 = arith.constant 256 : i32
      %sub3A_412 = arith.subi %squeeze3A_406, %sub3A_411 : i32
      %jit3A_413 = arith.constant 0 : i32
      %jit3A_414 = arith.constant 255 : i32
      %max3A_415 = arith.maxsi %jit3A_413, %sub3A_412 : i32
      %min3A_416 = arith.minsi %jit3A_414, %max3A_415 : i32
      %mul3A_417 = arith.constant 16 : i32
      %mul3A_418 = arith.muli %scan3A_89, %mul3A_417 : i32
      %get3A_419 = arith.index_cast %min3A_416 : i32 to index
      %get3A_420 = arith.index_cast %mul3A_418 : i32 to index
      %get3A_421 = tpu.vector_load %arg7[%get3A_419, %get3A_420] {strides = array<i32>} : memref<256x128xf32, #tpu.memory_space<vmem>>, vector<1x16xf32>,
      %get3A_422 = vector.shape_cast %get3A_421 : vector<1x16xf32> to vector<16xf32>
      %slice3A_423 = vector.extract_strided_slice %get3A_422 {offsets = [9], sizes = [1], strides = [1]} : vector<16xf32> to vector<1xf32>
      %squeeze3A_424 = vector.extract %slice3A_423[0] : f32 from vector<1xf32>
      %mul3A_425 = arith.constant 16 : i32
      %mul3A_426 = arith.muli %scan3A_89, %mul3A_425 : i32
      %add3A_427 = arith.constant 9 : i32
      %add3A_428 = arith.addi %mul3A_426, %add3A_427 : i32
      %get3A_429 = arith.index_cast %add3A_428 : i32 to index
      %get3A_430 = memref.load %arg10[%get3A_429] : memref<128xf32, #tpu.memory_space<smem>>
      %select_n3A_431 = arith.select %eq3A_410, %squeeze3A_424, %get3A_430 : f32
      %mul3A_432 = arith.constant 16 : i32
      %mul3A_433 = arith.muli %scan3A_89, %mul3A_432 : i32
      %add3A_434 = arith.constant 9 : i32
      %add3A_435 = arith.addi %mul3A_433, %add3A_434 : i32
      %swap3A_436 = arith.index_cast %add3A_435 : i32 to index
      %swap3A_437 = memref.load %arg10[%swap3A_436] : memref<128xf32, #tpu.memory_space<smem>>
      memref.store %select_n3A_431, %arg10[%swap3A_436] : memref<128xf32, #tpu.memory_space<smem>>
      %slice3A_438 = vector.extract_strided_slice %get3A_116 {offsets = [10], sizes = [1], strides = [1]} : vector<16xi32> to vector<1xi32>
      %squeeze3A_439 = vector.extract %slice3A_438[0] : i32 from vector<1xi32>
      %shift_right_arithmetic3A_440 = arith.constant 8 : i32
      %shift_right_arithmetic3A_441 = arith.shrsi %squeeze3A_439, %shift_right_arithmetic3A_440 : i32
      %eq3A_442 = arith.constant 1 : i32
      %eq3A_443 = arith.cmpi eq, %shift_right_arithmetic3A_441, %eq3A_442 : i32
      %sub3A_444 = arith.constant 256 : i32
      %sub3A_445 = arith.subi %squeeze3A_439, %sub3A_444 : i32
      %jit3A_446 = arith.constant 0 : i32
      %jit3A_447 = arith.constant 255 : i32
      %max3A_448 = arith.maxsi %jit3A_446, %sub3A_445 : i32
      %min3A_449 = arith.minsi %jit3A_447, %max3A_448 : i32
      %mul3A_450 = arith.constant 16 : i32
      %mul3A_451 = arith.muli %scan3A_89, %mul3A_450 : i32
      %get3A_452 = arith.index_cast %min3A_449 : i32 to index
      %get3A_453 = arith.index_cast %mul3A_451 : i32 to index
      %get3A_454 = tpu.vector_load %arg7[%get3A_452, %get3A_453] {strides = array<i32>} : memref<256x128xf32, #tpu.memory_space<vmem>>, vector<1x16xf32>,
      %get3A_455 = vector.shape_cast %get3A_454 : vector<1x16xf32> to vector<16xf32>
      %slice3A_456 = vector.extract_strided_slice %get3A_455 {offsets = [10], sizes = [1], strides = [1]} : vector<16xf32> to vector<1xf32>
      %squeeze3A_457 = vector.extract %slice3A_456[0] : f32 from vector<1xf32>
      %mul3A_458 = arith.constant 16 : i32
      %mul3A_459 = arith.muli %scan3A_89, %mul3A_458 : i32
      %add3A_460 = arith.constant 10 : i32
      %add3A_461 = arith.addi %mul3A_459, %add3A_460 : i32
      %get3A_462 = arith.index_cast %add3A_461 : i32 to index
      %get3A_463 = memref.load %arg10[%get3A_462] : memref<128xf32, #tpu.memory_space<smem>>
      %select_n3A_464 = arith.select %eq3A_443, %squeeze3A_457, %get3A_463 : f32
      %mul3A_465 = arith.constant 16 : i32
      %mul3A_466 = arith.muli %scan3A_89, %mul3A_465 : i32
      %add3A_467 = arith.constant 10 : i32
      %add3A_468 = arith.addi %mul3A_466, %add3A_467 : i32
      %swap3A_469 = arith.index_cast %add3A_468 : i32 to index
      %swap3A_470 = memref.load %arg10[%swap3A_469] : memref<128xf32, #tpu.memory_space<smem>>
      memref.store %select_n3A_464, %arg10[%swap3A_469] : memref<128xf32, #tpu.memory_space<smem>>
      %slice3A_471 = vector.extract_strided_slice %get3A_116 {offsets = [11], sizes = [1], strides = [1]} : vector<16xi32> to vector<1xi32>
      %squeeze3A_472 = vector.extract %slice3A_471[0] : i32 from vector<1xi32>
      %shift_right_arithmetic3A_473 = arith.constant 8 : i32
      %shift_right_arithmetic3A_474 = arith.shrsi %squeeze3A_472, %shift_right_arithmetic3A_473 : i32
      %eq3A_475 = arith.constant 1 : i32
      %eq3A_476 = arith.cmpi eq, %shift_right_arithmetic3A_474, %eq3A_475 : i32
      %sub3A_477 = arith.constant 256 : i32
      %sub3A_478 = arith.subi %squeeze3A_472, %sub3A_477 : i32
      %jit3A_479 = arith.constant 0 : i32
      %jit3A_480 = arith.constant 255 : i32
      %max3A_481 = arith.maxsi %jit3A_479, %sub3A_478 : i32
      %min3A_482 = arith.minsi %jit3A_480, %max3A_481 : i32
      %mul3A_483 = arith.constant 16 : i32
      %mul3A_484 = arith.muli %scan3A_89, %mul3A_483 : i32
      %get3A_485 = arith.index_cast %min3A_482 : i32 to index
      %get3A_486 = arith.index_cast %mul3A_484 : i32 to index
      %get3A_487 = tpu.vector_load %arg7[%get3A_485, %get3A_486] {strides = array<i32>} : memref<256x128xf32, #tpu.memory_space<vmem>>, vector<1x16xf32>,
      %get3A_488 = vector.shape_cast %get3A_487 : vector<1x16xf32> to vector<16xf32>
      %slice3A_489 = vector.extract_strided_slice %get3A_488 {offsets = [11], sizes = [1], strides = [1]} : vector<16xf32> to vector<1xf32>
      %squeeze3A_490 = vector.extract %slice3A_489[0] : f32 from vector<1xf32>
      %mul3A_491 = arith.constant 16 : i32
      %mul3A_492 = arith.muli %scan3A_89, %mul3A_491 : i32
      %add3A_493 = arith.constant 11 : i32
      %add3A_494 = arith.addi %mul3A_492, %add3A_493 : i32
      %get3A_495 = arith.index_cast %add3A_494 : i32 to index
      %get3A_496 = memref.load %arg10[%get3A_495] : memref<128xf32, #tpu.memory_space<smem>>
      %select_n3A_497 = arith.select %eq3A_476, %squeeze3A_490, %get3A_496 : f32
      %mul3A_498 = arith.constant 16 : i32
      %mul3A_499 = arith.muli %scan3A_89, %mul3A_498 : i32
      %add3A_500 = arith.constant 11 : i32
      %add3A_501 = arith.addi %mul3A_499, %add3A_500 : i32
      %swap3A_502 = arith.index_cast %add3A_501 : i32 to index
      %swap3A_503 = memref.load %arg10[%swap3A_502] : memref<128xf32, #tpu.memory_space<smem>>
      memref.store %select_n3A_497, %arg10[%swap3A_502] : memref<128xf32, #tpu.memory_space<smem>>
      %slice3A_504 = vector.extract_strided_slice %get3A_116 {offsets = [12], sizes = [1], strides = [1]} : vector<16xi32> to vector<1xi32>
      %squeeze3A_505 = vector.extract %slice3A_504[0] : i32 from vector<1xi32>
      %shift_right_arithmetic3A_506 = arith.constant 8 : i32
      %shift_right_arithmetic3A_507 = arith.shrsi %squeeze3A_505, %shift_right_arithmetic3A_506 : i32
      %eq3A_508 = arith.constant 1 : i32
      %eq3A_509 = arith.cmpi eq, %shift_right_arithmetic3A_507, %eq3A_508 : i32
      %sub3A_510 = arith.constant 256 : i32
      %sub3A_511 = arith.subi %squeeze3A_505, %sub3A_510 : i32
      %jit3A_512 = arith.constant 0 : i32
      %jit3A_513 = arith.constant 255 : i32
      %max3A_514 = arith.maxsi %jit3A_512, %sub3A_511 : i32
      %min3A_515 = arith.minsi %jit3A_513, %max3A_514 : i32
      %mul3A_516 = arith.constant 16 : i32
      %mul3A_517 = arith.muli %scan3A_89, %mul3A_516 : i32
      %get3A_518 = arith.index_cast %min3A_515 : i32 to index
      %get3A_519 = arith.index_cast %mul3A_517 : i32 to index
      %get3A_520 = tpu.vector_load %arg7[%get3A_518, %get3A_519] {strides = array<i32>} : memref<256x128xf32, #tpu.memory_space<vmem>>, vector<1x16xf32>,
      %get3A_521 = vector.shape_cast %get3A_520 : vector<1x16xf32> to vector<16xf32>
      %slice3A_522 = vector.extract_strided_slice %get3A_521 {offsets = [12], sizes = [1], strides = [1]} : vector<16xf32> to vector<1xf32>
      %squeeze3A_523 = vector.extract %slice3A_522[0] : f32 from vector<1xf32>
      %mul3A_524 = arith.constant 16 : i32
      %mul3A_525 = arith.muli %scan3A_89, %mul3A_524 : i32
      %add3A_526 = arith.constant 12 : i32
      %add3A_527 = arith.addi %mul3A_525, %add3A_526 : i32
      %get3A_528 = arith.index_cast %add3A_527 : i32 to index
      %get3A_529 = memref.load %arg10[%get3A_528] : memref<128xf32, #tpu.memory_space<smem>>
      %select_n3A_530 = arith.select %eq3A_509, %squeeze3A_523, %get3A_529 : f32
      %mul3A_531 = arith.constant 16 : i32
      %mul3A_532 = arith.muli %scan3A_89, %mul3A_531 : i32
      %add3A_533 = arith.constant 12 : i32
      %add3A_534 = arith.addi %mul3A_532, %add3A_533 : i32
      %swap3A_535 = arith.index_cast %add3A_534 : i32 to index
      %swap3A_536 = memref.load %arg10[%swap3A_535] : memref<128xf32, #tpu.memory_space<smem>>
      memref.store %select_n3A_530, %arg10[%swap3A_535] : memref<128xf32, #tpu.memory_space<smem>>
      %slice3A_537 = vector.extract_strided_slice %get3A_116 {offsets = [13], sizes = [1], strides = [1]} : vector<16xi32> to vector<1xi32>
      %squeeze3A_538 = vector.extract %slice3A_537[0] : i32 from vector<1xi32>
      %shift_right_arithmetic3A_539 = arith.constant 8 : i32
      %shift_right_arithmetic3A_540 = arith.shrsi %squeeze3A_538, %shift_right_arithmetic3A_539 : i32
      %eq3A_541 = arith.constant 1 : i32
      %eq3A_542 = arith.cmpi eq, %shift_right_arithmetic3A_540, %eq3A_541 : i32
      %sub3A_543 = arith.constant 256 : i32
      %sub3A_544 = arith.subi %squeeze3A_538, %sub3A_543 : i32
      %jit3A_545 = arith.constant 0 : i32
      %jit3A_546 = arith.constant 255 : i32
      %max3A_547 = arith.maxsi %jit3A_545, %sub3A_544 : i32
      %min3A_548 = arith.minsi %jit3A_546, %max3A_547 : i32
      %mul3A_549 = arith.constant 16 : i32
      %mul3A_550 = arith.muli %scan3A_89, %mul3A_549 : i32
      %get3A_551 = arith.index_cast %min3A_548 : i32 to index
      %get3A_552 = arith.index_cast %mul3A_550 : i32 to index
      %get3A_553 = tpu.vector_load %arg7[%get3A_551, %get3A_552] {strides = array<i32>} : memref<256x128xf32, #tpu.memory_space<vmem>>, vector<1x16xf32>,
      %get3A_554 = vector.shape_cast %get3A_553 : vector<1x16xf32> to vector<16xf32>
      %slice3A_555 = vector.extract_strided_slice %get3A_554 {offsets = [13], sizes = [1], strides = [1]} : vector<16xf32> to vector<1xf32>
      %squeeze3A_556 = vector.extract %slice3A_555[0] : f32 from vector<1xf32>
      %mul3A_557 = arith.constant 16 : i32
      %mul3A_558 = arith.muli %scan3A_89, %mul3A_557 : i32
      %add3A_559 = arith.constant 13 : i32
      %add3A_560 = arith.addi %mul3A_558, %add3A_559 : i32
      %get3A_561 = arith.index_cast %add3A_560 : i32 to index
      %get3A_562 = memref.load %arg10[%get3A_561] : memref<128xf32, #tpu.memory_space<smem>>
      %select_n3A_563 = arith.select %eq3A_542, %squeeze3A_556, %get3A_562 : f32
      %mul3A_564 = arith.constant 16 : i32
      %mul3A_565 = arith.muli %scan3A_89, %mul3A_564 : i32
      %add3A_566 = arith.constant 13 : i32
      %add3A_567 = arith.addi %mul3A_565, %add3A_566 : i32
      %swap3A_568 = arith.index_cast %add3A_567 : i32 to index
      %swap3A_569 = memref.load %arg10[%swap3A_568] : memref<128xf32, #tpu.memory_space<smem>>
      memref.store %select_n3A_563, %arg10[%swap3A_568] : memref<128xf32, #tpu.memory_space<smem>>
      %slice3A_570 = vector.extract_strided_slice %get3A_116 {offsets = [14], sizes = [1], strides = [1]} : vector<16xi32> to vector<1xi32>
      %squeeze3A_571 = vector.extract %slice3A_570[0] : i32 from vector<1xi32>
      %shift_right_arithmetic3A_572 = arith.constant 8 : i32
      %shift_right_arithmetic3A_573 = arith.shrsi %squeeze3A_571, %shift_right_arithmetic3A_572 : i32
      %eq3A_574 = arith.constant 1 : i32
      %eq3A_575 = arith.cmpi eq, %shift_right_arithmetic3A_573, %eq3A_574 : i32
      %sub3A_576 = arith.constant 256 : i32
      %sub3A_577 = arith.subi %squeeze3A_571, %sub3A_576 : i32
      %jit3A_578 = arith.constant 0 : i32
      %jit3A_579 = arith.constant 255 : i32
      %max3A_580 = arith.maxsi %jit3A_578, %sub3A_577 : i32
      %min3A_581 = arith.minsi %jit3A_579, %max3A_580 : i32
      %mul3A_582 = arith.constant 16 : i32
      %mul3A_583 = arith.muli %scan3A_89, %mul3A_582 : i32
      %get3A_584 = arith.index_cast %min3A_581 : i32 to index
      %get3A_585 = arith.index_cast %mul3A_583 : i32 to index
      %get3A_586 = tpu.vector_load %arg7[%get3A_584, %get3A_585] {strides = array<i32>} : memref<256x128xf32, #tpu.memory_space<vmem>>, vector<1x16xf32>,
      %get3A_587 = vector.shape_cast %get3A_586 : vector<1x16xf32> to vector<16xf32>
      %slice3A_588 = vector.extract_strided_slice %get3A_587 {offsets = [14], sizes = [1], strides = [1]} : vector<16xf32> to vector<1xf32>
      %squeeze3A_589 = vector.extract %slice3A_588[0] : f32 from vector<1xf32>
      %mul3A_590 = arith.constant 16 : i32
      %mul3A_591 = arith.muli %scan3A_89, %mul3A_590 : i32
      %add3A_592 = arith.constant 14 : i32
      %add3A_593 = arith.addi %mul3A_591, %add3A_592 : i32
      %get3A_594 = arith.index_cast %add3A_593 : i32 to index
      %get3A_595 = memref.load %arg10[%get3A_594] : memref<128xf32, #tpu.memory_space<smem>>
      %select_n3A_596 = arith.select %eq3A_575, %squeeze3A_589, %get3A_595 : f32
      %mul3A_597 = arith.constant 16 : i32
      %mul3A_598 = arith.muli %scan3A_89, %mul3A_597 : i32
      %add3A_599 = arith.constant 14 : i32
      %add3A_600 = arith.addi %mul3A_598, %add3A_599 : i32
      %swap3A_601 = arith.index_cast %add3A_600 : i32 to index
      %swap3A_602 = memref.load %arg10[%swap3A_601] : memref<128xf32, #tpu.memory_space<smem>>
      memref.store %select_n3A_596, %arg10[%swap3A_601] : memref<128xf32, #tpu.memory_space<smem>>
      %slice3A_603 = vector.extract_strided_slice %get3A_116 {offsets = [15], sizes = [1], strides = [1]} : vector<16xi32> to vector<1xi32>
      %squeeze3A_604 = vector.extract %slice3A_603[0] : i32 from vector<1xi32>
      %shift_right_arithmetic3A_605 = arith.constant 8 : i32
      %shift_right_arithmetic3A_606 = arith.shrsi %squeeze3A_604, %shift_right_arithmetic3A_605 : i32
      %eq3A_607 = arith.constant 1 : i32
      %eq3A_608 = arith.cmpi eq, %shift_right_arithmetic3A_606, %eq3A_607 : i32
      %sub3A_609 = arith.constant 256 : i32
      %sub3A_610 = arith.subi %squeeze3A_604, %sub3A_609 : i32
      %jit3A_611 = arith.constant 0 : i32
      %jit3A_612 = arith.constant 255 : i32
      %max3A_613 = arith.maxsi %jit3A_611, %sub3A_610 : i32
      %min3A_614 = arith.minsi %jit3A_612, %max3A_613 : i32
      %mul3A_615 = arith.constant 16 : i32
      %mul3A_616 = arith.muli %scan3A_89, %mul3A_615 : i32
      %get3A_617 = arith.index_cast %min3A_614 : i32 to index
      %get3A_618 = arith.index_cast %mul3A_616 : i32 to index
      %get3A_619 = tpu.vector_load %arg7[%get3A_617, %get3A_618] {strides = array<i32>} : memref<256x128xf32, #tpu.memory_space<vmem>>, vector<1x16xf32>,
      %get3A_620 = vector.shape_cast %get3A_619 : vector<1x16xf32> to vector<16xf32>
      %slice3A_621 = vector.extract_strided_slice %get3A_620 {offsets = [15], sizes = [1], strides = [1]} : vector<16xf32> to vector<1xf32>
      %squeeze3A_622 = vector.extract %slice3A_621[0] : f32 from vector<1xf32>
      %mul3A_623 = arith.constant 16 : i32
      %mul3A_624 = arith.muli %scan3A_89, %mul3A_623 : i32
      %add3A_625 = arith.constant 15 : i32
      %add3A_626 = arith.addi %mul3A_624, %add3A_625 : i32
      %get3A_627 = arith.index_cast %add3A_626 : i32 to index
      %get3A_628 = memref.load %arg10[%get3A_627] : memref<128xf32, #tpu.memory_space<smem>>
      %select_n3A_629 = arith.select %eq3A_608, %squeeze3A_622, %get3A_628 : f32
      %mul3A_630 = arith.constant 16 : i32
      %mul3A_631 = arith.muli %scan3A_89, %mul3A_630 : i32
      %add3A_632 = arith.constant 15 : i32
      %add3A_633 = arith.addi %mul3A_631, %add3A_632 : i32
      %swap3A_634 = arith.index_cast %add3A_633 : i32 to index
      %swap3A_635 = memref.load %arg10[%swap3A_634] : memref<128xf32, #tpu.memory_space<smem>>
      memref.store %select_n3A_629, %arg10[%swap3A_634] : memref<128xf32, #tpu.memory_space<smem>>
      %add3A_636 = arith.addf %scan3A_90, %add3A_102 : vector<16xf32>
      scf.yield %add3A_636 : vector<16xf32>
    }
    %scan3A_38 = arith.constant 8 : i32
    %dma_start3A_39 = arith.constant 744 : i32
    %dma_start3A_40 = tpu.memref_slice %arg2[%dma_start3A_39, %add3A_4] : memref<1000x16384xf32, #tpu.memory_space<hbm>> -> memref<256x128xf32, #tpu.memory_space<hbm>>
    %dma_start3A_41 = arith.constant 744 : i32
    %dma_start3A_42 = tpu.memref_slice %arg2[%dma_start3A_41, %add3A_4] : memref<1000x16384xf32, #tpu.memory_space<hbm>> -> memref<256x128xf32, #tpu.memory_space<hbm>>
    tpu.enqueue_dma source(%dma_start3A_42 : memref<256x128xf32, #tpu.memory_space<hbm>>) target(%arg7 : memref<256x128xf32, #tpu.memory_space<vmem>>) target_semaphore(%arg13 : memref<!tpu.dma_semaphore, #tpu.memory_space<semaphore_mem>>)
    %dma_wait3A_43 = arith.constant 512 : i32
    %dma_wait3A_44 = tpu.memref_slice %arg2[%dma_wait3A_43, %add3A_4] : memref<1000x16384xf32, #tpu.memory_space<hbm>> -> memref<256x128xf32, #tpu.memory_space<hbm>>
    %dma_wait3A_45 = arith.constant 512 : i32
    %dma_wait3A_46 = tpu.memref_slice %arg2[%dma_wait3A_45, %add3A_4] : memref<1000x16384xf32, #tpu.memory_space<hbm>> -> memref<256x128xf32, #tpu.memory_space<hbm>>
    tpu.wait_dma2 semaphore(%arg12 : memref<!tpu.dma_semaphore, #tpu.memory_space<semaphore_mem>>) src(%dma_wait3A_46 : memref<256x128xf32, #tpu.memory_space<hbm>>) dst(%arg6 : memref<256x128xf32, #tpu.memory_space<vmem>>)
    %scan3A_47 = arith.constant 0 : i32
    %scan3A_48 = arith.constant 8 : i32
    %scan3A_49 = arith.addi %scan3A_47, %scan3A_48 : i32
    %scan3A_50 = arith.constant 1 : i32
    %scan3A_51 = scf.for %scan3A_89 = %scan3A_47 to %scan3A_49 step %scan3A_50 iter_args(%scan3A_90 = %scan3A_37) -> (vector<16xf32>)  : i32 {
      %scan3A_91 = arith.constant 0 : i32
      %scan3A_92 = arith.constant 16 : i32
      %scan3A_93 = arith.addi %scan3A_91, %scan3A_92 : i32
      %scan3A_94 = arith.constant 1 : i32
      %scan3A_95:8 = scf.for %scan3A_637 = %scan3A_91 to %scan3A_93 step %scan3A_94 iter_args(%scan3A_638 = %broadcast_in_dim3A_15, %scan3A_639 = %broadcast_in_dim3A_15, %scan3A_640 = %broadcast_in_dim3A_15, %scan3A_641 = %broadcast_in_dim3A_15, %scan3A_642 = %broadcast_in_dim3A_15, %scan3A_643 = %broadcast_in_dim3A_15, %scan3A_644 = %broadcast_in_dim3A_15, %scan3A_645 = %broadcast_in_dim3A_15) -> (vector<16xf32>, vector<16xf32>, vector<16xf32>, vector<16xf32>, vector<16xf32>, vector<16xf32>, vector<16xf32>, vector<16xf32>)  : i32 {
        %mul3A_646 = arith.constant 16 : i32
        %mul3A_647 = arith.muli %scan3A_637, %mul3A_646 : i32
        %add3A_648 = arith.constant 0 : i32
        %add3A_649 = arith.addi %add3A_648, %mul3A_647 : i32
        %add3A_650 = arith.constant 0 : i32
        %add3A_651 = arith.addi %add3A_649, %add3A_650 : i32
        %mul3A_652 = arith.constant 16 : i32
        %mul3A_653 = arith.muli %scan3A_89, %mul3A_652 : i32
        %get3A_654 = arith.index_cast %add3A_651 : i32 to index
        %get3A_655 = arith.index_cast %mul3A_653 : i32 to index
        %get3A_656 = tpu.vector_load %arg6[%get3A_654, %get3A_655] {strides = array<i32>} : memref<256x128xf32, #tpu.memory_space<vmem>>, vector<1x16xf32>,
        %get3A_657 = vector.shape_cast %get3A_656 : vector<1x16xf32> to vector<16xf32>
        %add3A_658 = arith.addf %scan3A_638, %get3A_657 : vector<16xf32>
        %mul3A_659 = arith.mulf %get3A_657, %get3A_657 : vector<16xf32>
        %add3A_660 = arith.addf %scan3A_642, %mul3A_659 : vector<16xf32>
        %mul3A_661 = arith.constant 16 : i32
        %mul3A_662 = arith.muli %scan3A_637, %mul3A_661 : i32
        %add3A_663 = arith.constant 0 : i32
        %add3A_664 = arith.addi %add3A_663, %mul3A_662 : i32
        %add3A_665 = arith.constant 1 : i32
        %add3A_666 = arith.addi %add3A_664, %add3A_665 : i32
        %mul3A_667 = arith.constant 16 : i32
        %mul3A_668 = arith.muli %scan3A_89, %mul3A_667 : i32
        %get3A_669 = arith.index_cast %add3A_666 : i32 to index
        %get3A_670 = arith.index_cast %mul3A_668 : i32 to index
        %get3A_671 = tpu.vector_load %arg6[%get3A_669, %get3A_670] {strides = array<i32>} : memref<256x128xf32, #tpu.memory_space<vmem>>, vector<1x16xf32>,
        %get3A_672 = vector.shape_cast %get3A_671 : vector<1x16xf32> to vector<16xf32>
        %add3A_673 = arith.addf %scan3A_639, %get3A_672 : vector<16xf32>
        %mul3A_674 = arith.mulf %get3A_672, %get3A_672 : vector<16xf32>
        %add3A_675 = arith.addf %scan3A_643, %mul3A_674 : vector<16xf32>
        %mul3A_676 = arith.constant 16 : i32
        %mul3A_677 = arith.muli %scan3A_637, %mul3A_676 : i32
        %add3A_678 = arith.constant 0 : i32
        %add3A_679 = arith.addi %add3A_678, %mul3A_677 : i32
        %add3A_680 = arith.constant 2 : i32
        %add3A_681 = arith.addi %add3A_679, %add3A_680 : i32
        %mul3A_682 = arith.constant 16 : i32
        %mul3A_683 = arith.muli %scan3A_89, %mul3A_682 : i32
        %get3A_684 = arith.index_cast %add3A_681 : i32 to index
        %get3A_685 = arith.index_cast %mul3A_683 : i32 to index
        %get3A_686 = tpu.vector_load %arg6[%get3A_684, %get3A_685] {strides = array<i32>} : memref<256x128xf32, #tpu.memory_space<vmem>>, vector<1x16xf32>,
        %get3A_687 = vector.shape_cast %get3A_686 : vector<1x16xf32> to vector<16xf32>
        %add3A_688 = arith.addf %scan3A_640, %get3A_687 : vector<16xf32>
        %mul3A_689 = arith.mulf %get3A_687, %get3A_687 : vector<16xf32>
        %add3A_690 = arith.addf %scan3A_644, %mul3A_689 : vector<16xf32>
        %mul3A_691 = arith.constant 16 : i32
        %mul3A_692 = arith.muli %scan3A_637, %mul3A_691 : i32
        %add3A_693 = arith.constant 0 : i32
        %add3A_694 = arith.addi %add3A_693, %mul3A_692 : i32
        %add3A_695 = arith.constant 3 : i32
        %add3A_696 = arith.addi %add3A_694, %add3A_695 : i32
        %mul3A_697 = arith.constant 16 : i32
        %mul3A_698 = arith.muli %scan3A_89, %mul3A_697 : i32
        %get3A_699 = arith.index_cast %add3A_696 : i32 to index
        %get3A_700 = arith.index_cast %mul3A_698 : i32 to index
        %get3A_701 = tpu.vector_load %arg6[%get3A_699, %get3A_700] {strides = array<i32>} : memref<256x128xf32, #tpu.memory_space<vmem>>, vector<1x16xf32>,
        %get3A_702 = vector.shape_cast %get3A_701 : vector<1x16xf32> to vector<16xf32>
        %add3A_703 = arith.addf %scan3A_641, %get3A_702 : vector<16xf32>
        %mul3A_704 = arith.mulf %get3A_702, %get3A_702 : vector<16xf32>
        %add3A_705 = arith.addf %scan3A_645, %mul3A_704 : vector<16xf32>
        %mul3A_706 = arith.constant 16 : i32
        %mul3A_707 = arith.muli %scan3A_637, %mul3A_706 : i32
        %add3A_708 = arith.constant 0 : i32
        %add3A_709 = arith.addi %add3A_708, %mul3A_707 : i32
        %add3A_710 = arith.constant 4 : i32
        %add3A_711 = arith.addi %add3A_709, %add3A_710 : i32
        %mul3A_712 = arith.constant 16 : i32
        %mul3A_713 = arith.muli %scan3A_89, %mul3A_712 : i32
        %get3A_714 = arith.index_cast %add3A_711 : i32 to index
        %get3A_715 = arith.index_cast %mul3A_713 : i32 to index
        %get3A_716 = tpu.vector_load %arg6[%get3A_714, %get3A_715] {strides = array<i32>} : memref<256x128xf32, #tpu.memory_space<vmem>>, vector<1x16xf32>,
        %get3A_717 = vector.shape_cast %get3A_716 : vector<1x16xf32> to vector<16xf32>
        %add3A_718 = arith.addf %add3A_658, %get3A_717 : vector<16xf32>
        %mul3A_719 = arith.mulf %get3A_717, %get3A_717 : vector<16xf32>
        %add3A_720 = arith.addf %add3A_660, %mul3A_719 : vector<16xf32>
        %mul3A_721 = arith.constant 16 : i32
        %mul3A_722 = arith.muli %scan3A_637, %mul3A_721 : i32
        %add3A_723 = arith.constant 0 : i32
        %add3A_724 = arith.addi %add3A_723, %mul3A_722 : i32
        %add3A_725 = arith.constant 5 : i32
        %add3A_726 = arith.addi %add3A_724, %add3A_725 : i32
        %mul3A_727 = arith.constant 16 : i32
        %mul3A_728 = arith.muli %scan3A_89, %mul3A_727 : i32
        %get3A_729 = arith.index_cast %add3A_726 : i32 to index
        %get3A_730 = arith.index_cast %mul3A_728 : i32 to index
        %get3A_731 = tpu.vector_load %arg6[%get3A_729, %get3A_730] {strides = array<i32>} : memref<256x128xf32, #tpu.memory_space<vmem>>, vector<1x16xf32>,
        %get3A_732 = vector.shape_cast %get3A_731 : vector<1x16xf32> to vector<16xf32>
        %add3A_733 = arith.addf %add3A_673, %get3A_732 : vector<16xf32>
        %mul3A_734 = arith.mulf %get3A_732, %get3A_732 : vector<16xf32>
        %add3A_735 = arith.addf %add3A_675, %mul3A_734 : vector<16xf32>
        %mul3A_736 = arith.constant 16 : i32
        %mul3A_737 = arith.muli %scan3A_637, %mul3A_736 : i32
        %add3A_738 = arith.constant 0 : i32
        %add3A_739 = arith.addi %add3A_738, %mul3A_737 : i32
        %add3A_740 = arith.constant 6 : i32
        %add3A_741 = arith.addi %add3A_739, %add3A_740 : i32
        %mul3A_742 = arith.constant 16 : i32
        %mul3A_743 = arith.muli %scan3A_89, %mul3A_742 : i32
        %get3A_744 = arith.index_cast %add3A_741 : i32 to index
        %get3A_745 = arith.index_cast %mul3A_743 : i32 to index
        %get3A_746 = tpu.vector_load %arg6[%get3A_744, %get3A_745] {strides = array<i32>} : memref<256x128xf32, #tpu.memory_space<vmem>>, vector<1x16xf32>,
        %get3A_747 = vector.shape_cast %get3A_746 : vector<1x16xf32> to vector<16xf32>
        %add3A_748 = arith.addf %add3A_688, %get3A_747 : vector<16xf32>
        %mul3A_749 = arith.mulf %get3A_747, %get3A_747 : vector<16xf32>
        %add3A_750 = arith.addf %add3A_690, %mul3A_749 : vector<16xf32>
        %mul3A_751 = arith.constant 16 : i32
        %mul3A_752 = arith.muli %scan3A_637, %mul3A_751 : i32
        %add3A_753 = arith.constant 0 : i32
        %add3A_754 = arith.addi %add3A_753, %mul3A_752 : i32
        %add3A_755 = arith.constant 7 : i32
        %add3A_756 = arith.addi %add3A_754, %add3A_755 : i32
        %mul3A_757 = arith.constant 16 : i32
        %mul3A_758 = arith.muli %scan3A_89, %mul3A_757 : i32
        %get3A_759 = arith.index_cast %add3A_756 : i32 to index
        %get3A_760 = arith.index_cast %mul3A_758 : i32 to index
        %get3A_761 = tpu.vector_load %arg6[%get3A_759, %get3A_760] {strides = array<i32>} : memref<256x128xf32, #tpu.memory_space<vmem>>, vector<1x16xf32>,
        %get3A_762 = vector.shape_cast %get3A_761 : vector<1x16xf32> to vector<16xf32>
        %add3A_763 = arith.addf %add3A_703, %get3A_762 : vector<16xf32>
        %mul3A_764 = arith.mulf %get3A_762, %get3A_762 : vector<16xf32>
        %add3A_765 = arith.addf %add3A_705, %mul3A_764 : vector<16xf32>
        %mul3A_766 = arith.constant 16 : i32
        %mul3A_767 = arith.muli %scan3A_637, %mul3A_766 : i32
        %add3A_768 = arith.constant 0 : i32
        %add3A_769 = arith.addi %add3A_768, %mul3A_767 : i32
        %add3A_770 = arith.constant 8 : i32
        %add3A_771 = arith.addi %add3A_769, %add3A_770 : i32
        %mul3A_772 = arith.constant 16 : i32
        %mul3A_773 = arith.muli %scan3A_89, %mul3A_772 : i32
        %get3A_774 = arith.index_cast %add3A_771 : i32 to index
        %get3A_775 = arith.index_cast %mul3A_773 : i32 to index
        %get3A_776 = tpu.vector_load %arg6[%get3A_774, %get3A_775] {strides = array<i32>} : memref<256x128xf32, #tpu.memory_space<vmem>>, vector<1x16xf32>,
        %get3A_777 = vector.shape_cast %get3A_776 : vector<1x16xf32> to vector<16xf32>
        %add3A_778 = arith.addf %add3A_718, %get3A_777 : vector<16xf32>
        %mul3A_779 = arith.mulf %get3A_777, %get3A_777 : vector<16xf32>
        %add3A_780 = arith.addf %add3A_720, %mul3A_779 : vector<16xf32>
        %mul3A_781 = arith.constant 16 : i32
        %mul3A_782 = arith.muli %scan3A_637, %mul3A_781 : i32
        %add3A_783 = arith.constant 0 : i32
        %add3A_784 = arith.addi %add3A_783, %mul3A_782 : i32
        %add3A_785 = arith.constant 9 : i32
        %add3A_786 = arith.addi %add3A_784, %add3A_785 : i32
        %mul3A_787 = arith.constant 16 : i32
        %mul3A_788 = arith.muli %scan3A_89, %mul3A_787 : i32
        %get3A_789 = arith.index_cast %add3A_786 : i32 to index
        %get3A_790 = arith.index_cast %mul3A_788 : i32 to index
        %get3A_791 = tpu.vector_load %arg6[%get3A_789, %get3A_790] {strides = array<i32>} : memref<256x128xf32, #tpu.memory_space<vmem>>, vector<1x16xf32>,
        %get3A_792 = vector.shape_cast %get3A_791 : vector<1x16xf32> to vector<16xf32>
        %add3A_793 = arith.addf %add3A_733, %get3A_792 : vector<16xf32>
        %mul3A_794 = arith.mulf %get3A_792, %get3A_792 : vector<16xf32>
        %add3A_795 = arith.addf %add3A_735, %mul3A_794 : vector<16xf32>
        %mul3A_796 = arith.constant 16 : i32
        %mul3A_797 = arith.muli %scan3A_637, %mul3A_796 : i32
        %add3A_798 = arith.constant 0 : i32
        %add3A_799 = arith.addi %add3A_798, %mul3A_797 : i32
        %add3A_800 = arith.constant 10 : i32
        %add3A_801 = arith.addi %add3A_799, %add3A_800 : i32
        %mul3A_802 = arith.constant 16 : i32
        %mul3A_803 = arith.muli %scan3A_89, %mul3A_802 : i32
        %get3A_804 = arith.index_cast %add3A_801 : i32 to index
        %get3A_805 = arith.index_cast %mul3A_803 : i32 to index
        %get3A_806 = tpu.vector_load %arg6[%get3A_804, %get3A_805] {strides = array<i32>} : memref<256x128xf32, #tpu.memory_space<vmem>>, vector<1x16xf32>,
        %get3A_807 = vector.shape_cast %get3A_806 : vector<1x16xf32> to vector<16xf32>
        %add3A_808 = arith.addf %add3A_748, %get3A_807 : vector<16xf32>
        %mul3A_809 = arith.mulf %get3A_807, %get3A_807 : vector<16xf32>
        %add3A_810 = arith.addf %add3A_750, %mul3A_809 : vector<16xf32>
        %mul3A_811 = arith.constant 16 : i32
        %mul3A_812 = arith.muli %scan3A_637, %mul3A_811 : i32
        %add3A_813 = arith.constant 0 : i32
        %add3A_814 = arith.addi %add3A_813, %mul3A_812 : i32
        %add3A_815 = arith.constant 11 : i32
        %add3A_816 = arith.addi %add3A_814, %add3A_815 : i32
        %mul3A_817 = arith.constant 16 : i32
        %mul3A_818 = arith.muli %scan3A_89, %mul3A_817 : i32
        %get3A_819 = arith.index_cast %add3A_816 : i32 to index
        %get3A_820 = arith.index_cast %mul3A_818 : i32 to index
        %get3A_821 = tpu.vector_load %arg6[%get3A_819, %get3A_820] {strides = array<i32>} : memref<256x128xf32, #tpu.memory_space<vmem>>, vector<1x16xf32>,
        %get3A_822 = vector.shape_cast %get3A_821 : vector<1x16xf32> to vector<16xf32>
        %add3A_823 = arith.addf %add3A_763, %get3A_822 : vector<16xf32>
        %mul3A_824 = arith.mulf %get3A_822, %get3A_822 : vector<16xf32>
        %add3A_825 = arith.addf %add3A_765, %mul3A_824 : vector<16xf32>
        %mul3A_826 = arith.constant 16 : i32
        %mul3A_827 = arith.muli %scan3A_637, %mul3A_826 : i32
        %add3A_828 = arith.constant 0 : i32
        %add3A_829 = arith.addi %add3A_828, %mul3A_827 : i32
        %add3A_830 = arith.constant 12 : i32
        %add3A_831 = arith.addi %add3A_829, %add3A_830 : i32
        %mul3A_832 = arith.constant 16 : i32
        %mul3A_833 = arith.muli %scan3A_89, %mul3A_832 : i32
        %get3A_834 = arith.index_cast %add3A_831 : i32 to index
        %get3A_835 = arith.index_cast %mul3A_833 : i32 to index
        %get3A_836 = tpu.vector_load %arg6[%get3A_834, %get3A_835] {strides = array<i32>} : memref<256x128xf32, #tpu.memory_space<vmem>>, vector<1x16xf32>,
        %get3A_837 = vector.shape_cast %get3A_836 : vector<1x16xf32> to vector<16xf32>
        %add3A_838 = arith.addf %add3A_778, %get3A_837 : vector<16xf32>
        %mul3A_839 = arith.mulf %get3A_837, %get3A_837 : vector<16xf32>
        %add3A_840 = arith.addf %add3A_780, %mul3A_839 : vector<16xf32>
        %mul3A_841 = arith.constant 16 : i32
        %mul3A_842 = arith.muli %scan3A_637, %mul3A_841 : i32
        %add3A_843 = arith.constant 0 : i32
        %add3A_844 = arith.addi %add3A_843, %mul3A_842 : i32
        %add3A_845 = arith.constant 13 : i32
        %add3A_846 = arith.addi %add3A_844, %add3A_845 : i32
        %mul3A_847 = arith.constant 16 : i32
        %mul3A_848 = arith.muli %scan3A_89, %mul3A_847 : i32
        %get3A_849 = arith.index_cast %add3A_846 : i32 to index
        %get3A_850 = arith.index_cast %mul3A_848 : i32 to index
        %get3A_851 = tpu.vector_load %arg6[%get3A_849, %get3A_850] {strides = array<i32>} : memref<256x128xf32, #tpu.memory_space<vmem>>, vector<1x16xf32>,
        %get3A_852 = vector.shape_cast %get3A_851 : vector<1x16xf32> to vector<16xf32>
        %add3A_853 = arith.addf %add3A_793, %get3A_852 : vector<16xf32>
        %mul3A_854 = arith.mulf %get3A_852, %get3A_852 : vector<16xf32>
        %add3A_855 = arith.addf %add3A_795, %mul3A_854 : vector<16xf32>
        %mul3A_856 = arith.constant 16 : i32
        %mul3A_857 = arith.muli %scan3A_637, %mul3A_856 : i32
        %add3A_858 = arith.constant 0 : i32
        %add3A_859 = arith.addi %add3A_858, %mul3A_857 : i32
        %add3A_860 = arith.constant 14 : i32
        %add3A_861 = arith.addi %add3A_859, %add3A_860 : i32
        %mul3A_862 = arith.constant 16 : i32
        %mul3A_863 = arith.muli %scan3A_89, %mul3A_862 : i32
        %get3A_864 = arith.index_cast %add3A_861 : i32 to index
        %get3A_865 = arith.index_cast %mul3A_863 : i32 to index
        %get3A_866 = tpu.vector_load %arg6[%get3A_864, %get3A_865] {strides = array<i32>} : memref<256x128xf32, #tpu.memory_space<vmem>>, vector<1x16xf32>,
        %get3A_867 = vector.shape_cast %get3A_866 : vector<1x16xf32> to vector<16xf32>
        %add3A_868 = arith.addf %add3A_808, %get3A_867 : vector<16xf32>
        %mul3A_869 = arith.mulf %get3A_867, %get3A_867 : vector<16xf32>
        %add3A_870 = arith.addf %add3A_810, %mul3A_869 : vector<16xf32>
        %mul3A_871 = arith.constant 16 : i32
        %mul3A_872 = arith.muli %scan3A_637, %mul3A_871 : i32
        %add3A_873 = arith.constant 0 : i32
        %add3A_874 = arith.addi %add3A_873, %mul3A_872 : i32
        %add3A_875 = arith.constant 15 : i32
        %add3A_876 = arith.addi %add3A_874, %add3A_875 : i32
        %mul3A_877 = arith.constant 16 : i32
        %mul3A_878 = arith.muli %scan3A_89, %mul3A_877 : i32
        %get3A_879 = arith.index_cast %add3A_876 : i32 to index
        %get3A_880 = arith.index_cast %mul3A_878 : i32 to index
        %get3A_881 = tpu.vector_load %arg6[%get3A_879, %get3A_880] {strides = array<i32>} : memref<256x128xf32, #tpu.memory_space<vmem>>, vector<1x16xf32>,
        %get3A_882 = vector.shape_cast %get3A_881 : vector<1x16xf32> to vector<16xf32>
        %add3A_883 = arith.addf %add3A_823, %get3A_882 : vector<16xf32>
        %mul3A_884 = arith.mulf %get3A_882, %get3A_882 : vector<16xf32>
        %add3A_885 = arith.addf %add3A_825, %mul3A_884 : vector<16xf32>
        scf.yield %add3A_838, %add3A_853, %add3A_868, %add3A_883, %add3A_840, %add3A_855, %add3A_870, %add3A_885 : vector<16xf32>, vector<16xf32>, vector<16xf32>, vector<16xf32>, vector<16xf32>, vector<16xf32>, vector<16xf32>, vector<16xf32>
      }
      %scan3A_96 = arith.constant 16 : i32
      %add3A_97 = arith.addf %scan3A_95#0, %scan3A_95#1 : vector<16xf32>
      %add3A_98 = arith.addf %scan3A_95#2, %scan3A_95#3 : vector<16xf32>
      %add3A_99 = arith.addf %add3A_97, %add3A_98 : vector<16xf32>
      %add3A_100 = arith.addf %scan3A_95#4, %scan3A_95#5 : vector<16xf32>
      %add3A_101 = arith.addf %scan3A_95#6, %scan3A_95#7 : vector<16xf32>
      %add3A_102 = arith.addf %add3A_100, %add3A_101 : vector<16xf32>
      %get3A = arith.index_cast %scan3A_89 : i32 to index
      %get3A_103 = arith.constant 0 : index
      %get3A_104 = tpu.vector_load %arg9[%get3A, %get3A_103] {strides = array<i32>} : memref<8x16xf32, #tpu.memory_space<vmem>>, vector<1x16xf32>,
      %get3A_105 = vector.shape_cast %get3A_104 : vector<1x16xf32> to vector<16xf32>
      %add3A_106 = arith.addf %get3A_105, %add3A_99 : vector<16xf32>
      %swap3A_107 = arith.index_cast %scan3A_89 : i32 to index
      %swap3A_108 = arith.constant 0 : index
      %swap3A_109 = tpu.vector_load %arg9[%swap3A_107, %swap3A_108] {strides = array<i32>} : memref<8x16xf32, #tpu.memory_space<vmem>>, vector<1x16xf32>,
      %swap3A_110 = vector.shape_cast %swap3A_109 : vector<1x16xf32> to vector<16xf32>
      %swap3A_111 = vector.shape_cast %add3A_106 : vector<16xf32> to vector<1x16xf32>
      tpu.vector_store %arg9[%swap3A_107, %swap3A_108], %swap3A_111 {strides = array<i32>} : memref<8x16xf32, #tpu.memory_space<vmem>>, vector<1x16xf32>,
      %mul3A_112 = arith.constant 16 : i32
      %mul3A_113 = arith.muli %scan3A_89, %mul3A_112 : i32
      %get3A_114 = arith.index_cast %mul3A_113 : i32 to index
      %get3A_115 = tpu.vector_load %arg5[%get3A_114] {strides = array<i32>} : memref<128xi32, #tpu.memory_space<vmem>>, vector<16xi32>,
      %get3A_116 = vector.shape_cast %get3A_115 : vector<16xi32> to vector<16xi32>
      %slice3A = vector.extract_strided_slice %get3A_116 {offsets = [0], sizes = [1], strides = [1]} : vector<16xi32> to vector<1xi32>
      %squeeze3A = vector.extract %slice3A[0] : i32 from vector<1xi32>
      %shift_right_arithmetic3A = arith.constant 8 : i32
      %shift_right_arithmetic3A_117 = arith.shrsi %squeeze3A, %shift_right_arithmetic3A : i32
      %eq3A = arith.constant 2 : i32
      %eq3A_118 = arith.cmpi eq, %shift_right_arithmetic3A_117, %eq3A : i32
      %sub3A = arith.constant 512 : i32
      %sub3A_119 = arith.subi %squeeze3A, %sub3A : i32
      %jit3A = arith.constant 0 : i32
      %jit3A_120 = arith.constant 255 : i32
      %max3A = arith.maxsi %jit3A, %sub3A_119 : i32
      %min3A = arith.minsi %jit3A_120, %max3A : i32
      %mul3A_121 = arith.constant 16 : i32
      %mul3A_122 = arith.muli %scan3A_89, %mul3A_121 : i32
      %get3A_123 = arith.index_cast %min3A : i32 to index
      %get3A_124 = arith.index_cast %mul3A_122 : i32 to index
      %get3A_125 = tpu.vector_load %arg6[%get3A_123, %get3A_124] {strides = array<i32>} : memref<256x128xf32, #tpu.memory_space<vmem>>, vector<1x16xf32>,
      %get3A_126 = vector.shape_cast %get3A_125 : vector<1x16xf32> to vector<16xf32>
      %slice3A_127 = vector.extract_strided_slice %get3A_126 {offsets = [0], sizes = [1], strides = [1]} : vector<16xf32> to vector<1xf32>
      %squeeze3A_128 = vector.extract %slice3A_127[0] : f32 from vector<1xf32>
      %mul3A_129 = arith.constant 16 : i32
      %mul3A_130 = arith.muli %scan3A_89, %mul3A_129 : i32
      %add3A_131 = arith.constant 0 : i32
      %add3A_132 = arith.addi %mul3A_130, %add3A_131 : i32
      %get3A_133 = arith.index_cast %add3A_132 : i32 to index
      %get3A_134 = memref.load %arg10[%get3A_133] : memref<128xf32, #tpu.memory_space<smem>>
      %select_n3A = arith.select %eq3A_118, %squeeze3A_128, %get3A_134 : f32
      %mul3A_135 = arith.constant 16 : i32
      %mul3A_136 = arith.muli %scan3A_89, %mul3A_135 : i32
      %add3A_137 = arith.constant 0 : i32
      %add3A_138 = arith.addi %mul3A_136, %add3A_137 : i32
      %swap3A_139 = arith.index_cast %add3A_138 : i32 to index
      %swap3A_140 = memref.load %arg10[%swap3A_139] : memref<128xf32, #tpu.memory_space<smem>>
      memref.store %select_n3A, %arg10[%swap3A_139] : memref<128xf32, #tpu.memory_space<smem>>
      %slice3A_141 = vector.extract_strided_slice %get3A_116 {offsets = [1], sizes = [1], strides = [1]} : vector<16xi32> to vector<1xi32>
      %squeeze3A_142 = vector.extract %slice3A_141[0] : i32 from vector<1xi32>
      %shift_right_arithmetic3A_143 = arith.constant 8 : i32
      %shift_right_arithmetic3A_144 = arith.shrsi %squeeze3A_142, %shift_right_arithmetic3A_143 : i32
      %eq3A_145 = arith.constant 2 : i32
      %eq3A_146 = arith.cmpi eq, %shift_right_arithmetic3A_144, %eq3A_145 : i32
      %sub3A_147 = arith.constant 512 : i32
      %sub3A_148 = arith.subi %squeeze3A_142, %sub3A_147 : i32
      %jit3A_149 = arith.constant 0 : i32
      %jit3A_150 = arith.constant 255 : i32
      %max3A_151 = arith.maxsi %jit3A_149, %sub3A_148 : i32
      %min3A_152 = arith.minsi %jit3A_150, %max3A_151 : i32
      %mul3A_153 = arith.constant 16 : i32
      %mul3A_154 = arith.muli %scan3A_89, %mul3A_153 : i32
      %get3A_155 = arith.index_cast %min3A_152 : i32 to index
      %get3A_156 = arith.index_cast %mul3A_154 : i32 to index
      %get3A_157 = tpu.vector_load %arg6[%get3A_155, %get3A_156] {strides = array<i32>} : memref<256x128xf32, #tpu.memory_space<vmem>>, vector<1x16xf32>,
      %get3A_158 = vector.shape_cast %get3A_157 : vector<1x16xf32> to vector<16xf32>
      %slice3A_159 = vector.extract_strided_slice %get3A_158 {offsets = [1], sizes = [1], strides = [1]} : vector<16xf32> to vector<1xf32>
      %squeeze3A_160 = vector.extract %slice3A_159[0] : f32 from vector<1xf32>
      %mul3A_161 = arith.constant 16 : i32
      %mul3A_162 = arith.muli %scan3A_89, %mul3A_161 : i32
      %add3A_163 = arith.constant 1 : i32
      %add3A_164 = arith.addi %mul3A_162, %add3A_163 : i32
      %get3A_165 = arith.index_cast %add3A_164 : i32 to index
      %get3A_166 = memref.load %arg10[%get3A_165] : memref<128xf32, #tpu.memory_space<smem>>
      %select_n3A_167 = arith.select %eq3A_146, %squeeze3A_160, %get3A_166 : f32
      %mul3A_168 = arith.constant 16 : i32
      %mul3A_169 = arith.muli %scan3A_89, %mul3A_168 : i32
      %add3A_170 = arith.constant 1 : i32
      %add3A_171 = arith.addi %mul3A_169, %add3A_170 : i32
      %swap3A_172 = arith.index_cast %add3A_171 : i32 to index
      %swap3A_173 = memref.load %arg10[%swap3A_172] : memref<128xf32, #tpu.memory_space<smem>>
      memref.store %select_n3A_167, %arg10[%swap3A_172] : memref<128xf32, #tpu.memory_space<smem>>
      %slice3A_174 = vector.extract_strided_slice %get3A_116 {offsets = [2], sizes = [1], strides = [1]} : vector<16xi32> to vector<1xi32>
      %squeeze3A_175 = vector.extract %slice3A_174[0] : i32 from vector<1xi32>
      %shift_right_arithmetic3A_176 = arith.constant 8 : i32
      %shift_right_arithmetic3A_177 = arith.shrsi %squeeze3A_175, %shift_right_arithmetic3A_176 : i32
      %eq3A_178 = arith.constant 2 : i32
      %eq3A_179 = arith.cmpi eq, %shift_right_arithmetic3A_177, %eq3A_178 : i32
      %sub3A_180 = arith.constant 512 : i32
      %sub3A_181 = arith.subi %squeeze3A_175, %sub3A_180 : i32
      %jit3A_182 = arith.constant 0 : i32
      %jit3A_183 = arith.constant 255 : i32
      %max3A_184 = arith.maxsi %jit3A_182, %sub3A_181 : i32
      %min3A_185 = arith.minsi %jit3A_183, %max3A_184 : i32
      %mul3A_186 = arith.constant 16 : i32
      %mul3A_187 = arith.muli %scan3A_89, %mul3A_186 : i32
      %get3A_188 = arith.index_cast %min3A_185 : i32 to index
      %get3A_189 = arith.index_cast %mul3A_187 : i32 to index
      %get3A_190 = tpu.vector_load %arg6[%get3A_188, %get3A_189] {strides = array<i32>} : memref<256x128xf32, #tpu.memory_space<vmem>>, vector<1x16xf32>,
      %get3A_191 = vector.shape_cast %get3A_190 : vector<1x16xf32> to vector<16xf32>
      %slice3A_192 = vector.extract_strided_slice %get3A_191 {offsets = [2], sizes = [1], strides = [1]} : vector<16xf32> to vector<1xf32>
      %squeeze3A_193 = vector.extract %slice3A_192[0] : f32 from vector<1xf32>
      %mul3A_194 = arith.constant 16 : i32
      %mul3A_195 = arith.muli %scan3A_89, %mul3A_194 : i32
      %add3A_196 = arith.constant 2 : i32
      %add3A_197 = arith.addi %mul3A_195, %add3A_196 : i32
      %get3A_198 = arith.index_cast %add3A_197 : i32 to index
      %get3A_199 = memref.load %arg10[%get3A_198] : memref<128xf32, #tpu.memory_space<smem>>
      %select_n3A_200 = arith.select %eq3A_179, %squeeze3A_193, %get3A_199 : f32
      %mul3A_201 = arith.constant 16 : i32
      %mul3A_202 = arith.muli %scan3A_89, %mul3A_201 : i32
      %add3A_203 = arith.constant 2 : i32
      %add3A_204 = arith.addi %mul3A_202, %add3A_203 : i32
      %swap3A_205 = arith.index_cast %add3A_204 : i32 to index
      %swap3A_206 = memref.load %arg10[%swap3A_205] : memref<128xf32, #tpu.memory_space<smem>>
      memref.store %select_n3A_200, %arg10[%swap3A_205] : memref<128xf32, #tpu.memory_space<smem>>
      %slice3A_207 = vector.extract_strided_slice %get3A_116 {offsets = [3], sizes = [1], strides = [1]} : vector<16xi32> to vector<1xi32>
      %squeeze3A_208 = vector.extract %slice3A_207[0] : i32 from vector<1xi32>
      %shift_right_arithmetic3A_209 = arith.constant 8 : i32
      %shift_right_arithmetic3A_210 = arith.shrsi %squeeze3A_208, %shift_right_arithmetic3A_209 : i32
      %eq3A_211 = arith.constant 2 : i32
      %eq3A_212 = arith.cmpi eq, %shift_right_arithmetic3A_210, %eq3A_211 : i32
      %sub3A_213 = arith.constant 512 : i32
      %sub3A_214 = arith.subi %squeeze3A_208, %sub3A_213 : i32
      %jit3A_215 = arith.constant 0 : i32
      %jit3A_216 = arith.constant 255 : i32
      %max3A_217 = arith.maxsi %jit3A_215, %sub3A_214 : i32
      %min3A_218 = arith.minsi %jit3A_216, %max3A_217 : i32
      %mul3A_219 = arith.constant 16 : i32
      %mul3A_220 = arith.muli %scan3A_89, %mul3A_219 : i32
      %get3A_221 = arith.index_cast %min3A_218 : i32 to index
      %get3A_222 = arith.index_cast %mul3A_220 : i32 to index
      %get3A_223 = tpu.vector_load %arg6[%get3A_221, %get3A_222] {strides = array<i32>} : memref<256x128xf32, #tpu.memory_space<vmem>>, vector<1x16xf32>,
      %get3A_224 = vector.shape_cast %get3A_223 : vector<1x16xf32> to vector<16xf32>
      %slice3A_225 = vector.extract_strided_slice %get3A_224 {offsets = [3], sizes = [1], strides = [1]} : vector<16xf32> to vector<1xf32>
      %squeeze3A_226 = vector.extract %slice3A_225[0] : f32 from vector<1xf32>
      %mul3A_227 = arith.constant 16 : i32
      %mul3A_228 = arith.muli %scan3A_89, %mul3A_227 : i32
      %add3A_229 = arith.constant 3 : i32
      %add3A_230 = arith.addi %mul3A_228, %add3A_229 : i32
      %get3A_231 = arith.index_cast %add3A_230 : i32 to index
      %get3A_232 = memref.load %arg10[%get3A_231] : memref<128xf32, #tpu.memory_space<smem>>
      %select_n3A_233 = arith.select %eq3A_212, %squeeze3A_226, %get3A_232 : f32
      %mul3A_234 = arith.constant 16 : i32
      %mul3A_235 = arith.muli %scan3A_89, %mul3A_234 : i32
      %add3A_236 = arith.constant 3 : i32
      %add3A_237 = arith.addi %mul3A_235, %add3A_236 : i32
      %swap3A_238 = arith.index_cast %add3A_237 : i32 to index
      %swap3A_239 = memref.load %arg10[%swap3A_238] : memref<128xf32, #tpu.memory_space<smem>>
      memref.store %select_n3A_233, %arg10[%swap3A_238] : memref<128xf32, #tpu.memory_space<smem>>
      %slice3A_240 = vector.extract_strided_slice %get3A_116 {offsets = [4], sizes = [1], strides = [1]} : vector<16xi32> to vector<1xi32>
      %squeeze3A_241 = vector.extract %slice3A_240[0] : i32 from vector<1xi32>
      %shift_right_arithmetic3A_242 = arith.constant 8 : i32
      %shift_right_arithmetic3A_243 = arith.shrsi %squeeze3A_241, %shift_right_arithmetic3A_242 : i32
      %eq3A_244 = arith.constant 2 : i32
      %eq3A_245 = arith.cmpi eq, %shift_right_arithmetic3A_243, %eq3A_244 : i32
      %sub3A_246 = arith.constant 512 : i32
      %sub3A_247 = arith.subi %squeeze3A_241, %sub3A_246 : i32
      %jit3A_248 = arith.constant 0 : i32
      %jit3A_249 = arith.constant 255 : i32
      %max3A_250 = arith.maxsi %jit3A_248, %sub3A_247 : i32
      %min3A_251 = arith.minsi %jit3A_249, %max3A_250 : i32
      %mul3A_252 = arith.constant 16 : i32
      %mul3A_253 = arith.muli %scan3A_89, %mul3A_252 : i32
      %get3A_254 = arith.index_cast %min3A_251 : i32 to index
      %get3A_255 = arith.index_cast %mul3A_253 : i32 to index
      %get3A_256 = tpu.vector_load %arg6[%get3A_254, %get3A_255] {strides = array<i32>} : memref<256x128xf32, #tpu.memory_space<vmem>>, vector<1x16xf32>,
      %get3A_257 = vector.shape_cast %get3A_256 : vector<1x16xf32> to vector<16xf32>
      %slice3A_258 = vector.extract_strided_slice %get3A_257 {offsets = [4], sizes = [1], strides = [1]} : vector<16xf32> to vector<1xf32>
      %squeeze3A_259 = vector.extract %slice3A_258[0] : f32 from vector<1xf32>
      %mul3A_260 = arith.constant 16 : i32
      %mul3A_261 = arith.muli %scan3A_89, %mul3A_260 : i32
      %add3A_262 = arith.constant 4 : i32
      %add3A_263 = arith.addi %mul3A_261, %add3A_262 : i32
      %get3A_264 = arith.index_cast %add3A_263 : i32 to index
      %get3A_265 = memref.load %arg10[%get3A_264] : memref<128xf32, #tpu.memory_space<smem>>
      %select_n3A_266 = arith.select %eq3A_245, %squeeze3A_259, %get3A_265 : f32
      %mul3A_267 = arith.constant 16 : i32
      %mul3A_268 = arith.muli %scan3A_89, %mul3A_267 : i32
      %add3A_269 = arith.constant 4 : i32
      %add3A_270 = arith.addi %mul3A_268, %add3A_269 : i32
      %swap3A_271 = arith.index_cast %add3A_270 : i32 to index
      %swap3A_272 = memref.load %arg10[%swap3A_271] : memref<128xf32, #tpu.memory_space<smem>>
      memref.store %select_n3A_266, %arg10[%swap3A_271] : memref<128xf32, #tpu.memory_space<smem>>
      %slice3A_273 = vector.extract_strided_slice %get3A_116 {offsets = [5], sizes = [1], strides = [1]} : vector<16xi32> to vector<1xi32>
      %squeeze3A_274 = vector.extract %slice3A_273[0] : i32 from vector<1xi32>
      %shift_right_arithmetic3A_275 = arith.constant 8 : i32
      %shift_right_arithmetic3A_276 = arith.shrsi %squeeze3A_274, %shift_right_arithmetic3A_275 : i32
      %eq3A_277 = arith.constant 2 : i32
      %eq3A_278 = arith.cmpi eq, %shift_right_arithmetic3A_276, %eq3A_277 : i32
      %sub3A_279 = arith.constant 512 : i32
      %sub3A_280 = arith.subi %squeeze3A_274, %sub3A_279 : i32
      %jit3A_281 = arith.constant 0 : i32
      %jit3A_282 = arith.constant 255 : i32
      %max3A_283 = arith.maxsi %jit3A_281, %sub3A_280 : i32
      %min3A_284 = arith.minsi %jit3A_282, %max3A_283 : i32
      %mul3A_285 = arith.constant 16 : i32
      %mul3A_286 = arith.muli %scan3A_89, %mul3A_285 : i32
      %get3A_287 = arith.index_cast %min3A_284 : i32 to index
      %get3A_288 = arith.index_cast %mul3A_286 : i32 to index
      %get3A_289 = tpu.vector_load %arg6[%get3A_287, %get3A_288] {strides = array<i32>} : memref<256x128xf32, #tpu.memory_space<vmem>>, vector<1x16xf32>,
      %get3A_290 = vector.shape_cast %get3A_289 : vector<1x16xf32> to vector<16xf32>
      %slice3A_291 = vector.extract_strided_slice %get3A_290 {offsets = [5], sizes = [1], strides = [1]} : vector<16xf32> to vector<1xf32>
      %squeeze3A_292 = vector.extract %slice3A_291[0] : f32 from vector<1xf32>
      %mul3A_293 = arith.constant 16 : i32
      %mul3A_294 = arith.muli %scan3A_89, %mul3A_293 : i32
      %add3A_295 = arith.constant 5 : i32
      %add3A_296 = arith.addi %mul3A_294, %add3A_295 : i32
      %get3A_297 = arith.index_cast %add3A_296 : i32 to index
      %get3A_298 = memref.load %arg10[%get3A_297] : memref<128xf32, #tpu.memory_space<smem>>
      %select_n3A_299 = arith.select %eq3A_278, %squeeze3A_292, %get3A_298 : f32
      %mul3A_300 = arith.constant 16 : i32
      %mul3A_301 = arith.muli %scan3A_89, %mul3A_300 : i32
      %add3A_302 = arith.constant 5 : i32
      %add3A_303 = arith.addi %mul3A_301, %add3A_302 : i32
      %swap3A_304 = arith.index_cast %add3A_303 : i32 to index
      %swap3A_305 = memref.load %arg10[%swap3A_304] : memref<128xf32, #tpu.memory_space<smem>>
      memref.store %select_n3A_299, %arg10[%swap3A_304] : memref<128xf32, #tpu.memory_space<smem>>
      %slice3A_306 = vector.extract_strided_slice %get3A_116 {offsets = [6], sizes = [1], strides = [1]} : vector<16xi32> to vector<1xi32>
      %squeeze3A_307 = vector.extract %slice3A_306[0] : i32 from vector<1xi32>
      %shift_right_arithmetic3A_308 = arith.constant 8 : i32
      %shift_right_arithmetic3A_309 = arith.shrsi %squeeze3A_307, %shift_right_arithmetic3A_308 : i32
      %eq3A_310 = arith.constant 2 : i32
      %eq3A_311 = arith.cmpi eq, %shift_right_arithmetic3A_309, %eq3A_310 : i32
      %sub3A_312 = arith.constant 512 : i32
      %sub3A_313 = arith.subi %squeeze3A_307, %sub3A_312 : i32
      %jit3A_314 = arith.constant 0 : i32
      %jit3A_315 = arith.constant 255 : i32
      %max3A_316 = arith.maxsi %jit3A_314, %sub3A_313 : i32
      %min3A_317 = arith.minsi %jit3A_315, %max3A_316 : i32
      %mul3A_318 = arith.constant 16 : i32
      %mul3A_319 = arith.muli %scan3A_89, %mul3A_318 : i32
      %get3A_320 = arith.index_cast %min3A_317 : i32 to index
      %get3A_321 = arith.index_cast %mul3A_319 : i32 to index
      %get3A_322 = tpu.vector_load %arg6[%get3A_320, %get3A_321] {strides = array<i32>} : memref<256x128xf32, #tpu.memory_space<vmem>>, vector<1x16xf32>,
      %get3A_323 = vector.shape_cast %get3A_322 : vector<1x16xf32> to vector<16xf32>
      %slice3A_324 = vector.extract_strided_slice %get3A_323 {offsets = [6], sizes = [1], strides = [1]} : vector<16xf32> to vector<1xf32>
      %squeeze3A_325 = vector.extract %slice3A_324[0] : f32 from vector<1xf32>
      %mul3A_326 = arith.constant 16 : i32
      %mul3A_327 = arith.muli %scan3A_89, %mul3A_326 : i32
      %add3A_328 = arith.constant 6 : i32
      %add3A_329 = arith.addi %mul3A_327, %add3A_328 : i32
      %get3A_330 = arith.index_cast %add3A_329 : i32 to index
      %get3A_331 = memref.load %arg10[%get3A_330] : memref<128xf32, #tpu.memory_space<smem>>
      %select_n3A_332 = arith.select %eq3A_311, %squeeze3A_325, %get3A_331 : f32
      %mul3A_333 = arith.constant 16 : i32
      %mul3A_334 = arith.muli %scan3A_89, %mul3A_333 : i32
      %add3A_335 = arith.constant 6 : i32
      %add3A_336 = arith.addi %mul3A_334, %add3A_335 : i32
      %swap3A_337 = arith.index_cast %add3A_336 : i32 to index
      %swap3A_338 = memref.load %arg10[%swap3A_337] : memref<128xf32, #tpu.memory_space<smem>>
      memref.store %select_n3A_332, %arg10[%swap3A_337] : memref<128xf32, #tpu.memory_space<smem>>
      %slice3A_339 = vector.extract_strided_slice %get3A_116 {offsets = [7], sizes = [1], strides = [1]} : vector<16xi32> to vector<1xi32>
      %squeeze3A_340 = vector.extract %slice3A_339[0] : i32 from vector<1xi32>
      %shift_right_arithmetic3A_341 = arith.constant 8 : i32
      %shift_right_arithmetic3A_342 = arith.shrsi %squeeze3A_340, %shift_right_arithmetic3A_341 : i32
      %eq3A_343 = arith.constant 2 : i32
      %eq3A_344 = arith.cmpi eq, %shift_right_arithmetic3A_342, %eq3A_343 : i32
      %sub3A_345 = arith.constant 512 : i32
      %sub3A_346 = arith.subi %squeeze3A_340, %sub3A_345 : i32
      %jit3A_347 = arith.constant 0 : i32
      %jit3A_348 = arith.constant 255 : i32
      %max3A_349 = arith.maxsi %jit3A_347, %sub3A_346 : i32
      %min3A_350 = arith.minsi %jit3A_348, %max3A_349 : i32
      %mul3A_351 = arith.constant 16 : i32
      %mul3A_352 = arith.muli %scan3A_89, %mul3A_351 : i32
      %get3A_353 = arith.index_cast %min3A_350 : i32 to index
      %get3A_354 = arith.index_cast %mul3A_352 : i32 to index
      %get3A_355 = tpu.vector_load %arg6[%get3A_353, %get3A_354] {strides = array<i32>} : memref<256x128xf32, #tpu.memory_space<vmem>>, vector<1x16xf32>,
      %get3A_356 = vector.shape_cast %get3A_355 : vector<1x16xf32> to vector<16xf32>
      %slice3A_357 = vector.extract_strided_slice %get3A_356 {offsets = [7], sizes = [1], strides = [1]} : vector<16xf32> to vector<1xf32>
      %squeeze3A_358 = vector.extract %slice3A_357[0] : f32 from vector<1xf32>
      %mul3A_359 = arith.constant 16 : i32
      %mul3A_360 = arith.muli %scan3A_89, %mul3A_359 : i32
      %add3A_361 = arith.constant 7 : i32
      %add3A_362 = arith.addi %mul3A_360, %add3A_361 : i32
      %get3A_363 = arith.index_cast %add3A_362 : i32 to index
      %get3A_364 = memref.load %arg10[%get3A_363] : memref<128xf32, #tpu.memory_space<smem>>
      %select_n3A_365 = arith.select %eq3A_344, %squeeze3A_358, %get3A_364 : f32
      %mul3A_366 = arith.constant 16 : i32
      %mul3A_367 = arith.muli %scan3A_89, %mul3A_366 : i32
      %add3A_368 = arith.constant 7 : i32
      %add3A_369 = arith.addi %mul3A_367, %add3A_368 : i32
      %swap3A_370 = arith.index_cast %add3A_369 : i32 to index
      %swap3A_371 = memref.load %arg10[%swap3A_370] : memref<128xf32, #tpu.memory_space<smem>>
      memref.store %select_n3A_365, %arg10[%swap3A_370] : memref<128xf32, #tpu.memory_space<smem>>
      %slice3A_372 = vector.extract_strided_slice %get3A_116 {offsets = [8], sizes = [1], strides = [1]} : vector<16xi32> to vector<1xi32>
      %squeeze3A_373 = vector.extract %slice3A_372[0] : i32 from vector<1xi32>
      %shift_right_arithmetic3A_374 = arith.constant 8 : i32
      %shift_right_arithmetic3A_375 = arith.shrsi %squeeze3A_373, %shift_right_arithmetic3A_374 : i32
      %eq3A_376 = arith.constant 2 : i32
      %eq3A_377 = arith.cmpi eq, %shift_right_arithmetic3A_375, %eq3A_376 : i32
      %sub3A_378 = arith.constant 512 : i32
      %sub3A_379 = arith.subi %squeeze3A_373, %sub3A_378 : i32
      %jit3A_380 = arith.constant 0 : i32
      %jit3A_381 = arith.constant 255 : i32
      %max3A_382 = arith.maxsi %jit3A_380, %sub3A_379 : i32
      %min3A_383 = arith.minsi %jit3A_381, %max3A_382 : i32
      %mul3A_384 = arith.constant 16 : i32
      %mul3A_385 = arith.muli %scan3A_89, %mul3A_384 : i32
      %get3A_386 = arith.index_cast %min3A_383 : i32 to index
      %get3A_387 = arith.index_cast %mul3A_385 : i32 to index
      %get3A_388 = tpu.vector_load %arg6[%get3A_386, %get3A_387] {strides = array<i32>} : memref<256x128xf32, #tpu.memory_space<vmem>>, vector<1x16xf32>,
      %get3A_389 = vector.shape_cast %get3A_388 : vector<1x16xf32> to vector<16xf32>
      %slice3A_390 = vector.extract_strided_slice %get3A_389 {offsets = [8], sizes = [1], strides = [1]} : vector<16xf32> to vector<1xf32>
      %squeeze3A_391 = vector.extract %slice3A_390[0] : f32 from vector<1xf32>
      %mul3A_392 = arith.constant 16 : i32
      %mul3A_393 = arith.muli %scan3A_89, %mul3A_392 : i32
      %add3A_394 = arith.constant 8 : i32
      %add3A_395 = arith.addi %mul3A_393, %add3A_394 : i32
      %get3A_396 = arith.index_cast %add3A_395 : i32 to index
      %get3A_397 = memref.load %arg10[%get3A_396] : memref<128xf32, #tpu.memory_space<smem>>
      %select_n3A_398 = arith.select %eq3A_377, %squeeze3A_391, %get3A_397 : f32
      %mul3A_399 = arith.constant 16 : i32
      %mul3A_400 = arith.muli %scan3A_89, %mul3A_399 : i32
      %add3A_401 = arith.constant 8 : i32
      %add3A_402 = arith.addi %mul3A_400, %add3A_401 : i32
      %swap3A_403 = arith.index_cast %add3A_402 : i32 to index
      %swap3A_404 = memref.load %arg10[%swap3A_403] : memref<128xf32, #tpu.memory_space<smem>>
      memref.store %select_n3A_398, %arg10[%swap3A_403] : memref<128xf32, #tpu.memory_space<smem>>
      %slice3A_405 = vector.extract_strided_slice %get3A_116 {offsets = [9], sizes = [1], strides = [1]} : vector<16xi32> to vector<1xi32>
      %squeeze3A_406 = vector.extract %slice3A_405[0] : i32 from vector<1xi32>
      %shift_right_arithmetic3A_407 = arith.constant 8 : i32
      %shift_right_arithmetic3A_408 = arith.shrsi %squeeze3A_406, %shift_right_arithmetic3A_407 : i32
      %eq3A_409 = arith.constant 2 : i32
      %eq3A_410 = arith.cmpi eq, %shift_right_arithmetic3A_408, %eq3A_409 : i32
      %sub3A_411 = arith.constant 512 : i32
      %sub3A_412 = arith.subi %squeeze3A_406, %sub3A_411 : i32
      %jit3A_413 = arith.constant 0 : i32
      %jit3A_414 = arith.constant 255 : i32
      %max3A_415 = arith.maxsi %jit3A_413, %sub3A_412 : i32
      %min3A_416 = arith.minsi %jit3A_414, %max3A_415 : i32
      %mul3A_417 = arith.constant 16 : i32
      %mul3A_418 = arith.muli %scan3A_89, %mul3A_417 : i32
      %get3A_419 = arith.index_cast %min3A_416 : i32 to index
      %get3A_420 = arith.index_cast %mul3A_418 : i32 to index
      %get3A_421 = tpu.vector_load %arg6[%get3A_419, %get3A_420] {strides = array<i32>} : memref<256x128xf32, #tpu.memory_space<vmem>>, vector<1x16xf32>,
      %get3A_422 = vector.shape_cast %get3A_421 : vector<1x16xf32> to vector<16xf32>
      %slice3A_423 = vector.extract_strided_slice %get3A_422 {offsets = [9], sizes = [1], strides = [1]} : vector<16xf32> to vector<1xf32>
      %squeeze3A_424 = vector.extract %slice3A_423[0] : f32 from vector<1xf32>
      %mul3A_425 = arith.constant 16 : i32
      %mul3A_426 = arith.muli %scan3A_89, %mul3A_425 : i32
      %add3A_427 = arith.constant 9 : i32
      %add3A_428 = arith.addi %mul3A_426, %add3A_427 : i32
      %get3A_429 = arith.index_cast %add3A_428 : i32 to index
      %get3A_430 = memref.load %arg10[%get3A_429] : memref<128xf32, #tpu.memory_space<smem>>
      %select_n3A_431 = arith.select %eq3A_410, %squeeze3A_424, %get3A_430 : f32
      %mul3A_432 = arith.constant 16 : i32
      %mul3A_433 = arith.muli %scan3A_89, %mul3A_432 : i32
      %add3A_434 = arith.constant 9 : i32
      %add3A_435 = arith.addi %mul3A_433, %add3A_434 : i32
      %swap3A_436 = arith.index_cast %add3A_435 : i32 to index
      %swap3A_437 = memref.load %arg10[%swap3A_436] : memref<128xf32, #tpu.memory_space<smem>>
      memref.store %select_n3A_431, %arg10[%swap3A_436] : memref<128xf32, #tpu.memory_space<smem>>
      %slice3A_438 = vector.extract_strided_slice %get3A_116 {offsets = [10], sizes = [1], strides = [1]} : vector<16xi32> to vector<1xi32>
      %squeeze3A_439 = vector.extract %slice3A_438[0] : i32 from vector<1xi32>
      %shift_right_arithmetic3A_440 = arith.constant 8 : i32
      %shift_right_arithmetic3A_441 = arith.shrsi %squeeze3A_439, %shift_right_arithmetic3A_440 : i32
      %eq3A_442 = arith.constant 2 : i32
      %eq3A_443 = arith.cmpi eq, %shift_right_arithmetic3A_441, %eq3A_442 : i32
      %sub3A_444 = arith.constant 512 : i32
      %sub3A_445 = arith.subi %squeeze3A_439, %sub3A_444 : i32
      %jit3A_446 = arith.constant 0 : i32
      %jit3A_447 = arith.constant 255 : i32
      %max3A_448 = arith.maxsi %jit3A_446, %sub3A_445 : i32
      %min3A_449 = arith.minsi %jit3A_447, %max3A_448 : i32
      %mul3A_450 = arith.constant 16 : i32
      %mul3A_451 = arith.muli %scan3A_89, %mul3A_450 : i32
      %get3A_452 = arith.index_cast %min3A_449 : i32 to index
      %get3A_453 = arith.index_cast %mul3A_451 : i32 to index
      %get3A_454 = tpu.vector_load %arg6[%get3A_452, %get3A_453] {strides = array<i32>} : memref<256x128xf32, #tpu.memory_space<vmem>>, vector<1x16xf32>,
      %get3A_455 = vector.shape_cast %get3A_454 : vector<1x16xf32> to vector<16xf32>
      %slice3A_456 = vector.extract_strided_slice %get3A_455 {offsets = [10], sizes = [1], strides = [1]} : vector<16xf32> to vector<1xf32>
      %squeeze3A_457 = vector.extract %slice3A_456[0] : f32 from vector<1xf32>
      %mul3A_458 = arith.constant 16 : i32
      %mul3A_459 = arith.muli %scan3A_89, %mul3A_458 : i32
      %add3A_460 = arith.constant 10 : i32
      %add3A_461 = arith.addi %mul3A_459, %add3A_460 : i32
      %get3A_462 = arith.index_cast %add3A_461 : i32 to index
      %get3A_463 = memref.load %arg10[%get3A_462] : memref<128xf32, #tpu.memory_space<smem>>
      %select_n3A_464 = arith.select %eq3A_443, %squeeze3A_457, %get3A_463 : f32
      %mul3A_465 = arith.constant 16 : i32
      %mul3A_466 = arith.muli %scan3A_89, %mul3A_465 : i32
      %add3A_467 = arith.constant 10 : i32
      %add3A_468 = arith.addi %mul3A_466, %add3A_467 : i32
      %swap3A_469 = arith.index_cast %add3A_468 : i32 to index
      %swap3A_470 = memref.load %arg10[%swap3A_469] : memref<128xf32, #tpu.memory_space<smem>>
      memref.store %select_n3A_464, %arg10[%swap3A_469] : memref<128xf32, #tpu.memory_space<smem>>
      %slice3A_471 = vector.extract_strided_slice %get3A_116 {offsets = [11], sizes = [1], strides = [1]} : vector<16xi32> to vector<1xi32>
      %squeeze3A_472 = vector.extract %slice3A_471[0] : i32 from vector<1xi32>
      %shift_right_arithmetic3A_473 = arith.constant 8 : i32
      %shift_right_arithmetic3A_474 = arith.shrsi %squeeze3A_472, %shift_right_arithmetic3A_473 : i32
      %eq3A_475 = arith.constant 2 : i32
      %eq3A_476 = arith.cmpi eq, %shift_right_arithmetic3A_474, %eq3A_475 : i32
      %sub3A_477 = arith.constant 512 : i32
      %sub3A_478 = arith.subi %squeeze3A_472, %sub3A_477 : i32
      %jit3A_479 = arith.constant 0 : i32
      %jit3A_480 = arith.constant 255 : i32
      %max3A_481 = arith.maxsi %jit3A_479, %sub3A_478 : i32
      %min3A_482 = arith.minsi %jit3A_480, %max3A_481 : i32
      %mul3A_483 = arith.constant 16 : i32
      %mul3A_484 = arith.muli %scan3A_89, %mul3A_483 : i32
      %get3A_485 = arith.index_cast %min3A_482 : i32 to index
      %get3A_486 = arith.index_cast %mul3A_484 : i32 to index
      %get3A_487 = tpu.vector_load %arg6[%get3A_485, %get3A_486] {strides = array<i32>} : memref<256x128xf32, #tpu.memory_space<vmem>>, vector<1x16xf32>,
      %get3A_488 = vector.shape_cast %get3A_487 : vector<1x16xf32> to vector<16xf32>
      %slice3A_489 = vector.extract_strided_slice %get3A_488 {offsets = [11], sizes = [1], strides = [1]} : vector<16xf32> to vector<1xf32>
      %squeeze3A_490 = vector.extract %slice3A_489[0] : f32 from vector<1xf32>
      %mul3A_491 = arith.constant 16 : i32
      %mul3A_492 = arith.muli %scan3A_89, %mul3A_491 : i32
      %add3A_493 = arith.constant 11 : i32
      %add3A_494 = arith.addi %mul3A_492, %add3A_493 : i32
      %get3A_495 = arith.index_cast %add3A_494 : i32 to index
      %get3A_496 = memref.load %arg10[%get3A_495] : memref<128xf32, #tpu.memory_space<smem>>
      %select_n3A_497 = arith.select %eq3A_476, %squeeze3A_490, %get3A_496 : f32
      %mul3A_498 = arith.constant 16 : i32
      %mul3A_499 = arith.muli %scan3A_89, %mul3A_498 : i32
      %add3A_500 = arith.constant 11 : i32
      %add3A_501 = arith.addi %mul3A_499, %add3A_500 : i32
      %swap3A_502 = arith.index_cast %add3A_501 : i32 to index
      %swap3A_503 = memref.load %arg10[%swap3A_502] : memref<128xf32, #tpu.memory_space<smem>>
      memref.store %select_n3A_497, %arg10[%swap3A_502] : memref<128xf32, #tpu.memory_space<smem>>
      %slice3A_504 = vector.extract_strided_slice %get3A_116 {offsets = [12], sizes = [1], strides = [1]} : vector<16xi32> to vector<1xi32>
      %squeeze3A_505 = vector.extract %slice3A_504[0] : i32 from vector<1xi32>
      %shift_right_arithmetic3A_506 = arith.constant 8 : i32
      %shift_right_arithmetic3A_507 = arith.shrsi %squeeze3A_505, %shift_right_arithmetic3A_506 : i32
      %eq3A_508 = arith.constant 2 : i32
      %eq3A_509 = arith.cmpi eq, %shift_right_arithmetic3A_507, %eq3A_508 : i32
      %sub3A_510 = arith.constant 512 : i32
      %sub3A_511 = arith.subi %squeeze3A_505, %sub3A_510 : i32
      %jit3A_512 = arith.constant 0 : i32
      %jit3A_513 = arith.constant 255 : i32
      %max3A_514 = arith.maxsi %jit3A_512, %sub3A_511 : i32
      %min3A_515 = arith.minsi %jit3A_513, %max3A_514 : i32
      %mul3A_516 = arith.constant 16 : i32
      %mul3A_517 = arith.muli %scan3A_89, %mul3A_516 : i32
      %get3A_518 = arith.index_cast %min3A_515 : i32 to index
      %get3A_519 = arith.index_cast %mul3A_517 : i32 to index
      %get3A_520 = tpu.vector_load %arg6[%get3A_518, %get3A_519] {strides = array<i32>} : memref<256x128xf32, #tpu.memory_space<vmem>>, vector<1x16xf32>,
      %get3A_521 = vector.shape_cast %get3A_520 : vector<1x16xf32> to vector<16xf32>
      %slice3A_522 = vector.extract_strided_slice %get3A_521 {offsets = [12], sizes = [1], strides = [1]} : vector<16xf32> to vector<1xf32>
      %squeeze3A_523 = vector.extract %slice3A_522[0] : f32 from vector<1xf32>
      %mul3A_524 = arith.constant 16 : i32
      %mul3A_525 = arith.muli %scan3A_89, %mul3A_524 : i32
      %add3A_526 = arith.constant 12 : i32
      %add3A_527 = arith.addi %mul3A_525, %add3A_526 : i32
      %get3A_528 = arith.index_cast %add3A_527 : i32 to index
      %get3A_529 = memref.load %arg10[%get3A_528] : memref<128xf32, #tpu.memory_space<smem>>
      %select_n3A_530 = arith.select %eq3A_509, %squeeze3A_523, %get3A_529 : f32
      %mul3A_531 = arith.constant 16 : i32
      %mul3A_532 = arith.muli %scan3A_89, %mul3A_531 : i32
      %add3A_533 = arith.constant 12 : i32
      %add3A_534 = arith.addi %mul3A_532, %add3A_533 : i32
      %swap3A_535 = arith.index_cast %add3A_534 : i32 to index
      %swap3A_536 = memref.load %arg10[%swap3A_535] : memref<128xf32, #tpu.memory_space<smem>>
      memref.store %select_n3A_530, %arg10[%swap3A_535] : memref<128xf32, #tpu.memory_space<smem>>
      %slice3A_537 = vector.extract_strided_slice %get3A_116 {offsets = [13], sizes = [1], strides = [1]} : vector<16xi32> to vector<1xi32>
      %squeeze3A_538 = vector.extract %slice3A_537[0] : i32 from vector<1xi32>
      %shift_right_arithmetic3A_539 = arith.constant 8 : i32
      %shift_right_arithmetic3A_540 = arith.shrsi %squeeze3A_538, %shift_right_arithmetic3A_539 : i32
      %eq3A_541 = arith.constant 2 : i32
      %eq3A_542 = arith.cmpi eq, %shift_right_arithmetic3A_540, %eq3A_541 : i32
      %sub3A_543 = arith.constant 512 : i32
      %sub3A_544 = arith.subi %squeeze3A_538, %sub3A_543 : i32
      %jit3A_545 = arith.constant 0 : i32
      %jit3A_546 = arith.constant 255 : i32
      %max3A_547 = arith.maxsi %jit3A_545, %sub3A_544 : i32
      %min3A_548 = arith.minsi %jit3A_546, %max3A_547 : i32
      %mul3A_549 = arith.constant 16 : i32
      %mul3A_550 = arith.muli %scan3A_89, %mul3A_549 : i32
      %get3A_551 = arith.index_cast %min3A_548 : i32 to index
      %get3A_552 = arith.index_cast %mul3A_550 : i32 to index
      %get3A_553 = tpu.vector_load %arg6[%get3A_551, %get3A_552] {strides = array<i32>} : memref<256x128xf32, #tpu.memory_space<vmem>>, vector<1x16xf32>,
      %get3A_554 = vector.shape_cast %get3A_553 : vector<1x16xf32> to vector<16xf32>
      %slice3A_555 = vector.extract_strided_slice %get3A_554 {offsets = [13], sizes = [1], strides = [1]} : vector<16xf32> to vector<1xf32>
      %squeeze3A_556 = vector.extract %slice3A_555[0] : f32 from vector<1xf32>
      %mul3A_557 = arith.constant 16 : i32
      %mul3A_558 = arith.muli %scan3A_89, %mul3A_557 : i32
      %add3A_559 = arith.constant 13 : i32
      %add3A_560 = arith.addi %mul3A_558, %add3A_559 : i32
      %get3A_561 = arith.index_cast %add3A_560 : i32 to index
      %get3A_562 = memref.load %arg10[%get3A_561] : memref<128xf32, #tpu.memory_space<smem>>
      %select_n3A_563 = arith.select %eq3A_542, %squeeze3A_556, %get3A_562 : f32
      %mul3A_564 = arith.constant 16 : i32
      %mul3A_565 = arith.muli %scan3A_89, %mul3A_564 : i32
      %add3A_566 = arith.constant 13 : i32
      %add3A_567 = arith.addi %mul3A_565, %add3A_566 : i32
      %swap3A_568 = arith.index_cast %add3A_567 : i32 to index
      %swap3A_569 = memref.load %arg10[%swap3A_568] : memref<128xf32, #tpu.memory_space<smem>>
      memref.store %select_n3A_563, %arg10[%swap3A_568] : memref<128xf32, #tpu.memory_space<smem>>
      %slice3A_570 = vector.extract_strided_slice %get3A_116 {offsets = [14], sizes = [1], strides = [1]} : vector<16xi32> to vector<1xi32>
      %squeeze3A_571 = vector.extract %slice3A_570[0] : i32 from vector<1xi32>
      %shift_right_arithmetic3A_572 = arith.constant 8 : i32
      %shift_right_arithmetic3A_573 = arith.shrsi %squeeze3A_571, %shift_right_arithmetic3A_572 : i32
      %eq3A_574 = arith.constant 2 : i32
      %eq3A_575 = arith.cmpi eq, %shift_right_arithmetic3A_573, %eq3A_574 : i32
      %sub3A_576 = arith.constant 512 : i32
      %sub3A_577 = arith.subi %squeeze3A_571, %sub3A_576 : i32
      %jit3A_578 = arith.constant 0 : i32
      %jit3A_579 = arith.constant 255 : i32
      %max3A_580 = arith.maxsi %jit3A_578, %sub3A_577 : i32
      %min3A_581 = arith.minsi %jit3A_579, %max3A_580 : i32
      %mul3A_582 = arith.constant 16 : i32
      %mul3A_583 = arith.muli %scan3A_89, %mul3A_582 : i32
      %get3A_584 = arith.index_cast %min3A_581 : i32 to index
      %get3A_585 = arith.index_cast %mul3A_583 : i32 to index
      %get3A_586 = tpu.vector_load %arg6[%get3A_584, %get3A_585] {strides = array<i32>} : memref<256x128xf32, #tpu.memory_space<vmem>>, vector<1x16xf32>,
      %get3A_587 = vector.shape_cast %get3A_586 : vector<1x16xf32> to vector<16xf32>
      %slice3A_588 = vector.extract_strided_slice %get3A_587 {offsets = [14], sizes = [1], strides = [1]} : vector<16xf32> to vector<1xf32>
      %squeeze3A_589 = vector.extract %slice3A_588[0] : f32 from vector<1xf32>
      %mul3A_590 = arith.constant 16 : i32
      %mul3A_591 = arith.muli %scan3A_89, %mul3A_590 : i32
      %add3A_592 = arith.constant 14 : i32
      %add3A_593 = arith.addi %mul3A_591, %add3A_592 : i32
      %get3A_594 = arith.index_cast %add3A_593 : i32 to index
      %get3A_595 = memref.load %arg10[%get3A_594] : memref<128xf32, #tpu.memory_space<smem>>
      %select_n3A_596 = arith.select %eq3A_575, %squeeze3A_589, %get3A_595 : f32
      %mul3A_597 = arith.constant 16 : i32
      %mul3A_598 = arith.muli %scan3A_89, %mul3A_597 : i32
      %add3A_599 = arith.constant 14 : i32
      %add3A_600 = arith.addi %mul3A_598, %add3A_599 : i32
      %swap3A_601 = arith.index_cast %add3A_600 : i32 to index
      %swap3A_602 = memref.load %arg10[%swap3A_601] : memref<128xf32, #tpu.memory_space<smem>>
      memref.store %select_n3A_596, %arg10[%swap3A_601] : memref<128xf32, #tpu.memory_space<smem>>
      %slice3A_603 = vector.extract_strided_slice %get3A_116 {offsets = [15], sizes = [1], strides = [1]} : vector<16xi32> to vector<1xi32>
      %squeeze3A_604 = vector.extract %slice3A_603[0] : i32 from vector<1xi32>
      %shift_right_arithmetic3A_605 = arith.constant 8 : i32
      %shift_right_arithmetic3A_606 = arith.shrsi %squeeze3A_604, %shift_right_arithmetic3A_605 : i32
      %eq3A_607 = arith.constant 2 : i32
      %eq3A_608 = arith.cmpi eq, %shift_right_arithmetic3A_606, %eq3A_607 : i32
      %sub3A_609 = arith.constant 512 : i32
      %sub3A_610 = arith.subi %squeeze3A_604, %sub3A_609 : i32
      %jit3A_611 = arith.constant 0 : i32
      %jit3A_612 = arith.constant 255 : i32
      %max3A_613 = arith.maxsi %jit3A_611, %sub3A_610 : i32
      %min3A_614 = arith.minsi %jit3A_612, %max3A_613 : i32
      %mul3A_615 = arith.constant 16 : i32
      %mul3A_616 = arith.muli %scan3A_89, %mul3A_615 : i32
      %get3A_617 = arith.index_cast %min3A_614 : i32 to index
      %get3A_618 = arith.index_cast %mul3A_616 : i32 to index
      %get3A_619 = tpu.vector_load %arg6[%get3A_617, %get3A_618] {strides = array<i32>} : memref<256x128xf32, #tpu.memory_space<vmem>>, vector<1x16xf32>,
      %get3A_620 = vector.shape_cast %get3A_619 : vector<1x16xf32> to vector<16xf32>
      %slice3A_621 = vector.extract_strided_slice %get3A_620 {offsets = [15], sizes = [1], strides = [1]} : vector<16xf32> to vector<1xf32>
      %squeeze3A_622 = vector.extract %slice3A_621[0] : f32 from vector<1xf32>
      %mul3A_623 = arith.constant 16 : i32
      %mul3A_624 = arith.muli %scan3A_89, %mul3A_623 : i32
      %add3A_625 = arith.constant 15 : i32
      %add3A_626 = arith.addi %mul3A_624, %add3A_625 : i32
      %get3A_627 = arith.index_cast %add3A_626 : i32 to index
      %get3A_628 = memref.load %arg10[%get3A_627] : memref<128xf32, #tpu.memory_space<smem>>
      %select_n3A_629 = arith.select %eq3A_608, %squeeze3A_622, %get3A_628 : f32
      %mul3A_630 = arith.constant 16 : i32
      %mul3A_631 = arith.muli %scan3A_89, %mul3A_630 : i32
      %add3A_632 = arith.constant 15 : i32
      %add3A_633 = arith.addi %mul3A_631, %add3A_632 : i32
      %swap3A_634 = arith.index_cast %add3A_633 : i32 to index
      %swap3A_635 = memref.load %arg10[%swap3A_634] : memref<128xf32, #tpu.memory_space<smem>>
      memref.store %select_n3A_629, %arg10[%swap3A_634] : memref<128xf32, #tpu.memory_space<smem>>
      %add3A_636 = arith.addf %scan3A_90, %add3A_102 : vector<16xf32>
      scf.yield %add3A_636 : vector<16xf32>
    }
    %scan3A_52 = arith.constant 8 : i32
    %dma_wait3A_53 = arith.constant 744 : i32
    %dma_wait3A_54 = tpu.memref_slice %arg2[%dma_wait3A_53, %add3A_4] : memref<1000x16384xf32, #tpu.memory_space<hbm>> -> memref<256x128xf32, #tpu.memory_space<hbm>>
    %dma_wait3A_55 = arith.constant 744 : i32
    %dma_wait3A_56 = tpu.memref_slice %arg2[%dma_wait3A_55, %add3A_4] : memref<1000x16384xf32, #tpu.memory_space<hbm>> -> memref<256x128xf32, #tpu.memory_space<hbm>>
    tpu.wait_dma2 semaphore(%arg13 : memref<!tpu.dma_semaphore, #tpu.memory_space<semaphore_mem>>) src(%dma_wait3A_56 : memref<256x128xf32, #tpu.memory_space<hbm>>) dst(%arg7 : memref<256x128xf32, #tpu.memory_space<vmem>>)
    %scan3A_57 = arith.constant 0 : i32
    %scan3A_58 = arith.constant 8 : i32
    %scan3A_59 = arith.addi %scan3A_57, %scan3A_58 : i32
    %scan3A_60 = arith.constant 1 : i32
    %scan3A_61 = scf.for %scan3A_89 = %scan3A_57 to %scan3A_59 step %scan3A_60 iter_args(%scan3A_90 = %scan3A_51) -> (vector<16xf32>)  : i32 {
      %scan3A_91 = arith.constant 0 : i32
      %scan3A_92 = arith.constant 29 : i32
      %scan3A_93 = arith.addi %scan3A_91, %scan3A_92 : i32
      %scan3A_94 = arith.constant 1 : i32
      %scan3A_95:8 = scf.for %scan3A_637 = %scan3A_91 to %scan3A_93 step %scan3A_94 iter_args(%scan3A_638 = %broadcast_in_dim3A_15, %scan3A_639 = %broadcast_in_dim3A_15, %scan3A_640 = %broadcast_in_dim3A_15, %scan3A_641 = %broadcast_in_dim3A_15, %scan3A_642 = %broadcast_in_dim3A_15, %scan3A_643 = %broadcast_in_dim3A_15, %scan3A_644 = %broadcast_in_dim3A_15, %scan3A_645 = %broadcast_in_dim3A_15) -> (vector<16xf32>, vector<16xf32>, vector<16xf32>, vector<16xf32>, vector<16xf32>, vector<16xf32>, vector<16xf32>, vector<16xf32>)  : i32 {
        %mul3A_646 = arith.constant 8 : i32
        %mul3A_647 = arith.muli %scan3A_637, %mul3A_646 : i32
        %add3A_648 = arith.constant 24 : i32
        %add3A_649 = arith.addi %add3A_648, %mul3A_647 : i32
        %add3A_650 = arith.constant 0 : i32
        %add3A_651 = arith.addi %add3A_649, %add3A_650 : i32
        %mul3A_652 = arith.constant 16 : i32
        %mul3A_653 = arith.muli %scan3A_89, %mul3A_652 : i32
        %get3A_654 = arith.index_cast %add3A_651 : i32 to index
        %get3A_655 = arith.index_cast %mul3A_653 : i32 to index
        %get3A_656 = tpu.vector_load %arg7[%get3A_654, %get3A_655] {strides = array<i32>} : memref<256x128xf32, #tpu.memory_space<vmem>>, vector<1x16xf32>,
        %get3A_657 = vector.shape_cast %get3A_656 : vector<1x16xf32> to vector<16xf32>
        %add3A_658 = arith.addf %scan3A_638, %get3A_657 : vector<16xf32>
        %mul3A_659 = arith.mulf %get3A_657, %get3A_657 : vector<16xf32>
        %add3A_660 = arith.addf %scan3A_642, %mul3A_659 : vector<16xf32>
        %mul3A_661 = arith.constant 8 : i32
        %mul3A_662 = arith.muli %scan3A_637, %mul3A_661 : i32
        %add3A_663 = arith.constant 24 : i32
        %add3A_664 = arith.addi %add3A_663, %mul3A_662 : i32
        %add3A_665 = arith.constant 1 : i32
        %add3A_666 = arith.addi %add3A_664, %add3A_665 : i32
        %mul3A_667 = arith.constant 16 : i32
        %mul3A_668 = arith.muli %scan3A_89, %mul3A_667 : i32
        %get3A_669 = arith.index_cast %add3A_666 : i32 to index
        %get3A_670 = arith.index_cast %mul3A_668 : i32 to index
        %get3A_671 = tpu.vector_load %arg7[%get3A_669, %get3A_670] {strides = array<i32>} : memref<256x128xf32, #tpu.memory_space<vmem>>, vector<1x16xf32>,
        %get3A_672 = vector.shape_cast %get3A_671 : vector<1x16xf32> to vector<16xf32>
        %add3A_673 = arith.addf %scan3A_639, %get3A_672 : vector<16xf32>
        %mul3A_674 = arith.mulf %get3A_672, %get3A_672 : vector<16xf32>
        %add3A_675 = arith.addf %scan3A_643, %mul3A_674 : vector<16xf32>
        %mul3A_676 = arith.constant 8 : i32
        %mul3A_677 = arith.muli %scan3A_637, %mul3A_676 : i32
        %add3A_678 = arith.constant 24 : i32
        %add3A_679 = arith.addi %add3A_678, %mul3A_677 : i32
        %add3A_680 = arith.constant 2 : i32
        %add3A_681 = arith.addi %add3A_679, %add3A_680 : i32
        %mul3A_682 = arith.constant 16 : i32
        %mul3A_683 = arith.muli %scan3A_89, %mul3A_682 : i32
        %get3A_684 = arith.index_cast %add3A_681 : i32 to index
        %get3A_685 = arith.index_cast %mul3A_683 : i32 to index
        %get3A_686 = tpu.vector_load %arg7[%get3A_684, %get3A_685] {strides = array<i32>} : memref<256x128xf32, #tpu.memory_space<vmem>>, vector<1x16xf32>,
        %get3A_687 = vector.shape_cast %get3A_686 : vector<1x16xf32> to vector<16xf32>
        %add3A_688 = arith.addf %scan3A_640, %get3A_687 : vector<16xf32>
        %mul3A_689 = arith.mulf %get3A_687, %get3A_687 : vector<16xf32>
        %add3A_690 = arith.addf %scan3A_644, %mul3A_689 : vector<16xf32>
        %mul3A_691 = arith.constant 8 : i32
        %mul3A_692 = arith.muli %scan3A_637, %mul3A_691 : i32
        %add3A_693 = arith.constant 24 : i32
        %add3A_694 = arith.addi %add3A_693, %mul3A_692 : i32
        %add3A_695 = arith.constant 3 : i32
        %add3A_696 = arith.addi %add3A_694, %add3A_695 : i32
        %mul3A_697 = arith.constant 16 : i32
        %mul3A_698 = arith.muli %scan3A_89, %mul3A_697 : i32
        %get3A_699 = arith.index_cast %add3A_696 : i32 to index
        %get3A_700 = arith.index_cast %mul3A_698 : i32 to index
        %get3A_701 = tpu.vector_load %arg7[%get3A_699, %get3A_700] {strides = array<i32>} : memref<256x128xf32, #tpu.memory_space<vmem>>, vector<1x16xf32>,
        %get3A_702 = vector.shape_cast %get3A_701 : vector<1x16xf32> to vector<16xf32>
        %add3A_703 = arith.addf %scan3A_641, %get3A_702 : vector<16xf32>
        %mul3A_704 = arith.mulf %get3A_702, %get3A_702 : vector<16xf32>
        %add3A_705 = arith.addf %scan3A_645, %mul3A_704 : vector<16xf32>
        %mul3A_706 = arith.constant 8 : i32
        %mul3A_707 = arith.muli %scan3A_637, %mul3A_706 : i32
        %add3A_708 = arith.constant 24 : i32
        %add3A_709 = arith.addi %add3A_708, %mul3A_707 : i32
        %add3A_710 = arith.constant 4 : i32
        %add3A_711 = arith.addi %add3A_709, %add3A_710 : i32
        %mul3A_712 = arith.constant 16 : i32
        %mul3A_713 = arith.muli %scan3A_89, %mul3A_712 : i32
        %get3A_714 = arith.index_cast %add3A_711 : i32 to index
        %get3A_715 = arith.index_cast %mul3A_713 : i32 to index
        %get3A_716 = tpu.vector_load %arg7[%get3A_714, %get3A_715] {strides = array<i32>} : memref<256x128xf32, #tpu.memory_space<vmem>>, vector<1x16xf32>,
        %get3A_717 = vector.shape_cast %get3A_716 : vector<1x16xf32> to vector<16xf32>
        %add3A_718 = arith.addf %add3A_658, %get3A_717 : vector<16xf32>
        %mul3A_719 = arith.mulf %get3A_717, %get3A_717 : vector<16xf32>
        %add3A_720 = arith.addf %add3A_660, %mul3A_719 : vector<16xf32>
        %mul3A_721 = arith.constant 8 : i32
        %mul3A_722 = arith.muli %scan3A_637, %mul3A_721 : i32
        %add3A_723 = arith.constant 24 : i32
        %add3A_724 = arith.addi %add3A_723, %mul3A_722 : i32
        %add3A_725 = arith.constant 5 : i32
        %add3A_726 = arith.addi %add3A_724, %add3A_725 : i32
        %mul3A_727 = arith.constant 16 : i32
        %mul3A_728 = arith.muli %scan3A_89, %mul3A_727 : i32
        %get3A_729 = arith.index_cast %add3A_726 : i32 to index
        %get3A_730 = arith.index_cast %mul3A_728 : i32 to index
        %get3A_731 = tpu.vector_load %arg7[%get3A_729, %get3A_730] {strides = array<i32>} : memref<256x128xf32, #tpu.memory_space<vmem>>, vector<1x16xf32>,
        %get3A_732 = vector.shape_cast %get3A_731 : vector<1x16xf32> to vector<16xf32>
        %add3A_733 = arith.addf %add3A_673, %get3A_732 : vector<16xf32>
        %mul3A_734 = arith.mulf %get3A_732, %get3A_732 : vector<16xf32>
        %add3A_735 = arith.addf %add3A_675, %mul3A_734 : vector<16xf32>
        %mul3A_736 = arith.constant 8 : i32
        %mul3A_737 = arith.muli %scan3A_637, %mul3A_736 : i32
        %add3A_738 = arith.constant 24 : i32
        %add3A_739 = arith.addi %add3A_738, %mul3A_737 : i32
        %add3A_740 = arith.constant 6 : i32
        %add3A_741 = arith.addi %add3A_739, %add3A_740 : i32
        %mul3A_742 = arith.constant 16 : i32
        %mul3A_743 = arith.muli %scan3A_89, %mul3A_742 : i32
        %get3A_744 = arith.index_cast %add3A_741 : i32 to index
        %get3A_745 = arith.index_cast %mul3A_743 : i32 to index
        %get3A_746 = tpu.vector_load %arg7[%get3A_744, %get3A_745] {strides = array<i32>} : memref<256x128xf32, #tpu.memory_space<vmem>>, vector<1x16xf32>,
        %get3A_747 = vector.shape_cast %get3A_746 : vector<1x16xf32> to vector<16xf32>
        %add3A_748 = arith.addf %add3A_688, %get3A_747 : vector<16xf32>
        %mul3A_749 = arith.mulf %get3A_747, %get3A_747 : vector<16xf32>
        %add3A_750 = arith.addf %add3A_690, %mul3A_749 : vector<16xf32>
        %mul3A_751 = arith.constant 8 : i32
        %mul3A_752 = arith.muli %scan3A_637, %mul3A_751 : i32
        %add3A_753 = arith.constant 24 : i32
        %add3A_754 = arith.addi %add3A_753, %mul3A_752 : i32
        %add3A_755 = arith.constant 7 : i32
        %add3A_756 = arith.addi %add3A_754, %add3A_755 : i32
        %mul3A_757 = arith.constant 16 : i32
        %mul3A_758 = arith.muli %scan3A_89, %mul3A_757 : i32
        %get3A_759 = arith.index_cast %add3A_756 : i32 to index
        %get3A_760 = arith.index_cast %mul3A_758 : i32 to index
        %get3A_761 = tpu.vector_load %arg7[%get3A_759, %get3A_760] {strides = array<i32>} : memref<256x128xf32, #tpu.memory_space<vmem>>, vector<1x16xf32>,
        %get3A_762 = vector.shape_cast %get3A_761 : vector<1x16xf32> to vector<16xf32>
        %add3A_763 = arith.addf %add3A_703, %get3A_762 : vector<16xf32>
        %mul3A_764 = arith.mulf %get3A_762, %get3A_762 : vector<16xf32>
        %add3A_765 = arith.addf %add3A_705, %mul3A_764 : vector<16xf32>
        scf.yield %add3A_718, %add3A_733, %add3A_748, %add3A_763, %add3A_720, %add3A_735, %add3A_750, %add3A_765 : vector<16xf32>, vector<16xf32>, vector<16xf32>, vector<16xf32>, vector<16xf32>, vector<16xf32>, vector<16xf32>, vector<16xf32>
      }
      %scan3A_96 = arith.constant 29 : i32
      %add3A_97 = arith.addf %scan3A_95#0, %scan3A_95#1 : vector<16xf32>
      %add3A_98 = arith.addf %scan3A_95#2, %scan3A_95#3 : vector<16xf32>
      %add3A_99 = arith.addf %add3A_97, %add3A_98 : vector<16xf32>
      %add3A_100 = arith.addf %scan3A_95#4, %scan3A_95#5 : vector<16xf32>
      %add3A_101 = arith.addf %scan3A_95#6, %scan3A_95#7 : vector<16xf32>
      %add3A_102 = arith.addf %add3A_100, %add3A_101 : vector<16xf32>
      %get3A = arith.index_cast %scan3A_89 : i32 to index
      %get3A_103 = arith.constant 0 : index
      %get3A_104 = tpu.vector_load %arg9[%get3A, %get3A_103] {strides = array<i32>} : memref<8x16xf32, #tpu.memory_space<vmem>>, vector<1x16xf32>,
      %get3A_105 = vector.shape_cast %get3A_104 : vector<1x16xf32> to vector<16xf32>
      %add3A_106 = arith.addf %get3A_105, %add3A_99 : vector<16xf32>
      %swap3A_107 = arith.index_cast %scan3A_89 : i32 to index
      %swap3A_108 = arith.constant 0 : index
      %swap3A_109 = tpu.vector_load %arg9[%swap3A_107, %swap3A_108] {strides = array<i32>} : memref<8x16xf32, #tpu.memory_space<vmem>>, vector<1x16xf32>,
      %swap3A_110 = vector.shape_cast %swap3A_109 : vector<1x16xf32> to vector<16xf32>
      %swap3A_111 = vector.shape_cast %add3A_106 : vector<16xf32> to vector<1x16xf32>
      tpu.vector_store %arg9[%swap3A_107, %swap3A_108], %swap3A_111 {strides = array<i32>} : memref<8x16xf32, #tpu.memory_space<vmem>>, vector<1x16xf32>,
      %mul3A_112 = arith.constant 16 : i32
      %mul3A_113 = arith.muli %scan3A_89, %mul3A_112 : i32
      %get3A_114 = arith.index_cast %mul3A_113 : i32 to index
      %get3A_115 = tpu.vector_load %arg5[%get3A_114] {strides = array<i32>} : memref<128xi32, #tpu.memory_space<vmem>>, vector<16xi32>,
      %get3A_116 = vector.shape_cast %get3A_115 : vector<16xi32> to vector<16xi32>
      %slice3A = vector.extract_strided_slice %get3A_116 {offsets = [0], sizes = [1], strides = [1]} : vector<16xi32> to vector<1xi32>
      %squeeze3A = vector.extract %slice3A[0] : i32 from vector<1xi32>
      %shift_right_arithmetic3A = arith.constant 8 : i32
      %shift_right_arithmetic3A_117 = arith.shrsi %squeeze3A, %shift_right_arithmetic3A : i32
      %eq3A = arith.constant 3 : i32
      %eq3A_118 = arith.cmpi eq, %shift_right_arithmetic3A_117, %eq3A : i32
      %sub3A = arith.constant 744 : i32
      %sub3A_119 = arith.subi %squeeze3A, %sub3A : i32
      %jit3A = arith.constant 0 : i32
      %jit3A_120 = arith.constant 255 : i32
      %max3A = arith.maxsi %jit3A, %sub3A_119 : i32
      %min3A = arith.minsi %jit3A_120, %max3A : i32
      %mul3A_121 = arith.constant 16 : i32
      %mul3A_122 = arith.muli %scan3A_89, %mul3A_121 : i32
      %get3A_123 = arith.index_cast %min3A : i32 to index
      %get3A_124 = arith.index_cast %mul3A_122 : i32 to index
      %get3A_125 = tpu.vector_load %arg7[%get3A_123, %get3A_124] {strides = array<i32>} : memref<256x128xf32, #tpu.memory_space<vmem>>, vector<1x16xf32>,
      %get3A_126 = vector.shape_cast %get3A_125 : vector<1x16xf32> to vector<16xf32>
      %slice3A_127 = vector.extract_strided_slice %get3A_126 {offsets = [0], sizes = [1], strides = [1]} : vector<16xf32> to vector<1xf32>
      %squeeze3A_128 = vector.extract %slice3A_127[0] : f32 from vector<1xf32>
      %mul3A_129 = arith.constant 16 : i32
      %mul3A_130 = arith.muli %scan3A_89, %mul3A_129 : i32
      %add3A_131 = arith.constant 0 : i32
      %add3A_132 = arith.addi %mul3A_130, %add3A_131 : i32
      %get3A_133 = arith.index_cast %add3A_132 : i32 to index
      %get3A_134 = memref.load %arg10[%get3A_133] : memref<128xf32, #tpu.memory_space<smem>>
      %select_n3A = arith.select %eq3A_118, %squeeze3A_128, %get3A_134 : f32
      %mul3A_135 = arith.constant 16 : i32
      %mul3A_136 = arith.muli %scan3A_89, %mul3A_135 : i32
      %add3A_137 = arith.constant 0 : i32
      %add3A_138 = arith.addi %mul3A_136, %add3A_137 : i32
      %swap3A_139 = arith.index_cast %add3A_138 : i32 to index
      %swap3A_140 = memref.load %arg10[%swap3A_139] : memref<128xf32, #tpu.memory_space<smem>>
      memref.store %select_n3A, %arg10[%swap3A_139] : memref<128xf32, #tpu.memory_space<smem>>
      %slice3A_141 = vector.extract_strided_slice %get3A_116 {offsets = [1], sizes = [1], strides = [1]} : vector<16xi32> to vector<1xi32>
      %squeeze3A_142 = vector.extract %slice3A_141[0] : i32 from vector<1xi32>
      %shift_right_arithmetic3A_143 = arith.constant 8 : i32
      %shift_right_arithmetic3A_144 = arith.shrsi %squeeze3A_142, %shift_right_arithmetic3A_143 : i32
      %eq3A_145 = arith.constant 3 : i32
      %eq3A_146 = arith.cmpi eq, %shift_right_arithmetic3A_144, %eq3A_145 : i32
      %sub3A_147 = arith.constant 744 : i32
      %sub3A_148 = arith.subi %squeeze3A_142, %sub3A_147 : i32
      %jit3A_149 = arith.constant 0 : i32
      %jit3A_150 = arith.constant 255 : i32
      %max3A_151 = arith.maxsi %jit3A_149, %sub3A_148 : i32
      %min3A_152 = arith.minsi %jit3A_150, %max3A_151 : i32
      %mul3A_153 = arith.constant 16 : i32
      %mul3A_154 = arith.muli %scan3A_89, %mul3A_153 : i32
      %get3A_155 = arith.index_cast %min3A_152 : i32 to index
      %get3A_156 = arith.index_cast %mul3A_154 : i32 to index
      %get3A_157 = tpu.vector_load %arg7[%get3A_155, %get3A_156] {strides = array<i32>} : memref<256x128xf32, #tpu.memory_space<vmem>>, vector<1x16xf32>,
      %get3A_158 = vector.shape_cast %get3A_157 : vector<1x16xf32> to vector<16xf32>
      %slice3A_159 = vector.extract_strided_slice %get3A_158 {offsets = [1], sizes = [1], strides = [1]} : vector<16xf32> to vector<1xf32>
      %squeeze3A_160 = vector.extract %slice3A_159[0] : f32 from vector<1xf32>
      %mul3A_161 = arith.constant 16 : i32
      %mul3A_162 = arith.muli %scan3A_89, %mul3A_161 : i32
      %add3A_163 = arith.constant 1 : i32
      %add3A_164 = arith.addi %mul3A_162, %add3A_163 : i32
      %get3A_165 = arith.index_cast %add3A_164 : i32 to index
      %get3A_166 = memref.load %arg10[%get3A_165] : memref<128xf32, #tpu.memory_space<smem>>
      %select_n3A_167 = arith.select %eq3A_146, %squeeze3A_160, %get3A_166 : f32
      %mul3A_168 = arith.constant 16 : i32
      %mul3A_169 = arith.muli %scan3A_89, %mul3A_168 : i32
      %add3A_170 = arith.constant 1 : i32
      %add3A_171 = arith.addi %mul3A_169, %add3A_170 : i32
      %swap3A_172 = arith.index_cast %add3A_171 : i32 to index
      %swap3A_173 = memref.load %arg10[%swap3A_172] : memref<128xf32, #tpu.memory_space<smem>>
      memref.store %select_n3A_167, %arg10[%swap3A_172] : memref<128xf32, #tpu.memory_space<smem>>
      %slice3A_174 = vector.extract_strided_slice %get3A_116 {offsets = [2], sizes = [1], strides = [1]} : vector<16xi32> to vector<1xi32>
      %squeeze3A_175 = vector.extract %slice3A_174[0] : i32 from vector<1xi32>
      %shift_right_arithmetic3A_176 = arith.constant 8 : i32
      %shift_right_arithmetic3A_177 = arith.shrsi %squeeze3A_175, %shift_right_arithmetic3A_176 : i32
      %eq3A_178 = arith.constant 3 : i32
      %eq3A_179 = arith.cmpi eq, %shift_right_arithmetic3A_177, %eq3A_178 : i32
      %sub3A_180 = arith.constant 744 : i32
      %sub3A_181 = arith.subi %squeeze3A_175, %sub3A_180 : i32
      %jit3A_182 = arith.constant 0 : i32
      %jit3A_183 = arith.constant 255 : i32
      %max3A_184 = arith.maxsi %jit3A_182, %sub3A_181 : i32
      %min3A_185 = arith.minsi %jit3A_183, %max3A_184 : i32
      %mul3A_186 = arith.constant 16 : i32
      %mul3A_187 = arith.muli %scan3A_89, %mul3A_186 : i32
      %get3A_188 = arith.index_cast %min3A_185 : i32 to index
      %get3A_189 = arith.index_cast %mul3A_187 : i32 to index
      %get3A_190 = tpu.vector_load %arg7[%get3A_188, %get3A_189] {strides = array<i32>} : memref<256x128xf32, #tpu.memory_space<vmem>>, vector<1x16xf32>,
      %get3A_191 = vector.shape_cast %get3A_190 : vector<1x16xf32> to vector<16xf32>
      %slice3A_192 = vector.extract_strided_slice %get3A_191 {offsets = [2], sizes = [1], strides = [1]} : vector<16xf32> to vector<1xf32>
      %squeeze3A_193 = vector.extract %slice3A_192[0] : f32 from vector<1xf32>
      %mul3A_194 = arith.constant 16 : i32
      %mul3A_195 = arith.muli %scan3A_89, %mul3A_194 : i32
      %add3A_196 = arith.constant 2 : i32
      %add3A_197 = arith.addi %mul3A_195, %add3A_196 : i32
      %get3A_198 = arith.index_cast %add3A_197 : i32 to index
      %get3A_199 = memref.load %arg10[%get3A_198] : memref<128xf32, #tpu.memory_space<smem>>
      %select_n3A_200 = arith.select %eq3A_179, %squeeze3A_193, %get3A_199 : f32
      %mul3A_201 = arith.constant 16 : i32
      %mul3A_202 = arith.muli %scan3A_89, %mul3A_201 : i32
      %add3A_203 = arith.constant 2 : i32
      %add3A_204 = arith.addi %mul3A_202, %add3A_203 : i32
      %swap3A_205 = arith.index_cast %add3A_204 : i32 to index
      %swap3A_206 = memref.load %arg10[%swap3A_205] : memref<128xf32, #tpu.memory_space<smem>>
      memref.store %select_n3A_200, %arg10[%swap3A_205] : memref<128xf32, #tpu.memory_space<smem>>
      %slice3A_207 = vector.extract_strided_slice %get3A_116 {offsets = [3], sizes = [1], strides = [1]} : vector<16xi32> to vector<1xi32>
      %squeeze3A_208 = vector.extract %slice3A_207[0] : i32 from vector<1xi32>
      %shift_right_arithmetic3A_209 = arith.constant 8 : i32
      %shift_right_arithmetic3A_210 = arith.shrsi %squeeze3A_208, %shift_right_arithmetic3A_209 : i32
      %eq3A_211 = arith.constant 3 : i32
      %eq3A_212 = arith.cmpi eq, %shift_right_arithmetic3A_210, %eq3A_211 : i32
      %sub3A_213 = arith.constant 744 : i32
      %sub3A_214 = arith.subi %squeeze3A_208, %sub3A_213 : i32
      %jit3A_215 = arith.constant 0 : i32
      %jit3A_216 = arith.constant 255 : i32
      %max3A_217 = arith.maxsi %jit3A_215, %sub3A_214 : i32
      %min3A_218 = arith.minsi %jit3A_216, %max3A_217 : i32
      %mul3A_219 = arith.constant 16 : i32
      %mul3A_220 = arith.muli %scan3A_89, %mul3A_219 : i32
      %get3A_221 = arith.index_cast %min3A_218 : i32 to index
      %get3A_222 = arith.index_cast %mul3A_220 : i32 to index
      %get3A_223 = tpu.vector_load %arg7[%get3A_221, %get3A_222] {strides = array<i32>} : memref<256x128xf32, #tpu.memory_space<vmem>>, vector<1x16xf32>,
      %get3A_224 = vector.shape_cast %get3A_223 : vector<1x16xf32> to vector<16xf32>
      %slice3A_225 = vector.extract_strided_slice %get3A_224 {offsets = [3], sizes = [1], strides = [1]} : vector<16xf32> to vector<1xf32>
      %squeeze3A_226 = vector.extract %slice3A_225[0] : f32 from vector<1xf32>
      %mul3A_227 = arith.constant 16 : i32
      %mul3A_228 = arith.muli %scan3A_89, %mul3A_227 : i32
      %add3A_229 = arith.constant 3 : i32
      %add3A_230 = arith.addi %mul3A_228, %add3A_229 : i32
      %get3A_231 = arith.index_cast %add3A_230 : i32 to index
      %get3A_232 = memref.load %arg10[%get3A_231] : memref<128xf32, #tpu.memory_space<smem>>
      %select_n3A_233 = arith.select %eq3A_212, %squeeze3A_226, %get3A_232 : f32
      %mul3A_234 = arith.constant 16 : i32
      %mul3A_235 = arith.muli %scan3A_89, %mul3A_234 : i32
      %add3A_236 = arith.constant 3 : i32
      %add3A_237 = arith.addi %mul3A_235, %add3A_236 : i32
      %swap3A_238 = arith.index_cast %add3A_237 : i32 to index
      %swap3A_239 = memref.load %arg10[%swap3A_238] : memref<128xf32, #tpu.memory_space<smem>>
      memref.store %select_n3A_233, %arg10[%swap3A_238] : memref<128xf32, #tpu.memory_space<smem>>
      %slice3A_240 = vector.extract_strided_slice %get3A_116 {offsets = [4], sizes = [1], strides = [1]} : vector<16xi32> to vector<1xi32>
      %squeeze3A_241 = vector.extract %slice3A_240[0] : i32 from vector<1xi32>
      %shift_right_arithmetic3A_242 = arith.constant 8 : i32
      %shift_right_arithmetic3A_243 = arith.shrsi %squeeze3A_241, %shift_right_arithmetic3A_242 : i32
      %eq3A_244 = arith.constant 3 : i32
      %eq3A_245 = arith.cmpi eq, %shift_right_arithmetic3A_243, %eq3A_244 : i32
      %sub3A_246 = arith.constant 744 : i32
      %sub3A_247 = arith.subi %squeeze3A_241, %sub3A_246 : i32
      %jit3A_248 = arith.constant 0 : i32
      %jit3A_249 = arith.constant 255 : i32
      %max3A_250 = arith.maxsi %jit3A_248, %sub3A_247 : i32
      %min3A_251 = arith.minsi %jit3A_249, %max3A_250 : i32
      %mul3A_252 = arith.constant 16 : i32
      %mul3A_253 = arith.muli %scan3A_89, %mul3A_252 : i32
      %get3A_254 = arith.index_cast %min3A_251 : i32 to index
      %get3A_255 = arith.index_cast %mul3A_253 : i32 to index
      %get3A_256 = tpu.vector_load %arg7[%get3A_254, %get3A_255] {strides = array<i32>} : memref<256x128xf32, #tpu.memory_space<vmem>>, vector<1x16xf32>,
      %get3A_257 = vector.shape_cast %get3A_256 : vector<1x16xf32> to vector<16xf32>
      %slice3A_258 = vector.extract_strided_slice %get3A_257 {offsets = [4], sizes = [1], strides = [1]} : vector<16xf32> to vector<1xf32>
      %squeeze3A_259 = vector.extract %slice3A_258[0] : f32 from vector<1xf32>
      %mul3A_260 = arith.constant 16 : i32
      %mul3A_261 = arith.muli %scan3A_89, %mul3A_260 : i32
      %add3A_262 = arith.constant 4 : i32
      %add3A_263 = arith.addi %mul3A_261, %add3A_262 : i32
      %get3A_264 = arith.index_cast %add3A_263 : i32 to index
      %get3A_265 = memref.load %arg10[%get3A_264] : memref<128xf32, #tpu.memory_space<smem>>
      %select_n3A_266 = arith.select %eq3A_245, %squeeze3A_259, %get3A_265 : f32
      %mul3A_267 = arith.constant 16 : i32
      %mul3A_268 = arith.muli %scan3A_89, %mul3A_267 : i32
      %add3A_269 = arith.constant 4 : i32
      %add3A_270 = arith.addi %mul3A_268, %add3A_269 : i32
      %swap3A_271 = arith.index_cast %add3A_270 : i32 to index
      %swap3A_272 = memref.load %arg10[%swap3A_271] : memref<128xf32, #tpu.memory_space<smem>>
      memref.store %select_n3A_266, %arg10[%swap3A_271] : memref<128xf32, #tpu.memory_space<smem>>
      %slice3A_273 = vector.extract_strided_slice %get3A_116 {offsets = [5], sizes = [1], strides = [1]} : vector<16xi32> to vector<1xi32>
      %squeeze3A_274 = vector.extract %slice3A_273[0] : i32 from vector<1xi32>
      %shift_right_arithmetic3A_275 = arith.constant 8 : i32
      %shift_right_arithmetic3A_276 = arith.shrsi %squeeze3A_274, %shift_right_arithmetic3A_275 : i32
      %eq3A_277 = arith.constant 3 : i32
      %eq3A_278 = arith.cmpi eq, %shift_right_arithmetic3A_276, %eq3A_277 : i32
      %sub3A_279 = arith.constant 744 : i32
      %sub3A_280 = arith.subi %squeeze3A_274, %sub3A_279 : i32
      %jit3A_281 = arith.constant 0 : i32
      %jit3A_282 = arith.constant 255 : i32
      %max3A_283 = arith.maxsi %jit3A_281, %sub3A_280 : i32
      %min3A_284 = arith.minsi %jit3A_282, %max3A_283 : i32
      %mul3A_285 = arith.constant 16 : i32
      %mul3A_286 = arith.muli %scan3A_89, %mul3A_285 : i32
      %get3A_287 = arith.index_cast %min3A_284 : i32 to index
      %get3A_288 = arith.index_cast %mul3A_286 : i32 to index
      %get3A_289 = tpu.vector_load %arg7[%get3A_287, %get3A_288] {strides = array<i32>} : memref<256x128xf32, #tpu.memory_space<vmem>>, vector<1x16xf32>,
      %get3A_290 = vector.shape_cast %get3A_289 : vector<1x16xf32> to vector<16xf32>
      %slice3A_291 = vector.extract_strided_slice %get3A_290 {offsets = [5], sizes = [1], strides = [1]} : vector<16xf32> to vector<1xf32>
      %squeeze3A_292 = vector.extract %slice3A_291[0] : f32 from vector<1xf32>
      %mul3A_293 = arith.constant 16 : i32
      %mul3A_294 = arith.muli %scan3A_89, %mul3A_293 : i32
      %add3A_295 = arith.constant 5 : i32
      %add3A_296 = arith.addi %mul3A_294, %add3A_295 : i32
      %get3A_297 = arith.index_cast %add3A_296 : i32 to index
      %get3A_298 = memref.load %arg10[%get3A_297] : memref<128xf32, #tpu.memory_space<smem>>
      %select_n3A_299 = arith.select %eq3A_278, %squeeze3A_292, %get3A_298 : f32
      %mul3A_300 = arith.constant 16 : i32
      %mul3A_301 = arith.muli %scan3A_89, %mul3A_300 : i32
      %add3A_302 = arith.constant 5 : i32
      %add3A_303 = arith.addi %mul3A_301, %add3A_302 : i32
      %swap3A_304 = arith.index_cast %add3A_303 : i32 to index
      %swap3A_305 = memref.load %arg10[%swap3A_304] : memref<128xf32, #tpu.memory_space<smem>>
      memref.store %select_n3A_299, %arg10[%swap3A_304] : memref<128xf32, #tpu.memory_space<smem>>
      %slice3A_306 = vector.extract_strided_slice %get3A_116 {offsets = [6], sizes = [1], strides = [1]} : vector<16xi32> to vector<1xi32>
      %squeeze3A_307 = vector.extract %slice3A_306[0] : i32 from vector<1xi32>
      %shift_right_arithmetic3A_308 = arith.constant 8 : i32
      %shift_right_arithmetic3A_309 = arith.shrsi %squeeze3A_307, %shift_right_arithmetic3A_308 : i32
      %eq3A_310 = arith.constant 3 : i32
      %eq3A_311 = arith.cmpi eq, %shift_right_arithmetic3A_309, %eq3A_310 : i32
      %sub3A_312 = arith.constant 744 : i32
      %sub3A_313 = arith.subi %squeeze3A_307, %sub3A_312 : i32
      %jit3A_314 = arith.constant 0 : i32
      %jit3A_315 = arith.constant 255 : i32
      %max3A_316 = arith.maxsi %jit3A_314, %sub3A_313 : i32
      %min3A_317 = arith.minsi %jit3A_315, %max3A_316 : i32
      %mul3A_318 = arith.constant 16 : i32
      %mul3A_319 = arith.muli %scan3A_89, %mul3A_318 : i32
      %get3A_320 = arith.index_cast %min3A_317 : i32 to index
      %get3A_321 = arith.index_cast %mul3A_319 : i32 to index
      %get3A_322 = tpu.vector_load %arg7[%get3A_320, %get3A_321] {strides = array<i32>} : memref<256x128xf32, #tpu.memory_space<vmem>>, vector<1x16xf32>,
      %get3A_323 = vector.shape_cast %get3A_322 : vector<1x16xf32> to vector<16xf32>
      %slice3A_324 = vector.extract_strided_slice %get3A_323 {offsets = [6], sizes = [1], strides = [1]} : vector<16xf32> to vector<1xf32>
      %squeeze3A_325 = vector.extract %slice3A_324[0] : f32 from vector<1xf32>
      %mul3A_326 = arith.constant 16 : i32
      %mul3A_327 = arith.muli %scan3A_89, %mul3A_326 : i32
      %add3A_328 = arith.constant 6 : i32
      %add3A_329 = arith.addi %mul3A_327, %add3A_328 : i32
      %get3A_330 = arith.index_cast %add3A_329 : i32 to index
      %get3A_331 = memref.load %arg10[%get3A_330] : memref<128xf32, #tpu.memory_space<smem>>
      %select_n3A_332 = arith.select %eq3A_311, %squeeze3A_325, %get3A_331 : f32
      %mul3A_333 = arith.constant 16 : i32
      %mul3A_334 = arith.muli %scan3A_89, %mul3A_333 : i32
      %add3A_335 = arith.constant 6 : i32
      %add3A_336 = arith.addi %mul3A_334, %add3A_335 : i32
      %swap3A_337 = arith.index_cast %add3A_336 : i32 to index
      %swap3A_338 = memref.load %arg10[%swap3A_337] : memref<128xf32, #tpu.memory_space<smem>>
      memref.store %select_n3A_332, %arg10[%swap3A_337] : memref<128xf32, #tpu.memory_space<smem>>
      %slice3A_339 = vector.extract_strided_slice %get3A_116 {offsets = [7], sizes = [1], strides = [1]} : vector<16xi32> to vector<1xi32>
      %squeeze3A_340 = vector.extract %slice3A_339[0] : i32 from vector<1xi32>
      %shift_right_arithmetic3A_341 = arith.constant 8 : i32
      %shift_right_arithmetic3A_342 = arith.shrsi %squeeze3A_340, %shift_right_arithmetic3A_341 : i32
      %eq3A_343 = arith.constant 3 : i32
      %eq3A_344 = arith.cmpi eq, %shift_right_arithmetic3A_342, %eq3A_343 : i32
      %sub3A_345 = arith.constant 744 : i32
      %sub3A_346 = arith.subi %squeeze3A_340, %sub3A_345 : i32
      %jit3A_347 = arith.constant 0 : i32
      %jit3A_348 = arith.constant 255 : i32
      %max3A_349 = arith.maxsi %jit3A_347, %sub3A_346 : i32
      %min3A_350 = arith.minsi %jit3A_348, %max3A_349 : i32
      %mul3A_351 = arith.constant 16 : i32
      %mul3A_352 = arith.muli %scan3A_89, %mul3A_351 : i32
      %get3A_353 = arith.index_cast %min3A_350 : i32 to index
      %get3A_354 = arith.index_cast %mul3A_352 : i32 to index
      %get3A_355 = tpu.vector_load %arg7[%get3A_353, %get3A_354] {strides = array<i32>} : memref<256x128xf32, #tpu.memory_space<vmem>>, vector<1x16xf32>,
      %get3A_356 = vector.shape_cast %get3A_355 : vector<1x16xf32> to vector<16xf32>
      %slice3A_357 = vector.extract_strided_slice %get3A_356 {offsets = [7], sizes = [1], strides = [1]} : vector<16xf32> to vector<1xf32>
      %squeeze3A_358 = vector.extract %slice3A_357[0] : f32 from vector<1xf32>
      %mul3A_359 = arith.constant 16 : i32
      %mul3A_360 = arith.muli %scan3A_89, %mul3A_359 : i32
      %add3A_361 = arith.constant 7 : i32
      %add3A_362 = arith.addi %mul3A_360, %add3A_361 : i32
      %get3A_363 = arith.index_cast %add3A_362 : i32 to index
      %get3A_364 = memref.load %arg10[%get3A_363] : memref<128xf32, #tpu.memory_space<smem>>
      %select_n3A_365 = arith.select %eq3A_344, %squeeze3A_358, %get3A_364 : f32
      %mul3A_366 = arith.constant 16 : i32
      %mul3A_367 = arith.muli %scan3A_89, %mul3A_366 : i32
      %add3A_368 = arith.constant 7 : i32
      %add3A_369 = arith.addi %mul3A_367, %add3A_368 : i32
      %swap3A_370 = arith.index_cast %add3A_369 : i32 to index
      %swap3A_371 = memref.load %arg10[%swap3A_370] : memref<128xf32, #tpu.memory_space<smem>>
      memref.store %select_n3A_365, %arg10[%swap3A_370] : memref<128xf32, #tpu.memory_space<smem>>
      %slice3A_372 = vector.extract_strided_slice %get3A_116 {offsets = [8], sizes = [1], strides = [1]} : vector<16xi32> to vector<1xi32>
      %squeeze3A_373 = vector.extract %slice3A_372[0] : i32 from vector<1xi32>
      %shift_right_arithmetic3A_374 = arith.constant 8 : i32
      %shift_right_arithmetic3A_375 = arith.shrsi %squeeze3A_373, %shift_right_arithmetic3A_374 : i32
      %eq3A_376 = arith.constant 3 : i32
      %eq3A_377 = arith.cmpi eq, %shift_right_arithmetic3A_375, %eq3A_376 : i32
      %sub3A_378 = arith.constant 744 : i32
      %sub3A_379 = arith.subi %squeeze3A_373, %sub3A_378 : i32
      %jit3A_380 = arith.constant 0 : i32
      %jit3A_381 = arith.constant 255 : i32
      %max3A_382 = arith.maxsi %jit3A_380, %sub3A_379 : i32
      %min3A_383 = arith.minsi %jit3A_381, %max3A_382 : i32
      %mul3A_384 = arith.constant 16 : i32
      %mul3A_385 = arith.muli %scan3A_89, %mul3A_384 : i32
      %get3A_386 = arith.index_cast %min3A_383 : i32 to index
      %get3A_387 = arith.index_cast %mul3A_385 : i32 to index
      %get3A_388 = tpu.vector_load %arg7[%get3A_386, %get3A_387] {strides = array<i32>} : memref<256x128xf32, #tpu.memory_space<vmem>>, vector<1x16xf32>,
      %get3A_389 = vector.shape_cast %get3A_388 : vector<1x16xf32> to vector<16xf32>
      %slice3A_390 = vector.extract_strided_slice %get3A_389 {offsets = [8], sizes = [1], strides = [1]} : vector<16xf32> to vector<1xf32>
      %squeeze3A_391 = vector.extract %slice3A_390[0] : f32 from vector<1xf32>
      %mul3A_392 = arith.constant 16 : i32
      %mul3A_393 = arith.muli %scan3A_89, %mul3A_392 : i32
      %add3A_394 = arith.constant 8 : i32
      %add3A_395 = arith.addi %mul3A_393, %add3A_394 : i32
      %get3A_396 = arith.index_cast %add3A_395 : i32 to index
      %get3A_397 = memref.load %arg10[%get3A_396] : memref<128xf32, #tpu.memory_space<smem>>
      %select_n3A_398 = arith.select %eq3A_377, %squeeze3A_391, %get3A_397 : f32
      %mul3A_399 = arith.constant 16 : i32
      %mul3A_400 = arith.muli %scan3A_89, %mul3A_399 : i32
      %add3A_401 = arith.constant 8 : i32
      %add3A_402 = arith.addi %mul3A_400, %add3A_401 : i32
      %swap3A_403 = arith.index_cast %add3A_402 : i32 to index
      %swap3A_404 = memref.load %arg10[%swap3A_403] : memref<128xf32, #tpu.memory_space<smem>>
      memref.store %select_n3A_398, %arg10[%swap3A_403] : memref<128xf32, #tpu.memory_space<smem>>
      %slice3A_405 = vector.extract_strided_slice %get3A_116 {offsets = [9], sizes = [1], strides = [1]} : vector<16xi32> to vector<1xi32>
      %squeeze3A_406 = vector.extract %slice3A_405[0] : i32 from vector<1xi32>
      %shift_right_arithmetic3A_407 = arith.constant 8 : i32
      %shift_right_arithmetic3A_408 = arith.shrsi %squeeze3A_406, %shift_right_arithmetic3A_407 : i32
      %eq3A_409 = arith.constant 3 : i32
      %eq3A_410 = arith.cmpi eq, %shift_right_arithmetic3A_408, %eq3A_409 : i32
      %sub3A_411 = arith.constant 744 : i32
      %sub3A_412 = arith.subi %squeeze3A_406, %sub3A_411 : i32
      %jit3A_413 = arith.constant 0 : i32
      %jit3A_414 = arith.constant 255 : i32
      %max3A_415 = arith.maxsi %jit3A_413, %sub3A_412 : i32
      %min3A_416 = arith.minsi %jit3A_414, %max3A_415 : i32
      %mul3A_417 = arith.constant 16 : i32
      %mul3A_418 = arith.muli %scan3A_89, %mul3A_417 : i32
      %get3A_419 = arith.index_cast %min3A_416 : i32 to index
      %get3A_420 = arith.index_cast %mul3A_418 : i32 to index
      %get3A_421 = tpu.vector_load %arg7[%get3A_419, %get3A_420] {strides = array<i32>} : memref<256x128xf32, #tpu.memory_space<vmem>>, vector<1x16xf32>,
      %get3A_422 = vector.shape_cast %get3A_421 : vector<1x16xf32> to vector<16xf32>
      %slice3A_423 = vector.extract_strided_slice %get3A_422 {offsets = [9], sizes = [1], strides = [1]} : vector<16xf32> to vector<1xf32>
      %squeeze3A_424 = vector.extract %slice3A_423[0] : f32 from vector<1xf32>
      %mul3A_425 = arith.constant 16 : i32
      %mul3A_426 = arith.muli %scan3A_89, %mul3A_425 : i32
      %add3A_427 = arith.constant 9 : i32
      %add3A_428 = arith.addi %mul3A_426, %add3A_427 : i32
      %get3A_429 = arith.index_cast %add3A_428 : i32 to index
      %get3A_430 = memref.load %arg10[%get3A_429] : memref<128xf32, #tpu.memory_space<smem>>
      %select_n3A_431 = arith.select %eq3A_410, %squeeze3A_424, %get3A_430 : f32
      %mul3A_432 = arith.constant 16 : i32
      %mul3A_433 = arith.muli %scan3A_89, %mul3A_432 : i32
      %add3A_434 = arith.constant 9 : i32
      %add3A_435 = arith.addi %mul3A_433, %add3A_434 : i32
      %swap3A_436 = arith.index_cast %add3A_435 : i32 to index
      %swap3A_437 = memref.load %arg10[%swap3A_436] : memref<128xf32, #tpu.memory_space<smem>>
      memref.store %select_n3A_431, %arg10[%swap3A_436] : memref<128xf32, #tpu.memory_space<smem>>
      %slice3A_438 = vector.extract_strided_slice %get3A_116 {offsets = [10], sizes = [1], strides = [1]} : vector<16xi32> to vector<1xi32>
      %squeeze3A_439 = vector.extract %slice3A_438[0] : i32 from vector<1xi32>
      %shift_right_arithmetic3A_440 = arith.constant 8 : i32
      %shift_right_arithmetic3A_441 = arith.shrsi %squeeze3A_439, %shift_right_arithmetic3A_440 : i32
      %eq3A_442 = arith.constant 3 : i32
      %eq3A_443 = arith.cmpi eq, %shift_right_arithmetic3A_441, %eq3A_442 : i32
      %sub3A_444 = arith.constant 744 : i32
      %sub3A_445 = arith.subi %squeeze3A_439, %sub3A_444 : i32
      %jit3A_446 = arith.constant 0 : i32
      %jit3A_447 = arith.constant 255 : i32
      %max3A_448 = arith.maxsi %jit3A_446, %sub3A_445 : i32
      %min3A_449 = arith.minsi %jit3A_447, %max3A_448 : i32
      %mul3A_450 = arith.constant 16 : i32
      %mul3A_451 = arith.muli %scan3A_89, %mul3A_450 : i32
      %get3A_452 = arith.index_cast %min3A_449 : i32 to index
      %get3A_453 = arith.index_cast %mul3A_451 : i32 to index
      %get3A_454 = tpu.vector_load %arg7[%get3A_452, %get3A_453] {strides = array<i32>} : memref<256x128xf32, #tpu.memory_space<vmem>>, vector<1x16xf32>,
      %get3A_455 = vector.shape_cast %get3A_454 : vector<1x16xf32> to vector<16xf32>
      %slice3A_456 = vector.extract_strided_slice %get3A_455 {offsets = [10], sizes = [1], strides = [1]} : vector<16xf32> to vector<1xf32>
      %squeeze3A_457 = vector.extract %slice3A_456[0] : f32 from vector<1xf32>
      %mul3A_458 = arith.constant 16 : i32
      %mul3A_459 = arith.muli %scan3A_89, %mul3A_458 : i32
      %add3A_460 = arith.constant 10 : i32
      %add3A_461 = arith.addi %mul3A_459, %add3A_460 : i32
      %get3A_462 = arith.index_cast %add3A_461 : i32 to index
      %get3A_463 = memref.load %arg10[%get3A_462] : memref<128xf32, #tpu.memory_space<smem>>
      %select_n3A_464 = arith.select %eq3A_443, %squeeze3A_457, %get3A_463 : f32
      %mul3A_465 = arith.constant 16 : i32
      %mul3A_466 = arith.muli %scan3A_89, %mul3A_465 : i32
      %add3A_467 = arith.constant 10 : i32
      %add3A_468 = arith.addi %mul3A_466, %add3A_467 : i32
      %swap3A_469 = arith.index_cast %add3A_468 : i32 to index
      %swap3A_470 = memref.load %arg10[%swap3A_469] : memref<128xf32, #tpu.memory_space<smem>>
      memref.store %select_n3A_464, %arg10[%swap3A_469] : memref<128xf32, #tpu.memory_space<smem>>
      %slice3A_471 = vector.extract_strided_slice %get3A_116 {offsets = [11], sizes = [1], strides = [1]} : vector<16xi32> to vector<1xi32>
      %squeeze3A_472 = vector.extract %slice3A_471[0] : i32 from vector<1xi32>
      %shift_right_arithmetic3A_473 = arith.constant 8 : i32
      %shift_right_arithmetic3A_474 = arith.shrsi %squeeze3A_472, %shift_right_arithmetic3A_473 : i32
      %eq3A_475 = arith.constant 3 : i32
      %eq3A_476 = arith.cmpi eq, %shift_right_arithmetic3A_474, %eq3A_475 : i32
      %sub3A_477 = arith.constant 744 : i32
      %sub3A_478 = arith.subi %squeeze3A_472, %sub3A_477 : i32
      %jit3A_479 = arith.constant 0 : i32
      %jit3A_480 = arith.constant 255 : i32
      %max3A_481 = arith.maxsi %jit3A_479, %sub3A_478 : i32
      %min3A_482 = arith.minsi %jit3A_480, %max3A_481 : i32
      %mul3A_483 = arith.constant 16 : i32
      %mul3A_484 = arith.muli %scan3A_89, %mul3A_483 : i32
      %get3A_485 = arith.index_cast %min3A_482 : i32 to index
      %get3A_486 = arith.index_cast %mul3A_484 : i32 to index
      %get3A_487 = tpu.vector_load %arg7[%get3A_485, %get3A_486] {strides = array<i32>} : memref<256x128xf32, #tpu.memory_space<vmem>>, vector<1x16xf32>,
      %get3A_488 = vector.shape_cast %get3A_487 : vector<1x16xf32> to vector<16xf32>
      %slice3A_489 = vector.extract_strided_slice %get3A_488 {offsets = [11], sizes = [1], strides = [1]} : vector<16xf32> to vector<1xf32>
      %squeeze3A_490 = vector.extract %slice3A_489[0] : f32 from vector<1xf32>
      %mul3A_491 = arith.constant 16 : i32
      %mul3A_492 = arith.muli %scan3A_89, %mul3A_491 : i32
      %add3A_493 = arith.constant 11 : i32
      %add3A_494 = arith.addi %mul3A_492, %add3A_493 : i32
      %get3A_495 = arith.index_cast %add3A_494 : i32 to index
      %get3A_496 = memref.load %arg10[%get3A_495] : memref<128xf32, #tpu.memory_space<smem>>
      %select_n3A_497 = arith.select %eq3A_476, %squeeze3A_490, %get3A_496 : f32
      %mul3A_498 = arith.constant 16 : i32
      %mul3A_499 = arith.muli %scan3A_89, %mul3A_498 : i32
      %add3A_500 = arith.constant 11 : i32
      %add3A_501 = arith.addi %mul3A_499, %add3A_500 : i32
      %swap3A_502 = arith.index_cast %add3A_501 : i32 to index
      %swap3A_503 = memref.load %arg10[%swap3A_502] : memref<128xf32, #tpu.memory_space<smem>>
      memref.store %select_n3A_497, %arg10[%swap3A_502] : memref<128xf32, #tpu.memory_space<smem>>
      %slice3A_504 = vector.extract_strided_slice %get3A_116 {offsets = [12], sizes = [1], strides = [1]} : vector<16xi32> to vector<1xi32>
      %squeeze3A_505 = vector.extract %slice3A_504[0] : i32 from vector<1xi32>
      %shift_right_arithmetic3A_506 = arith.constant 8 : i32
      %shift_right_arithmetic3A_507 = arith.shrsi %squeeze3A_505, %shift_right_arithmetic3A_506 : i32
      %eq3A_508 = arith.constant 3 : i32
      %eq3A_509 = arith.cmpi eq, %shift_right_arithmetic3A_507, %eq3A_508 : i32
      %sub3A_510 = arith.constant 744 : i32
      %sub3A_511 = arith.subi %squeeze3A_505, %sub3A_510 : i32
      %jit3A_512 = arith.constant 0 : i32
      %jit3A_513 = arith.constant 255 : i32
      %max3A_514 = arith.maxsi %jit3A_512, %sub3A_511 : i32
      %min3A_515 = arith.minsi %jit3A_513, %max3A_514 : i32
      %mul3A_516 = arith.constant 16 : i32
      %mul3A_517 = arith.muli %scan3A_89, %mul3A_516 : i32
      %get3A_518 = arith.index_cast %min3A_515 : i32 to index
      %get3A_519 = arith.index_cast %mul3A_517 : i32 to index
      %get3A_520 = tpu.vector_load %arg7[%get3A_518, %get3A_519] {strides = array<i32>} : memref<256x128xf32, #tpu.memory_space<vmem>>, vector<1x16xf32>,
      %get3A_521 = vector.shape_cast %get3A_520 : vector<1x16xf32> to vector<16xf32>
      %slice3A_522 = vector.extract_strided_slice %get3A_521 {offsets = [12], sizes = [1], strides = [1]} : vector<16xf32> to vector<1xf32>
      %squeeze3A_523 = vector.extract %slice3A_522[0] : f32 from vector<1xf32>
      %mul3A_524 = arith.constant 16 : i32
      %mul3A_525 = arith.muli %scan3A_89, %mul3A_524 : i32
      %add3A_526 = arith.constant 12 : i32
      %add3A_527 = arith.addi %mul3A_525, %add3A_526 : i32
      %get3A_528 = arith.index_cast %add3A_527 : i32 to index
      %get3A_529 = memref.load %arg10[%get3A_528] : memref<128xf32, #tpu.memory_space<smem>>
      %select_n3A_530 = arith.select %eq3A_509, %squeeze3A_523, %get3A_529 : f32
      %mul3A_531 = arith.constant 16 : i32
      %mul3A_532 = arith.muli %scan3A_89, %mul3A_531 : i32
      %add3A_533 = arith.constant 12 : i32
      %add3A_534 = arith.addi %mul3A_532, %add3A_533 : i32
      %swap3A_535 = arith.index_cast %add3A_534 : i32 to index
      %swap3A_536 = memref.load %arg10[%swap3A_535] : memref<128xf32, #tpu.memory_space<smem>>
      memref.store %select_n3A_530, %arg10[%swap3A_535] : memref<128xf32, #tpu.memory_space<smem>>
      %slice3A_537 = vector.extract_strided_slice %get3A_116 {offsets = [13], sizes = [1], strides = [1]} : vector<16xi32> to vector<1xi32>
      %squeeze3A_538 = vector.extract %slice3A_537[0] : i32 from vector<1xi32>
      %shift_right_arithmetic3A_539 = arith.constant 8 : i32
      %shift_right_arithmetic3A_540 = arith.shrsi %squeeze3A_538, %shift_right_arithmetic3A_539 : i32
      %eq3A_541 = arith.constant 3 : i32
      %eq3A_542 = arith.cmpi eq, %shift_right_arithmetic3A_540, %eq3A_541 : i32
      %sub3A_543 = arith.constant 744 : i32
      %sub3A_544 = arith.subi %squeeze3A_538, %sub3A_543 : i32
      %jit3A_545 = arith.constant 0 : i32
      %jit3A_546 = arith.constant 255 : i32
      %max3A_547 = arith.maxsi %jit3A_545, %sub3A_544 : i32
      %min3A_548 = arith.minsi %jit3A_546, %max3A_547 : i32
      %mul3A_549 = arith.constant 16 : i32
      %mul3A_550 = arith.muli %scan3A_89, %mul3A_549 : i32
      %get3A_551 = arith.index_cast %min3A_548 : i32 to index
      %get3A_552 = arith.index_cast %mul3A_550 : i32 to index
      %get3A_553 = tpu.vector_load %arg7[%get3A_551, %get3A_552] {strides = array<i32>} : memref<256x128xf32, #tpu.memory_space<vmem>>, vector<1x16xf32>,
      %get3A_554 = vector.shape_cast %get3A_553 : vector<1x16xf32> to vector<16xf32>
      %slice3A_555 = vector.extract_strided_slice %get3A_554 {offsets = [13], sizes = [1], strides = [1]} : vector<16xf32> to vector<1xf32>
      %squeeze3A_556 = vector.extract %slice3A_555[0] : f32 from vector<1xf32>
      %mul3A_557 = arith.constant 16 : i32
      %mul3A_558 = arith.muli %scan3A_89, %mul3A_557 : i32
      %add3A_559 = arith.constant 13 : i32
      %add3A_560 = arith.addi %mul3A_558, %add3A_559 : i32
      %get3A_561 = arith.index_cast %add3A_560 : i32 to index
      %get3A_562 = memref.load %arg10[%get3A_561] : memref<128xf32, #tpu.memory_space<smem>>
      %select_n3A_563 = arith.select %eq3A_542, %squeeze3A_556, %get3A_562 : f32
      %mul3A_564 = arith.constant 16 : i32
      %mul3A_565 = arith.muli %scan3A_89, %mul3A_564 : i32
      %add3A_566 = arith.constant 13 : i32
      %add3A_567 = arith.addi %mul3A_565, %add3A_566 : i32
      %swap3A_568 = arith.index_cast %add3A_567 : i32 to index
      %swap3A_569 = memref.load %arg10[%swap3A_568] : memref<128xf32, #tpu.memory_space<smem>>
      memref.store %select_n3A_563, %arg10[%swap3A_568] : memref<128xf32, #tpu.memory_space<smem>>
      %slice3A_570 = vector.extract_strided_slice %get3A_116 {offsets = [14], sizes = [1], strides = [1]} : vector<16xi32> to vector<1xi32>
      %squeeze3A_571 = vector.extract %slice3A_570[0] : i32 from vector<1xi32>
      %shift_right_arithmetic3A_572 = arith.constant 8 : i32
      %shift_right_arithmetic3A_573 = arith.shrsi %squeeze3A_571, %shift_right_arithmetic3A_572 : i32
      %eq3A_574 = arith.constant 3 : i32
      %eq3A_575 = arith.cmpi eq, %shift_right_arithmetic3A_573, %eq3A_574 : i32
      %sub3A_576 = arith.constant 744 : i32
      %sub3A_577 = arith.subi %squeeze3A_571, %sub3A_576 : i32
      %jit3A_578 = arith.constant 0 : i32
      %jit3A_579 = arith.constant 255 : i32
      %max3A_580 = arith.maxsi %jit3A_578, %sub3A_577 : i32
      %min3A_581 = arith.minsi %jit3A_579, %max3A_580 : i32
      %mul3A_582 = arith.constant 16 : i32
      %mul3A_583 = arith.muli %scan3A_89, %mul3A_582 : i32
      %get3A_584 = arith.index_cast %min3A_581 : i32 to index
      %get3A_585 = arith.index_cast %mul3A_583 : i32 to index
      %get3A_586 = tpu.vector_load %arg7[%get3A_584, %get3A_585] {strides = array<i32>} : memref<256x128xf32, #tpu.memory_space<vmem>>, vector<1x16xf32>,
      %get3A_587 = vector.shape_cast %get3A_586 : vector<1x16xf32> to vector<16xf32>
      %slice3A_588 = vector.extract_strided_slice %get3A_587 {offsets = [14], sizes = [1], strides = [1]} : vector<16xf32> to vector<1xf32>
      %squeeze3A_589 = vector.extract %slice3A_588[0] : f32 from vector<1xf32>
      %mul3A_590 = arith.constant 16 : i32
      %mul3A_591 = arith.muli %scan3A_89, %mul3A_590 : i32
      %add3A_592 = arith.constant 14 : i32
      %add3A_593 = arith.addi %mul3A_591, %add3A_592 : i32
      %get3A_594 = arith.index_cast %add3A_593 : i32 to index
      %get3A_595 = memref.load %arg10[%get3A_594] : memref<128xf32, #tpu.memory_space<smem>>
      %select_n3A_596 = arith.select %eq3A_575, %squeeze3A_589, %get3A_595 : f32
      %mul3A_597 = arith.constant 16 : i32
      %mul3A_598 = arith.muli %scan3A_89, %mul3A_597 : i32
      %add3A_599 = arith.constant 14 : i32
      %add3A_600 = arith.addi %mul3A_598, %add3A_599 : i32
      %swap3A_601 = arith.index_cast %add3A_600 : i32 to index
      %swap3A_602 = memref.load %arg10[%swap3A_601] : memref<128xf32, #tpu.memory_space<smem>>
      memref.store %select_n3A_596, %arg10[%swap3A_601] : memref<128xf32, #tpu.memory_space<smem>>
      %slice3A_603 = vector.extract_strided_slice %get3A_116 {offsets = [15], sizes = [1], strides = [1]} : vector<16xi32> to vector<1xi32>
      %squeeze3A_604 = vector.extract %slice3A_603[0] : i32 from vector<1xi32>
      %shift_right_arithmetic3A_605 = arith.constant 8 : i32
      %shift_right_arithmetic3A_606 = arith.shrsi %squeeze3A_604, %shift_right_arithmetic3A_605 : i32
      %eq3A_607 = arith.constant 3 : i32
      %eq3A_608 = arith.cmpi eq, %shift_right_arithmetic3A_606, %eq3A_607 : i32
      %sub3A_609 = arith.constant 744 : i32
      %sub3A_610 = arith.subi %squeeze3A_604, %sub3A_609 : i32
      %jit3A_611 = arith.constant 0 : i32
      %jit3A_612 = arith.constant 255 : i32
      %max3A_613 = arith.maxsi %jit3A_611, %sub3A_610 : i32
      %min3A_614 = arith.minsi %jit3A_612, %max3A_613 : i32
      %mul3A_615 = arith.constant 16 : i32
      %mul3A_616 = arith.muli %scan3A_89, %mul3A_615 : i32
      %get3A_617 = arith.index_cast %min3A_614 : i32 to index
      %get3A_618 = arith.index_cast %mul3A_616 : i32 to index
      %get3A_619 = tpu.vector_load %arg7[%get3A_617, %get3A_618] {strides = array<i32>} : memref<256x128xf32, #tpu.memory_space<vmem>>, vector<1x16xf32>,
      %get3A_620 = vector.shape_cast %get3A_619 : vector<1x16xf32> to vector<16xf32>
      %slice3A_621 = vector.extract_strided_slice %get3A_620 {offsets = [15], sizes = [1], strides = [1]} : vector<16xf32> to vector<1xf32>
      %squeeze3A_622 = vector.extract %slice3A_621[0] : f32 from vector<1xf32>
      %mul3A_623 = arith.constant 16 : i32
      %mul3A_624 = arith.muli %scan3A_89, %mul3A_623 : i32
      %add3A_625 = arith.constant 15 : i32
      %add3A_626 = arith.addi %mul3A_624, %add3A_625 : i32
      %get3A_627 = arith.index_cast %add3A_626 : i32 to index
      %get3A_628 = memref.load %arg10[%get3A_627] : memref<128xf32, #tpu.memory_space<smem>>
      %select_n3A_629 = arith.select %eq3A_608, %squeeze3A_622, %get3A_628 : f32
      %mul3A_630 = arith.constant 16 : i32
      %mul3A_631 = arith.muli %scan3A_89, %mul3A_630 : i32
      %add3A_632 = arith.constant 15 : i32
      %add3A_633 = arith.addi %mul3A_631, %add3A_632 : i32
      %swap3A_634 = arith.index_cast %add3A_633 : i32 to index
      %swap3A_635 = memref.load %arg10[%swap3A_634] : memref<128xf32, #tpu.memory_space<smem>>
      memref.store %select_n3A_629, %arg10[%swap3A_634] : memref<128xf32, #tpu.memory_space<smem>>
      %add3A_636 = arith.addf %scan3A_90, %add3A_102 : vector<16xf32>
      scf.yield %add3A_636 : vector<16xf32>
    }
    %scan3A_62 = arith.constant 8 : i32
    %scan3A_63 = arith.constant 0.000000e+00 : f32
    %scan3A_64 = arith.constant 0 : i32
    %scan3A_65 = arith.constant 8 : i32
    %scan3A_66 = arith.addi %scan3A_64, %scan3A_65 : i32
    %scan3A_67 = arith.constant 1 : i32
    %scan3A_68 = scf.for %scan3A_89 = %scan3A_64 to %scan3A_66 step %scan3A_67 iter_args(%scan3A_90 = %scan3A_63) -> (f32)  : i32 {
      %get3A = arith.index_cast %scan3A_89 : i32 to index
      %get3A_91 = arith.constant 0 : index
      %get3A_92 = tpu.vector_load %arg9[%get3A, %get3A_91] {strides = array<i32>} : memref<8x16xf32, #tpu.memory_space<vmem>>, vector<1x16xf32>,
      %get3A_93 = vector.shape_cast %get3A_92 : vector<1x16xf32> to vector<16xf32>
      %mul3A_94 = arith.constant 16 : i32
      %mul3A_95 = arith.muli %scan3A_89, %mul3A_94 : i32
      %add3A_96 = arith.constant 0 : i32
      %add3A_97 = arith.addi %mul3A_95, %add3A_96 : i32
      %get3A_98 = arith.index_cast %add3A_97 : i32 to index
      %get3A_99 = memref.load %arg10[%get3A_98] : memref<128xf32, #tpu.memory_space<smem>>
      %sub3A = arith.constant 1.000000e+00 : f32
      %sub3A_100 = arith.subf %sub3A, %get3A_99 : f32
      %mul3A_101 = arith.constant 2.000000e+00 : f32
      %mul3A_102 = arith.mulf %mul3A_101, %sub3A_100 : f32
      %slice3A = vector.extract_strided_slice %get3A_93 {offsets = [0], sizes = [1], strides = [1]} : vector<16xf32> to vector<1xf32>
      %squeeze3A = vector.extract %slice3A[0] : f32 from vector<1xf32>
      %mul3A_103 = arith.mulf %mul3A_102, %squeeze3A : f32
      %add3A_104 = arith.addf %scan3A_90, %mul3A_103 : f32
      %mul3A_105 = arith.mulf %sub3A_100, %sub3A_100 : f32
      %mul3A_106 = arith.constant 1.000000e+03 : f32
      %mul3A_107 = arith.mulf %mul3A_106, %mul3A_105 : f32
      %add3A_108 = arith.addf %add3A_104, %mul3A_107 : f32
      %sub3A_109 = arith.constant 1.000000e+00 : f32
      %sub3A_110 = arith.subf %add3A_108, %sub3A_109 : f32
      %mul3A_111 = arith.constant 16 : i32
      %mul3A_112 = arith.muli %scan3A_89, %mul3A_111 : i32
      %add3A_113 = arith.constant 1 : i32
      %add3A_114 = arith.addi %mul3A_112, %add3A_113 : i32
      %get3A_115 = arith.index_cast %add3A_114 : i32 to index
      %get3A_116 = memref.load %arg10[%get3A_115] : memref<128xf32, #tpu.memory_space<smem>>
      %sub3A_117 = arith.constant 1.000000e+00 : f32
      %sub3A_118 = arith.subf %sub3A_117, %get3A_116 : f32
      %mul3A_119 = arith.constant 2.000000e+00 : f32
      %mul3A_120 = arith.mulf %mul3A_119, %sub3A_118 : f32
      %slice3A_121 = vector.extract_strided_slice %get3A_93 {offsets = [1], sizes = [1], strides = [1]} : vector<16xf32> to vector<1xf32>
      %squeeze3A_122 = vector.extract %slice3A_121[0] : f32 from vector<1xf32>
      %mul3A_123 = arith.mulf %mul3A_120, %squeeze3A_122 : f32
      %add3A_124 = arith.addf %sub3A_110, %mul3A_123 : f32
      %mul3A_125 = arith.mulf %sub3A_118, %sub3A_118 : f32
      %mul3A_126 = arith.constant 1.000000e+03 : f32
      %mul3A_127 = arith.mulf %mul3A_126, %mul3A_125 : f32
      %add3A_128 = arith.addf %add3A_124, %mul3A_127 : f32
      %sub3A_129 = arith.constant 1.000000e+00 : f32
      %sub3A_130 = arith.subf %add3A_128, %sub3A_129 : f32
      %mul3A_131 = arith.constant 16 : i32
      %mul3A_132 = arith.muli %scan3A_89, %mul3A_131 : i32
      %add3A_133 = arith.constant 2 : i32
      %add3A_134 = arith.addi %mul3A_132, %add3A_133 : i32
      %get3A_135 = arith.index_cast %add3A_134 : i32 to index
      %get3A_136 = memref.load %arg10[%get3A_135] : memref<128xf32, #tpu.memory_space<smem>>
      %sub3A_137 = arith.constant 1.000000e+00 : f32
      %sub3A_138 = arith.subf %sub3A_137, %get3A_136 : f32
      %mul3A_139 = arith.constant 2.000000e+00 : f32
      %mul3A_140 = arith.mulf %mul3A_139, %sub3A_138 : f32
      %slice3A_141 = vector.extract_strided_slice %get3A_93 {offsets = [2], sizes = [1], strides = [1]} : vector<16xf32> to vector<1xf32>
      %squeeze3A_142 = vector.extract %slice3A_141[0] : f32 from vector<1xf32>
      %mul3A_143 = arith.mulf %mul3A_140, %squeeze3A_142 : f32
      %add3A_144 = arith.addf %sub3A_130, %mul3A_143 : f32
      %mul3A_145 = arith.mulf %sub3A_138, %sub3A_138 : f32
      %mul3A_146 = arith.constant 1.000000e+03 : f32
      %mul3A_147 = arith.mulf %mul3A_146, %mul3A_145 : f32
      %add3A_148 = arith.addf %add3A_144, %mul3A_147 : f32
      %sub3A_149 = arith.constant 1.000000e+00 : f32
      %sub3A_150 = arith.subf %add3A_148, %sub3A_149 : f32
      %mul3A_151 = arith.constant 16 : i32
      %mul3A_152 = arith.muli %scan3A_89, %mul3A_151 : i32
      %add3A_153 = arith.constant 3 : i32
      %add3A_154 = arith.addi %mul3A_152, %add3A_153 : i32
      %get3A_155 = arith.index_cast %add3A_154 : i32 to index
      %get3A_156 = memref.load %arg10[%get3A_155] : memref<128xf32, #tpu.memory_space<smem>>
      %sub3A_157 = arith.constant 1.000000e+00 : f32
      %sub3A_158 = arith.subf %sub3A_157, %get3A_156 : f32
      %mul3A_159 = arith.constant 2.000000e+00 : f32
      %mul3A_160 = arith.mulf %mul3A_159, %sub3A_158 : f32
      %slice3A_161 = vector.extract_strided_slice %get3A_93 {offsets = [3], sizes = [1], strides = [1]} : vector<16xf32> to vector<1xf32>
      %squeeze3A_162 = vector.extract %slice3A_161[0] : f32 from vector<1xf32>
      %mul3A_163 = arith.mulf %mul3A_160, %squeeze3A_162 : f32
      %add3A_164 = arith.addf %sub3A_150, %mul3A_163 : f32
      %mul3A_165 = arith.mulf %sub3A_158, %sub3A_158 : f32
      %mul3A_166 = arith.constant 1.000000e+03 : f32
      %mul3A_167 = arith.mulf %mul3A_166, %mul3A_165 : f32
      %add3A_168 = arith.addf %add3A_164, %mul3A_167 : f32
      %sub3A_169 = arith.constant 1.000000e+00 : f32
      %sub3A_170 = arith.subf %add3A_168, %sub3A_169 : f32
      %mul3A_171 = arith.constant 16 : i32
      %mul3A_172 = arith.muli %scan3A_89, %mul3A_171 : i32
      %add3A_173 = arith.constant 4 : i32
      %add3A_174 = arith.addi %mul3A_172, %add3A_173 : i32
      %get3A_175 = arith.index_cast %add3A_174 : i32 to index
      %get3A_176 = memref.load %arg10[%get3A_175] : memref<128xf32, #tpu.memory_space<smem>>
      %sub3A_177 = arith.constant 1.000000e+00 : f32
      %sub3A_178 = arith.subf %sub3A_177, %get3A_176 : f32
      %mul3A_179 = arith.constant 2.000000e+00 : f32
      %mul3A_180 = arith.mulf %mul3A_179, %sub3A_178 : f32
      %slice3A_181 = vector.extract_strided_slice %get3A_93 {offsets = [4], sizes = [1], strides = [1]} : vector<16xf32> to vector<1xf32>
      %squeeze3A_182 = vector.extract %slice3A_181[0] : f32 from vector<1xf32>
      %mul3A_183 = arith.mulf %mul3A_180, %squeeze3A_182 : f32
      %add3A_184 = arith.addf %sub3A_170, %mul3A_183 : f32
      %mul3A_185 = arith.mulf %sub3A_178, %sub3A_178 : f32
      %mul3A_186 = arith.constant 1.000000e+03 : f32
      %mul3A_187 = arith.mulf %mul3A_186, %mul3A_185 : f32
      %add3A_188 = arith.addf %add3A_184, %mul3A_187 : f32
      %sub3A_189 = arith.constant 1.000000e+00 : f32
      %sub3A_190 = arith.subf %add3A_188, %sub3A_189 : f32
      %mul3A_191 = arith.constant 16 : i32
      %mul3A_192 = arith.muli %scan3A_89, %mul3A_191 : i32
      %add3A_193 = arith.constant 5 : i32
      %add3A_194 = arith.addi %mul3A_192, %add3A_193 : i32
      %get3A_195 = arith.index_cast %add3A_194 : i32 to index
      %get3A_196 = memref.load %arg10[%get3A_195] : memref<128xf32, #tpu.memory_space<smem>>
      %sub3A_197 = arith.constant 1.000000e+00 : f32
      %sub3A_198 = arith.subf %sub3A_197, %get3A_196 : f32
      %mul3A_199 = arith.constant 2.000000e+00 : f32
      %mul3A_200 = arith.mulf %mul3A_199, %sub3A_198 : f32
      %slice3A_201 = vector.extract_strided_slice %get3A_93 {offsets = [5], sizes = [1], strides = [1]} : vector<16xf32> to vector<1xf32>
      %squeeze3A_202 = vector.extract %slice3A_201[0] : f32 from vector<1xf32>
      %mul3A_203 = arith.mulf %mul3A_200, %squeeze3A_202 : f32
      %add3A_204 = arith.addf %sub3A_190, %mul3A_203 : f32
      %mul3A_205 = arith.mulf %sub3A_198, %sub3A_198 : f32
      %mul3A_206 = arith.constant 1.000000e+03 : f32
      %mul3A_207 = arith.mulf %mul3A_206, %mul3A_205 : f32
      %add3A_208 = arith.addf %add3A_204, %mul3A_207 : f32
      %sub3A_209 = arith.constant 1.000000e+00 : f32
      %sub3A_210 = arith.subf %add3A_208, %sub3A_209 : f32
      %mul3A_211 = arith.constant 16 : i32
      %mul3A_212 = arith.muli %scan3A_89, %mul3A_211 : i32
      %add3A_213 = arith.constant 6 : i32
      %add3A_214 = arith.addi %mul3A_212, %add3A_213 : i32
      %get3A_215 = arith.index_cast %add3A_214 : i32 to index
      %get3A_216 = memref.load %arg10[%get3A_215] : memref<128xf32, #tpu.memory_space<smem>>
      %sub3A_217 = arith.constant 1.000000e+00 : f32
      %sub3A_218 = arith.subf %sub3A_217, %get3A_216 : f32
      %mul3A_219 = arith.constant 2.000000e+00 : f32
      %mul3A_220 = arith.mulf %mul3A_219, %sub3A_218 : f32
      %slice3A_221 = vector.extract_strided_slice %get3A_93 {offsets = [6], sizes = [1], strides = [1]} : vector<16xf32> to vector<1xf32>
      %squeeze3A_222 = vector.extract %slice3A_221[0] : f32 from vector<1xf32>
      %mul3A_223 = arith.mulf %mul3A_220, %squeeze3A_222 : f32
      %add3A_224 = arith.addf %sub3A_210, %mul3A_223 : f32
      %mul3A_225 = arith.mulf %sub3A_218, %sub3A_218 : f32
      %mul3A_226 = arith.constant 1.000000e+03 : f32
      %mul3A_227 = arith.mulf %mul3A_226, %mul3A_225 : f32
      %add3A_228 = arith.addf %add3A_224, %mul3A_227 : f32
      %sub3A_229 = arith.constant 1.000000e+00 : f32
      %sub3A_230 = arith.subf %add3A_228, %sub3A_229 : f32
      %mul3A_231 = arith.constant 16 : i32
      %mul3A_232 = arith.muli %scan3A_89, %mul3A_231 : i32
      %add3A_233 = arith.constant 7 : i32
      %add3A_234 = arith.addi %mul3A_232, %add3A_233 : i32
      %get3A_235 = arith.index_cast %add3A_234 : i32 to index
      %get3A_236 = memref.load %arg10[%get3A_235] : memref<128xf32, #tpu.memory_space<smem>>
      %sub3A_237 = arith.constant 1.000000e+00 : f32
      %sub3A_238 = arith.subf %sub3A_237, %get3A_236 : f32
      %mul3A_239 = arith.constant 2.000000e+00 : f32
      %mul3A_240 = arith.mulf %mul3A_239, %sub3A_238 : f32
      %slice3A_241 = vector.extract_strided_slice %get3A_93 {offsets = [7], sizes = [1], strides = [1]} : vector<16xf32> to vector<1xf32>
      %squeeze3A_242 = vector.extract %slice3A_241[0] : f32 from vector<1xf32>
      %mul3A_243 = arith.mulf %mul3A_240, %squeeze3A_242 : f32
      %add3A_244 = arith.addf %sub3A_230, %mul3A_243 : f32
      %mul3A_245 = arith.mulf %sub3A_238, %sub3A_238 : f32
      %mul3A_246 = arith.constant 1.000000e+03 : f32
      %mul3A_247 = arith.mulf %mul3A_246, %mul3A_245 : f32
      %add3A_248 = arith.addf %add3A_244, %mul3A_247 : f32
      %sub3A_249 = arith.constant 1.000000e+00 : f32
      %sub3A_250 = arith.subf %add3A_248, %sub3A_249 : f32
      %mul3A_251 = arith.constant 16 : i32
      %mul3A_252 = arith.muli %scan3A_89, %mul3A_251 : i32
      %add3A_253 = arith.constant 8 : i32
      %add3A_254 = arith.addi %mul3A_252, %add3A_253 : i32
      %get3A_255 = arith.index_cast %add3A_254 : i32 to index
      %get3A_256 = memref.load %arg10[%get3A_255] : memref<128xf32, #tpu.memory_space<smem>>
      %sub3A_257 = arith.constant 1.000000e+00 : f32
      %sub3A_258 = arith.subf %sub3A_257, %get3A_256 : f32
      %mul3A_259 = arith.constant 2.000000e+00 : f32
      %mul3A_260 = arith.mulf %mul3A_259, %sub3A_258 : f32
      %slice3A_261 = vector.extract_strided_slice %get3A_93 {offsets = [8], sizes = [1], strides = [1]} : vector<16xf32> to vector<1xf32>
      %squeeze3A_262 = vector.extract %slice3A_261[0] : f32 from vector<1xf32>
      %mul3A_263 = arith.mulf %mul3A_260, %squeeze3A_262 : f32
      %add3A_264 = arith.addf %sub3A_250, %mul3A_263 : f32
      %mul3A_265 = arith.mulf %sub3A_258, %sub3A_258 : f32
      %mul3A_266 = arith.constant 1.000000e+03 : f32
      %mul3A_267 = arith.mulf %mul3A_266, %mul3A_265 : f32
      %add3A_268 = arith.addf %add3A_264, %mul3A_267 : f32
      %sub3A_269 = arith.constant 1.000000e+00 : f32
      %sub3A_270 = arith.subf %add3A_268, %sub3A_269 : f32
      %mul3A_271 = arith.constant 16 : i32
      %mul3A_272 = arith.muli %scan3A_89, %mul3A_271 : i32
      %add3A_273 = arith.constant 9 : i32
      %add3A_274 = arith.addi %mul3A_272, %add3A_273 : i32
      %get3A_275 = arith.index_cast %add3A_274 : i32 to index
      %get3A_276 = memref.load %arg10[%get3A_275] : memref<128xf32, #tpu.memory_space<smem>>
      %sub3A_277 = arith.constant 1.000000e+00 : f32
      %sub3A_278 = arith.subf %sub3A_277, %get3A_276 : f32
      %mul3A_279 = arith.constant 2.000000e+00 : f32
      %mul3A_280 = arith.mulf %mul3A_279, %sub3A_278 : f32
      %slice3A_281 = vector.extract_strided_slice %get3A_93 {offsets = [9], sizes = [1], strides = [1]} : vector<16xf32> to vector<1xf32>
      %squeeze3A_282 = vector.extract %slice3A_281[0] : f32 from vector<1xf32>
      %mul3A_283 = arith.mulf %mul3A_280, %squeeze3A_282 : f32
      %add3A_284 = arith.addf %sub3A_270, %mul3A_283 : f32
      %mul3A_285 = arith.mulf %sub3A_278, %sub3A_278 : f32
      %mul3A_286 = arith.constant 1.000000e+03 : f32
      %mul3A_287 = arith.mulf %mul3A_286, %mul3A_285 : f32
      %add3A_288 = arith.addf %add3A_284, %mul3A_287 : f32
      %sub3A_289 = arith.constant 1.000000e+00 : f32
      %sub3A_290 = arith.subf %add3A_288, %sub3A_289 : f32
      %mul3A_291 = arith.constant 16 : i32
      %mul3A_292 = arith.muli %scan3A_89, %mul3A_291 : i32
      %add3A_293 = arith.constant 10 : i32
      %add3A_294 = arith.addi %mul3A_292, %add3A_293 : i32
      %get3A_295 = arith.index_cast %add3A_294 : i32 to index
      %get3A_296 = memref.load %arg10[%get3A_295] : memref<128xf32, #tpu.memory_space<smem>>
      %sub3A_297 = arith.constant 1.000000e+00 : f32
      %sub3A_298 = arith.subf %sub3A_297, %get3A_296 : f32
      %mul3A_299 = arith.constant 2.000000e+00 : f32
      %mul3A_300 = arith.mulf %mul3A_299, %sub3A_298 : f32
      %slice3A_301 = vector.extract_strided_slice %get3A_93 {offsets = [10], sizes = [1], strides = [1]} : vector<16xf32> to vector<1xf32>
      %squeeze3A_302 = vector.extract %slice3A_301[0] : f32 from vector<1xf32>
      %mul3A_303 = arith.mulf %mul3A_300, %squeeze3A_302 : f32
      %add3A_304 = arith.addf %sub3A_290, %mul3A_303 : f32
      %mul3A_305 = arith.mulf %sub3A_298, %sub3A_298 : f32
      %mul3A_306 = arith.constant 1.000000e+03 : f32
      %mul3A_307 = arith.mulf %mul3A_306, %mul3A_305 : f32
      %add3A_308 = arith.addf %add3A_304, %mul3A_307 : f32
      %sub3A_309 = arith.constant 1.000000e+00 : f32
      %sub3A_310 = arith.subf %add3A_308, %sub3A_309 : f32
      %mul3A_311 = arith.constant 16 : i32
      %mul3A_312 = arith.muli %scan3A_89, %mul3A_311 : i32
      %add3A_313 = arith.constant 11 : i32
      %add3A_314 = arith.addi %mul3A_312, %add3A_313 : i32
      %get3A_315 = arith.index_cast %add3A_314 : i32 to index
      %get3A_316 = memref.load %arg10[%get3A_315] : memref<128xf32, #tpu.memory_space<smem>>
      %sub3A_317 = arith.constant 1.000000e+00 : f32
      %sub3A_318 = arith.subf %sub3A_317, %get3A_316 : f32
      %mul3A_319 = arith.constant 2.000000e+00 : f32
      %mul3A_320 = arith.mulf %mul3A_319, %sub3A_318 : f32
      %slice3A_321 = vector.extract_strided_slice %get3A_93 {offsets = [11], sizes = [1], strides = [1]} : vector<16xf32> to vector<1xf32>
      %squeeze3A_322 = vector.extract %slice3A_321[0] : f32 from vector<1xf32>
      %mul3A_323 = arith.mulf %mul3A_320, %squeeze3A_322 : f32
      %add3A_324 = arith.addf %sub3A_310, %mul3A_323 : f32
      %mul3A_325 = arith.mulf %sub3A_318, %sub3A_318 : f32
      %mul3A_326 = arith.constant 1.000000e+03 : f32
      %mul3A_327 = arith.mulf %mul3A_326, %mul3A_325 : f32
      %add3A_328 = arith.addf %add3A_324, %mul3A_327 : f32
      %sub3A_329 = arith.constant 1.000000e+00 : f32
      %sub3A_330 = arith.subf %add3A_328, %sub3A_329 : f32
      %mul3A_331 = arith.constant 16 : i32
      %mul3A_332 = arith.muli %scan3A_89, %mul3A_331 : i32
      %add3A_333 = arith.constant 12 : i32
      %add3A_334 = arith.addi %mul3A_332, %add3A_333 : i32
      %get3A_335 = arith.index_cast %add3A_334 : i32 to index
      %get3A_336 = memref.load %arg10[%get3A_335] : memref<128xf32, #tpu.memory_space<smem>>
      %sub3A_337 = arith.constant 1.000000e+00 : f32
      %sub3A_338 = arith.subf %sub3A_337, %get3A_336 : f32
      %mul3A_339 = arith.constant 2.000000e+00 : f32
      %mul3A_340 = arith.mulf %mul3A_339, %sub3A_338 : f32
      %slice3A_341 = vector.extract_strided_slice %get3A_93 {offsets = [12], sizes = [1], strides = [1]} : vector<16xf32> to vector<1xf32>
      %squeeze3A_342 = vector.extract %slice3A_341[0] : f32 from vector<1xf32>
      %mul3A_343 = arith.mulf %mul3A_340, %squeeze3A_342 : f32
      %add3A_344 = arith.addf %sub3A_330, %mul3A_343 : f32
      %mul3A_345 = arith.mulf %sub3A_338, %sub3A_338 : f32
      %mul3A_346 = arith.constant 1.000000e+03 : f32
      %mul3A_347 = arith.mulf %mul3A_346, %mul3A_345 : f32
      %add3A_348 = arith.addf %add3A_344, %mul3A_347 : f32
      %sub3A_349 = arith.constant 1.000000e+00 : f32
      %sub3A_350 = arith.subf %add3A_348, %sub3A_349 : f32
      %mul3A_351 = arith.constant 16 : i32
      %mul3A_352 = arith.muli %scan3A_89, %mul3A_351 : i32
      %add3A_353 = arith.constant 13 : i32
      %add3A_354 = arith.addi %mul3A_352, %add3A_353 : i32
      %get3A_355 = arith.index_cast %add3A_354 : i32 to index
      %get3A_356 = memref.load %arg10[%get3A_355] : memref<128xf32, #tpu.memory_space<smem>>
      %sub3A_357 = arith.constant 1.000000e+00 : f32
      %sub3A_358 = arith.subf %sub3A_357, %get3A_356 : f32
      %mul3A_359 = arith.constant 2.000000e+00 : f32
      %mul3A_360 = arith.mulf %mul3A_359, %sub3A_358 : f32
      %slice3A_361 = vector.extract_strided_slice %get3A_93 {offsets = [13], sizes = [1], strides = [1]} : vector<16xf32> to vector<1xf32>
      %squeeze3A_362 = vector.extract %slice3A_361[0] : f32 from vector<1xf32>
      %mul3A_363 = arith.mulf %mul3A_360, %squeeze3A_362 : f32
      %add3A_364 = arith.addf %sub3A_350, %mul3A_363 : f32
      %mul3A_365 = arith.mulf %sub3A_358, %sub3A_358 : f32
      %mul3A_366 = arith.constant 1.000000e+03 : f32
      %mul3A_367 = arith.mulf %mul3A_366, %mul3A_365 : f32
      %add3A_368 = arith.addf %add3A_364, %mul3A_367 : f32
      %sub3A_369 = arith.constant 1.000000e+00 : f32
      %sub3A_370 = arith.subf %add3A_368, %sub3A_369 : f32
      %mul3A_371 = arith.constant 16 : i32
      %mul3A_372 = arith.muli %scan3A_89, %mul3A_371 : i32
      %add3A_373 = arith.constant 14 : i32
      %add3A_374 = arith.addi %mul3A_372, %add3A_373 : i32
      %get3A_375 = arith.index_cast %add3A_374 : i32 to index
      %get3A_376 = memref.load %arg10[%get3A_375] : memref<128xf32, #tpu.memory_space<smem>>
      %sub3A_377 = arith.constant 1.000000e+00 : f32
      %sub3A_378 = arith.subf %sub3A_377, %get3A_376 : f32
      %mul3A_379 = arith.constant 2.000000e+00 : f32
      %mul3A_380 = arith.mulf %mul3A_379, %sub3A_378 : f32
      %slice3A_381 = vector.extract_strided_slice %get3A_93 {offsets = [14], sizes = [1], strides = [1]} : vector<16xf32> to vector<1xf32>
      %squeeze3A_382 = vector.extract %slice3A_381[0] : f32 from vector<1xf32>
      %mul3A_383 = arith.mulf %mul3A_380, %squeeze3A_382 : f32
      %add3A_384 = arith.addf %sub3A_370, %mul3A_383 : f32
      %mul3A_385 = arith.mulf %sub3A_378, %sub3A_378 : f32
      %mul3A_386 = arith.constant 1.000000e+03 : f32
      %mul3A_387 = arith.mulf %mul3A_386, %mul3A_385 : f32
      %add3A_388 = arith.addf %add3A_384, %mul3A_387 : f32
      %sub3A_389 = arith.constant 1.000000e+00 : f32
      %sub3A_390 = arith.subf %add3A_388, %sub3A_389 : f32
      %mul3A_391 = arith.constant 16 : i32
      %mul3A_392 = arith.muli %scan3A_89, %mul3A_391 : i32
      %add3A_393 = arith.constant 15 : i32
      %add3A_394 = arith.addi %mul3A_392, %add3A_393 : i32
      %get3A_395 = arith.index_cast %add3A_394 : i32 to index
      %get3A_396 = memref.load %arg10[%get3A_395] : memref<128xf32, #tpu.memory_space<smem>>
      %sub3A_397 = arith.constant 1.000000e+00 : f32
      %sub3A_398 = arith.subf %sub3A_397, %get3A_396 : f32
      %mul3A_399 = arith.constant 2.000000e+00 : f32
      %mul3A_400 = arith.mulf %mul3A_399, %sub3A_398 : f32
      %slice3A_401 = vector.extract_strided_slice %get3A_93 {offsets = [15], sizes = [1], strides = [1]} : vector<16xf32> to vector<1xf32>
      %squeeze3A_402 = vector.extract %slice3A_401[0] : f32 from vector<1xf32>
      %mul3A_403 = arith.mulf %mul3A_400, %squeeze3A_402 : f32
      %add3A_404 = arith.addf %sub3A_390, %mul3A_403 : f32
      %mul3A_405 = arith.mulf %sub3A_398, %sub3A_398 : f32
      %mul3A_406 = arith.constant 1.000000e+03 : f32
      %mul3A_407 = arith.mulf %mul3A_406, %mul3A_405 : f32
      %add3A_408 = arith.addf %add3A_404, %mul3A_407 : f32
      %sub3A_409 = arith.constant 1.000000e+00 : f32
      %sub3A_410 = arith.subf %add3A_408, %sub3A_409 : f32
      scf.yield %sub3A_410 : f32
    }
    %scan3A_69 = arith.constant 8 : i32
    %mul3A_70 = arith.constant 6.250000e-02 : f32
    %mul3A_71 = arith.mulf %scan3A_68, %mul3A_70 : f32
    %add3A_72 = vector.broadcast %mul3A_71 : f32 to vector<16xf32>
    %add3A_73 = arith.addf %scan3A_61, %add3A_72 : vector<16xf32>
    %swap3A = arith.constant 0 : index
    %swap3A_74 = tpu.vector_load %arg8[%swap3A] {strides = array<i32>} : memref<16xf32, #tpu.memory_space<vmem>>, vector<16xf32>,
    %swap3A_75 = vector.shape_cast %swap3A_74 : vector<16xf32> to vector<16xf32>
    %swap3A_76 = vector.shape_cast %add3A_73 : vector<16xf32> to vector<16xf32>
    tpu.vector_store %arg8[%swap3A], %swap3A_76 {strides = array<i32>} : memref<16xf32, #tpu.memory_space<vmem>>, vector<16xf32>,
    %dma_start3A_77 = arith.constant 0 : i32
    %dma_start3A_78 = tpu.memref_slice %arg4[%add3A, %dma_start3A_77] : memref<32x16xf32, #tpu.memory_space<hbm>> -> memref<1x16xf32, #tpu.memory_space<hbm>>
    %dma_start3A_79 = tpu.memref_squeeze %dma_start3A_78 : memref<1x16xf32, #tpu.memory_space<hbm>> -> memref<16xf32, #tpu.memory_space<hbm>>
    %dma_start3A_80 = arith.constant 0 : i32
    %dma_start3A_81 = tpu.memref_slice %arg4[%add3A, %dma_start3A_80] : memref<32x16xf32, #tpu.memory_space<hbm>> -> memref<1x16xf32, #tpu.memory_space<hbm>>
    %dma_start3A_82 = tpu.memref_squeeze %dma_start3A_81 : memref<1x16xf32, #tpu.memory_space<hbm>> -> memref<16xf32, #tpu.memory_space<hbm>>
    tpu.enqueue_dma source(%arg8 : memref<16xf32, #tpu.memory_space<vmem>>) target(%dma_start3A_82 : memref<16xf32, #tpu.memory_space<hbm>>) target_semaphore(%arg11 : memref<!tpu.dma_semaphore, #tpu.memory_space<semaphore_mem>>)
    %dma_wait3A_83 = arith.constant 0 : i32
    %dma_wait3A_84 = tpu.memref_slice %arg4[%add3A, %dma_wait3A_83] : memref<32x16xf32, #tpu.memory_space<hbm>> -> memref<1x16xf32, #tpu.memory_space<hbm>>
    %dma_wait3A_85 = tpu.memref_squeeze %dma_wait3A_84 : memref<1x16xf32, #tpu.memory_space<hbm>> -> memref<16xf32, #tpu.memory_space<hbm>>
    %dma_wait3A_86 = arith.constant 0 : i32
    %dma_wait3A_87 = tpu.memref_slice %arg4[%add3A, %dma_wait3A_86] : memref<32x16xf32, #tpu.memory_space<hbm>> -> memref<1x16xf32, #tpu.memory_space<hbm>>
    %dma_wait3A_88 = tpu.memref_squeeze %dma_wait3A_87 : memref<1x16xf32, #tpu.memory_space<hbm>> -> memref<16xf32, #tpu.memory_space<hbm>>
    tpu.wait_dma2 semaphore(%arg11 : memref<!tpu.dma_semaphore, #tpu.memory_space<semaphore_mem>>) src(%arg8 : memref<16xf32, #tpu.memory_space<vmem>>) dst(%dma_wait3A_88 : memref<16xf32, #tpu.memory_space<hbm>>)
    return
  }
}

module attributes {stable_mosaic.version = 14 : i64} {
  func.func @_hinge_tc(%arg0: i32, %arg1: memref<1000x2048xf32, #tpu.memory_space<vmem>>, %arg2: memref<2048xi32, #tpu.memory_space<vmem>>, %arg3: memref<1x1xf32, #tpu.memory_space<vmem>>) attributes {dimension_semantics = [#tpu.dimension_semantics<arbitrary>], iteration_bounds = array<i64: 6>, scalar_prefetch = 0 : i64, scratch_operands = 0 : i64, tpu.core_type = #tpu.core_type<tc>, window_params = [{transform_indices = @transform_0, window_bounds = array<i64: 1000, 2048>}, {transform_indices = @transform_1, window_bounds = array<i64: 2048>}, {pipeline_mode = #tpu.pipeline_mode<synchronous>, transform_indices = @transform_2, window_bounds = array<i64: 1, 1>}]} {
    %get3A = arith.constant 0 : index
    %get3A_0 = arith.constant 0 : index
    %get3A_1 = vector.load %arg1[%get3A, %get3A_0] : memref<1000x2048xf32, #tpu.memory_space<vmem>>, vector<1000x2048xf32>
    %get3A_2 = arith.constant 0 : index
    %get3A_3 = vector.load %arg2[%get3A_2] : memref<2048xi32, #tpu.memory_space<vmem>>, vector<2048xi32>
    %reshape3A = vector.shape_cast %get3A_3 : vector<2048xi32> to vector<1x2048xi32>
    %iota3A = tpu.iota {dimensions = array<i32: 0>} : vector<1000x2048xi32>
    %eq3A = vector.broadcast %reshape3A : vector<1x2048xi32> to vector<1000x2048xi32>
    %eq3A_4 = arith.cmpi eq, %iota3A, %eq3A : vector<1000x2048xi32>
    %jit3A = arith.constant 0.000000e+00 : f32
    %broadcast_in_dim3A = vector.broadcast %jit3A : f32 to vector<1000x2048xf32>
    %select_n3A = arith.select %eq3A_4, %get3A_1, %broadcast_in_dim3A : vector<1000x2048xi1>, vector<1000x2048xf32>
    %reduce_sum3A = arith.constant dense<0.000000e+00> : vector<2048xf32>
    %reduce_sum3A_5 = vector.multi_reduction <add>, %select_n3A, %reduce_sum3A [0] : vector<1000x2048xf32> to vector<2048xf32>
    %broadcast_in_dim3A_6 = vector.shape_cast %reduce_sum3A_5 : vector<2048xf32> to vector<1x2048xf32>
    %reduce_sum3A_7 = arith.constant dense<0.000000e+00> : vector<2048xf32>
    %reduce_sum3A_8 = vector.multi_reduction <add>, %get3A_1, %reduce_sum3A_7 [0] : vector<1000x2048xf32> to vector<2048xf32>
    %broadcast_in_dim3A_9 = vector.shape_cast %reduce_sum3A_8 : vector<2048xf32> to vector<1x2048xf32>
    %mul3A = arith.mulf %get3A_1, %get3A_1 : vector<1000x2048xf32>
    %reduce_sum3A_10 = arith.constant dense<0.000000e+00> : vector<2048xf32>
    %reduce_sum3A_11 = vector.multi_reduction <add>, %mul3A, %reduce_sum3A_10 [0] : vector<1000x2048xf32> to vector<2048xf32>
    %broadcast_in_dim3A_12 = vector.shape_cast %reduce_sum3A_11 : vector<2048xf32> to vector<1x2048xf32>
    %sub3A = arith.constant 1.000000e+00 : f32
    %sub3A_13 = vector.broadcast %sub3A : f32 to vector<1x2048xf32>
    %sub3A_14 = arith.subf %sub3A_13, %broadcast_in_dim3A_6 : vector<1x2048xf32>
    %mul3A_15 = arith.constant 2.000000e+00 : f32
    %mul3A_16 = vector.broadcast %mul3A_15 : f32 to vector<1x2048xf32>
    %mul3A_17 = arith.mulf %mul3A_16, %sub3A_14 : vector<1x2048xf32>
    %mul3A_18 = arith.mulf %mul3A_17, %broadcast_in_dim3A_9 : vector<1x2048xf32>
    %add3A = arith.addf %broadcast_in_dim3A_12, %mul3A_18 : vector<1x2048xf32>
    %mul3A_19 = arith.mulf %sub3A_14, %sub3A_14 : vector<1x2048xf32>
    %mul3A_20 = arith.constant 1.000000e+03 : f32
    %mul3A_21 = vector.broadcast %mul3A_20 : f32 to vector<1x2048xf32>
    %mul3A_22 = arith.mulf %mul3A_21, %mul3A_19 : vector<1x2048xf32>
    %add3A_23 = arith.addf %add3A, %mul3A_22 : vector<1x2048xf32>
    %sub3A_24 = arith.constant 1.000000e+00 : f32
    %sub3A_25 = vector.broadcast %sub3A_24 : f32 to vector<1x2048xf32>
    %sub3A_26 = arith.subf %add3A_23, %sub3A_25 : vector<1x2048xf32>
    %reduce_sum3A_27 = vector.shape_cast %sub3A_26 : vector<1x2048xf32> to vector<1x1x2048xf32>
    %reduce_sum3A_28 = arith.constant dense<0.000000e+00> : vector<1xf32>
    %reduce_sum3A_29 = vector.multi_reduction <add>, %reduce_sum3A_27, %reduce_sum3A_28 [1, 2] : vector<1x1x2048xf32> to vector<1xf32>
    %reduce_sum3A_30 = vector.shape_cast %reduce_sum3A_29 : vector<1xf32> to vector<1x1x1xf32>
    %reduce_sum3A_31 = vector.extract %reduce_sum3A_30[0, 0, 0] : f32 from vector<1x1x1xf32>
    %reshape3A_32 = vector.broadcast %reduce_sum3A_31 : f32 to vector<1x1xf32>
    %eq3A_33 = arith.constant 0 : i32
    %eq3A_34 = arith.cmpi eq, %arg0, %eq3A_33 : i32
    %convert_element_type3A = arith.extui %eq3A_34 : i1 to i32
    %cond3A = arith.constant 0 : i32
    %cond3A_35 = arith.cmpi ne, %convert_element_type3A, %cond3A : i32
    scf.if %cond3A_35 {
      %broadcast_in_dim3A_42 = arith.constant 0.000000e+00 : f32
      %broadcast_in_dim3A_43 = vector.broadcast %broadcast_in_dim3A_42 : f32 to vector<1x1xf32>
      %swap3A_44 = arith.constant 0 : index
      %swap3A_45 = arith.constant 0 : index
      %swap3A_46 = vector.load %arg3[%swap3A_44, %swap3A_45] : memref<1x1xf32, #tpu.memory_space<vmem>>, vector<1x1xf32>
      tpu.vector_store %arg3[%swap3A_44, %swap3A_45], %broadcast_in_dim3A_43 {strides = array<i32>} : memref<1x1xf32, #tpu.memory_space<vmem>>, vector<1x1xf32>,
    } else {
    }
    %get3A_36 = arith.constant 0 : index
    %get3A_37 = arith.constant 0 : index
    %get3A_38 = vector.load %arg3[%get3A_36, %get3A_37] : memref<1x1xf32, #tpu.memory_space<vmem>>, vector<1x1xf32>
    %add3A_39 = arith.addf %get3A_38, %reshape3A_32 : vector<1x1xf32>
    %swap3A = arith.constant 0 : index
    %swap3A_40 = arith.constant 0 : index
    %swap3A_41 = vector.load %arg3[%swap3A, %swap3A_40] : memref<1x1xf32, #tpu.memory_space<vmem>>, vector<1x1xf32>
    tpu.vector_store %arg3[%swap3A, %swap3A_40], %add3A_39 {strides = array<i32>} : memref<1x1xf32, #tpu.memory_space<vmem>>, vector<1x1xf32>,
    return
  }
  func.func @transform_0(%arg0: i32) -> (i32, i32) {
    %c0_i32 = arith.constant 0 : i32
    %c0_i32_0 = arith.constant 0 : i32
    return %c0_i32, %arg0 : i32, i32
  }
  func.func @transform_1(%arg0: i32) -> i32 {
    %c0_i32 = arith.constant 0 : i32
    return %arg0 : i32
  }
  func.func @transform_2(%arg0: i32) -> (i32, i32) {
    %c0_i32 = arith.constant 0 : i32
    %c0_i32_0 = arith.constant 0 : i32
    %c0_i32_1 = arith.constant 0 : i32
    return %c0_i32, %c0_i32_0 : i32, i32
  }
}

</mosaic_0001>

<sc_bundles>
// kernel: kernel.4.cloned.1.call-start
scs
__scs_entry_jumppad:
0x0: {  	(pc) =	sbr.rel $0x88, $3  }
0x1: {  	(tag) =	ssettag $0x0;
	lr =	simm.s32 $0x1  }
0x2: {  	[smem:$0x3F9F] =	sst lr;
	_ =	strace $0xD0000000  }
0x3: {  	_ = 	snop  }
0x4: {  	_ = 	snop  }
0x5: {  	_ = 	snop  }
0x6: {  	_ = 	snop  }
0x7: {  	_ = 	snop  }
__scs_overlays_trampoline_lowered:
0x8: {  	[smem:$0x3FAE] =	sst s0  }
0x9: {  	[smem:$0x3FAF] =	sst s1  }
0xa: {  	[smem:$0x3FB0] =	sst s2  }
0xb: {  	[smem:$0x3FB1] =	sst s3  }
0xc: {  	[smem:$0x3FB2] =	sst s4  }
0xd: {  	[smem:$0x3FB3] =	sst s5  }
0xe: {  	[smem:$0x3FB4] =	sst s6  }
0xf: {  	[smem:$0x3FB5] =	sst s7  }
0x10: {  	[smem:$0x3FB6] =	sst s8  }
0x11: {  	[smem:$0x3FB7] =	sst s9;
	s0 =	simm.s32 @!p0 $0x0  }
0x12: {  	s1 =	sld [smem:$0x3F9D];
	s0 =	simm.s32 @p0 $0x1  }
0x13: {  	[smem:$0x3FB8] =	sst s0;
	s0 =	simm.s32 @!p1 $0x0  }
0x14: {  	s2 =	sld [smem:$0x3F9C];
	s0 =	simm.s32 @p1 $0x1  }
0x15: {  	[smem:$0x3FB9] =	sst s0;
	s0 =	simm.s32 @!p2 $0x0  }
0x16: {  	s3 =	sld [smem:$0x3FDB];
	s0 =	simm.s32 @p2 $0x1  }
0x17: {  	s4 =	simm.s32 $0x1BF5;
	[smem:$0x3FBB] =	sst s0  }
0x18: {  	s0 =	sld [smem:$0x3F9E];
	_ =	swait.ge [sflag:s4], $0x0  }
0x19: {  	s7 =	sld [smem:$0x3F9F]  }
0x1a: {  	s8 =	sadd.s32 $0xFFFFE003, lr  }
0x1b: {  	s9 =	sadd.s32 $0xFFFFFEF7, lr;
	s5 =	simm.s32 $0xFFFFFFFF;
	p2 =	slt.u32 s8, $0xFFFFF086  }
0x1c: {  	p1 =	slt.u32 s9, $0xF7A;
	s5 =	simm.s32 @!p2 $0x0  }
0x1d: {  	s5 =	simm.s32 @p1 $0x1;
	p0 =	seq.s32 s7, s2  }
0x1e: {  	s7 =	smul.u32 @!p0 $0xF7A, s2;
	p2 =	seq.s32 @!p0 s5, $0x0  }
0x1f: {  	s9 =	smul.u32 $0xF7A, s1;
	s8 =	simm.s32 @!p0 $0x1BF5;
	p2 =	por !p2, p0  }
0x20: {  	[sflag:s8] =	ssyncset.s32 @!p0 $0xFFFFF086;
	s6 =	sadd.s32 @!p0 s3, s7;
	s7 =	simm.s32 @!p0 $0x108  }
0x21: {  	s3 =	sadd.s32 s3, s9;
	s6 =	sadd.s32 @!p0 $0x88, s6;
	s7 =	simm.s32 @p2 $0x1082  }
0x22: {  	[simem:s7], [sflag:s8] =	dma.local @!p0 [hbm:s6], $0xF7A  }
0x23: {  	s9 =	sor.u32 $0xD0000000, s2;
	s6 =	simm.s32 $0x108;
	_ =	swait.ge @!p0 [sflag:s8], $0x0  }
0x24: {  	s3 =	sadd.s32 $0x88, s3;
	s6 =	simm.s32 @!p1 $0x1082;
	[sflag:s4] =	ssyncset.s32 $0xFFFFF086  }
0x25: {  	[simem:s6], [sflag:s4] =	dma.local [hbm:s3], $0xF7A  }
0x26: {  	[smem:$0x3F9F] =	sst s1;
	(tag) =	ssettag s2;
	_ =	strace s9  }
0x27: {  	s1 =	sld [smem:$0x3FAF]  }
0x28: {  	s2 =	sld [smem:$0x3FB0]  }
0x29: {  	s4 =	sld [smem:$0x3FB2]  }
0x2a: {  	p0 =	seq.s32 s5, $0x0;
	s5 =	sld [smem:$0x3FB3]  }
0x2b: {  	s6 =	sld [smem:$0x3FB4]  }
0x2c: {  	s7 =	sld [smem:$0x3FB5]  }
0x2d: {  	s3 =	simm.s32 $0x108;
	s8 =	sld [smem:$0x3FB6]  }
0x2e: {  	s3 =	simm.s32 @!p0 $0x1082;
	s9 =	sld [smem:$0x3FB7]  }
0x2f: {  	lr =	sadd.s32 s0, s3;
	s0 =	sld [smem:$0x3FAE]  }
0x30: {  	s3 =	sld [smem:$0x3FB1]  }
0x31: {  	[smem:$0x3FBA] =	sst s10  }
0x32: {  	s10 =	sld [smem:$0x3FB8];
	_ =	sdelay $0x3  }
0x33: {  	p0 =	seq.s32 s10, $0x1;
	s10 =	sld [smem:$0x3FBA];
	_ =	sdelay $0x3  }
0x34: {  	[smem:$0x3FBA] =	sst s10  }
0x35: {  	s10 =	sld [smem:$0x3FB9];
	_ =	sdelay $0x3  }
0x36: {  	p1 =	seq.s32 s10, $0x1;
	s10 =	sld [smem:$0x3FBA];
	_ =	sdelay $0x3  }
0x37: {  	[smem:$0x3FBA] =	sst s10  }
0x38: {  	s10 =	sld [smem:$0x3FBB]  }
0x39: {  	_ = 	snop;
	(pc) =	sbr.ind lr, $3  }
0x3a: {  	_ = 	snop  }
0x3b: {  	_ = 	snop  }
0x3c: {  	p2 =	seq.s32 s10, $0x1;
	s10 =	sld [smem:$0x3FBA]  }
0x3d: {  	_ =	shalt  }
0x3e: {  	_ =	shalt  }
0x3f: {  	_ =	shalt  }
0x40: {  	_ =	shalt  }
0x41: {  	_ =	shalt  }
0x42: {  	_ =	shalt  }
0x43: {  	_ =	shalt  }
0x44: {  	_ =	shalt  }
0x45: {  	_ =	shalt  }
0x46: {  	_ =	shalt  }
0x47: {  	_ =	shalt  }
0x48: {  	_ =	shalt  }
0x49: {  	_ =	shalt  }
0x4a: {  	_ =	shalt  }
0x4b: {  	_ =	shalt  }
0x4c: {  	_ =	shalt  }
0x4d: {  	_ =	shalt  }
0x4e: {  	_ =	shalt  }
0x4f: {  	_ =	shalt  }
0x50: {  	_ =	shalt  }
0x51: {  	_ =	shalt  }
0x52: {  	_ =	shalt  }
0x53: {  	_ =	shalt  }
0x54: {  	_ =	shalt  }
0x55: {  	_ =	shalt  }
0x56: {  	_ =	shalt  }
0x57: {  	_ =	shalt  }
0x58: {  	_ =	shalt  }
0x59: {  	_ =	shalt  }
0x5a: {  	_ =	shalt  }
0x5b: {  	_ =	shalt  }
0x5c: {  	_ =	shalt  }
0x5d: {  	_ =	shalt  }
0x5e: {  	_ =	shalt  }
0x5f: {  	_ =	shalt  }
0x60: {  	_ =	shalt  }
0x61: {  	_ =	shalt  }
0x62: {  	_ =	shalt  }
0x63: {  	_ =	shalt  }
0x64: {  	_ =	shalt  }
0x65: {  	_ =	shalt  }
0x66: {  	_ =	shalt  }
0x67: {  	_ =	shalt  }
0x68: {  	_ =	shalt  }
0x69: {  	_ =	shalt  }
0x6a: {  	_ =	shalt  }
0x6b: {  	_ =	shalt  }
0x6c: {  	_ =	shalt  }
0x6d: {  	_ =	shalt  }
0x6e: {  	_ =	shalt  }
0x6f: {  	_ =	shalt  }
0x70: {  	_ =	shalt  }
0x71: {  	_ =	shalt  }
0x72: {  	_ =	shalt  }
0x73: {  	_ =	shalt  }
0x74: {  	_ =	shalt  }
0x75: {  	_ =	shalt  }
0x76: {  	_ =	shalt  }
0x77: {  	_ =	shalt  }
0x78: {  	_ =	shalt  }
0x79: {  	_ =	shalt  }
0x7a: {  	_ =	shalt  }
0x7b: {  	_ =	shalt  }
0x7c: {  	_ =	shalt  }
0x7d: {  	_ =	shalt  }
0x7e: {  	_ =	shalt  }
0x7f: {  	_ =	shalt  }
0x80: {  	_ =	shalt  }
0x81: {  	_ =	shalt  }
0x82: {  	_ =	shalt  }
0x83: {  	_ =	shalt  }
0x84: {  	_ =	shalt  }
0x85: {  	_ =	shalt  }
0x86: {  	_ =	shalt  }
0x87: {  	_ =	shalt  }
.Lfunc_end0:
.L_simem_size_0:
called_computation_lowered:
.L_overlay_start_0:
0x88: {  	s2 =	sld [smem:$0x3FD9]  }
0x89: {  	s3 =	sld [smem:$0x3FFE];
	_ =	sdelay $0x1  }
0x8a: {  	s1 =	srdreg.scid  }
0x8b: {  	s0 =	sand.u32 $0x1, s1  }
0x8c: {  	s17 =	sshll.u32 s0, $0xA;
	s2 =	sadd.s32 s3, s2  }
0x8d: {  	s2 =	sadd.s32 s2, s17  }
0x8e: {  	[smem:$0x3FC6] =	sst s2  }
0x8f: {  	_ = 	snop  }
0x90: {  	s2 =	sld [smem:$0x3FC9]  }
0x91: {  	s18 =	sld [smem:$0x3FC8];
	(tm) =	ssettm $0x1  }
0x92: {  	s4 =	sld [smem:$0x3FFB];
	_ =	sdelay $0x3  }
0x93: {  	_ =	strace s4  }
0x94: {  	s4 =	sld [smem:$0x3FFC];
	_ =	sdelay $0x3  }
0x95: {  	_ =	strace s4  }
0x96: {  	s4 =	sld [smem:$0x3FFD];
	_ =	sdelay $0x3  }
0x97: {  	_ =	strace s4  }
0x98: {  	_ =	strace $0x8FFFFFFF  }
0x99: {  	s19 =	sld [smem:$0x3FDB];
	_ =	sdelay $0x1  }
0x9a: {  	s5 =	simm.s32 $_scs_section_size  }
0x9b: {  	s6 =	simm.s32 $_size__tile_overlayer_lowered;
	s7 =	simm.s32 $_tile_overlayer_lowered  }
0x9c: {  	s22 =	simm.s32 $0x1BFF;
	s21 =	sshll.u32 s7, $0x1;
	s4 =	sadd.s32 s5, s19  }
0x9d: {  	s8 =	simm.s32 $0x0;
	s20 =	sshll.u32 s6, $0x1;
	s6 =	sadd.s32 s21, s4  }
0x9e: {  	[timem:s8], [sflag:s22] =	dma.local [hbm:s6], s20  }
0x9f: {  	_ =	swait.ge [sflag:s22], s20  }
0xa0: {  	s5 =	ssub.s32 $0x0, s20;
	[sflag:s22] =	ssyncset.done $0x0  }
0xa1: {  	[sflag:s22] =	ssyncadd.s32 s5;
	_ =	sdelay $0x1  }
0xa2: {  	s23 =	simm.s32 $0x1B8B  }
0xa3: {  	_ =	swait.ge [sflag:s23], $0x1  }
0xa4: {  	[sflag:s23] =	ssyncset.done $0x0  }
0xa5: {  	s25 =	simm.s32 $0x1B8E;
	s24 =	sld [smem:$0x3FFE];
	[sflag:s23] =	ssyncadd.s32 $0xFFFFFFFF  }
0xa6: {  	s26 =	simm.s32 $execute0_lowered;
	[smem:$0x3FD2] =	sst s25  }
0xa7: {  	s6 =	sshll.u32 s26, $0x1;
	_ =	strace $0x80000046;
	[dreg:$0x1] =	wrdreg $0xFFFFFFFF  }
0xa8: {  	s28 =	simm.s32 $_size_execute0_lowered;
	s4 =	sadd.s32 s4, s6;
	[dreg:$0x0] =	wrdreg $0x0  }
0xa9: {  	s6 =	sshll.u32 s28, $0x1;
	[dreg:$0x2] =	wrdreg s4  }
0xaa: {  	[dreg:$0x3] =	wrdreg s6  }
0xab: {  	[dreg:$0x4] =	wrdreg $0xC0  }
0xac: {  	_ =	task [dreg:s8], $0x5FFFF  }
0xad: {  	[dreg:$0x1] =	wrdreg $0xFFFFFFFF  }
0xae: {  	[dreg:$0x0] =	wrdreg $0x60  }
0xaf: {  	[dreg:$0x2] =	wrdreg s2  }
0xb0: {  	[dreg:$0x3] =	wrdreg s18  }
0xb1: {  	[dreg:$0x4] =	wrdreg s24  }
0xb2: {  	[dreg:$0x5] =	wrdreg $0x9  }
0xb3: {  	_ =	task.clear_ibuf [dreg:s8], $0x6FFFF;
	_ =	strace $0x90000046  }
0xb4: {  	s29 =	simm.s32 $0x9;
	_ =	strace $0x80000048  }
0xb5: {  	_ =	swait.ge [sflag:s29], $0x1  }
0xb6: {  	[sflag:s29] =	ssyncadd.s32 $0xFFFFFFFF  }
0xb7: {  	_ =	strace $0x90000048  }
0xb8: {  	_ =	sfence  }
0xb9: {  	s30 =	sld [smem:$0x0];
	_ =	sdelay $0x2  }
0xba: {  	s31 =	sshll.u32 s1, $0xD;
	s1 =	sshrl.u32 s1, $0x2  }
0xbb: {  	s3 =	sand.u32 $0x4000, s31;
	s1 =	sadd.s32 s1, s30  }
0xbc: {  	s0 =	sor.u32 s3, s0;
	s1 =	sshll.u32 s1, $0x11  }
0xbd: {  	s0 =	sor.u32 s1, s0  }
0xbe: {  	s0 =	sadd.s32 $0x8F2B, s0  }
0xbf: {  	[sflag:s0] =	ssyncadd.remote.s32 $0x1  }
0xc0: {  	_ =	sfence.sel $0xFFFF  }
0xc1: {  	[dreg:$0x0] =	wrdreg $0xFFFFFFFF;
	(pc) =	sbr.abs _section_cstart, $3  }
0xc2: {  	[dreg:$0x1] =	wrdreg $0xFFFFFFFF  }
0xc3: {  	_ =	task.clear_ibuf [dreg:s8], $0x2FFFF;
	_ =	strace $0x9FFFFFFF  }
0xc4: {  	(tm) =	ssettm $0x7FFFFFFF  }
0xc5: {  	_ =	shalt  }
tec
execute0_lowered:
.L_overlay_start_1:
0x0: {  	(tag) =	ssettag $0x1  }
0x1: {  	s0 =	rddreg [dreg:$0x0]  }
0x2: {  	s3 =	srdreg.scid;
	s4 =	stileid.u32  }
0x3: {  	s1 =	rddreg [dreg:$0x1];
	s3 =	sand.u32 $0x1, s3;
	s4 =	sshll.u32 s4, $0x1  }
0x4: {  	s2 =	rddreg [dreg:$0x2];
	s7 =	simm.s32 $0x0;
	s4 =	sor.u32 s3, s4  }
0x5: {  	[smem:$0x7FF] =	sst s7;
	s5 =	sshll.u32 s4, $0x4;
	s4 =	sor.u32 $0x60, s4  }
0x6: {  	s3 =	ssub.s32 $0x2, s3;
	s6 =	sshll.u32 s4, $0x7;
	s4 =	sshll.u32 s4, $0x4  }
0x7: {  	_ =	strace $0x80000047;
	s26 =	sshrl.u32 s3, $0x1;
	s1 =	sadd.s32 s1, s4  }
0x8: {  	s2 =	sadd.s32 s5, s2;
	s0 =	sadd.s32 s0, s6;
	[dreg:$0x7] =	wrdreg s1  }
0x9: {  	s3 =	ssub.s32 s3, s26;
	s30 =	sadd.s32 $0x200, s2;
	[dreg:$0x6] =	wrdreg s0  }
0xa: {  	s31 =	smax.u32 s3, $0x1;
	[dreg:$0xb] =	wrdreg s30  }
0xb: {  	s28 =	sadd.s32 $0x80000, s0;
	[dreg:$0xc] =	wrdreg s31  }
0xc: {  	s29 =	sadd.s32 $0x100000, s0;
	[dreg:$0x8] =	wrdreg s28  }
0xd: {  	s10 =	simm.s32 $0x80;
	s0 =	sadd.s32 $0x174000, s0;
	[dreg:$0x9] =	wrdreg s29  }
0xe: {  	s2 =	simm.s32 $0x0;
	s1 =	simm.s32 $0x1;
	[dreg:$0xa] =	wrdreg s0  }
.LBB2_1:
0xf: {  	[dreg:$0xd] =	wrdreg s2  }
0x10: {  	s0 =	rddreg [dreg:$0x7]  }
0x11: {  	[tilespmem:s7], [sflag:$0x1] =	stream.linear.gather [hbm4b:s0+s7], $0x80, $0x38;
	[tilespmem:$0x10500] =	vst v63  }
0x12: {  	_ =	swait.ge [sflag:s1], $0x80  }
0x13: {  	s28 =	simm.s32 $0x400;
	[sflag:s1] =	ssyncset.done $0x0  }
0x14: {  	s29 =	simm.s32 $0x20000;
	s26 =	rddreg [dreg:$0x6];
	[sflag:s1] =	ssyncadd.s32 $0xFFFFFF80  }
0x15: {  	[tilespmem:s10], [sflag:$0x2] =	stream.strided.gather [hbm4b:s26+s28], $0x8000, s29, s28, $0x38;
	[tilespmem:$0x10500] =	vst v63  }
0x16: {  	s3 =	simm.s32 $0x8080;
	s31 =	simm.s32 $0x2;
	s30 =	rddreg [dreg:$0x8]  }
0x17: {  	[tilespmem:s3], [sflag:$0x3] =	stream.strided.gather [hbm4b:s30+s28], $0x8000, s29, s28, $0x38;
	[tilespmem:$0x10500] =	vst v63  }
0x18: {  	_ =	swait.ge [sflag:s31], $0x8000  }
0x19: {  	[sflag:s31] =	ssyncset.done $0x0  }
0x1a: {  	v1 =	vimm.f32 $0.0e+00;
	s19 =	simm.s32 $0x480;
	v0 =	vimm.f32 $0.0e+00;
	s20 =	simm.s32 $0x0;
	[sflag:s31] =	ssyncadd.s32 $0xFFFF8000  }
.LBB2_2:
0x1b: {  	v13 =	vmov s19;
	_ =	sdelay $0x3  }
0x1c: {  	s0 =	simm.s32 $0x0  }
0x1d: {  	v2 =	vld.idx.msk [tilespmem:v13+s0+$0xFFFFFC00 ss:$0x1], $0xffff  }
0x1e: {  	v11 =	vld.idx.msk [tilespmem:v13+s0+$0xFFFFFC80 ss:$0x1], $0xffff  }
0x1f: {  	v21 =	vld.idx.msk [tilespmem:v13+s0+$0xFFFFFE00 ss:$0x1], $0xffff  }
0x20: {  	v8 =	vld.idx.msk [tilespmem:v13+s0+$0xFFFFFE80 ss:$0x1], $0xffff  }
0x21: {  	v7 =	vld.idx.msk [tilespmem:v13+s0+$0x0 ss:$0x1], $0xffff  }
0x22: {  	v16 =	vimm.f32 $0.0e+00;
	v9 =	vimm.f32 $0.0e+00;
	v4 =	vld.idx.msk [tilespmem:v13+s0+$0x80 ss:$0x1], $0xffff  }
0x23: {  	v22 =	vimm.f32 $0.0e+00;
	v6 =	vimm.f32 $0.0e+00;
	v3 =	vld.idx.msk [tilespmem:v13+s0+$0x200 ss:$0x1], $0xffff;
	v5 =	vmul.f32 v2, v2  }
0x24: {  	v23 =	vimm.f32 $0.0e+00;
	v10 =	vld.idx.msk [tilespmem:v13+s0+$0xFFFFFD00 ss:$0x1], $0xffff;
	v14 =	vmul.f32 v11, v11;
	v24 =	vadd.f32 v2, v1  }
0x25: {  	s21 =	sshll.u32 s20, $0x4;
	s1 =	simm.s32 $0x2000;
	v15 =	vmul.f32 v21, v21;
	v2 =	vld.idx.msk [tilespmem:v13+s0+$0x280 ss:$0x1], $0xffff;
	v12 =	vadd.f32 v5, v1;
	v5 =	vimm.f32 $0.0e+00  }
.LBB2_3:
0x26: {  	p0 =	sne.s32 s1, $0x1E000;
	v11 =	vadd.f32 v11, v16;
	v9 =	vadd.f32 v14, v9;
	v14 =	vld.idx.msk [tilespmem:v13+s0+$0xFFFFFD80 ss:$0x1], $0xffff;
	v16 =	vmul.f32 v8, v8  }
0x27: {  	v18 =	vmul.f32 v7, v7;
	v17 =	vadd.f32 v21, v24;
	v12 =	vadd.f32 v15, v12;
	v15 =	vld.idx.msk [tilespmem:v13+s0+$0xFFFFFF00 ss:$0x1], $0xffff  }
0x28: {  	v8 =	vadd.f32 v8, v11;
	v9 =	vadd.f32 v16, v9;
	v19 =	vld.idx.msk [tilespmem:v13+s0+$0xFFFFFF80 ss:$0x1], $0xffff;
	v11 =	vmul.f32 v4, v4  }
0x29: {  	v16 =	vmul.f32 v3, v3;
	v7 =	vadd.f32 v7, v17;
	v12 =	vadd.f32 v18, v12;
	v17 =	vld.idx.msk [tilespmem:v13+s0+$0x100 ss:$0x1], $0xffff  }
0x2a: {  	v4 =	vadd.f32 v4, v8;
	v8 =	vadd.f32 v11, v9;
	v18 =	vld.idx.msk [tilespmem:v13+s0+$0x180 ss:$0x1], $0xffff;
	v9 =	vmul.f32 v2, v2  }
0x2b: {  	v11 =	vmul.f32 v10, v10;
	v20 =	vadd.f32 v3, v7;
	v12 =	vadd.f32 v16, v12;
	v24 =	vld.idx.msk [tilespmem:v13+s0+$0x300 ss:$0x1], $0xffff  }
0x2c: {  	v3 =	vmul.f32 v14, v14;
	v16 =	vadd.f32 v2, v4;
	v9 =	vadd.f32 v9, v8;
	v25 =	vld.idx.msk [tilespmem:v13+s0+$0x380 ss:$0x1], $0xffff;
	s0 =	sshra.s32 s1, $0x2  }
0x2d: {  	v2 =	vadd.f32 v10, v22;
	v4 =	vadd.f32 v11, v6;
	v6 =	vmul.f32 v15, v15;
	v26 =	vld.idx.msk [tilespmem:v13+s0+$0xFFFFFC00 ss:$0x1], $0xffff  }
0x2e: {  	v7 =	vadd.f32 v14, v23;
	v3 =	vadd.f32 v3, v5;
	v5 =	vmul.f32 v19, v19;
	v11 =	vld.idx.msk [tilespmem:v13+s0+$0xFFFFFC80 ss:$0x1], $0xffff  }
0x2f: {  	v2 =	vadd.f32 v15, v2;
	v4 =	vadd.f32 v6, v4;
	v6 =	vmul.f32 v17, v17;
	v21 =	vld.idx.msk [tilespmem:v13+s0+$0xFFFFFE00 ss:$0x1], $0xffff  }
0x30: {  	v10 =	vadd.f32 v19, v7;
	v3 =	vadd.f32 v5, v3;
	v5 =	vmul.f32 v18, v18;
	v8 =	vld.idx.msk [tilespmem:v13+s0+$0xFFFFFE80 ss:$0x1], $0xffff  }
.Ltmp0:
0x31: {  	v2 =	vadd.f32 v17, v2;
	v6 =	vadd.f32 v6, v4;
	v14 =	vmul.f32 v24, v24;
	v7 =	vld.idx.msk [tilespmem:v13+s0+$0x0 ss:$0x1], $0xffff;
	(pc) =	sbr.rel @p0 .LBB2_3-.Ltmp0, $4  }
0x32: {  	v10 =	vadd.f32 v18, v10;
	v5 =	vadd.f32 v5, v3;
	v15 =	vmul.f32 v25, v25;
	v4 =	vld.idx.msk [tilespmem:v13+s0+$0x80 ss:$0x1], $0xffff  }
0x33: {  	v17 =	vmul.f32 v26, v26;
	v22 =	vadd.f32 v24, v2;
	v6 =	vadd.f32 v14, v6;
	v3 =	vld.idx.msk [tilespmem:v13+s0+$0x200 ss:$0x1], $0xffff  }
0x34: {  	v23 =	vadd.f32 v25, v10;
	v14 =	vmul.f32 v11, v11;
	v5 =	vadd.f32 v15, v5;
	v2 =	vld.idx.msk [tilespmem:v13+s0+$0x280 ss:$0x1], $0xffff  }
0x35: {  	s1 =	sadd.s32 $0x2000, s1;
	v24 =	vadd.f32 v26, v20;
	v12 =	vadd.f32 v17, v12;
	v15 =	vmul.f32 v21, v21;
	v10 =	vld.idx.msk [tilespmem:v13+s0+$0xFFFFFD00 ss:$0x1], $0xffff  }
0x36: {  	_ =	sdelay $0x3  }
0x37: {  	v20 =	vld.idx.msk [tilespmem:v13+s0+$0xFFFFFD80 ss:$0x1], $0xffff  }
0x38: {  	v19 =	vld.idx.msk [tilespmem:v13+s0+$0xFFFFFF00 ss:$0x1], $0xffff  }
0x39: {  	v18 =	vld.idx.msk [tilespmem:v13+s0+$0xFFFFFF80 ss:$0x1], $0xffff  }
0x3a: {  	v17 =	vld.idx.msk [tilespmem:v13+s0+$0x100 ss:$0x1], $0xffff  }
0x3b: {  	v25 =	vadd.f32 v11, v16;
	v32 =	vld.idx.msk [tilespmem:v13+s0+$0x180 ss:$0x1], $0xffff  }
0x3c: {  	v33 =	vld.idx.msk [tilespmem:v13+s0+$0x300 ss:$0x1], $0xffff;
	v22 =	vadd.f32 v10, v22;
	v23 =	vadd.f32 v20, v23  }
0x3d: {  	v35 =	vld.idx.msk [tilespmem:v13+s0+$0x380 ss:$0x1], $0xffff;
	v21 =	vadd.f32 v21, v24;
	v34 =	vadd.f32 v8, v25  }
0x3e: {  	v22 =	vadd.f32 v19, v22;
	v23 =	vadd.f32 v18, v23  }
0x3f: {  	v21 =	vadd.f32 v7, v21;
	v24 =	vadd.f32 v4, v34  }
0x40: {  	v22 =	vadd.f32 v17, v22;
	v23 =	vadd.f32 v32, v23  }
0x41: {  	v21 =	vadd.f32 v3, v21;
	v24 =	vadd.f32 v2, v24  }
0x42: {  	v22 =	vadd.f32 v33, v22;
	v23 =	vadd.f32 v35, v23;
	_ =	sdelay $0x1  }
0x43: {  	v21 =	vadd.f32 v24, v21;
	v22 =	vadd.f32 v23, v22;
	_ =	sdelay $0x1  }
0x44: {  	s14 =	sshll.u32 s20, $0x7;
	v21 =	vadd.f32 v22, v21  }
0x45: {  	s0 =	sand.u32 $0x3FFFFF80, s14  }
0x46: {  	[tilespmem:s0+$0x10100] =	vst v21  }
0x47: {  	v21 =	vld [tilespmem:s21+$0x0];
	_ =	sdelay $0x4  }
0x48: {  	(v2sf) =	vpush v21, $0x0;
	_ =	sdelay $0xe  }
0x49: {  	s0 =	spop (v2sf)  }
0x4a: {  	p0 =	slt.u32 s0, $0x100  }
0x4b: {  	s1 =	simm.s32 @!p0 $0x0  }
0x4c: {  	s1 =	simm.s32 @p0 $0x1;
	p0 =	sgt.s32 s0, $0x0  }
0x4d: {  	s0 =	simm.s32 @!p0 $0x0  }
0x4e: {  	s0 =	smin.u32 s0, $0xFF  }
0x4f: {  	s0 =	sshll.u32 s0, $0x7  }
0x50: {  	s0 =	sadd.s32 s21, s0  }
0x51: {  	v36 =	vld [tilespmem:s0+$0x80];
	_ =	sdelay $0x4  }
0x52: {  	(v2sf) =	vpush v36, $0x0  }
0x53: {  	(v2sf) =	vpush v21, $0x1;
	_ =	sdelay $0xd  }
0x54: {  	s22 =	spop (v2sf)  }
0x55: {  	s0 =	spop (v2sf)  }
0x56: {  	p0 =	slt.u32 s0, $0x100  }
0x57: {  	[smem:$0x7F4] =	sst s1;
	s1 =	simm.s32 @!p0 $0x0  }
0x58: {  	s1 =	simm.s32 @p0 $0x1;
	p0 =	sgt.s32 s0, $0x0  }
0x59: {  	s0 =	simm.s32 @!p0 $0x0  }
0x5a: {  	s0 =	smin.u32 s0, $0xFF  }
0x5b: {  	s0 =	sshll.u32 s0, $0x7  }
0x5c: {  	s0 =	sadd.s32 s21, s0  }
0x5d: {  	v37 =	vld [tilespmem:s0+$0x80];
	_ =	sdelay $0x4  }
0x5e: {  	(v2sf) =	vpush v37, $0x1  }
0x5f: {  	(v2sf) =	vpush v21, $0x2;
	_ =	sdelay $0xd  }
0x60: {  	s23 =	spop (v2sf)  }
0x61: {  	s0 =	spop (v2sf)  }
0x62: {  	p0 =	slt.u32 s0, $0x100  }
0x63: {  	[smem:$0x7F5] =	sst s1;
	s1 =	simm.s32 @!p0 $0x0  }
0x64: {  	s1 =	simm.s32 @p0 $0x1;
	p0 =	sgt.s32 s0, $0x0  }
0x65: {  	s0 =	simm.s32 @!p0 $0x0  }
0x66: {  	s0 =	smin.u32 s0, $0xFF  }
0x67: {  	s0 =	sshll.u32 s0, $0x7  }
0x68: {  	s0 =	sadd.s32 s21, s0  }
0x69: {  	v38 =	vld [tilespmem:s0+$0x80];
	_ =	sdelay $0x4  }
0x6a: {  	(v2sf) =	vpush v38, $0x2  }
0x6b: {  	(v2sf) =	vpush v21, $0x3;
	_ =	sdelay $0xd  }
0x6c: {  	s24 =	spop (v2sf)  }
0x6d: {  	s0 =	spop (v2sf)  }
0x6e: {  	p0 =	slt.u32 s0, $0x100  }
0x6f: {  	[smem:$0x7F6] =	sst s1;
	s1 =	simm.s32 @!p0 $0x0  }
0x70: {  	s1 =	simm.s32 @p0 $0x1;
	p0 =	sgt.s32 s0, $0x0  }
0x71: {  	s0 =	simm.s32 @!p0 $0x0  }
0x72: {  	s0 =	smin.u32 s0, $0xFF  }
0x73: {  	s0 =	sshll.u32 s0, $0x7  }
0x74: {  	s0 =	sadd.s32 s21, s0  }
0x75: {  	v39 =	vld [tilespmem:s0+$0x80];
	_ =	sdelay $0x4  }
0x76: {  	(v2sf) =	vpush v39, $0x3  }
0x77: {  	(v2sf) =	vpush v21, $0x4;
	_ =	sdelay $0xd  }
0x78: {  	s25 =	spop (v2sf)  }
0x79: {  	s0 =	spop (v2sf)  }
0x7a: {  	p0 =	slt.u32 s0, $0x100  }
0x7b: {  	[smem:$0x7F7] =	sst s1;
	s1 =	simm.s32 @!p0 $0x0  }
0x7c: {  	s1 =	simm.s32 @p0 $0x1;
	p0 =	sgt.s32 s0, $0x0  }
0x7d: {  	s0 =	simm.s32 @!p0 $0x0  }
0x7e: {  	s0 =	smin.u32 s0, $0xFF  }
0x7f: {  	s0 =	sshll.u32 s0, $0x7  }
0x80: {  	s0 =	sadd.s32 s21, s0  }
0x81: {  	v40 =	vld [tilespmem:s0+$0x80];
	_ =	sdelay $0x4  }
0x82: {  	(v2sf) =	vpush v40, $0x4  }
0x83: {  	(v2sf) =	vpush v21, $0x5;
	_ =	sdelay $0xd  }
0x84: {  	s26 =	spop (v2sf)  }
0x85: {  	s0 =	spop (v2sf)  }
0x86: {  	p0 =	slt.u32 s0, $0x100  }
0x87: {  	[smem:$0x7F8] =	sst s1;
	s1 =	simm.s32 @!p0 $0x0  }
0x88: {  	s1 =	simm.s32 @p0 $0x1;
	p0 =	sgt.s32 s0, $0x0  }
0x89: {  	s0 =	simm.s32 @!p0 $0x0  }
0x8a: {  	s0 =	smin.u32 s0, $0xFF  }
0x8b: {  	s0 =	sshll.u32 s0, $0x7  }
0x8c: {  	s0 =	sadd.s32 s21, s0  }
0x8d: {  	v41 =	vld [tilespmem:s0+$0x80];
	_ =	sdelay $0x4  }
0x8e: {  	(v2sf) =	vpush v41, $0x5  }
0x8f: {  	(v2sf) =	vpush v21, $0x6;
	_ =	sdelay $0xd  }
0x90: {  	s0 =	spop (v2sf)  }
0x91: {  	[smem:$0x7F9] =	sst s1;
	s1 =	spop (v2sf)  }
0x92: {  	p0 =	slt.u32 s1, $0x100  }
0x93: {  	s2 =	simm.s32 @!p0 $0x0  }
0x94: {  	s2 =	simm.s32 @p0 $0x1;
	p0 =	sgt.s32 s1, $0x0  }
0x95: {  	s1 =	simm.s32 @!p0 $0x0  }
0x96: {  	s1 =	smin.u32 s1, $0xFF  }
0x97: {  	s1 =	sshll.u32 s1, $0x7  }
0x98: {  	s1 =	sadd.s32 s21, s1  }
0x99: {  	v42 =	vld [tilespmem:s1+$0x80];
	_ =	sdelay $0x4  }
0x9a: {  	(v2sf) =	vpush v42, $0x6  }
0x9b: {  	(v2sf) =	vpush v21, $0x7;
	_ =	sdelay $0xd  }
0x9c: {  	s1 =	spop (v2sf)  }
0x9d: {  	[smem:$0x7FA] =	sst s2;
	s2 =	spop (v2sf)  }
0x9e: {  	p0 =	slt.u32 s2, $0x100  }
0x9f: {  	s3 =	simm.s32 @!p0 $0x0  }
0xa0: {  	s3 =	simm.s32 @p0 $0x1;
	p0 =	sgt.s32 s2, $0x0  }
0xa1: {  	s2 =	simm.s32 @!p0 $0x0  }
0xa2: {  	s2 =	smin.u32 s2, $0xFF  }
0xa3: {  	s2 =	sshll.u32 s2, $0x7  }
0xa4: {  	s2 =	sadd.s32 s21, s2  }
0xa5: {  	v43 =	vld [tilespmem:s2+$0x80];
	_ =	sdelay $0x4  }
0xa6: {  	(v2sf) =	vpush v43, $0x7  }
0xa7: {  	(v2sf) =	vpush v21, $0x8;
	_ =	sdelay $0xd  }
0xa8: {  	s17 =	spop (v2sf)  }
0xa9: {  	s2 =	spop (v2sf)  }
0xaa: {  	p0 =	slt.u32 s2, $0x100  }
0xab: {  	[smem:$0x7FB] =	sst s3;
	s3 =	simm.s32 @!p0 $0x0  }
0xac: {  	s3 =	simm.s32 @p0 $0x1;
	p0 =	sgt.s32 s2, $0x0  }
0xad: {  	s2 =	simm.s32 @!p0 $0x0  }
0xae: {  	s2 =	smin.u32 s2, $0xFF  }
0xaf: {  	s2 =	sshll.u32 s2, $0x7  }
0xb0: {  	s2 =	sadd.s32 s21, s2  }
0xb1: {  	v44 =	vld [tilespmem:s2+$0x80];
	_ =	sdelay $0x4  }
0xb2: {  	(v2sf) =	vpush v44, $0x8  }
0xb3: {  	(v2sf) =	vpush v21, $0x9;
	_ =	sdelay $0xd  }
0xb4: {  	s2 =	spop (v2sf)  }
0xb5: {  	[smem:$0x7FC] =	sst s3;
	s3 =	spop (v2sf)  }
0xb6: {  	p0 =	slt.u32 s3, $0x100  }
0xb7: {  	s4 =	simm.s32 @!p0 $0x0  }
0xb8: {  	s4 =	simm.s32 @p0 $0x1;
	p0 =	sgt.s32 s3, $0x0  }
0xb9: {  	s3 =	simm.s32 @!p0 $0x0  }
0xba: {  	s3 =	smin.u32 s3, $0xFF  }
0xbb: {  	s3 =	sshll.u32 s3, $0x7  }
0xbc: {  	s3 =	sadd.s32 s21, s3  }
0xbd: {  	v45 =	vld [tilespmem:s3+$0x80];
	_ =	sdelay $0x4  }
0xbe: {  	(v2sf) =	vpush v45, $0x9  }
0xbf: {  	(v2sf) =	vpush v21, $0xA;
	_ =	sdelay $0xd  }
0xc0: {  	[smem:$0x7FD] =	sst s4;
	s4 =	spop (v2sf)  }
0xc1: {  	s3 =	spop (v2sf)  }
0xc2: {  	p0 =	sgt.s32 s3, $0x0  }
0xc3: {  	p5 =	slt.u32 s3, $0x100;
	s3 =	simm.s32 @!p0 $0x0  }
0xc4: {  	s3 =	smin.u32 s3, $0xFF  }
0xc5: {  	s3 =	sshll.u32 s3, $0x7  }
0xc6: {  	s3 =	sadd.s32 s21, s3  }
0xc7: {  	v46 =	vld [tilespmem:s3+$0x80];
	_ =	sdelay $0x4  }
0xc8: {  	(v2sf) =	vpush v46, $0xA  }
0xc9: {  	(v2sf) =	vpush v21, $0xB;
	_ =	sdelay $0xd  }
0xca: {  	s3 =	spop (v2sf)  }
0xcb: {  	s5 =	spop (v2sf)  }
0xcc: {  	p0 =	sgt.s32 s5, $0x0  }
0xcd: {  	p4 =	slt.u32 s5, $0x100;
	s5 =	simm.s32 @!p0 $0x0  }
0xce: {  	s5 =	smin.u32 s5, $0xFF  }
0xcf: {  	s5 =	sshll.u32 s5, $0x7  }
0xd0: {  	s5 =	sadd.s32 s21, s5  }
0xd1: {  	v47 =	vld [tilespmem:s5+$0x80];
	_ =	sdelay $0x4  }
0xd2: {  	(v2sf) =	vpush v47, $0xB  }
0xd3: {  	(v2sf) =	vpush v21, $0xC;
	_ =	sdelay $0xd  }
0xd4: {  	s5 =	spop (v2sf)  }
0xd5: {  	s6 =	spop (v2sf)  }
0xd6: {  	p0 =	sgt.s32 s6, $0x0  }
0xd7: {  	p3 =	slt.u32 s6, $0x100;
	s6 =	simm.s32 @!p0 $0x0  }
0xd8: {  	s6 =	smin.u32 s6, $0xFF  }
0xd9: {  	s6 =	sshll.u32 s6, $0x7  }
0xda: {  	s6 =	sadd.s32 s21, s6  }
0xdb: {  	v48 =	vld [tilespmem:s6+$0x80];
	_ =	sdelay $0x4  }
0xdc: {  	(v2sf) =	vpush v48, $0xC  }
0xdd: {  	(v2sf) =	vpush v21, $0xD;
	_ =	sdelay $0xd  }
0xde: {  	s6 =	spop (v2sf)  }
0xdf: {  	s7 =	spop (v2sf)  }
0xe0: {  	p0 =	sgt.s32 s7, $0x0  }
0xe1: {  	p2 =	slt.u32 s7, $0x100;
	s7 =	simm.s32 @!p0 $0x0  }
0xe2: {  	s7 =	smin.u32 s7, $0xFF  }
0xe3: {  	s7 =	sshll.u32 s7, $0x7  }
0xe4: {  	s7 =	sadd.s32 s21, s7  }
0xe5: {  	v49 =	vld [tilespmem:s7+$0x80];
	_ =	sdelay $0x4  }
0xe6: {  	(v2sf) =	vpush v49, $0xD  }
0xe7: {  	(v2sf) =	vpush v21, $0xE;
	_ =	sdelay $0xd  }
0xe8: {  	s7 =	spop (v2sf)  }
0xe9: {  	s8 =	spop (v2sf)  }
0xea: {  	p0 =	sgt.s32 s8, $0x0  }
0xeb: {  	p1 =	slt.u32 s8, $0x100;
	s8 =	simm.s32 @!p0 $0x0  }
0xec: {  	s8 =	smin.u32 s8, $0xFF  }
0xed: {  	s8 =	sshll.u32 s8, $0x7  }
0xee: {  	s8 =	sadd.s32 s21, s8  }
0xef: {  	v50 =	vld [tilespmem:s8+$0x80];
	_ =	sdelay $0x4  }
0xf0: {  	(v2sf) =	vpush v50, $0xE  }
0xf1: {  	(v2sf) =	vpush v21, $0xF;
	_ =	sdelay $0xd  }
0xf2: {  	s8 =	spop (v2sf)  }
0xf3: {  	s9 =	spop (v2sf)  }
0xf4: {  	p6 =	sgt.s32 s9, $0x0  }
0xf5: {  	p0 =	slt.u32 s9, $0x100;
	s9 =	simm.s32 @!p6 $0x0  }
0xf6: {  	s9 =	smin.u32 s9, $0xFF  }
0xf7: {  	s9 =	sshll.u32 s9, $0x7  }
0xf8: {  	s9 =	sadd.s32 s21, s9  }
0xf9: {  	s15 =	sld [smem:$0x7F4];
	v51 =	vld [tilespmem:s9+$0x80]  }
0xfa: {  	s16 =	sld [smem:$0x7F5]  }
0xfb: {  	s11 =	sld [smem:$0x7F6]  }
0xfc: {  	s18 =	sadd.s32 $0x1, s21;
	s29 =	sld [smem:$0x7F8]  }
0xfd: {  	s28 =	sadd.s32 $0x3, s21;
	s30 =	sadd.s32 $0x4, s21;
	s31 =	sld [smem:$0x7F9]  }
0xfe: {  	s12 =	sadd.s32 $0x5, s21;
	s13 =	sld [smem:$0x7FA];
	p6 =	seq.s32 s15, $0x1;
	(v2sf) =	vpush v51, $0xF  }
0xff: {  	s15 =	sld [smem:$0x7FB];
	s22 =	simm.s32 @!p6 $0x0;
	p6 =	seq.s32 s16, $0x1  }
0x100: {  	s20 =	sadd.s32 $0x1, s20;
	s23 =	simm.s32 @!p6 $0x0;
	[smem:s21] =	sst s22  }
0x101: {  	s14 =	sadd.s32 $0x6, s21;
	s3 =	simm.s32 @!p5 $0x0;
	[smem:s18] =	sst s23  }
0x102: {  	s5 =	simm.s32 @!p4 $0x0;
	p6 =	seq.s32 s11, $0x1;
	s23 =	sld [smem:$0x7F7]  }
0x103: {  	s22 =	sadd.s32 $0x2, s21;
	s24 =	simm.s32 @!p6 $0x0;
	s18 =	sld [smem:$0x7FC]  }
0x104: {  	v9 =	vadd.f32 v14, v9;
	v52 =	vmul.f32 v8, v8;
	v54 =	vmul.f32 v7, v7;
	s6 =	simm.s32 @!p3 $0x0;
	s16 =	sadd.s32 $0x7, s21;
	[smem:s22] =	sst s24  }
0x105: {  	v12 =	vadd.f32 v15, v12;
	v53 =	vmul.f32 v10, v10;
	v55 =	vmul.f32 v20, v20;
	s22 =	sadd.s32 $0x8, s21;
	s24 =	sadd.s32 $0x9, s21;
	p6 =	seq.s32 s23, $0x1  }
0x106: {  	v57 =	vmul.f32 v4, v4;
	v8 =	vadd.f32 v52, v9;
	v56 =	vmul.f32 v19, v19;
	s23 =	sld [smem:$0x7FD];
	s25 =	simm.s32 @!p6 $0x0;
	p6 =	seq.s32 s29, $0x1  }
0x107: {  	v58 =	vmul.f32 v18, v18;
	v6 =	vadd.f32 v53, v6;
	v5 =	vadd.f32 v55, v5;
	s26 =	simm.s32 @!p6 $0x0;
	[smem:s28] =	sst s25;
	p6 =	seq.s32 s31, $0x1  }
0x108: {  	v7 =	vadd.f32 v54, v12;
	v59 =	vmul.f32 v17, v17;
	v3 =	vmul.f32 v3, v3;
	s0 =	simm.s32 @!p6 $0x0;
	[smem:s30] =	sst s26;
	p6 =	seq.s32 s13, $0x1  }
0x109: {  	v60 =	vmul.f32 v32, v32;
	v6 =	vadd.f32 v56, v6;
	v5 =	vadd.f32 v58, v5;
	s1 =	simm.s32 @!p6 $0x0;
	[smem:s12] =	sst s0;
	p6 =	seq.s32 s15, $0x1  }
0x10a: {  	v4 =	vadd.f32 v57, v8;
	v61 =	vmul.f32 v33, v33;
	v2 =	vmul.f32 v2, v2;
	s17 =	simm.s32 @!p6 $0x0;
	[smem:s14] =	sst s1;
	p6 =	seq.s32 s18, $0x1  }
0x10b: {  	v62 =	vmul.f32 v35, v35;
	v6 =	vadd.f32 v59, v6;
	v5 =	vadd.f32 v60, v5;
	s2 =	simm.s32 @!p6 $0x0;
	[smem:s16] =	sst s17;
	p6 =	seq.s32 s23, $0x1  }
0x10c: {  	v3 =	vadd.f32 v3, v7;
	v2 =	vadd.f32 v2, v4;
	s25 =	sadd.s32 $0xA, s21;
	[smem:s22] =	sst s2;
	s4 =	simm.s32 @!p6 $0x0  }
0x10d: {  	v63 =	vadd.f32 v61, v6;
	v5 =	vadd.f32 v62, v5;
	s26 =	sadd.s32 $0xB, s21;
	[smem:s24] =	sst s4;
	s0 =	spop (v2sf)  }
0x10e: {  	[smem:s25] =	sst s3;
	s0 =	simm.s32 @!p0 $0x0;
	p0 =	sne.s32 s20, $0x8  }
.Ltmp1:
0x10f: {  	v2 =	vadd.f32 v2, v3;
	v3 =	vadd.f32 v5, v63;
	s28 =	sadd.s32 $0xC, s21;
	[smem:s26] =	sst s5;
	(pc) =	sbr.rel @p0 .LBB2_2-.Ltmp1, $4  }
0x110: {  	s7 =	simm.s32 @!p2 $0x0;
	s29 =	sadd.s32 $0xD, s21;
	[smem:s28] =	sst s6  }
0x111: {  	v2 =	vadd.f32 v3, v2;
	s8 =	simm.s32 @!p1 $0x0;
	s30 =	sadd.s32 $0xE, s21;
	[smem:s29] =	sst s7  }
0x112: {  	s31 =	sadd.s32 $0xF, s21;
	[smem:s30] =	sst s8  }
0x113: {  	s19 =	sadd.s32 $0x10, s19;
	v0 =	vadd.f32 v2, v0;
	[smem:s31] =	sst s0  }
0x114: {  	s0 =	rddreg [dreg:$0x9]  }
0x115: {  	s1 =	simm.s32 $0x400;
	s2 =	simm.s32 $0x20000;
	s31 =	simm.s32 $0x3  }
0x116: {  	[tilespmem:s10], [sflag:$0x2] =	stream.strided.gather [hbm4b:s0+s1], $0x8000, s2, s1, $0x38;
	[tilespmem:$0x10500] =	vst v63  }
0x117: {  	_ =	swait.ge [sflag:s31], $0x8000  }
0x118: {  	[sflag:s31] =	ssyncset.done $0x0  }
0x119: {  	s19 =	simm.s32 $0x0;
	s24 =	simm.s32 $0x8480;
	[sflag:s31] =	ssyncadd.s32 $0xFFFF8000  }
.LBB2_6:
0x11a: {  	v14 =	vmov s24;
	_ =	sdelay $0x3  }
0x11b: {  	s0 =	simm.s32 $0x0  }
0x11c: {  	v2 =	vld.idx.msk [tilespmem:v14+s0+$0xFFFFFC00 ss:$0x1], $0xffff  }
0x11d: {  	v15 =	vld.idx.msk [tilespmem:v14+s0+$0xFFFFFC80 ss:$0x1], $0xffff  }
0x11e: {  	v20 =	vld.idx.msk [tilespmem:v14+s0+$0xFFFFFE00 ss:$0x1], $0xffff  }
0x11f: {  	v7 =	vld.idx.msk [tilespmem:v14+s0+$0xFFFFFE80 ss:$0x1], $0xffff  }
0x120: {  	v5 =	vld.idx.msk [tilespmem:v14+s0+$0x0 ss:$0x1], $0xffff  }
0x121: {  	v13 =	vimm.f32 $0.0e+00;
	v8 =	vimm.f32 $0.0e+00;
	v3 =	vld.idx.msk [tilespmem:v14+s0+$0x80 ss:$0x1], $0xffff  }
0x122: {  	v21 =	vimm.f32 $0.0e+00;
	v6 =	vimm.f32 $0.0e+00;
	v1 =	vld.idx.msk [tilespmem:v14+s0+$0x200 ss:$0x1], $0xffff;
	v4 =	vmul.f32 v2, v2  }
0x123: {  	v22 =	vimm.f32 $0.0e+00;
	v9 =	vld.idx.msk [tilespmem:v14+s0+$0xFFFFFD00 ss:$0x1], $0xffff;
	v10 =	vmul.f32 v15, v15;
	v23 =	vadd.f32 v2, v13  }
0x124: {  	s21 =	sshll.u32 s19, $0x4;
	s1 =	simm.s32 $0x2000;
	v2 =	vld.idx.msk [tilespmem:v14+s0+$0x280 ss:$0x1], $0xffff;
	v12 =	vmul.f32 v20, v20;
	v11 =	vadd.f32 v4, v13;
	v4 =	vimm.f32 $0.0e+00  }
.LBB2_7:
0x125: {  	p0 =	sne.s32 s1, $0x1E000;
	v13 =	vadd.f32 v15, v13;
	v8 =	vadd.f32 v10, v8;
	v10 =	vld.idx.msk [tilespmem:v14+s0+$0xFFFFFD80 ss:$0x1], $0xffff;
	v15 =	vmul.f32 v7, v7  }
0x126: {  	v17 =	vmul.f32 v5, v5;
	v16 =	vadd.f32 v20, v23;
	v11 =	vadd.f32 v12, v11;
	v12 =	vld.idx.msk [tilespmem:v14+s0+$0xFFFFFF00 ss:$0x1], $0xffff  }
0x127: {  	v7 =	vadd.f32 v7, v13;
	v8 =	vadd.f32 v15, v8;
	v18 =	vld.idx.msk [tilespmem:v14+s0+$0xFFFFFF80 ss:$0x1], $0xffff;
	v13 =	vmul.f32 v3, v3  }
0x128: {  	v15 =	vmul.f32 v1, v1;
	v5 =	vadd.f32 v5, v16;
	v11 =	vadd.f32 v17, v11;
	v16 =	vld.idx.msk [tilespmem:v14+s0+$0x100 ss:$0x1], $0xffff  }
0x129: {  	v3 =	vadd.f32 v3, v7;
	v7 =	vadd.f32 v13, v8;
	v17 =	vld.idx.msk [tilespmem:v14+s0+$0x180 ss:$0x1], $0xffff;
	v8 =	vmul.f32 v2, v2  }
0x12a: {  	v19 =	vmul.f32 v9, v9;
	v23 =	vadd.f32 v1, v5;
	v11 =	vadd.f32 v15, v11;
	v24 =	vld.idx.msk [tilespmem:v14+s0+$0x300 ss:$0x1], $0xffff  }
0x12b: {  	v1 =	vmul.f32 v10, v10;
	v13 =	vadd.f32 v2, v3;
	v8 =	vadd.f32 v8, v7;
	v25 =	vld.idx.msk [tilespmem:v14+s0+$0x380 ss:$0x1], $0xffff;
	s0 =	sshra.s32 s1, $0x2  }
0x12c: {  	v2 =	vadd.f32 v9, v21;
	v3 =	vadd.f32 v19, v6;
	v5 =	vmul.f32 v12, v12;
	v26 =	vld.idx.msk [tilespmem:v14+s0+$0xFFFFFC00 ss:$0x1], $0xffff  }
0x12d: {  	v6 =	vadd.f32 v10, v22;
	v1 =	vadd.f32 v1, v4;
	v4 =	vmul.f32 v18, v18;
	v15 =	vld.idx.msk [tilespmem:v14+s0+$0xFFFFFC80 ss:$0x1], $0xffff  }
0x12e: {  	v2 =	vadd.f32 v12, v2;
	v3 =	vadd.f32 v5, v3;
	v9 =	vmul.f32 v16, v16;
	v20 =	vld.idx.msk [tilespmem:v14+s0+$0xFFFFFE00 ss:$0x1], $0xffff  }
0x12f: {  	v6 =	vadd.f32 v18, v6;
	v1 =	vadd.f32 v4, v1;
	v4 =	vmul.f32 v17, v17;
	v7 =	vld.idx.msk [tilespmem:v14+s0+$0xFFFFFE80 ss:$0x1], $0xffff  }
.Ltmp2:
0x130: {  	v2 =	vadd.f32 v16, v2;
	v9 =	vadd.f32 v9, v3;
	v10 =	vmul.f32 v24, v24;
	v5 =	vld.idx.msk [tilespmem:v14+s0+$0x0 ss:$0x1], $0xffff;
	(pc) =	sbr.rel @p0 .LBB2_7-.Ltmp2, $4  }
0x131: {  	v12 =	vadd.f32 v17, v6;
	v4 =	vadd.f32 v4, v1;
	v16 =	vmul.f32 v25, v25;
	v3 =	vld.idx.msk [tilespmem:v14+s0+$0x80 ss:$0x1], $0xffff  }
0x132: {  	v17 =	vmul.f32 v26, v26;
	v21 =	vadd.f32 v24, v2;
	v6 =	vadd.f32 v10, v9;
	v1 =	vld.idx.msk [tilespmem:v14+s0+$0x200 ss:$0x1], $0xffff  }
0x133: {  	v22 =	vadd.f32 v25, v12;
	v10 =	vmul.f32 v15, v15;
	v4 =	vadd.f32 v16, v4;
	v2 =	vld.idx.msk [tilespmem:v14+s0+$0x280 ss:$0x1], $0xffff  }
0x134: {  	s1 =	sadd.s32 $0x2000, s1;
	v23 =	vadd.f32 v26, v23;
	v11 =	vadd.f32 v17, v11;
	v12 =	vmul.f32 v20, v20;
	v9 =	vld.idx.msk [tilespmem:v14+s0+$0xFFFFFD00 ss:$0x1], $0xffff  }
0x135: {  	_ =	sdelay $0x3  }
0x136: {  	v19 =	vld.idx.msk [tilespmem:v14+s0+$0xFFFFFD80 ss:$0x1], $0xffff  }
0x137: {  	v18 =	vld.idx.msk [tilespmem:v14+s0+$0xFFFFFF00 ss:$0x1], $0xffff  }
0x138: {  	v17 =	vld.idx.msk [tilespmem:v14+s0+$0xFFFFFF80 ss:$0x1], $0xffff  }
0x139: {  	v16 =	vld.idx.msk [tilespmem:v14+s0+$0x100 ss:$0x1], $0xffff  }
0x13a: {  	v24 =	vadd.f32 v15, v13;
	v32 =	vld.idx.msk [tilespmem:v14+s0+$0x180 ss:$0x1], $0xffff  }
0x13b: {  	v33 =	vld.idx.msk [tilespmem:v14+s0+$0x300 ss:$0x1], $0xffff;
	v21 =	vadd.f32 v9, v21;
	v22 =	vadd.f32 v19, v22  }
0x13c: {  	v35 =	vld.idx.msk [tilespmem:v14+s0+$0x380 ss:$0x1], $0xffff;
	v20 =	vadd.f32 v20, v23;
	v34 =	vadd.f32 v7, v24  }
0x13d: {  	v21 =	vadd.f32 v18, v21;
	v22 =	vadd.f32 v17, v22  }
0x13e: {  	v20 =	vadd.f32 v5, v20;
	v23 =	vadd.f32 v3, v34  }
0x13f: {  	v21 =	vadd.f32 v16, v21;
	v22 =	vadd.f32 v32, v22  }
0x140: {  	s18 =	sshll.u32 s19, $0x7;
	v20 =	vadd.f32 v1, v20;
	v23 =	vadd.f32 v2, v23  }
0x141: {  	s0 =	sand.u32 $0x3FFFFF80, s18;
	v21 =	vadd.f32 v33, v21;
	v22 =	vadd.f32 v35, v22  }
0x142: {  	v36 =	vld [tilespmem:s0+$0x10100]  }
0x143: {  	v20 =	vadd.f32 v23, v20;
	v21 =	vadd.f32 v22, v21;
	_ =	sdelay $0x1  }
0x144: {  	v20 =	vadd.f32 v21, v20;
	_ =	sdelay $0x1  }
0x145: {  	v20 =	vadd.f32 v36, v20;
	_ =	sdelay $0x1  }
0x146: {  	[tilespmem:s0+$0x10100] =	vst v20  }
0x147: {  	v20 =	vld [tilespmem:s21+$0x0];
	_ =	sdelay $0x4  }
0x148: {  	(v2sf) =	vpush v20, $0x0;
	_ =	sdelay $0xe  }
0x149: {  	s22 =	spop (v2sf)  }
0x14a: {  	s0 =	sadd.s32 $0xFFFFFF00, s22  }
0x14b: {  	p0 =	sgt.s32 s0, $0x0  }
0x14c: {  	s0 =	simm.s32 @!p0 $0x0  }
0x14d: {  	s0 =	smin.u32 s0, $0xFF  }
0x14e: {  	s0 =	sshll.u32 s0, $0x7  }
0x14f: {  	s0 =	sadd.s32 s21, s0  }
0x150: {  	v37 =	vld [tilespmem:s0+$0x8080];
	_ =	sdelay $0x4  }
0x151: {  	(v2sf) =	vpush v37, $0x0  }
0x152: {  	(v2sf) =	vpush v20, $0x1;
	_ =	sdelay $0xd  }
0x153: {  	s20 =	spop (v2sf)  }
0x154: {  	s23 =	spop (v2sf)  }
0x155: {  	s0 =	sadd.s32 $0xFFFFFF00, s23  }
0x156: {  	p0 =	sgt.s32 s0, $0x0  }
0x157: {  	s0 =	simm.s32 @!p0 $0x0  }
0x158: {  	s0 =	smin.u32 s0, $0xFF  }
0x159: {  	s0 =	sshll.u32 s0, $0x7  }
0x15a: {  	s0 =	sadd.s32 s21, s0  }
0x15b: {  	v38 =	vld [tilespmem:s0+$0x8080];
	_ =	sdelay $0x4  }
0x15c: {  	(v2sf) =	vpush v38, $0x1  }
0x15d: {  	(v2sf) =	vpush v20, $0x2;
	_ =	sdelay $0xd  }
0x15e: {  	s26 =	spop (v2sf)  }
0x15f: {  	s25 =	spop (v2sf)  }
0x160: {  	s0 =	sadd.s32 $0xFFFFFF00, s25  }
0x161: {  	p0 =	sgt.s32 s0, $0x0  }
0x162: {  	s0 =	simm.s32 @!p0 $0x0  }
0x163: {  	s0 =	smin.u32 s0, $0xFF  }
0x164: {  	s0 =	sshll.u32 s0, $0x7  }
0x165: {  	s0 =	sadd.s32 s21, s0  }
0x166: {  	v39 =	vld [tilespmem:s0+$0x8080];
	_ =	sdelay $0x4  }
0x167: {  	(v2sf) =	vpush v39, $0x2  }
0x168: {  	(v2sf) =	vpush v20, $0x3;
	_ =	sdelay $0xd  }
0x169: {  	s1 =	spop (v2sf)  }
0x16a: {  	s0 =	spop (v2sf)  }
0x16b: {  	s2 =	sadd.s32 $0xFFFFFF00, s0  }
0x16c: {  	p0 =	sgt.s32 s2, $0x0  }
0x16d: {  	s2 =	simm.s32 @!p0 $0x0  }
0x16e: {  	s2 =	smin.u32 s2, $0xFF  }
0x16f: {  	s2 =	sshll.u32 s2, $0x7  }
0x170: {  	s2 =	sadd.s32 s21, s2  }
0x171: {  	v40 =	vld [tilespmem:s2+$0x8080];
	_ =	sdelay $0x4  }
0x172: {  	(v2sf) =	vpush v40, $0x3  }
0x173: {  	(v2sf) =	vpush v20, $0x4;
	_ =	sdelay $0xd  }
0x174: {  	s31 =	spop (v2sf)  }
0x175: {  	s28 =	spop (v2sf)  }
0x176: {  	s2 =	sadd.s32 $0xFFFFFF00, s28  }
0x177: {  	p0 =	sgt.s32 s2, $0x0  }
0x178: {  	s2 =	simm.s32 @!p0 $0x0  }
0x179: {  	s2 =	smin.u32 s2, $0xFF  }
0x17a: {  	s2 =	sshll.u32 s2, $0x7  }
0x17b: {  	s2 =	sadd.s32 s21, s2  }
0x17c: {  	v41 =	vld [tilespmem:s2+$0x8080];
	_ =	sdelay $0x4  }
0x17d: {  	(v2sf) =	vpush v41, $0x4  }
0x17e: {  	(v2sf) =	vpush v20, $0x5;
	_ =	sdelay $0xd  }
0x17f: {  	s13 =	spop (v2sf)  }
0x180: {  	s29 =	spop (v2sf)  }
0x181: {  	s2 =	sadd.s32 $0xFFFFFF00, s29  }
0x182: {  	p0 =	sgt.s32 s2, $0x0  }
0x183: {  	s2 =	simm.s32 @!p0 $0x0  }
0x184: {  	s2 =	smin.u32 s2, $0xFF  }
0x185: {  	s2 =	sshll.u32 s2, $0x7  }
0x186: {  	s2 =	sadd.s32 s21, s2  }
0x187: {  	v42 =	vld [tilespmem:s2+$0x8080];
	_ =	sdelay $0x4  }
0x188: {  	(v2sf) =	vpush v42, $0x5  }
0x189: {  	(v2sf) =	vpush v20, $0x6;
	_ =	sdelay $0xd  }
0x18a: {  	s14 =	spop (v2sf)  }
0x18b: {  	s30 =	spop (v2sf)  }
0x18c: {  	s2 =	sadd.s32 $0xFFFFFF00, s30  }
0x18d: {  	p0 =	sgt.s32 s2, $0x0  }
0x18e: {  	s2 =	simm.s32 @!p0 $0x0  }
0x18f: {  	s2 =	smin.u32 s2, $0xFF  }
0x190: {  	s2 =	sshll.u32 s2, $0x7  }
0x191: {  	s2 =	sadd.s32 s21, s2  }
0x192: {  	v43 =	vld [tilespmem:s2+$0x8080];
	_ =	sdelay $0x4  }
0x193: {  	(v2sf) =	vpush v43, $0x6  }
0x194: {  	(v2sf) =	vpush v20, $0x7;
	_ =	sdelay $0xd  }
0x195: {  	s2 =	spop (v2sf)  }
0x196: {  	s17 =	spop (v2sf)  }
0x197: {  	s3 =	sadd.s32 $0xFFFFFF00, s17  }
0x198: {  	p0 =	sgt.s32 s3, $0x0  }
0x199: {  	s3 =	simm.s32 @!p0 $0x0  }
0x19a: {  	s3 =	smin.u32 s3, $0xFF  }
0x19b: {  	s3 =	sshll.u32 s3, $0x7  }
0x19c: {  	s3 =	sadd.s32 s21, s3  }
0x19d: {  	v44 =	vld [tilespmem:s3+$0x8080];
	_ =	sdelay $0x4  }
0x19e: {  	(v2sf) =	vpush v44, $0x7  }
0x19f: {  	(v2sf) =	vpush v20, $0x8;
	_ =	sdelay $0xd  }
0x1a0: {  	s5 =	spop (v2sf)  }
0x1a1: {  	s4 =	spop (v2sf)  }
0x1a2: {  	s3 =	sadd.s32 $0xFFFFFF00, s4  }
0x1a3: {  	p0 =	sgt.s32 s3, $0x0  }
0x1a4: {  	s3 =	simm.s32 @!p0 $0x0  }
0x1a5: {  	s3 =	smin.u32 s3, $0xFF  }
0x1a6: {  	s3 =	sshll.u32 s3, $0x7  }
0x1a7: {  	s3 =	sadd.s32 s21, s3  }
0x1a8: {  	v45 =	vld [tilespmem:s3+$0x8080];
	_ =	sdelay $0x4  }
0x1a9: {  	(v2sf) =	vpush v45, $0x8  }
0x1aa: {  	(v2sf) =	vpush v20, $0x9;
	_ =	sdelay $0xd  }
0x1ab: {  	s8 =	spop (v2sf)  }
0x1ac: {  	s6 =	spop (v2sf)  }
0x1ad: {  	s3 =	sadd.s32 $0xFFFFFF00, s6  }
0x1ae: {  	p0 =	sgt.s32 s3, $0x0  }
0x1af: {  	s3 =	simm.s32 @!p0 $0x0  }
0x1b0: {  	s3 =	smin.u32 s3, $0xFF  }
0x1b1: {  	s3 =	sshll.u32 s3, $0x7  }
0x1b2: {  	s3 =	sadd.s32 s21, s3  }
0x1b3: {  	v46 =	vld [tilespmem:s3+$0x8080];
	_ =	sdelay $0x4  }
0x1b4: {  	(v2sf) =	vpush v46, $0x9  }
0x1b5: {  	(v2sf) =	vpush v20, $0xA;
	_ =	sdelay $0xd  }
0x1b6: {  	s12 =	spop (v2sf)  }
0x1b7: {  	s9 =	spop (v2sf)  }
0x1b8: {  	s3 =	sadd.s32 $0xFFFFFF00, s9  }
0x1b9: {  	p0 =	sgt.s32 s3, $0x0  }
0x1ba: {  	s3 =	simm.s32 @!p0 $0x0  }
0x1bb: {  	s3 =	smin.u32 s3, $0xFF  }
0x1bc: {  	s3 =	sshll.u32 s3, $0x7  }
0x1bd: {  	s3 =	sadd.s32 s21, s3  }
0x1be: {  	v47 =	vld [tilespmem:s3+$0x8080];
	_ =	sdelay $0x4  }
0x1bf: {  	(v2sf) =	vpush v47, $0xA  }
0x1c0: {  	(v2sf) =	vpush v20, $0xB;
	_ =	sdelay $0xd  }
0x1c1: {  	s10 =	spop (v2sf)  }
0x1c2: {  	s3 =	spop (v2sf)  }
0x1c3: {  	s7 =	sadd.s32 $0xFFFFFF00, s3  }
0x1c4: {  	p0 =	sgt.s32 s7, $0x0  }
0x1c5: {  	s7 =	simm.s32 @!p0 $0x0  }
0x1c6: {  	s7 =	smin.u32 s7, $0xFF  }
0x1c7: {  	s7 =	sshll.u32 s7, $0x7  }
0x1c8: {  	s7 =	sadd.s32 s21, s7  }
0x1c9: {  	v48 =	vld [tilespmem:s7+$0x8080];
	_ =	sdelay $0x4  }
0x1ca: {  	(v2sf) =	vpush v48, $0xB  }
0x1cb: {  	(v2sf) =	vpush v20, $0xC;
	_ =	sdelay $0xd  }
0x1cc: {  	s15 =	spop (v2sf)  }
0x1cd: {  	s11 =	spop (v2sf)  }
0x1ce: {  	s7 =	sadd.s32 $0xFFFFFF00, s11  }
0x1cf: {  	p0 =	sgt.s32 s7, $0x0  }
0x1d0: {  	s7 =	simm.s32 @!p0 $0x0  }
0x1d1: {  	s7 =	smin.u32 s7, $0xFF  }
0x1d2: {  	s7 =	sshll.u32 s7, $0x7  }
0x1d3: {  	s7 =	sadd.s32 s21, s7  }
0x1d4: {  	v49 =	vld [tilespmem:s7+$0x8080];
	_ =	sdelay $0x4  }
0x1d5: {  	(v2sf) =	vpush v49, $0xC  }
0x1d6: {  	(v2sf) =	vpush v20, $0xD;
	_ =	sdelay $0xd  }
0x1d7: {  	s16 =	spop (v2sf)  }
0x1d8: {  	s7 =	spop (v2sf)  }
0x1d9: {  	s18 =	sadd.s32 $0xFFFFFF00, s7  }
0x1da: {  	p0 =	sgt.s32 s18, $0x0  }
0x1db: {  	s18 =	simm.s32 @!p0 $0x0  }
0x1dc: {  	s18 =	smin.u32 s18, $0xFF  }
0x1dd: {  	[dreg:$0xe] =	wrdreg s20;
	s18 =	sshll.u32 s18, $0x7  }
0x1de: {  	s20 =	sld [smem:s21+$0x0];
	s18 =	sadd.s32 s21, s18  }
0x1df: {  	s22 =	sand.u32 $0xFFFFFF00, s22;
	v50 =	vld [tilespmem:s18+$0x8080]  }
0x1e0: {  	p0 =	seq.s32 s22, $0x100;
	s18 =	rddreg [dreg:$0xe]  }
0x1e1: {  	s20 =	smov.u32 @p0 s18  }
0x1e2: {  	[smem:s21] =	sst s20  }
0x1e3: {  	s18 =	sld [smem:s21+$0x1]  }
0x1e4: {  	s22 =	sand.u32 $0xFFFFFF00, s23;
	(v2sf) =	vpush v50, $0xD  }
0x1e5: {  	p0 =	seq.s32 s22, $0x100;
	(v2sf) =	vpush v20, $0xE  }
0x1e6: {  	s23 =	sadd.s32 $0x1, s21;
	s18 =	smov.u32 @p0 s26  }
0x1e7: {  	[smem:s23] =	sst s18  }
0x1e8: {  	s18 =	sld [smem:s21+$0x2]  }
0x1e9: {  	s25 =	sand.u32 $0xFFFFFF00, s25  }
0x1ea: {  	p0 =	seq.s32 s25, $0x100  }
0x1eb: {  	s26 =	sadd.s32 $0x2, s21;
	s18 =	smov.u32 @p0 s1  }
0x1ec: {  	[smem:s26] =	sst s18  }
0x1ed: {  	s1 =	sld [smem:s21+$0x3]  }
0x1ee: {  	s0 =	sand.u32 $0xFFFFFF00, s0  }
0x1ef: {  	p0 =	seq.s32 s0, $0x100  }
0x1f0: {  	s20 =	sadd.s32 $0x3, s21;
	s1 =	smov.u32 @p0 s31  }
0x1f1: {  	[smem:s20] =	sst s1  }
0x1f2: {  	s18 =	sld [smem:s21+$0x4]  }
0x1f3: {  	s22 =	sand.u32 $0xFFFFFF00, s28;
	s1 =	spop (v2sf)  }
0x1f4: {  	p0 =	seq.s32 s22, $0x100;
	s0 =	spop (v2sf)  }
0x1f5: {  	s23 =	sadd.s32 $0x4, s21;
	s18 =	smov.u32 @p0 s13;
	s13 =	sadd.s32 $0xFFFFFF00, s0  }
0x1f6: {  	[smem:s23] =	sst s18;
	p0 =	sgt.s32 s13, $0x0  }
0x1f7: {  	s18 =	sld [smem:s21+$0x5];
	s13 =	simm.s32 @!p0 $0x0  }
0x1f8: {  	s25 =	sand.u32 $0xFFFFFF00, s29;
	s13 =	smin.u32 s13, $0xFF  }
0x1f9: {  	p0 =	seq.s32 s25, $0x100;
	s13 =	sshll.u32 s13, $0x7  }
0x1fa: {  	s26 =	sadd.s32 $0x5, s21;
	s18 =	smov.u32 @p0 s14;
	s13 =	sadd.s32 s21, s13  }
0x1fb: {  	[smem:s26] =	sst s18;
	v51 =	vld [tilespmem:s13+$0x8080]  }
0x1fc: {  	s13 =	sld [smem:s21+$0x6]  }
0x1fd: {  	s28 =	sand.u32 $0xFFFFFF00, s30  }
0x1fe: {  	p0 =	seq.s32 s28, $0x100  }
0x1ff: {  	s29 =	sadd.s32 $0x6, s21;
	s13 =	smov.u32 @p0 s2  }
0x200: {  	[smem:s29] =	sst s13;
	(v2sf) =	vpush v51, $0xE  }
0x201: {  	s2 =	sld [smem:s21+$0x7];
	(v2sf) =	vpush v20, $0xF  }
0x202: {  	s30 =	sand.u32 $0xFFFFFF00, s17  }
0x203: {  	p0 =	seq.s32 s30, $0x100  }
0x204: {  	s31 =	sadd.s32 $0x7, s21;
	s2 =	smov.u32 @p0 s5  }
0x205: {  	[smem:s31] =	sst s2  }
0x206: {  	s2 =	sld [smem:s21+$0x8]  }
0x207: {  	s4 =	sand.u32 $0xFFFFFF00, s4  }
0x208: {  	p0 =	seq.s32 s4, $0x100  }
0x209: {  	s5 =	sadd.s32 $0x8, s21;
	s2 =	smov.u32 @p0 s8  }
0x20a: {  	[smem:s5] =	sst s2  }
0x20b: {  	s2 =	sld [smem:s21+$0x9]  }
0x20c: {  	s8 =	sand.u32 $0xFFFFFF00, s6  }
0x20d: {  	p0 =	seq.s32 s8, $0x100  }
0x20e: {  	s13 =	sadd.s32 $0x9, s21;
	s2 =	smov.u32 @p0 s12  }
0x20f: {  	[smem:s13] =	sst s2;
	s4 =	spop (v2sf)  }
0x210: {  	s5 =	sld [smem:s21+$0xA];
	s14 =	spop (v2sf)  }
0x211: {  	s17 =	sand.u32 $0xFFFFFF00, s9;
	s8 =	sadd.s32 $0xFFFFFF00, s14  }
0x212: {  	p0 =	seq.s32 s17, $0x100;
	p1 =	sgt.s32 s8, $0x0  }
0x213: {  	s18 =	sadd.s32 $0xA, s21;
	s5 =	smov.u32 @p0 s10;
	s8 =	simm.s32 @!p1 $0x0  }
0x214: {  	[smem:s18] =	sst s5;
	s20 =	smin.u32 s8, $0xFF  }
0x215: {  	s6 =	sld [smem:s21+$0xB];
	s5 =	sshll.u32 s20, $0x7  }
0x216: {  	s3 =	sand.u32 $0xFFFFFF00, s3;
	s5 =	sadd.s32 s21, s5  }
0x217: {  	p0 =	seq.s32 s3, $0x100;
	v52 =	vld [tilespmem:s5+$0x8080]  }
0x218: {  	s22 =	sadd.s32 $0xB, s21;
	s6 =	smov.u32 @p0 s15  }
0x219: {  	[smem:s22] =	sst s6  }
0x21a: {  	s3 =	sld [smem:s21+$0xC]  }
0x21b: {  	s23 =	sand.u32 $0xFFFFFF00, s11  }
0x21c: {  	p0 =	seq.s32 s23, $0x100;
	(v2sf) =	vpush v52, $0xF  }
0x21d: {  	s25 =	sadd.s32 $0xC, s21;
	s3 =	smov.u32 @p0 s16  }
0x21e: {  	[smem:s25] =	sst s3  }
0x21f: {  	s3 =	sld [smem:s21+$0xD]  }
0x220: {  	s26 =	sand.u32 $0xFFFFFF00, s7  }
0x221: {  	p0 =	seq.s32 s26, $0x100  }
0x222: {  	v8 =	vadd.f32 v10, v8;
	v53 =	vmul.f32 v7, v7;
	v56 =	vmul.f32 v5, v5;
	s28 =	sadd.s32 $0xD, s21;
	s3 =	smov.u32 @p0 s1  }
0x223: {  	v55 =	vadd.f32 v12, v11;
	v54 =	vmul.f32 v9, v9;
	v57 =	vmul.f32 v19, v19;
	[smem:s28] =	sst s3  }
0x224: {  	v7 =	vadd.f32 v53, v8;
	v3 =	vmul.f32 v3, v3;
	v58 =	vmul.f32 v18, v18;
	s1 =	sld [smem:s21+$0xE]  }
0x225: {  	v59 =	vmul.f32 v17, v17;
	v6 =	vadd.f32 v54, v6;
	v4 =	vadd.f32 v57, v4;
	s0 =	sand.u32 $0xFFFFFF00, s0  }
0x226: {  	v5 =	vadd.f32 v56, v55;
	v60 =	vmul.f32 v16, v16;
	v1 =	vmul.f32 v1, v1;
	p0 =	seq.s32 s0, $0x100  }
0x227: {  	v61 =	vmul.f32 v32, v32;
	v6 =	vadd.f32 v58, v6;
	v4 =	vadd.f32 v59, v4;
	s29 =	sadd.s32 $0xE, s21;
	s1 =	smov.u32 @p0 s4  }
0x228: {  	v62 =	vmul.f32 v33, v33;
	v3 =	vadd.f32 v3, v7;
	v2 =	vmul.f32 v2, v2;
	[smem:s29] =	sst s1  }
0x229: {  	v63 =	vmul.f32 v35, v35;
	v6 =	vadd.f32 v60, v6;
	v4 =	vadd.f32 v61, v4;
	s0 =	sld [smem:s21+$0xF]  }
0x22a: {  	v1 =	vadd.f32 v1, v5;
	v2 =	vadd.f32 v2, v3;
	s30 =	sand.u32 $0xFFFFFF00, s14  }
0x22b: {  	s19 =	sadd.s32 $0x1, s19;
	v3 =	vadd.f32 v62, v6;
	v4 =	vadd.f32 v63, v4;
	p0 =	seq.s32 s30, $0x100;
	s1 =	spop (v2sf)  }
0x22c: {  	s0 =	smov.u32 @p0 s1;
	p0 =	sne.s32 s19, $0x8  }
.Ltmp3:
0x22d: {  	v1 =	vadd.f32 v2, v1;
	v2 =	vadd.f32 v4, v3;
	(pc) =	sbr.rel @p0 .LBB2_6-.Ltmp3, $4  }
0x22e: {  	_ = 	snop  }
0x22f: {  	v1 =	vadd.f32 v2, v1  }
0x230: {  	s31 =	sadd.s32 $0xF, s21  }
0x231: {  	s24 =	sadd.s32 $0x10, s24;
	v0 =	vadd.f32 v1, v0;
	[smem:s31] =	sst s0  }
0x232: {  	s0 =	rddreg [dreg:$0xa];
	s1 =	simm.s32 $0x400  }
0x233: {  	s2 =	simm.s32 $0x20000;
	s3 =	simm.s32 $0x8080;
	s31 =	simm.s32 $0x2  }
0x234: {  	[tilespmem:s3], [sflag:$0x3] =	stream.strided.gather [hbm4b:s0+s1], $0x8000, s2, s1, $0x38;
	[tilespmem:$0x10500] =	vst v63  }
0x235: {  	_ =	swait.ge [sflag:s31], $0x8000  }
0x236: {  	[sflag:s31] =	ssyncset.done $0x0  }
0x237: {  	s19 =	simm.s32 $0x0;
	s24 =	simm.s32 $0x480;
	[sflag:s31] =	ssyncadd.s32 $0xFFFF8000  }
.LBB2_10:
0x238: {  	v14 =	vmov s24;
	_ =	sdelay $0x3  }
0x239: {  	s0 =	simm.s32 $0x0  }
0x23a: {  	v2 =	vld.idx.msk [tilespmem:v14+s0+$0xFFFFFC00 ss:$0x1], $0xffff  }
0x23b: {  	v15 =	vld.idx.msk [tilespmem:v14+s0+$0xFFFFFC80 ss:$0x1], $0xffff  }
0x23c: {  	v20 =	vld.idx.msk [tilespmem:v14+s0+$0xFFFFFE00 ss:$0x1], $0xffff  }
0x23d: {  	v7 =	vld.idx.msk [tilespmem:v14+s0+$0xFFFFFE80 ss:$0x1], $0xffff  }
0x23e: {  	v5 =	vld.idx.msk [tilespmem:v14+s0+$0x0 ss:$0x1], $0xffff  }
0x23f: {  	v13 =	vimm.f32 $0.0e+00;
	v8 =	vimm.f32 $0.0e+00;
	v3 =	vld.idx.msk [tilespmem:v14+s0+$0x80 ss:$0x1], $0xffff  }
0x240: {  	v21 =	vimm.f32 $0.0e+00;
	v6 =	vimm.f32 $0.0e+00;
	v1 =	vld.idx.msk [tilespmem:v14+s0+$0x200 ss:$0x1], $0xffff;
	v4 =	vmul.f32 v2, v2  }
0x241: {  	v22 =	vimm.f32 $0.0e+00;
	v9 =	vld.idx.msk [tilespmem:v14+s0+$0xFFFFFD00 ss:$0x1], $0xffff;
	v10 =	vmul.f32 v15, v15;
	v23 =	vadd.f32 v2, v13  }
0x242: {  	s21 =	sshll.u32 s19, $0x4;
	s1 =	simm.s32 $0x2000;
	v2 =	vld.idx.msk [tilespmem:v14+s0+$0x280 ss:$0x1], $0xffff;
	v12 =	vmul.f32 v20, v20;
	v11 =	vadd.f32 v4, v13;
	v4 =	vimm.f32 $0.0e+00  }
.LBB2_11:
0x243: {  	p0 =	sne.s32 s1, $0x1E000;
	v13 =	vadd.f32 v15, v13;
	v8 =	vadd.f32 v10, v8;
	v10 =	vld.idx.msk [tilespmem:v14+s0+$0xFFFFFD80 ss:$0x1], $0xffff;
	v15 =	vmul.f32 v7, v7  }
0x244: {  	v17 =	vmul.f32 v5, v5;
	v16 =	vadd.f32 v20, v23;
	v11 =	vadd.f32 v12, v11;
	v12 =	vld.idx.msk [tilespmem:v14+s0+$0xFFFFFF00 ss:$0x1], $0xffff  }
0x245: {  	v7 =	vadd.f32 v7, v13;
	v8 =	vadd.f32 v15, v8;
	v18 =	vld.idx.msk [tilespmem:v14+s0+$0xFFFFFF80 ss:$0x1], $0xffff;
	v13 =	vmul.f32 v3, v3  }
0x246: {  	v15 =	vmul.f32 v1, v1;
	v5 =	vadd.f32 v5, v16;
	v11 =	vadd.f32 v17, v11;
	v16 =	vld.idx.msk [tilespmem:v14+s0+$0x100 ss:$0x1], $0xffff  }
0x247: {  	v3 =	vadd.f32 v3, v7;
	v7 =	vadd.f32 v13, v8;
	v17 =	vld.idx.msk [tilespmem:v14+s0+$0x180 ss:$0x1], $0xffff;
	v8 =	vmul.f32 v2, v2  }
0x248: {  	v19 =	vmul.f32 v9, v9;
	v23 =	vadd.f32 v1, v5;
	v11 =	vadd.f32 v15, v11;
	v24 =	vld.idx.msk [tilespmem:v14+s0+$0x300 ss:$0x1], $0xffff  }
0x249: {  	v1 =	vmul.f32 v10, v10;
	v13 =	vadd.f32 v2, v3;
	v8 =	vadd.f32 v8, v7;
	v25 =	vld.idx.msk [tilespmem:v14+s0+$0x380 ss:$0x1], $0xffff;
	s0 =	sshra.s32 s1, $0x2  }
0x24a: {  	v2 =	vadd.f32 v9, v21;
	v3 =	vadd.f32 v19, v6;
	v5 =	vmul.f32 v12, v12;
	v26 =	vld.idx.msk [tilespmem:v14+s0+$0xFFFFFC00 ss:$0x1], $0xffff  }
0x24b: {  	v6 =	vadd.f32 v10, v22;
	v1 =	vadd.f32 v1, v4;
	v4 =	vmul.f32 v18, v18;
	v15 =	vld.idx.msk [tilespmem:v14+s0+$0xFFFFFC80 ss:$0x1], $0xffff  }
0x24c: {  	v2 =	vadd.f32 v12, v2;
	v3 =	vadd.f32 v5, v3;
	v9 =	vmul.f32 v16, v16;
	v20 =	vld.idx.msk [tilespmem:v14+s0+$0xFFFFFE00 ss:$0x1], $0xffff  }
0x24d: {  	v6 =	vadd.f32 v18, v6;
	v1 =	vadd.f32 v4, v1;
	v4 =	vmul.f32 v17, v17;
	v7 =	vld.idx.msk [tilespmem:v14+s0+$0xFFFFFE80 ss:$0x1], $0xffff  }
.Ltmp4:
0x24e: {  	v2 =	vadd.f32 v16, v2;
	v9 =	vadd.f32 v9, v3;
	v10 =	vmul.f32 v24, v24;
	v5 =	vld.idx.msk [tilespmem:v14+s0+$0x0 ss:$0x1], $0xffff;
	(pc) =	sbr.rel @p0 .LBB2_11-.Ltmp4, $4  }
0x24f: {  	v12 =	vadd.f32 v17, v6;
	v4 =	vadd.f32 v4, v1;
	v16 =	vmul.f32 v25, v25;
	v3 =	vld.idx.msk [tilespmem:v14+s0+$0x80 ss:$0x1], $0xffff  }
0x250: {  	v17 =	vmul.f32 v26, v26;
	v21 =	vadd.f32 v24, v2;
	v6 =	vadd.f32 v10, v9;
	v1 =	vld.idx.msk [tilespmem:v14+s0+$0x200 ss:$0x1], $0xffff  }
0x251: {  	v22 =	vadd.f32 v25, v12;
	v10 =	vmul.f32 v15, v15;
	v4 =	vadd.f32 v16, v4;
	v2 =	vld.idx.msk [tilespmem:v14+s0+$0x280 ss:$0x1], $0xffff  }
0x252: {  	s1 =	sadd.s32 $0x2000, s1;
	v23 =	vadd.f32 v26, v23;
	v11 =	vadd.f32 v17, v11;
	v12 =	vmul.f32 v20, v20;
	v9 =	vld.idx.msk [tilespmem:v14+s0+$0xFFFFFD00 ss:$0x1], $0xffff  }
0x253: {  	_ =	sdelay $0x3  }
0x254: {  	v19 =	vld.idx.msk [tilespmem:v14+s0+$0xFFFFFD80 ss:$0x1], $0xffff  }
0x255: {  	v18 =	vld.idx.msk [tilespmem:v14+s0+$0xFFFFFF00 ss:$0x1], $0xffff  }
0x256: {  	v17 =	vld.idx.msk [tilespmem:v14+s0+$0xFFFFFF80 ss:$0x1], $0xffff  }
0x257: {  	v16 =	vld.idx.msk [tilespmem:v14+s0+$0x100 ss:$0x1], $0xffff  }
0x258: {  	v24 =	vadd.f32 v15, v13;
	v32 =	vld.idx.msk [tilespmem:v14+s0+$0x180 ss:$0x1], $0xffff  }
0x259: {  	v33 =	vld.idx.msk [tilespmem:v14+s0+$0x300 ss:$0x1], $0xffff;
	v21 =	vadd.f32 v9, v21;
	v22 =	vadd.f32 v19, v22  }
0x25a: {  	v35 =	vld.idx.msk [tilespmem:v14+s0+$0x380 ss:$0x1], $0xffff;
	v20 =	vadd.f32 v20, v23;
	v34 =	vadd.f32 v7, v24  }
0x25b: {  	v21 =	vadd.f32 v18, v21;
	v22 =	vadd.f32 v17, v22  }
0x25c: {  	v20 =	vadd.f32 v5, v20;
	v23 =	vadd.f32 v3, v34  }
0x25d: {  	v21 =	vadd.f32 v16, v21;
	v22 =	vadd.f32 v32, v22  }
0x25e: {  	s18 =	sshll.u32 s19, $0x7;
	v20 =	vadd.f32 v1, v20;
	v23 =	vadd.f32 v2, v23  }
0x25f: {  	s0 =	sand.u32 $0x3FFFFF80, s18;
	v21 =	vadd.f32 v33, v21;
	v22 =	vadd.f32 v35, v22  }
0x260: {  	v36 =	vld [tilespmem:s0+$0x10100]  }
0x261: {  	v20 =	vadd.f32 v23, v20;
	v21 =	vadd.f32 v22, v21;
	_ =	sdelay $0x1  }
0x262: {  	v20 =	vadd.f32 v21, v20;
	_ =	sdelay $0x1  }
0x263: {  	v20 =	vadd.f32 v36, v20;
	_ =	sdelay $0x1  }
0x264: {  	[tilespmem:s0+$0x10100] =	vst v20  }
0x265: {  	v20 =	vld [tilespmem:s21+$0x0];
	_ =	sdelay $0x4  }
0x266: {  	(v2sf) =	vpush v20, $0x0;
	_ =	sdelay $0xe  }
0x267: {  	s22 =	spop (v2sf)  }
0x268: {  	s0 =	sadd.s32 $0xFFFFFE00, s22  }
0x269: {  	p0 =	sgt.s32 s0, $0x0  }
0x26a: {  	s0 =	simm.s32 @!p0 $0x0  }
0x26b: {  	s0 =	smin.u32 s0, $0xFF  }
0x26c: {  	s0 =	sshll.u32 s0, $0x7  }
0x26d: {  	s0 =	sadd.s32 s21, s0  }
0x26e: {  	v37 =	vld [tilespmem:s0+$0x80];
	_ =	sdelay $0x4  }
0x26f: {  	(v2sf) =	vpush v37, $0x0  }
0x270: {  	(v2sf) =	vpush v20, $0x1;
	_ =	sdelay $0xd  }
0x271: {  	s20 =	spop (v2sf)  }
0x272: {  	s23 =	spop (v2sf)  }
0x273: {  	s0 =	sadd.s32 $0xFFFFFE00, s23  }
0x274: {  	p0 =	sgt.s32 s0, $0x0  }
0x275: {  	s0 =	simm.s32 @!p0 $0x0  }
0x276: {  	s0 =	smin.u32 s0, $0xFF  }
0x277: {  	s0 =	sshll.u32 s0, $0x7  }
0x278: {  	s0 =	sadd.s32 s21, s0  }
0x279: {  	v38 =	vld [tilespmem:s0+$0x80];
	_ =	sdelay $0x4  }
0x27a: {  	(v2sf) =	vpush v38, $0x1  }
0x27b: {  	(v2sf) =	vpush v20, $0x2;
	_ =	sdelay $0xd  }
0x27c: {  	s26 =	spop (v2sf)  }
0x27d: {  	s25 =	spop (v2sf)  }
0x27e: {  	s0 =	sadd.s32 $0xFFFFFE00, s25  }
0x27f: {  	p0 =	sgt.s32 s0, $0x0  }
0x280: {  	s0 =	simm.s32 @!p0 $0x0  }
0x281: {  	s0 =	smin.u32 s0, $0xFF  }
0x282: {  	s0 =	sshll.u32 s0, $0x7  }
0x283: {  	s0 =	sadd.s32 s21, s0  }
0x284: {  	v39 =	vld [tilespmem:s0+$0x80];
	_ =	sdelay $0x4  }
0x285: {  	(v2sf) =	vpush v39, $0x2  }
0x286: {  	(v2sf) =	vpush v20, $0x3;
	_ =	sdelay $0xd  }
0x287: {  	s1 =	spop (v2sf)  }
0x288: {  	s0 =	spop (v2sf)  }
0x289: {  	s2 =	sadd.s32 $0xFFFFFE00, s0  }
0x28a: {  	p0 =	sgt.s32 s2, $0x0  }
0x28b: {  	s2 =	simm.s32 @!p0 $0x0  }
0x28c: {  	s2 =	smin.u32 s2, $0xFF  }
0x28d: {  	s2 =	sshll.u32 s2, $0x7  }
0x28e: {  	s2 =	sadd.s32 s21, s2  }
0x28f: {  	v40 =	vld [tilespmem:s2+$0x80];
	_ =	sdelay $0x4  }
0x290: {  	(v2sf) =	vpush v40, $0x3  }
0x291: {  	(v2sf) =	vpush v20, $0x4;
	_ =	sdelay $0xd  }
0x292: {  	s31 =	spop (v2sf)  }
0x293: {  	s28 =	spop (v2sf)  }
0x294: {  	s2 =	sadd.s32 $0xFFFFFE00, s28  }
0x295: {  	p0 =	sgt.s32 s2, $0x0  }
0x296: {  	s2 =	simm.s32 @!p0 $0x0  }
0x297: {  	s2 =	smin.u32 s2, $0xFF  }
0x298: {  	s2 =	sshll.u32 s2, $0x7  }
0x299: {  	s2 =	sadd.s32 s21, s2  }
0x29a: {  	v41 =	vld [tilespmem:s2+$0x80];
	_ =	sdelay $0x4  }
0x29b: {  	(v2sf) =	vpush v41, $0x4  }
0x29c: {  	(v2sf) =	vpush v20, $0x5;
	_ =	sdelay $0xd  }
0x29d: {  	s13 =	spop (v2sf)  }
0x29e: {  	s29 =	spop (v2sf)  }
0x29f: {  	s2 =	sadd.s32 $0xFFFFFE00, s29  }
0x2a0: {  	p0 =	sgt.s32 s2, $0x0  }
0x2a1: {  	s2 =	simm.s32 @!p0 $0x0  }
0x2a2: {  	s2 =	smin.u32 s2, $0xFF  }
0x2a3: {  	s2 =	sshll.u32 s2, $0x7  }
0x2a4: {  	s2 =	sadd.s32 s21, s2  }
0x2a5: {  	v42 =	vld [tilespmem:s2+$0x80];
	_ =	sdelay $0x4  }
0x2a6: {  	(v2sf) =	vpush v42, $0x5  }
0x2a7: {  	(v2sf) =	vpush v20, $0x6;
	_ =	sdelay $0xd  }
0x2a8: {  	s14 =	spop (v2sf)  }
0x2a9: {  	s30 =	spop (v2sf)  }
0x2aa: {  	s2 =	sadd.s32 $0xFFFFFE00, s30  }
0x2ab: {  	p0 =	sgt.s32 s2, $0x0  }
0x2ac: {  	s2 =	simm.s32 @!p0 $0x0  }
0x2ad: {  	s2 =	smin.u32 s2, $0xFF  }
0x2ae: {  	s2 =	sshll.u32 s2, $0x7  }
0x2af: {  	s2 =	sadd.s32 s21, s2  }
0x2b0: {  	v43 =	vld [tilespmem:s2+$0x80];
	_ =	sdelay $0x4  }
0x2b1: {  	(v2sf) =	vpush v43, $0x6  }
0x2b2: {  	(v2sf) =	vpush v20, $0x7;
	_ =	sdelay $0xd  }
0x2b3: {  	s2 =	spop (v2sf)  }
0x2b4: {  	s17 =	spop (v2sf)  }
0x2b5: {  	s3 =	sadd.s32 $0xFFFFFE00, s17  }
0x2b6: {  	p0 =	sgt.s32 s3, $0x0  }
0x2b7: {  	s3 =	simm.s32 @!p0 $0x0  }
0x2b8: {  	s3 =	smin.u32 s3, $0xFF  }
0x2b9: {  	s3 =	sshll.u32 s3, $0x7  }
0x2ba: {  	s3 =	sadd.s32 s21, s3  }
0x2bb: {  	v44 =	vld [tilespmem:s3+$0x80];
	_ =	sdelay $0x4  }
0x2bc: {  	(v2sf) =	vpush v44, $0x7  }
0x2bd: {  	(v2sf) =	vpush v20, $0x8;
	_ =	sdelay $0xd  }
0x2be: {  	s5 =	spop (v2sf)  }
0x2bf: {  	s4 =	spop (v2sf)  }
0x2c0: {  	s3 =	sadd.s32 $0xFFFFFE00, s4  }
0x2c1: {  	p0 =	sgt.s32 s3, $0x0  }
0x2c2: {  	s3 =	simm.s32 @!p0 $0x0  }
0x2c3: {  	s3 =	smin.u32 s3, $0xFF  }
0x2c4: {  	s3 =	sshll.u32 s3, $0x7  }
0x2c5: {  	s3 =	sadd.s32 s21, s3  }
0x2c6: {  	v45 =	vld [tilespmem:s3+$0x80];
	_ =	sdelay $0x4  }
0x2c7: {  	(v2sf) =	vpush v45, $0x8  }
0x2c8: {  	(v2sf) =	vpush v20, $0x9;
	_ =	sdelay $0xd  }
0x2c9: {  	s3 =	spop (v2sf)  }
0x2ca: {  	s6 =	spop (v2sf)  }
0x2cb: {  	s7 =	sadd.s32 $0xFFFFFE00, s6  }
0x2cc: {  	p0 =	sgt.s32 s7, $0x0  }
0x2cd: {  	s7 =	simm.s32 @!p0 $0x0  }
0x2ce: {  	s7 =	smin.u32 s7, $0xFF  }
0x2cf: {  	s7 =	sshll.u32 s7, $0x7  }
0x2d0: {  	s7 =	sadd.s32 s21, s7  }
0x2d1: {  	v46 =	vld [tilespmem:s7+$0x80];
	_ =	sdelay $0x4  }
0x2d2: {  	(v2sf) =	vpush v46, $0x9  }
0x2d3: {  	(v2sf) =	vpush v20, $0xA;
	_ =	sdelay $0xd  }
0x2d4: {  	s12 =	spop (v2sf)  }
0x2d5: {  	s8 =	spop (v2sf)  }
0x2d6: {  	s7 =	sadd.s32 $0xFFFFFE00, s8  }
0x2d7: {  	p0 =	sgt.s32 s7, $0x0  }
0x2d8: {  	s7 =	simm.s32 @!p0 $0x0  }
0x2d9: {  	s7 =	smin.u32 s7, $0xFF  }
0x2da: {  	s7 =	sshll.u32 s7, $0x7  }
0x2db: {  	s7 =	sadd.s32 s21, s7  }
0x2dc: {  	v47 =	vld [tilespmem:s7+$0x80];
	_ =	sdelay $0x4  }
0x2dd: {  	(v2sf) =	vpush v47, $0xA  }
0x2de: {  	(v2sf) =	vpush v20, $0xB;
	_ =	sdelay $0xd  }
0x2df: {  	s10 =	spop (v2sf)  }
0x2e0: {  	s9 =	spop (v2sf)  }
0x2e1: {  	s7 =	sadd.s32 $0xFFFFFE00, s9  }
0x2e2: {  	p0 =	sgt.s32 s7, $0x0  }
0x2e3: {  	s7 =	simm.s32 @!p0 $0x0  }
0x2e4: {  	s7 =	smin.u32 s7, $0xFF  }
0x2e5: {  	s7 =	sshll.u32 s7, $0x7  }
0x2e6: {  	s7 =	sadd.s32 s21, s7  }
0x2e7: {  	v48 =	vld [tilespmem:s7+$0x80];
	_ =	sdelay $0x4  }
0x2e8: {  	(v2sf) =	vpush v48, $0xB  }
0x2e9: {  	(v2sf) =	vpush v20, $0xC;
	_ =	sdelay $0xd  }
0x2ea: {  	s15 =	spop (v2sf)  }
0x2eb: {  	s11 =	spop (v2sf)  }
0x2ec: {  	s7 =	sadd.s32 $0xFFFFFE00, s11  }
0x2ed: {  	p0 =	sgt.s32 s7, $0x0  }
0x2ee: {  	s7 =	simm.s32 @!p0 $0x0  }
0x2ef: {  	s7 =	smin.u32 s7, $0xFF  }
0x2f0: {  	s7 =	sshll.u32 s7, $0x7  }
0x2f1: {  	s7 =	sadd.s32 s21, s7  }
0x2f2: {  	v49 =	vld [tilespmem:s7+$0x80];
	_ =	sdelay $0x4  }
0x2f3: {  	(v2sf) =	vpush v49, $0xC  }
0x2f4: {  	(v2sf) =	vpush v20, $0xD;
	_ =	sdelay $0xd  }
0x2f5: {  	s16 =	spop (v2sf)  }
0x2f6: {  	s7 =	spop (v2sf)  }
0x2f7: {  	s18 =	sadd.s32 $0xFFFFFE00, s7  }
0x2f8: {  	p0 =	sgt.s32 s18, $0x0  }
0x2f9: {  	s18 =	simm.s32 @!p0 $0x0  }
0x2fa: {  	s18 =	smin.u32 s18, $0xFF  }
0x2fb: {  	[dreg:$0xf] =	wrdreg s20;
	s18 =	sshll.u32 s18, $0x7  }
0x2fc: {  	s20 =	sld [smem:s21+$0x0];
	s18 =	sadd.s32 s21, s18  }
0x2fd: {  	s22 =	sand.u32 $0xFFFFFF00, s22;
	v50 =	vld [tilespmem:s18+$0x80]  }
0x2fe: {  	p0 =	seq.s32 s22, $0x200;
	s18 =	rddreg [dreg:$0xf]  }
0x2ff: {  	s20 =	smov.u32 @p0 s18  }
0x300: {  	[smem:s21] =	sst s20  }
0x301: {  	s18 =	sld [smem:s21+$0x1]  }
0x302: {  	s22 =	sand.u32 $0xFFFFFF00, s23;
	(v2sf) =	vpush v50, $0xD  }
0x303: {  	p0 =	seq.s32 s22, $0x200;
	(v2sf) =	vpush v20, $0xE  }
0x304: {  	s23 =	sadd.s32 $0x1, s21;
	s18 =	smov.u32 @p0 s26  }
0x305: {  	[smem:s23] =	sst s18  }
0x306: {  	s18 =	sld [smem:s21+$0x2]  }
0x307: {  	s25 =	sand.u32 $0xFFFFFF00, s25  }
0x308: {  	p0 =	seq.s32 s25, $0x200  }
0x309: {  	s26 =	sadd.s32 $0x2, s21;
	s18 =	smov.u32 @p0 s1  }
0x30a: {  	[smem:s26] =	sst s18  }
0x30b: {  	s1 =	sld [smem:s21+$0x3]  }
0x30c: {  	s0 =	sand.u32 $0xFFFFFF00, s0  }
0x30d: {  	p0 =	seq.s32 s0, $0x200  }
0x30e: {  	s20 =	sadd.s32 $0x3, s21;
	s1 =	smov.u32 @p0 s31  }
0x30f: {  	[smem:s20] =	sst s1  }
0x310: {  	s18 =	sld [smem:s21+$0x4]  }
0x311: {  	s22 =	sand.u32 $0xFFFFFF00, s28;
	s1 =	spop (v2sf)  }
0x312: {  	p0 =	seq.s32 s22, $0x200;
	s0 =	spop (v2sf)  }
0x313: {  	s23 =	sadd.s32 $0x4, s21;
	s18 =	smov.u32 @p0 s13;
	s13 =	sadd.s32 $0xFFFFFE00, s0  }
0x314: {  	[smem:s23] =	sst s18;
	p0 =	sgt.s32 s13, $0x0  }
0x315: {  	s18 =	sld [smem:s21+$0x5];
	s13 =	simm.s32 @!p0 $0x0  }
0x316: {  	s25 =	sand.u32 $0xFFFFFF00, s29;
	s13 =	smin.u32 s13, $0xFF  }
0x317: {  	p0 =	seq.s32 s25, $0x200;
	s13 =	sshll.u32 s13, $0x7  }
0x318: {  	s26 =	sadd.s32 $0x5, s21;
	s18 =	smov.u32 @p0 s14;
	s13 =	sadd.s32 s21, s13  }
0x319: {  	[smem:s26] =	sst s18;
	v51 =	vld [tilespmem:s13+$0x80]  }
0x31a: {  	s13 =	sld [smem:s21+$0x6]  }
0x31b: {  	s28 =	sand.u32 $0xFFFFFF00, s30  }
0x31c: {  	p0 =	seq.s32 s28, $0x200  }
0x31d: {  	s29 =	sadd.s32 $0x6, s21;
	s13 =	smov.u32 @p0 s2  }
0x31e: {  	[smem:s29] =	sst s13;
	(v2sf) =	vpush v51, $0xE  }
0x31f: {  	s2 =	sld [smem:s21+$0x7];
	(v2sf) =	vpush v20, $0xF  }
0x320: {  	s30 =	sand.u32 $0xFFFFFF00, s17  }
0x321: {  	p0 =	seq.s32 s30, $0x200  }
0x322: {  	s31 =	sadd.s32 $0x7, s21;
	s2 =	smov.u32 @p0 s5  }
0x323: {  	[smem:s31] =	sst s2  }
0x324: {  	s2 =	sld [smem:s21+$0x8]  }
0x325: {  	s4 =	sand.u32 $0xFFFFFF00, s4  }
0x326: {  	p0 =	seq.s32 s4, $0x200  }
0x327: {  	s4 =	sadd.s32 $0x8, s21;
	s2 =	smov.u32 @p0 s3  }
0x328: {  	[smem:s4] =	sst s2  }
0x329: {  	s2 =	sld [smem:s21+$0x9]  }
0x32a: {  	s5 =	sand.u32 $0xFFFFFF00, s6  }
0x32b: {  	p0 =	seq.s32 s5, $0x200  }
0x32c: {  	s6 =	sadd.s32 $0x9, s21;
	s2 =	smov.u32 @p0 s12  }
0x32d: {  	[smem:s6] =	sst s2;
	s3 =	spop (v2sf)  }
0x32e: {  	s4 =	sld [smem:s21+$0xA];
	s13 =	spop (v2sf)  }
0x32f: {  	s14 =	sand.u32 $0xFFFFFF00, s8;
	s6 =	sadd.s32 $0xFFFFFE00, s13  }
0x330: {  	p0 =	seq.s32 s14, $0x200;
	p1 =	sgt.s32 s6, $0x0  }
0x331: {  	s17 =	sadd.s32 $0xA, s21;
	s4 =	smov.u32 @p0 s10;
	s6 =	simm.s32 @!p1 $0x0  }
0x332: {  	[smem:s17] =	sst s4;
	s18 =	smin.u32 s6, $0xFF  }
0x333: {  	s5 =	sld [smem:s21+$0xB];
	s4 =	sshll.u32 s18, $0x7  }
0x334: {  	s20 =	sand.u32 $0xFFFFFF00, s9;
	s4 =	sadd.s32 s21, s4  }
0x335: {  	p0 =	seq.s32 s20, $0x200;
	v52 =	vld [tilespmem:s4+$0x80]  }
0x336: {  	s22 =	sadd.s32 $0xB, s21;
	s5 =	smov.u32 @p0 s15  }
0x337: {  	[smem:s22] =	sst s5  }
0x338: {  	s4 =	sld [smem:s21+$0xC]  }
0x339: {  	s23 =	sand.u32 $0xFFFFFF00, s11  }
0x33a: {  	p0 =	seq.s32 s23, $0x200;
	(v2sf) =	vpush v52, $0xF  }
0x33b: {  	s25 =	sadd.s32 $0xC, s21;
	s4 =	smov.u32 @p0 s16  }
0x33c: {  	[smem:s25] =	sst s4  }
0x33d: {  	s4 =	sld [smem:s21+$0xD]  }
0x33e: {  	s26 =	sand.u32 $0xFFFFFF00, s7  }
0x33f: {  	p0 =	seq.s32 s26, $0x200  }
0x340: {  	v8 =	vadd.f32 v10, v8;
	v53 =	vmul.f32 v7, v7;
	v56 =	vmul.f32 v5, v5;
	s28 =	sadd.s32 $0xD, s21;
	s4 =	smov.u32 @p0 s1  }
0x341: {  	v55 =	vadd.f32 v12, v11;
	v54 =	vmul.f32 v9, v9;
	v57 =	vmul.f32 v19, v19;
	[smem:s28] =	sst s4  }
0x342: {  	v7 =	vadd.f32 v53, v8;
	v3 =	vmul.f32 v3, v3;
	v58 =	vmul.f32 v18, v18;
	s1 =	sld [smem:s21+$0xE]  }
0x343: {  	v59 =	vmul.f32 v17, v17;
	v6 =	vadd.f32 v54, v6;
	v4 =	vadd.f32 v57, v4;
	s0 =	sand.u32 $0xFFFFFF00, s0  }
0x344: {  	v5 =	vadd.f32 v56, v55;
	v60 =	vmul.f32 v16, v16;
	v1 =	vmul.f32 v1, v1;
	p0 =	seq.s32 s0, $0x200  }
0x345: {  	v61 =	vmul.f32 v32, v32;
	v6 =	vadd.f32 v58, v6;
	v4 =	vadd.f32 v59, v4;
	s29 =	sadd.s32 $0xE, s21;
	s1 =	smov.u32 @p0 s3  }
0x346: {  	v62 =	vmul.f32 v33, v33;
	v3 =	vadd.f32 v3, v7;
	v2 =	vmul.f32 v2, v2;
	[smem:s29] =	sst s1  }
0x347: {  	v63 =	vmul.f32 v35, v35;
	v6 =	vadd.f32 v60, v6;
	v4 =	vadd.f32 v61, v4;
	s0 =	sld [smem:s21+$0xF]  }
0x348: {  	v1 =	vadd.f32 v1, v5;
	v2 =	vadd.f32 v2, v3;
	s30 =	sand.u32 $0xFFFFFF00, s13  }
0x349: {  	s19 =	sadd.s32 $0x1, s19;
	v3 =	vadd.f32 v62, v6;
	v4 =	vadd.f32 v63, v4;
	p0 =	seq.s32 s30, $0x200;
	s1 =	spop (v2sf)  }
0x34a: {  	s0 =	smov.u32 @p0 s1;
	p0 =	sne.s32 s19, $0x8  }
.Ltmp5:
0x34b: {  	v1 =	vadd.f32 v2, v1;
	v2 =	vadd.f32 v4, v3;
	(pc) =	sbr.rel @p0 .LBB2_10-.Ltmp5, $4  }
0x34c: {  	_ = 	snop  }
0x34d: {  	v1 =	vadd.f32 v2, v1  }
0x34e: {  	s31 =	sadd.s32 $0xF, s21  }
0x34f: {  	s24 =	sadd.s32 $0x10, s24;
	v0 =	vadd.f32 v1, v0;
	[smem:s31] =	sst s0  }
0x350: {  	s0 =	simm.s32 $0x3  }
0x351: {  	_ =	swait.ge [sflag:s0], $0x8000  }
0x352: {  	[sflag:s0] =	ssyncset.done $0x0  }
0x353: {  	s19 =	simm.s32 $0x0;
	s24 =	simm.s32 $0x8C80;
	[sflag:s0] =	ssyncadd.s32 $0xFFFF8000  }
.LBB2_14:
0x354: {  	v13 =	vmov s24;
	_ =	sdelay $0x3  }
0x355: {  	s1 =	simm.s32 $0x0  }
0x356: {  	v1 =	vld.idx.msk [tilespmem:v13+s1+$0x0 ss:$0x1], $0xffff  }
0x357: {  	v3 =	vld.idx.msk [tilespmem:v13+s1+$0x80 ss:$0x1], $0xffff  }
0x358: {  	v6 =	vld.idx.msk [tilespmem:v13+s1+$0x200 ss:$0x1], $0xffff  }
0x359: {  	v7 =	vld.idx.msk [tilespmem:v13+s1+$0x280 ss:$0x1], $0xffff  }
0x35a: {  	v8 =	vld.idx.msk [tilespmem:v13+s1+$0x100 ss:$0x1], $0xffff;
	_ =	sdelay $0x1  }
0x35b: {  	v14 =	vld.idx.msk [tilespmem:v13+s1+$0x180 ss:$0x1], $0xffff  }
0x35c: {  	v17 =	vimm.f32 $0.0e+00;
	v16 =	vld.idx.msk [tilespmem:v13+s1+$0x300 ss:$0x1], $0xffff;
	v5 =	vmul.f32 v1, v1  }
0x35d: {  	s0 =	simm.s32 $0x400;
	v4 =	vld.idx.msk [tilespmem:v13+s1+$0x380 ss:$0x1], $0xffff;
	v9 =	vmul.f32 v3, v3;
	v1 =	vadd.f32 v1, v17;
	v11 =	vmul.f32 v6, v6  }
0x35e: {  	v2 =	vld.idx.msk [tilespmem:v13+s0+$0x0 ss:$0x1], $0xffff;
	v3 =	vadd.f32 v3, v17;
	v12 =	vmul.f32 v7, v7;
	v20 =	vadd.f32 v8, v17  }
0x35f: {  	v15 =	vmul.f32 v8, v8;
	v8 =	vld.idx.msk [tilespmem:v13+s0+$0x100 ss:$0x1], $0xffff;
	v10 =	vadd.f32 v5, v17;
	v9 =	vadd.f32 v9, v17  }
0x360: {  	v5 =	vld.idx.msk [tilespmem:v13+s0+$0x80 ss:$0x1], $0xffff;
	v18 =	vadd.f32 v6, v1;
	v19 =	vadd.f32 v7, v3  }
0x361: {  	v1 =	vld.idx.msk [tilespmem:v13+s0+$0x200 ss:$0x1], $0xffff;
	v6 =	vadd.f32 v11, v10;
	v10 =	vmul.f32 v14, v14;
	v7 =	vadd.f32 v12, v9  }
0x362: {  	s21 =	sshll.u32 s19, $0x4;
	s1 =	simm.s32 $0x2000;
	v3 =	vld.idx.msk [tilespmem:v13+s0+$0x280 ss:$0x1], $0xffff;
	v11 =	vadd.f32 v15, v17;
	v12 =	vmul.f32 v16, v16;
	v9 =	vimm.f32 $0.0e+00  }
.LBB2_15:
0x363: {  	p0 =	sne.s32 s1, $0x1C000;
	v15 =	vadd.f32 v14, v17;
	v14 =	vld.idx.msk [tilespmem:v13+s0+$0x180 ss:$0x1], $0xffff;
	v9 =	vadd.f32 v10, v9;
	v10 =	vmul.f32 v4, v4  }
0x364: {  	v21 =	vmul.f32 v2, v2;
	v20 =	vadd.f32 v16, v20;
	v16 =	vld.idx.msk [tilespmem:v13+s0+$0x300 ss:$0x1], $0xffff;
	v11 =	vadd.f32 v12, v11  }
0x365: {  	v12 =	vmul.f32 v5, v5;
	v17 =	vadd.f32 v4, v15;
	v4 =	vld.idx.msk [tilespmem:v13+s0+$0x380 ss:$0x1], $0xffff;
	s0 =	sshra.s32 s1, $0x2;
	v9 =	vadd.f32 v10, v9  }
.Ltmp6:
0x366: {  	v10 =	vadd.f32 v2, v18;
	v6 =	vadd.f32 v21, v6;
	v15 =	vmul.f32 v1, v1;
	v2 =	vld.idx.msk [tilespmem:v13+s0+$0x0 ss:$0x1], $0xffff;
	(pc) =	sbr.rel @p0 .LBB2_15-.Ltmp6, $4  }
0x367: {  	v19 =	vadd.f32 v5, v19;
	v7 =	vadd.f32 v12, v7;
	v12 =	vmul.f32 v3, v3;
	v5 =	vld.idx.msk [tilespmem:v13+s0+$0x80 ss:$0x1], $0xffff  }
0x368: {  	v21 =	vmul.f32 v8, v8;
	v18 =	vadd.f32 v1, v10;
	v6 =	vadd.f32 v15, v6;
	v1 =	vld.idx.msk [tilespmem:v13+s0+$0x200 ss:$0x1], $0xffff  }
0x369: {  	v19 =	vadd.f32 v3, v19;
	v10 =	vmul.f32 v14, v14;
	v7 =	vadd.f32 v12, v7;
	v3 =	vld.idx.msk [tilespmem:v13+s0+$0x280 ss:$0x1], $0xffff  }
0x36a: {  	s1 =	sadd.s32 $0x1000, s1;
	v20 =	vadd.f32 v8, v20;
	v11 =	vadd.f32 v21, v11;
	v12 =	vmul.f32 v16, v16;
	v8 =	vld.idx.msk [tilespmem:v13+s0+$0x100 ss:$0x1], $0xffff  }
0x36b: {  	_ =	sdelay $0x3  }
0x36c: {  	v15 =	vld.idx.msk [tilespmem:v13+s0+$0x180 ss:$0x1], $0xffff  }
0x36d: {  	v17 =	vadd.f32 v14, v17;
	v37 =	vld.idx.msk [tilespmem:v13+s0+$0x300 ss:$0x1], $0xffff  }
0x36e: {  	v38 =	vld.idx.msk [tilespmem:v13+s0+$0x380 ss:$0x1], $0xffff  }
0x36f: {  	v16 =	vadd.f32 v16, v20;
	v17 =	vadd.f32 v4, v17  }
0x370: {  	v18 =	vadd.f32 v2, v18;
	v19 =	vadd.f32 v5, v19  }
0x371: {  	v16 =	vadd.f32 v8, v16;
	v17 =	vadd.f32 v15, v17  }
0x372: {  	s18 =	sshll.u32 s19, $0x7;
	v18 =	vadd.f32 v1, v18;
	v19 =	vadd.f32 v3, v19  }
0x373: {  	s0 =	sand.u32 $0x3FFFFF80, s18;
	v16 =	vadd.f32 v37, v16;
	v17 =	vadd.f32 v38, v17  }
0x374: {  	v39 =	vld [tilespmem:s0+$0x10100]  }
0x375: {  	v18 =	vadd.f32 v19, v18;
	v16 =	vadd.f32 v17, v16;
	_ =	sdelay $0x1  }
0x376: {  	v16 =	vadd.f32 v16, v18;
	_ =	sdelay $0x1  }
0x377: {  	v16 =	vadd.f32 v39, v16;
	_ =	sdelay $0x1  }
0x378: {  	[tilespmem:s0+$0x10100] =	vst v16  }
0x379: {  	v16 =	vld [tilespmem:s21+$0x0];
	_ =	sdelay $0x4  }
0x37a: {  	(v2sf) =	vpush v16, $0x0;
	_ =	sdelay $0xe  }
0x37b: {  	s22 =	spop (v2sf)  }
0x37c: {  	s0 =	sadd.s32 $0xFFFFFD18, s22  }
0x37d: {  	p0 =	sgt.s32 s0, $0x0  }
0x37e: {  	s0 =	simm.s32 @!p0 $0x0  }
0x37f: {  	s0 =	smin.u32 s0, $0xFF  }
0x380: {  	s0 =	sshll.u32 s0, $0x7  }
0x381: {  	s0 =	sadd.s32 s21, s0  }
0x382: {  	v40 =	vld [tilespmem:s0+$0x8080];
	_ =	sdelay $0x4  }
0x383: {  	(v2sf) =	vpush v40, $0x0  }
0x384: {  	(v2sf) =	vpush v16, $0x1;
	_ =	sdelay $0xd  }
0x385: {  	s20 =	spop (v2sf)  }
0x386: {  	s23 =	spop (v2sf)  }
0x387: {  	s0 =	sadd.s32 $0xFFFFFD18, s23  }
0x388: {  	p0 =	sgt.s32 s0, $0x0  }
0x389: {  	s0 =	simm.s32 @!p0 $0x0  }
0x38a: {  	s0 =	smin.u32 s0, $0xFF  }
0x38b: {  	s0 =	sshll.u32 s0, $0x7  }
0x38c: {  	s0 =	sadd.s32 s21, s0  }
0x38d: {  	v41 =	vld [tilespmem:s0+$0x8080];
	_ =	sdelay $0x4  }
0x38e: {  	(v2sf) =	vpush v41, $0x1  }
0x38f: {  	(v2sf) =	vpush v16, $0x2;
	_ =	sdelay $0xd  }
0x390: {  	s26 =	spop (v2sf)  }
0x391: {  	s25 =	spop (v2sf)  }
0x392: {  	s0 =	sadd.s32 $0xFFFFFD18, s25  }
0x393: {  	p0 =	sgt.s32 s0, $0x0  }
0x394: {  	s0 =	simm.s32 @!p0 $0x0  }
0x395: {  	s0 =	smin.u32 s0, $0xFF  }
0x396: {  	s0 =	sshll.u32 s0, $0x7  }
0x397: {  	s0 =	sadd.s32 s21, s0  }
0x398: {  	v42 =	vld [tilespmem:s0+$0x8080];
	_ =	sdelay $0x4  }
0x399: {  	(v2sf) =	vpush v42, $0x2  }
0x39a: {  	(v2sf) =	vpush v16, $0x3;
	_ =	sdelay $0xd  }
0x39b: {  	s1 =	spop (v2sf)  }
0x39c: {  	s0 =	spop (v2sf)  }
0x39d: {  	s2 =	sadd.s32 $0xFFFFFD18, s0  }
0x39e: {  	p0 =	sgt.s32 s2, $0x0  }
0x39f: {  	s2 =	simm.s32 @!p0 $0x0  }
0x3a0: {  	s2 =	smin.u32 s2, $0xFF  }
0x3a1: {  	s2 =	sshll.u32 s2, $0x7  }
0x3a2: {  	s2 =	sadd.s32 s21, s2  }
0x3a3: {  	v43 =	vld [tilespmem:s2+$0x8080];
	_ =	sdelay $0x4  }
0x3a4: {  	(v2sf) =	vpush v43, $0x3  }
0x3a5: {  	(v2sf) =	vpush v16, $0x4;
	_ =	sdelay $0xd  }
0x3a6: {  	s31 =	spop (v2sf)  }
0x3a7: {  	s28 =	spop (v2sf)  }
0x3a8: {  	s2 =	sadd.s32 $0xFFFFFD18, s28  }
0x3a9: {  	p0 =	sgt.s32 s2, $0x0  }
0x3aa: {  	s2 =	simm.s32 @!p0 $0x0  }
0x3ab: {  	s2 =	smin.u32 s2, $0xFF  }
0x3ac: {  	s2 =	sshll.u32 s2, $0x7  }
0x3ad: {  	s2 =	sadd.s32 s21, s2  }
0x3ae: {  	v44 =	vld [tilespmem:s2+$0x8080];
	_ =	sdelay $0x4  }
0x3af: {  	(v2sf) =	vpush v44, $0x4  }
0x3b0: {  	(v2sf) =	vpush v16, $0x5;
	_ =	sdelay $0xd  }
0x3b1: {  	s13 =	spop (v2sf)  }
0x3b2: {  	s29 =	spop (v2sf)  }
0x3b3: {  	s2 =	sadd.s32 $0xFFFFFD18, s29  }
0x3b4: {  	p0 =	sgt.s32 s2, $0x0  }
0x3b5: {  	s2 =	simm.s32 @!p0 $0x0  }
0x3b6: {  	s2 =	smin.u32 s2, $0xFF  }
0x3b7: {  	s2 =	sshll.u32 s2, $0x7  }
0x3b8: {  	s2 =	sadd.s32 s21, s2  }
0x3b9: {  	v45 =	vld [tilespmem:s2+$0x8080];
	_ =	sdelay $0x4  }
0x3ba: {  	(v2sf) =	vpush v45, $0x5  }
0x3bb: {  	(v2sf) =	vpush v16, $0x6;
	_ =	sdelay $0xd  }
0x3bc: {  	s14 =	spop (v2sf)  }
0x3bd: {  	s30 =	spop (v2sf)  }
0x3be: {  	s2 =	sadd.s32 $0xFFFFFD18, s30  }
0x3bf: {  	p0 =	sgt.s32 s2, $0x0  }
0x3c0: {  	s2 =	simm.s32 @!p0 $0x0  }
0x3c1: {  	s2 =	smin.u32 s2, $0xFF  }
0x3c2: {  	s2 =	sshll.u32 s2, $0x7  }
0x3c3: {  	s2 =	sadd.s32 s21, s2  }
0x3c4: {  	v46 =	vld [tilespmem:s2+$0x8080];
	_ =	sdelay $0x4  }
0x3c5: {  	(v2sf) =	vpush v46, $0x6  }
0x3c6: {  	(v2sf) =	vpush v16, $0x7;
	_ =	sdelay $0xd  }
0x3c7: {  	s2 =	spop (v2sf)  }
0x3c8: {  	s17 =	spop (v2sf)  }
0x3c9: {  	s3 =	sadd.s32 $0xFFFFFD18, s17  }
0x3ca: {  	p0 =	sgt.s32 s3, $0x0  }
0x3cb: {  	s3 =	simm.s32 @!p0 $0x0  }
0x3cc: {  	s3 =	smin.u32 s3, $0xFF  }
0x3cd: {  	s3 =	sshll.u32 s3, $0x7  }
0x3ce: {  	s3 =	sadd.s32 s21, s3  }
0x3cf: {  	v47 =	vld [tilespmem:s3+$0x8080];
	_ =	sdelay $0x4  }
0x3d0: {  	(v2sf) =	vpush v47, $0x7  }
0x3d1: {  	(v2sf) =	vpush v16, $0x8;
	_ =	sdelay $0xd  }
0x3d2: {  	s5 =	spop (v2sf)  }
0x3d3: {  	s4 =	spop (v2sf)  }
0x3d4: {  	s3 =	sadd.s32 $0xFFFFFD18, s4  }
0x3d5: {  	p0 =	sgt.s32 s3, $0x0  }
0x3d6: {  	s3 =	simm.s32 @!p0 $0x0  }
0x3d7: {  	s3 =	smin.u32 s3, $0xFF  }
0x3d8: {  	s3 =	sshll.u32 s3, $0x7  }
0x3d9: {  	s3 =	sadd.s32 s21, s3  }
0x3da: {  	v48 =	vld [tilespmem:s3+$0x8080];
	_ =	sdelay $0x4  }
0x3db: {  	(v2sf) =	vpush v48, $0x8  }
0x3dc: {  	(v2sf) =	vpush v16, $0x9;
	_ =	sdelay $0xd  }
0x3dd: {  	s3 =	spop (v2sf)  }
0x3de: {  	s6 =	spop (v2sf)  }
0x3df: {  	s7 =	sadd.s32 $0xFFFFFD18, s6  }
0x3e0: {  	p0 =	sgt.s32 s7, $0x0  }
0x3e1: {  	s7 =	simm.s32 @!p0 $0x0  }
0x3e2: {  	s7 =	smin.u32 s7, $0xFF  }
0x3e3: {  	s7 =	sshll.u32 s7, $0x7  }
0x3e4: {  	s7 =	sadd.s32 s21, s7  }
0x3e5: {  	v49 =	vld [tilespmem:s7+$0x8080];
	_ =	sdelay $0x4  }
0x3e6: {  	(v2sf) =	vpush v49, $0x9  }
0x3e7: {  	(v2sf) =	vpush v16, $0xA;
	_ =	sdelay $0xd  }
0x3e8: {  	s11 =	spop (v2sf)  }
0x3e9: {  	s7 =	spop (v2sf)  }
0x3ea: {  	s8 =	sadd.s32 $0xFFFFFD18, s7  }
0x3eb: {  	p0 =	sgt.s32 s8, $0x0  }
0x3ec: {  	s8 =	simm.s32 @!p0 $0x0  }
0x3ed: {  	s8 =	smin.u32 s8, $0xFF  }
0x3ee: {  	s8 =	sshll.u32 s8, $0x7  }
0x3ef: {  	s8 =	sadd.s32 s21, s8  }
0x3f0: {  	v50 =	vld [tilespmem:s8+$0x8080];
	_ =	sdelay $0x4  }
0x3f1: {  	(v2sf) =	vpush v50, $0xA  }
0x3f2: {  	(v2sf) =	vpush v16, $0xB;
	_ =	sdelay $0xd  }
0x3f3: {  	s10 =	spop (v2sf)  }
0x3f4: {  	s8 =	spop (v2sf)  }
0x3f5: {  	s9 =	sadd.s32 $0xFFFFFD18, s8  }
0x3f6: {  	p0 =	sgt.s32 s9, $0x0  }
0x3f7: {  	s9 =	simm.s32 @!p0 $0x0  }
0x3f8: {  	s9 =	smin.u32 s9, $0xFF  }
0x3f9: {  	s9 =	sshll.u32 s9, $0x7  }
0x3fa: {  	s9 =	sadd.s32 s21, s9  }
0x3fb: {  	v51 =	vld [tilespmem:s9+$0x8080];
	_ =	sdelay $0x4  }
0x3fc: {  	(v2sf) =	vpush v51, $0xB  }
0x3fd: {  	(v2sf) =	vpush v16, $0xC;
	_ =	sdelay $0xd  }
0x3fe: {  	s15 =	spop (v2sf)  }
0x3ff: {  	s9 =	spop (v2sf)  }
0x400: {  	s12 =	sadd.s32 $0xFFFFFD18, s9  }
0x401: {  	p0 =	sgt.s32 s12, $0x0  }
0x402: {  	s12 =	simm.s32 @!p0 $0x0  }
0x403: {  	s12 =	smin.u32 s12, $0xFF  }
0x404: {  	s12 =	sshll.u32 s12, $0x7  }
0x405: {  	s12 =	sadd.s32 s21, s12  }
0x406: {  	v52 =	vld [tilespmem:s12+$0x8080];
	_ =	sdelay $0x4  }
0x407: {  	(v2sf) =	vpush v52, $0xC  }
0x408: {  	(v2sf) =	vpush v16, $0xD;
	_ =	sdelay $0xd  }
0x409: {  	s16 =	spop (v2sf)  }
0x40a: {  	s12 =	spop (v2sf)  }
0x40b: {  	s18 =	sadd.s32 $0xFFFFFD18, s12  }
0x40c: {  	p0 =	sgt.s32 s18, $0x0  }
0x40d: {  	s18 =	simm.s32 @!p0 $0x0  }
0x40e: {  	s18 =	smin.u32 s18, $0xFF  }
0x40f: {  	[dreg:$0x10] =	wrdreg s20;
	s18 =	sshll.u32 s18, $0x7  }
0x410: {  	s20 =	sld [smem:s21+$0x0];
	s18 =	sadd.s32 s21, s18  }
0x411: {  	s22 =	sand.u32 $0xFFFFFF00, s22;
	v53 =	vld [tilespmem:s18+$0x8080]  }
0x412: {  	p0 =	seq.s32 s22, $0x300;
	s18 =	rddreg [dreg:$0x10]  }
0x413: {  	s20 =	smov.u32 @p0 s18  }
0x414: {  	[smem:s21] =	sst s20  }
0x415: {  	s18 =	sld [smem:s21+$0x1]  }
0x416: {  	s22 =	sand.u32 $0xFFFFFF00, s23;
	(v2sf) =	vpush v53, $0xD  }
0x417: {  	p0 =	seq.s32 s22, $0x300;
	(v2sf) =	vpush v16, $0xE  }
0x418: {  	s23 =	sadd.s32 $0x1, s21;
	s18 =	smov.u32 @p0 s26  }
0x419: {  	[smem:s23] =	sst s18  }
0x41a: {  	s18 =	sld [smem:s21+$0x2]  }
0x41b: {  	s25 =	sand.u32 $0xFFFFFF00, s25  }
0x41c: {  	p0 =	seq.s32 s25, $0x300  }
0x41d: {  	s26 =	sadd.s32 $0x2, s21;
	s18 =	smov.u32 @p0 s1  }
0x41e: {  	[smem:s26] =	sst s18  }
0x41f: {  	s1 =	sld [smem:s21+$0x3]  }
0x420: {  	s0 =	sand.u32 $0xFFFFFF00, s0  }
0x421: {  	p0 =	seq.s32 s0, $0x300  }
0x422: {  	s20 =	sadd.s32 $0x3, s21;
	s1 =	smov.u32 @p0 s31  }
0x423: {  	[smem:s20] =	sst s1  }
0x424: {  	s18 =	sld [smem:s21+$0x4]  }
0x425: {  	s22 =	sand.u32 $0xFFFFFF00, s28;
	s1 =	spop (v2sf)  }
0x426: {  	p0 =	seq.s32 s22, $0x300;
	s0 =	spop (v2sf)  }
0x427: {  	s23 =	sadd.s32 $0x4, s21;
	s18 =	smov.u32 @p0 s13;
	s13 =	sadd.s32 $0xFFFFFD18, s0  }
0x428: {  	[smem:s23] =	sst s18;
	p0 =	sgt.s32 s13, $0x0  }
0x429: {  	s18 =	sld [smem:s21+$0x5];
	s13 =	simm.s32 @!p0 $0x0  }
0x42a: {  	s25 =	sand.u32 $0xFFFFFF00, s29;
	s13 =	smin.u32 s13, $0xFF  }
0x42b: {  	p0 =	seq.s32 s25, $0x300;
	s13 =	sshll.u32 s13, $0x7  }
0x42c: {  	s26 =	sadd.s32 $0x5, s21;
	s18 =	smov.u32 @p0 s14;
	s13 =	sadd.s32 s21, s13  }
0x42d: {  	[smem:s26] =	sst s18;
	v54 =	vld [tilespmem:s13+$0x8080]  }
0x42e: {  	s13 =	sld [smem:s21+$0x6]  }
0x42f: {  	s28 =	sand.u32 $0xFFFFFF00, s30  }
0x430: {  	p0 =	seq.s32 s28, $0x300  }
0x431: {  	s29 =	sadd.s32 $0x6, s21;
	s13 =	smov.u32 @p0 s2  }
0x432: {  	[smem:s29] =	sst s13;
	(v2sf) =	vpush v54, $0xE  }
0x433: {  	s2 =	sld [smem:s21+$0x7];
	(v2sf) =	vpush v16, $0xF  }
0x434: {  	s30 =	sand.u32 $0xFFFFFF00, s17  }
0x435: {  	p0 =	seq.s32 s30, $0x300  }
0x436: {  	s31 =	sadd.s32 $0x7, s21;
	s2 =	smov.u32 @p0 s5  }
0x437: {  	[smem:s31] =	sst s2  }
0x438: {  	s2 =	sld [smem:s21+$0x8]  }
0x439: {  	s4 =	sand.u32 $0xFFFFFF00, s4  }
0x43a: {  	p0 =	seq.s32 s4, $0x300  }
0x43b: {  	s4 =	sadd.s32 $0x8, s21;
	s2 =	smov.u32 @p0 s3  }
0x43c: {  	[smem:s4] =	sst s2  }
0x43d: {  	s2 =	sld [smem:s21+$0x9]  }
0x43e: {  	s5 =	sand.u32 $0xFFFFFF00, s6  }
0x43f: {  	p0 =	seq.s32 s5, $0x300  }
0x440: {  	s6 =	sadd.s32 $0x9, s21;
	s2 =	smov.u32 @p0 s11  }
0x441: {  	[smem:s6] =	sst s2;
	s4 =	spop (v2sf)  }
0x442: {  	s2 =	sld [smem:s21+$0xA];
	s13 =	spop (v2sf)  }
0x443: {  	s14 =	sand.u32 $0xFFFFFF00, s7;
	s6 =	sadd.s32 $0xFFFFFD18, s13  }
0x444: {  	p0 =	seq.s32 s14, $0x300;
	p1 =	sgt.s32 s6, $0x0  }
0x445: {  	s17 =	sadd.s32 $0xA, s21;
	s2 =	smov.u32 @p0 s10;
	s6 =	simm.s32 @!p1 $0x0  }
0x446: {  	[smem:s17] =	sst s2;
	s18 =	smin.u32 s6, $0xFF  }
0x447: {  	s5 =	sld [smem:s21+$0xB];
	s2 =	sshll.u32 s18, $0x7  }
0x448: {  	s20 =	sand.u32 $0xFFFFFF00, s8;
	s2 =	sadd.s32 s21, s2  }
0x449: {  	p0 =	seq.s32 s20, $0x300;
	v55 =	vld [tilespmem:s2+$0x8080]  }
0x44a: {  	s22 =	sadd.s32 $0xB, s21;
	s5 =	smov.u32 @p0 s15  }
0x44b: {  	[smem:s22] =	sst s5  }
0x44c: {  	s2 =	sld [smem:s21+$0xC]  }
0x44d: {  	s23 =	sand.u32 $0xFFFFFF00, s9  }
0x44e: {  	p0 =	seq.s32 s23, $0x300;
	(v2sf) =	vpush v55, $0xF  }
0x44f: {  	s25 =	sadd.s32 $0xC, s21;
	s2 =	smov.u32 @p0 s16  }
0x450: {  	[smem:s25] =	sst s2  }
0x451: {  	s2 =	sld [smem:s21+$0xD]  }
0x452: {  	s26 =	sand.u32 $0xFFFFFF00, s12  }
0x453: {  	p0 =	seq.s32 s26, $0x300  }
0x454: {  	s28 =	sadd.s32 $0xD, s21;
	s2 =	smov.u32 @p0 s1  }
0x455: {  	[smem:s28] =	sst s2  }
0x456: {  	v9 =	vadd.f32 v10, v9;
	v56 =	vmul.f32 v4, v4;
	s1 =	sld [smem:s21+$0xE]  }
0x457: {  	v2 =	vmul.f32 v2, v2;
	v57 =	vadd.f32 v12, v11;
	s0 =	sand.u32 $0xFFFFFF00, s0  }
0x458: {  	v58 =	vmul.f32 v5, v5;
	v4 =	vadd.f32 v56, v9;
	v1 =	vmul.f32 v1, v1;
	p0 =	seq.s32 s0, $0x300  }
0x459: {  	v2 =	vadd.f32 v2, v6;
	v59 =	vmul.f32 v8, v8;
	v60 =	vmul.f32 v15, v15;
	s29 =	sadd.s32 $0xE, s21;
	s1 =	smov.u32 @p0 s4  }
0x45a: {  	v5 =	vadd.f32 v58, v7;
	v3 =	vmul.f32 v3, v3;
	v62 =	vmul.f32 v37, v37;
	[smem:s29] =	sst s1  }
0x45b: {  	v63 =	vmul.f32 v38, v38;
	v61 =	vadd.f32 v59, v57;
	v4 =	vadd.f32 v60, v4;
	s0 =	sld [smem:s21+$0xF]  }
0x45c: {  	v1 =	vadd.f32 v1, v2;
	v2 =	vadd.f32 v3, v5;
	s30 =	sand.u32 $0xFFFFFF00, s13  }
0x45d: {  	s19 =	sadd.s32 $0x1, s19;
	v3 =	vadd.f32 v62, v61;
	v4 =	vadd.f32 v63, v4;
	p0 =	seq.s32 s30, $0x300;
	s1 =	spop (v2sf)  }
0x45e: {  	s0 =	smov.u32 @p0 s1;
	p0 =	sne.s32 s19, $0x8  }
.Ltmp7:
0x45f: {  	v1 =	vadd.f32 v2, v1;
	v2 =	vadd.f32 v4, v3;
	(pc) =	sbr.rel @p0 .LBB2_14-.Ltmp7, $4  }
0x460: {  	_ = 	snop  }
0x461: {  	v1 =	vadd.f32 v2, v1  }
0x462: {  	s31 =	sadd.s32 $0xF, s21  }
0x463: {  	s24 =	sadd.s32 $0x10, s24;
	v0 =	vadd.f32 v1, v0;
	[smem:s31] =	sst s0  }
0x464: {  	s0 =	simm.s32 $0x0  }
0x465: {  	v1 =	vld [tilespmem:s0+$0x10100];
	_ =	sdelay $0x4  }
0x466: {  	(v2sf) =	vpush v1, $0x0  }
0x467: {  	(v2sf) =	vpush v1, $0x4  }
0x468: {  	(v2sf) =	vpush v1, $0x1  }
0x469: {  	(v2sf) =	vpush v1, $0x3  }
0x46a: {  	s0 =	sld [smem:$0x5];
	(v2sf) =	vpush v1, $0x5  }
0x46b: {  	(v2sf) =	vpush v1, $0x6  }
0x46c: {  	s1 =	sld [smem:$0x4];
	(v2sf) =	vpush v1, $0x7  }
0x46d: {  	(v2sf) =	vpush v1, $0x8;
	s4 =	ssub.f32 $1.000000000e+00, s0  }
0x46e: {  	s2 =	sld [smem:$0x3];
	(v2sf) =	vpush v1, $0x2  }
0x46f: {  	(v2sf) =	vpush v1, $0x9;
	s13 =	ssub.f32 $1.000000000e+00, s1  }
0x470: {  	s3 =	sld [smem:$0x0]  }
0x471: {  	s5 =	sld [smem:$0x2]  }
0x472: {  	s15 =	ssub.f32 $1.000000000e+00, s2  }
0x473: {  	s17 =	sadd.f32 s13, s13  }
0x474: {  	s6 =	sld [smem:$0x1]  }
0x475: {  	s12 =	ssub.f32 $1.000000000e+00, s3  }
0x476: {  	s18 =	sadd.f32 s15, s15  }
0x477: {  	s5 =	ssub.f32 $1.000000000e+00, s5  }
0x478: {  	s7 =	spop (v2sf);
	s19 =	sadd.f32 s12, s12  }
0x479: {  	s6 =	ssub.f32 $1.000000000e+00, s6;
	s12 =	smul.f32 s12, s12  }
0x47a: {  	s8 =	sld [smem:$0x6];
	s9 =	spop (v2sf)  }
0x47b: {  	s21 =	sadd.f32 s5, s5;
	s10 =	spop (v2sf)  }
0x47c: {  	s7 =	smul.f32 s19, s7;
	s23 =	sadd.f32 s6, s6  }
0x47d: {  	s22 =	simm.f32 $0.0e+00;
	s12 =	smul.f32 $1.000000000e+03, s12;
	s11 =	sld [smem:$0x7]  }
0x47e: {  	s6 =	smul.f32 s6, s6;
	s7 =	sadd.f32 s7, s22  }
0x47f: {  	s14 =	spop (v2sf);
	s22 =	sadd.f32 s4, s4  }
0x480: {  	s16 =	spop (v2sf);
	s8 =	ssub.f32 $1.000000000e+00, s8  }
0x481: {  	s10 =	smul.f32 s23, s10;
	s3 =	spop (v2sf)  }
0x482: {  	s2 =	spop (v2sf);
	s7 =	sadd.f32 s7, s12  }
0x483: {  	s23 =	sadd.f32 s8, s8;
	s0 =	spop (v2sf)  }
0x484: {  	s11 =	ssub.f32 $1.000000000e+00, s11;
	s20 =	spop (v2sf)  }
0x485: {  	s7 =	sadd.f32 $-1.000000000e+00, s7;
	s1 =	spop (v2sf)  }
0x486: {  	s25 =	sld [smem:$0x9]  }
0x487: {  	s6 =	smul.f32 $1.000000000e+03, s6;
	s7 =	sadd.f32 s7, s10  }
0x488: {  	s26 =	sld [smem:$0x8]  }
0x489: {  	s6 =	sadd.f32 s7, s6  }
0x48a: {  	s7 =	sadd.f32 s11, s11  }
0x48b: {  	s21 =	smul.f32 s21, s20;
	s20 =	sld [smem:$0xB]  }
0x48c: {  	(v2sf) =	vpush v1, $0xB;
	s10 =	ssub.f32 $1.000000000e+00, s25  }
0x48d: {  	s14 =	smul.f32 s18, s14;
	s18 =	sld [smem:$0xC]  }
0x48e: {  	s6 =	sadd.f32 $-1.000000000e+00, s6  }
0x48f: {  	s5 =	smul.f32 s5, s5;
	s12 =	ssub.f32 $1.000000000e+00, s26  }
0x490: {  	s25 =	smul.f32 s17, s9;
	s9 =	sadd.f32 s10, s10  }
0x491: {  	s5 =	smul.f32 $1.000000000e+03, s5;
	s6 =	sadd.f32 s6, s21  }
0x492: {  	s24 =	smul.f32 s15, s15;
	s15 =	sadd.f32 s12, s12  }
0x493: {  	s5 =	sadd.f32 s6, s5  }
0x494: {  	s21 =	smul.f32 s4, s4;
	s4 =	ssub.f32 $1.000000000e+00, s20  }
0x495: {  	s5 =	sadd.f32 $-1.000000000e+00, s5  }
0x496: {  	s19 =	sadd.f32 s4, s4  }
0x497: {  	s6 =	smul.f32 $1.000000000e+03, s24;
	s5 =	sadd.f32 s5, s14  }
0x498: {  	s14 =	sld [smem:$0xD]  }
0x499: {  	s5 =	sadd.f32 s5, s6  }
0x49a: {  	s17 =	sld [smem:$0xA]  }
0x49b: {  	s13 =	smul.f32 s13, s13;
	s5 =	sadd.f32 $-1.000000000e+00, s5  }
0x49c: {  	s26 =	sld [smem:$0xE]  }
0x49d: {  	s13 =	smul.f32 $1.000000000e+03, s13;
	s5 =	sadd.f32 s5, s25  }
0x49e: {  	s0 =	smul.f32 s15, s0;
	s15 =	ssub.f32 $1.000000000e+00, s17  }
0x49f: {  	s20 =	spop (v2sf);
	s5 =	sadd.f32 s5, s13  }
0x4a0: {  	s16 =	smul.f32 s22, s16;
	s24 =	sld [smem:$0xF]  }
0x4a1: {  	s8 =	smul.f32 s8, s8;
	s5 =	sadd.f32 $-1.000000000e+00, s5  }
0x4a2: {  	s13 =	smul.f32 $1.000000000e+03, s21;
	s21 =	ssub.f32 $1.000000000e+00, s26  }
0x4a3: {  	s25 =	smul.f32 $1.000000000e+03, s8;
	s5 =	sadd.f32 s5, s16  }
0x4a4: {  	(v2sf) =	vpush v1, $0xC;
	s8 =	smul.f32 s11, s11;
	s11 =	ssub.f32 $1.000000000e+00, s24  }
0x4a5: {  	(v2sf) =	vpush v1, $0xA;
	s5 =	sadd.f32 s5, s13  }
0x4a6: {  	s3 =	smul.f32 s23, s3;
	s23 =	sadd.f32 s21, s21  }
0x4a7: {  	s5 =	sadd.f32 $-1.000000000e+00, s5  }
0x4a8: {  	s26 =	simm.s32 $0x80;
	s13 =	ssub.f32 $1.000000000e+00, s18  }
0x4a9: {  	v2 =	vld [tilespmem:s26+$0x10100];
	s3 =	sadd.f32 s5, s3  }
0x4aa: {  	s18 =	ssub.f32 $1.000000000e+00, s14  }
0x4ab: {  	s2 =	smul.f32 s7, s2;
	s3 =	sadd.f32 s3, s25  }
0x4ac: {  	s22 =	smul.f32 s10, s10;
	s30 =	sadd.f32 s18, s18  }
0x4ad: {  	s12 =	smul.f32 s12, s12;
	s3 =	sadd.f32 $-1.000000000e+00, s3  }
0x4ae: {  	(v2sf) =	vpush v2, $0x0;
	s26 =	smul.f32 s18, s18;
	s18 =	sadd.f32 s15, s15  }
0x4af: {  	(v2sf) =	vpush v2, $0x4;
	s5 =	smul.f32 $1.000000000e+03, s8;
	s2 =	sadd.f32 s3, s2  }
0x4b0: {  	s29 =	smul.f32 s19, s20;
	(v2sf) =	vpush v2, $0x1;
	s19 =	sadd.f32 s13, s13  }
0x4b1: {  	s1 =	smul.f32 s9, s1;
	(v2sf) =	vpush v2, $0x3;
	s2 =	sadd.f32 s2, s5  }
0x4b2: {  	s4 =	smul.f32 s4, s4;
	s28 =	sld [smem:$0x15]  }
0x4b3: {  	s16 =	spop (v2sf);
	s2 =	sadd.f32 $-1.000000000e+00, s2  }
0x4b4: {  	(v2sf) =	vpush v2, $0x5;
	s25 =	sadd.f32 s11, s11;
	s17 =	spop (v2sf)  }
0x4b5: {  	(v2sf) =	vpush v2, $0x6;
	s3 =	smul.f32 $1.000000000e+03, s12;
	s0 =	sadd.f32 s2, s0  }
0x4b6: {  	s22 =	smul.f32 $1.000000000e+03, s22;
	s31 =	sld [smem:$0x14];
	(v2sf) =	vpush v2, $0x7  }
0x4b7: {  	s4 =	smul.f32 $1.000000000e+03, s4;
	(v2sf) =	vpush v2, $0x8;
	s3 =	sadd.f32 s0, s3  }
0x4b8: {  	s20 =	smul.f32 s15, s15;
	s0 =	sld [smem:$0x13];
	(v2sf) =	vpush v2, $0x2  }
0x4b9: {  	s14 =	smul.f32 s13, s13;
	(v2sf) =	vpush v2, $0x9;
	s3 =	sadd.f32 $-1.000000000e+00, s3  }
0x4ba: {  	s24 =	smul.f32 s11, s11;
	s6 =	sld [smem:$0x10]  }
0x4bb: {  	s7 =	smul.f32 $1.000000000e+03, s14;
	s3 =	sadd.f32 s3, s1  }
0x4bc: {  	s11 =	smul.f32 $1.000000000e+03, s20;
	s1 =	sld [smem:$0x12]  }
0x4bd: {  	s10 =	smul.f32 s19, s16;
	(v2sf) =	vpush v1, $0xD;
	s8 =	sadd.f32 s3, s22  }
0x4be: {  	s9 =	simm.s32 $0x400;
	s5 =	smul.f32 s18, s17;
	s17 =	sld [smem:$0x11]  }
0x4bf: {  	s19 =	simm.s32 $0x18;
	s3 =	spop (v2sf);
	(v2sf) =	vpush v1, $0xE;
	s2 =	sadd.f32 $-1.000000000e+00, s8  }
.LBB2_18:
0x4c0: {  	s8 =	sld [smem:s19+$0xFFFFFFFE];
	s12 =	smov.u32 s9  }
0x4c1: {  	s20 =	sadd.s32 $0x200, s9;
	p0 =	sne.s32 s9, $0xE00;
	s9 =	sld [smem:s19+$0xFFFFFFFF]  }
0x4c2: {  	[dreg:$0x5] =	wrdreg s12  }
0x4c3: {  	[dreg:$0x4] =	wrdreg s20  }
0x4c4: {  	s2 =	sadd.f32 s2, s5  }
0x4c5: {  	s18 =	ssub.f32 $1.000000000e+00, s6  }
0x4c6: {  	s26 =	smul.f32 $1.000000000e+03, s26;
	s15 =	ssub.f32 $1.000000000e+00, s28  }
0x4c7: {  	s2 =	sadd.f32 s2, s11;
	s14 =	spop (v2sf)  }
0x4c8: {  	s0 =	ssub.f32 $1.000000000e+00, s0;
	s12 =	spop (v2sf)  }
0x4c9: {  	s22 =	sadd.f32 $-1.000000000e+00, s2;
	s16 =	spop (v2sf)  }
0x4ca: {  	s1 =	ssub.f32 $1.000000000e+00, s1;
	s13 =	spop (v2sf)  }
0x4cb: {  	s6 =	sadd.f32 s22, s29;
	s11 =	spop (v2sf)  }
0x4cc: {  	s17 =	ssub.f32 $1.000000000e+00, s17;
	s5 =	spop (v2sf)  }
0x4cd: {  	s6 =	sadd.f32 s6, s4;
	s2 =	spop (v2sf)  }
0x4ce: {  	s4 =	ssub.f32 $1.000000000e+00, s31;
	s28 =	spop (v2sf)  }
0x4cf: {  	s31 =	sadd.f32 $-1.000000000e+00, s6;
	s20 =	spop (v2sf)  }
0x4d0: {  	s8 =	ssub.f32 $1.000000000e+00, s8;
	s6 =	spop (v2sf)  }
0x4d1: {  	(v2sf) =	vpush v1, $0xF;
	s10 =	sadd.f32 s31, s10;
	s30 =	smul.f32 s30, s6  }
0x4d2: {  	s6 =	smul.f32 s0, s0;
	s0 =	sadd.f32 s0, s0  }
0x4d3: {  	s21 =	smul.f32 s21, s21;
	s7 =	sadd.f32 s10, s7  }
0x4d4: {  	s31 =	spop (v2sf);
	s10 =	sadd.f32 s18, s18  }
0x4d5: {  	s23 =	smul.f32 s23, s31;
	s31 =	sadd.f32 $-1.000000000e+00, s7  }
0x4d6: {  	s22 =	sadd.f32 s4, s4;
	s7 =	smul.f32 s0, s16  }
0x4d7: {  	s0 =	smul.f32 s10, s3;
	s3 =	sadd.f32 s31, s30  }
0x4d8: {  	s29 =	smul.f32 s15, s15;
	s10 =	sadd.f32 s1, s1  }
0x4d9: {  	s16 =	smul.f32 s1, s1;
	s26 =	sadd.f32 s3, s26  }
0x4da: {  	s15 =	sadd.f32 s15, s15;
	s3 =	smul.f32 s10, s28  }
0x4db: {  	s10 =	smul.f32 s22, s14;
	s1 =	sadd.f32 $-1.000000000e+00, s26  }
0x4dc: {  	s22 =	smul.f32 s17, s17;
	s17 =	sadd.f32 s17, s17  }
0x4dd: {  	s21 =	smul.f32 $1.000000000e+03, s21;
	s1 =	sadd.f32 s1, s23  }
0x4de: {  	s14 =	sld [smem:s19+$0x1];
	s17 =	smul.f32 s17, s12  }
0x4df: {  	s12 =	smul.f32 s15, s13;
	s1 =	sadd.f32 s1, s21  }
0x4e0: {  	s15 =	sld [smem:s19+$0x0];
	s26 =	spop (v2sf)  }
0x4e1: {  	s23 =	smul.f32 s25, s26;
	s1 =	sadd.f32 $-1.000000000e+00, s1  }
0x4e2: {  	s25 =	sadd.f32 s8, s8  }
0x4e3: {  	s24 =	smul.f32 $1.000000000e+03, s24;
	s1 =	sadd.f32 s1, s23  }
0x4e4: {  	s26 =	ssub.f32 $1.000000000e+00, s9  }
0x4e5: {  	s1 =	sadd.f32 s1, s24  }
0x4e6: {  	s23 =	ssub.f32 $1.000000000e+00, s14  }
0x4e7: {  	s18 =	smul.f32 s18, s18;
	s1 =	sadd.f32 $-1.000000000e+00, s1  }
0x4e8: {  	s13 =	smul.f32 s8, s8;
	s8 =	sadd.f32 s26, s26  }
0x4e9: {  	s18 =	smul.f32 $1.000000000e+03, s18;
	s0 =	sadd.f32 s0, s1  }
0x4ea: {  	s9 =	smul.f32 s25, s11;
	s25 =	ssub.f32 $1.000000000e+00, s15  }
0x4eb: {  	s11 =	smul.f32 s26, s26;
	s0 =	sadd.f32 s0, s18  }
0x4ec: {  	s26 =	smul.f32 $1.000000000e+03, s6;
	s6 =	sld [smem:s19+$0x5]  }
0x4ed: {  	s0 =	sadd.f32 $-1.000000000e+00, s0  }
0x4ee: {  	s24 =	sld [smem:s19+$0x3]  }
0x4ef: {  	s22 =	smul.f32 $1.000000000e+03, s22;
	s0 =	sadd.f32 s0, s17  }
0x4f0: {  	s15 =	sadd.f32 s25, s25  }
0x4f1: {  	s0 =	sadd.f32 s0, s22  }
0x4f2: {  	s6 =	ssub.f32 $1.000000000e+00, s6  }
0x4f3: {  	s8 =	smul.f32 s8, s5;
	s0 =	sadd.f32 $-1.000000000e+00, s0  }
0x4f4: {  	v1 =	vmov v2;
	s5 =	smul.f32 s15, s2;
	s15 =	sadd.f32 s23, s23  }
0x4f5: {  	s16 =	smul.f32 $1.000000000e+03, s16;
	(v2sf) =	vpush v1, $0xB;
	s0 =	sadd.f32 s0, s3  }
0x4f6: {  	s30 =	sadd.f32 s6, s6  }
0x4f7: {  	s0 =	sadd.f32 s0, s16  }
0x4f8: {  	s17 =	sld [smem:s19+$0x4]  }
0x4f9: {  	s16 =	sadd.f32 $-1.000000000e+00, s0  }
0x4fa: {  	s1 =	smul.f32 s23, s23;
	s23 =	sld [smem:s19+$0x6]  }
0x4fb: {  	s4 =	smul.f32 s4, s4;
	s22 =	sadd.f32 s16, s7  }
0x4fc: {  	s17 =	ssub.f32 $1.000000000e+00, s17  }
0x4fd: {  	s21 =	smul.f32 $1.000000000e+03, s4;
	s4 =	sadd.f32 s22, s26  }
0x4fe: {  	s3 =	ssub.f32 $1.000000000e+00, s24  }
0x4ff: {  	s4 =	sadd.f32 $-1.000000000e+00, s4  }
0x500: {  	s0 =	sld [smem:s19+$0x2]  }
0x501: {  	s4 =	sadd.f32 s4, s10  }
0x502: {  	s14 =	smul.f32 s25, s25;
	s24 =	sadd.f32 s3, s3  }
0x503: {  	s2 =	smul.f32 s15, s20;
	s16 =	sadd.f32 s4, s21  }
0x504: {  	s25 =	spop (v2sf);
	s0 =	ssub.f32 $1.000000000e+00, s0  }
0x505: {  	s26 =	smul.f32 $1.000000000e+03, s29;
	s20 =	sadd.f32 $-1.000000000e+00, s16  }
0x506: {  	s29 =	smul.f32 s24, s25;
	s24 =	sld [smem:s19+$0x7]  }
0x507: {  	s7 =	sadd.f32 s20, s12  }
0x508: {  	s25 =	rddreg [dreg:$0x5]  }
0x509: {  	s7 =	sadd.f32 s7, s26  }
0x50a: {  	s22 =	smul.f32 $1.000000000e+03, s13;
	s13 =	sadd.f32 s17, s17  }
0x50b: {  	(v2sf) =	vpush v1, $0xC;
	s7 =	sadd.f32 $-1.000000000e+00, s7  }
0x50c: {  	(v2sf) =	vpush v1, $0xA;
	s15 =	sadd.f32 s0, s0  }
0x50d: {  	s7 =	sadd.f32 s7, s9  }
0x50e: {  	s12 =	ssub.f32 $1.000000000e+00, s24;
	s9 =	sshra.s32 s25, $0x2  }
0x50f: {  	v2 =	vld [tilespmem:s9+$0x10100];
	s7 =	sadd.f32 s7, s22  }
0x510: {  	s25 =	sadd.f32 s12, s12  }
0x511: {  	s19 =	sadd.s32 $0x10, s19;
	s24 =	smul.f32 s12, s12;
	s12 =	sadd.f32 $-1.000000000e+00, s7  }
0x512: {  	s11 =	smul.f32 $1.000000000e+03, s11;
	s28 =	sld [smem:s19+$0xFFFFFFFD]  }
0x513: {  	s26 =	smul.f32 s6, s6;
	s6 =	sadd.f32 s12, s8  }
0x514: {  	s31 =	sld [smem:s19+$0xFFFFFFFC];
	(v2sf) =	vpush v2, $0x0  }
0x515: {  	s6 =	sadd.f32 s6, s11  }
0x516: {  	s18 =	smul.f32 s0, s0;
	s0 =	sld [smem:s19+$0xFFFFFFFB]  }
0x517: {  	s14 =	smul.f32 $1.000000000e+03, s14;
	s6 =	sadd.f32 $-1.000000000e+00, s6  }
0x518: {  	s3 =	smul.f32 s3, s3;
	s21 =	ssub.f32 $1.000000000e+00, s23  }
0x519: {  	s4 =	smul.f32 s17, s17;
	(v2sf) =	vpush v2, $0x4;
	s6 =	sadd.f32 s6, s5  }
0x51a: {  	s23 =	sadd.f32 s21, s21;
	s16 =	spop (v2sf);
	(v2sf) =	vpush v2, $0x1  }
0x51b: {  	s17 =	spop (v2sf);
	(v2sf) =	vpush v2, $0x3;
	s6 =	sadd.f32 s6, s14  }
0x51c: {  	s20 =	smul.f32 $1.000000000e+03, s1;
	s1 =	sld [smem:s19+$0xFFFFFFFA];
	(v2sf) =	vpush v2, $0x5  }
0x51d: {  	s10 =	smul.f32 s13, s16;
	(v2sf) =	vpush v2, $0x6;
	s22 =	sadd.f32 $-1.000000000e+00, s6  }
0x51e: {  	s9 =	rddreg [dreg:$0x4];
	s7 =	smul.f32 $1.000000000e+03, s4;
	(v2sf) =	vpush v2, $0x7  }
.Ltmp8:
0x51f: {  	(v2sf) =	vpush v2, $0x8;
	s2 =	sadd.f32 s22, s2;
	(pc) =	sbr.rel @p0 .LBB2_18-.Ltmp8, $4  }
0x520: {  	s5 =	smul.f32 s15, s17;
	s17 =	sld [smem:s19+$0xFFFFFFF9];
	(v2sf) =	vpush v2, $0x2  }
0x521: {  	s4 =	smul.f32 $1.000000000e+03, s3;
	(v2sf) =	vpush v2, $0x9;
	s2 =	sadd.f32 s2, s20  }
0x522: {  	s11 =	smul.f32 $1.000000000e+03, s18;
	s6 =	sld [smem:s19+$0xFFFFFFF8];
	(v2sf) =	vpush v1, $0xD  }
0x523: {  	s3 =	spop (v2sf);
	(v2sf) =	vpush v1, $0xE;
	s2 =	sadd.f32 $-1.000000000e+00, s2  }
0x524: {  	_ = 	snop  }
0x525: {  	s2 =	sadd.f32 s2, s5;
	_ =	sdelay $0x1  }
0x526: {  	s2 =	sadd.f32 s2, s11;
	_ =	sdelay $0x1  }
0x527: {  	s2 =	sadd.f32 $-1.000000000e+00, s2;
	_ =	sdelay $0x1  }
0x528: {  	s11 =	spop (v2sf);
	s2 =	sadd.f32 s2, s29  }
0x529: {  	s12 =	spop (v2sf)  }
0x52a: {  	s13 =	spop (v2sf);
	s2 =	sadd.f32 s2, s4  }
0x52b: {  	s9 =	spop (v2sf)  }
0x52c: {  	s8 =	spop (v2sf);
	s2 =	sadd.f32 $-1.000000000e+00, s2  }
0x52d: {  	s5 =	spop (v2sf)  }
0x52e: {  	(v2sf) =	vpush v1, $0xF;
	s4 =	spop (v2sf);
	s10 =	sadd.f32 s2, s10  }
0x52f: {  	s14 =	spop (v2sf)  }
0x530: {  	s2 =	spop (v2sf);
	s7 =	sadd.f32 s10, s7  }
0x531: {  	s15 =	spop (v2sf)  }
0x532: {  	s10 =	smul.f32 s30, s15;
	s7 =	sadd.f32 $-1.000000000e+00, s7  }
0x533: {  	_ = 	snop  }
0x534: {  	s16 =	smul.f32 $1.000000000e+03, s26;
	s7 =	sadd.f32 s7, s10  }
0x535: {  	_ = 	snop  }
0x536: {  	s7 =	sadd.f32 s7, s16  }
0x537: {  	s18 =	spop (v2sf);
	s15 =	smul.f32 s21, s21  }
0x538: {  	s10 =	smul.f32 s23, s18;
	s7 =	sadd.f32 $-1.000000000e+00, s7  }
0x539: {  	_ = 	snop  }
0x53a: {  	s20 =	smul.f32 $1.000000000e+03, s15;
	s7 =	sadd.f32 s7, s10  }
0x53b: {  	_ = 	snop  }
0x53c: {  	s7 =	sadd.f32 s7, s20  }
0x53d: {  	s21 =	spop (v2sf)  }
0x53e: {  	s10 =	smul.f32 s25, s21;
	s7 =	sadd.f32 $-1.000000000e+00, s7  }
0x53f: {  	s6 =	ssub.f32 $1.000000000e+00, s6  }
0x540: {  	s22 =	smul.f32 $1.000000000e+03, s24;
	s7 =	sadd.f32 s7, s10  }
0x541: {  	s23 =	sadd.f32 s6, s6  }
0x542: {  	s7 =	sadd.f32 s7, s22  }
0x543: {  	s6 =	smul.f32 s6, s6  }
0x544: {  	s3 =	smul.f32 s23, s3;
	s7 =	sadd.f32 $-1.000000000e+00, s7  }
0x545: {  	s24 =	ssub.f32 $1.000000000e+00, s17  }
0x546: {  	s6 =	smul.f32 $1.000000000e+03, s6;
	s3 =	sadd.f32 s3, s7  }
0x547: {  	s25 =	sadd.f32 s24, s24  }
0x548: {  	s3 =	sadd.f32 s3, s6  }
0x549: {  	s29 =	smul.f32 s24, s24  }
0x54a: {  	s26 =	smul.f32 s25, s12;
	s3 =	sadd.f32 $-1.000000000e+00, s3  }
0x54b: {  	s1 =	ssub.f32 $1.000000000e+00, s1  }
0x54c: {  	s7 =	smul.f32 $1.000000000e+03, s29;
	s3 =	sadd.f32 s3, s26  }
0x54d: {  	s30 =	sadd.f32 s1, s1  }
0x54e: {  	s3 =	sadd.f32 s3, s7  }
0x54f: {  	s0 =	ssub.f32 $1.000000000e+00, s0;
	s1 =	smul.f32 s1, s1  }
0x550: {  	s6 =	smul.f32 s30, s14;
	s3 =	sadd.f32 $-1.000000000e+00, s3  }
0x551: {  	s18 =	sld [smem:s19+$0xFFFFFFFE]  }
0x552: {  	s1 =	smul.f32 $1.000000000e+03, s1;
	s3 =	sadd.f32 s3, s6  }
0x553: {  	s7 =	sadd.f32 s0, s0  }
0x554: {  	s1 =	sadd.f32 s3, s1  }
0x555: {  	s16 =	ssub.f32 $1.000000000e+00, s28;
	s0 =	smul.f32 s0, s0  }
0x556: {  	s10 =	smul.f32 s7, s13;
	s1 =	sadd.f32 $-1.000000000e+00, s1  }
0x557: {  	s12 =	ssub.f32 $1.000000000e+00, s31  }
0x558: {  	s0 =	smul.f32 $1.000000000e+03, s0;
	s1 =	sadd.f32 s1, s10  }
0x559: {  	s13 =	sadd.f32 s12, s12  }
0x55a: {  	s0 =	sadd.f32 s1, s0  }
0x55b: {  	s23 =	sld [smem:s19+$0x0];
	s15 =	smul.f32 s12, s12  }
0x55c: {  	s14 =	smul.f32 s13, s11;
	s0 =	sadd.f32 $-1.000000000e+00, s0  }
0x55d: {  	s28 =	sld [smem:s19+$0x2]  }
0x55e: {  	s3 =	smul.f32 $1.000000000e+03, s15;
	s0 =	sadd.f32 s0, s14  }
0x55f: {  	s17 =	sadd.f32 s16, s16  }
0x560: {  	s0 =	sadd.f32 s0, s3  }
0x561: {  	s21 =	sld [smem:s19+$0xFFFFFFFF];
	s6 =	smul.f32 s16, s16  }
0x562: {  	s1 =	smul.f32 s17, s9;
	s0 =	sadd.f32 $-1.000000000e+00, s0  }
0x563: {  	s3 =	ssub.f32 $1.000000000e+00, s18  }
0x564: {  	s6 =	smul.f32 $1.000000000e+03, s6;
	s0 =	sadd.f32 s0, s1  }
0x565: {  	s20 =	sadd.f32 s3, s3  }
0x566: {  	s0 =	sadd.f32 s0, s6  }
0x567: {  	s24 =	sld [smem:s19+$0x1];
	s3 =	smul.f32 s3, s3  }
0x568: {  	s1 =	smul.f32 s20, s8;
	s0 =	sadd.f32 $-1.000000000e+00, s0  }
0x569: {  	s6 =	ssub.f32 $1.000000000e+00, s21  }
0x56a: {  	s3 =	smul.f32 $1.000000000e+03, s3;
	s0 =	sadd.f32 s0, s1  }
0x56b: {  	s22 =	sadd.f32 s6, s6  }
0x56c: {  	s0 =	sadd.f32 s0, s3  }
0x56d: {  	s30 =	sld [smem:s19+$0x3];
	s6 =	smul.f32 s6, s6  }
0x56e: {  	(v2sf) =	vpush v2, $0xB;
	s1 =	smul.f32 s22, s5;
	s0 =	sadd.f32 $-1.000000000e+00, s0  }
0x56f: {  	(v2sf) =	vpush v2, $0xC;
	s3 =	ssub.f32 $1.000000000e+00, s23  }
0x570: {  	(v2sf) =	vpush v2, $0xA;
	s6 =	smul.f32 $1.000000000e+03, s6;
	s0 =	sadd.f32 s0, s1  }
0x571: {  	s25 =	sadd.f32 s3, s3  }
0x572: {  	s0 =	sadd.f32 s0, s6  }
0x573: {  	s11 =	sld [smem:s19+$0x4];
	s3 =	smul.f32 s3, s3  }
0x574: {  	s1 =	smul.f32 s25, s4;
	s0 =	sadd.f32 $-1.000000000e+00, s0  }
0x575: {  	s5 =	ssub.f32 $1.000000000e+00, s24  }
0x576: {  	s3 =	smul.f32 $1.000000000e+03, s3;
	s0 =	sadd.f32 s0, s1  }
0x577: {  	s26 =	sadd.f32 s5, s5  }
0x578: {  	s0 =	sadd.f32 s0, s3  }
0x579: {  	s13 =	sld [smem:s19+$0x5];
	s29 =	smul.f32 s5, s5  }
0x57a: {  	s2 =	smul.f32 s26, s2;
	s0 =	sadd.f32 $-1.000000000e+00, s0  }
0x57b: {  	s1 =	ssub.f32 $1.000000000e+00, s28  }
0x57c: {  	s3 =	smul.f32 $1.000000000e+03, s29;
	s0 =	sadd.f32 s0, s2  }
0x57d: {  	s31 =	spop (v2sf);
	s6 =	sadd.f32 s1, s1  }
0x57e: {  	s7 =	spop (v2sf);
	s0 =	sadd.f32 s0, s3  }
0x57f: {  	s8 =	spop (v2sf);
	s1 =	smul.f32 s1, s1  }
0x580: {  	s2 =	smul.f32 s6, s8;
	s0 =	sadd.f32 $-1.000000000e+00, s0  }
0x581: {  	s9 =	ssub.f32 $1.000000000e+00, s30  }
0x582: {  	(v2sf) =	vpush v2, $0xD;
	s1 =	smul.f32 $1.000000000e+03, s1;
	s0 =	sadd.f32 s0, s2  }
0x583: {  	s10 =	sadd.f32 s9, s9  }
0x584: {  	s0 =	sadd.f32 s0, s1  }
0x585: {  	s14 =	sld [smem:s19+$0x6];
	s3 =	smul.f32 s9, s9  }
0x586: {  	s2 =	smul.f32 s10, s31;
	s0 =	sadd.f32 $-1.000000000e+00, s0  }
0x587: {  	s1 =	ssub.f32 $1.000000000e+00, s11  }
0x588: {  	(v2sf) =	vpush v2, $0xE;
	s3 =	smul.f32 $1.000000000e+03, s3;
	s0 =	sadd.f32 s0, s2  }
0x589: {  	s12 =	sadd.f32 s1, s1  }
0x58a: {  	s0 =	sadd.f32 s0, s3  }
0x58b: {  	s17 =	ssub.f32 $1.000000000e+00, s14;
	s1 =	smul.f32 s1, s1  }
0x58c: {  	s2 =	smul.f32 s12, s7;
	s0 =	sadd.f32 $-1.000000000e+00, s0  }
0x58d: {  	s3 =	ssub.f32 $1.000000000e+00, s13  }
0x58e: {  	(v2sf) =	vpush v2, $0xF;
	s1 =	smul.f32 $1.000000000e+03, s1;
	s0 =	sadd.f32 s0, s2  }
0x58f: {  	s15 =	sadd.f32 s3, s3  }
0x590: {  	s0 =	sadd.f32 s0, s1  }
0x591: {  	s16 =	spop (v2sf);
	s3 =	smul.f32 s3, s3  }
0x592: {  	s1 =	smul.f32 s15, s16;
	s0 =	sadd.f32 $-1.000000000e+00, s0  }
0x593: {  	s18 =	sadd.f32 s17, s17  }
0x594: {  	s3 =	smul.f32 $1.000000000e+03, s3;
	s0 =	sadd.f32 s0, s1  }
0x595: {  	s20 =	sld [smem:s19+$0x7]  }
0x596: {  	s0 =	sadd.f32 s0, s3  }
0x597: {  	s21 =	spop (v2sf);
	s2 =	smul.f32 s17, s17  }
0x598: {  	s1 =	smul.f32 s18, s21;
	s0 =	sadd.f32 $-1.000000000e+00, s0  }
0x599: {  	s22 =	ssub.f32 $1.000000000e+00, s20  }
0x59a: {  	s2 =	smul.f32 $1.000000000e+03, s2;
	s0 =	sadd.f32 s0, s1  }
0x59b: {  	s23 =	sadd.f32 s22, s22  }
0x59c: {  	s0 =	sadd.f32 s0, s2  }
0x59d: {  	s25 =	smul.f32 s22, s22;
	s24 =	spop (v2sf)  }
0x59e: {  	s1 =	smul.f32 s23, s24;
	s0 =	sadd.f32 $-1.000000000e+00, s0  }
0x59f: {  	_ = 	snop  }
0x5a0: {  	s26 =	smul.f32 $1.000000000e+03, s25;
	s0 =	sadd.f32 s0, s1  }
0x5a1: {  	_ = 	snop  }
0x5a2: {  	s0 =	sadd.f32 s0, s26;
	_ =	sdelay $0x1  }
0x5a3: {  	s0 =	sadd.f32 $-1.000000000e+00, s0;
	_ =	sdelay $0x1  }
0x5a4: {  	s0 =	smul.f32 $6.250000000e-02, s0;
	_ =	sdelay $0x1  }
0x5a5: {  	v0 =	vadd.f32 s0, v0  }
0x5a6: {  	s28 =	rddreg [dreg:$0xb]  }
0x5a7: {  	s29 =	simm.s32 $0x10080;
	s7 =	simm.s32 $0x0;
	s1 =	simm.s32 $0x1;
	[tilespmem:$0x10080] =	vst v0  }
0x5a8: {  	[hbm4b:s28+s7] =	stream.linear.scatter [tilespmem:s29], [sflag:$0x1], $0x80, $0x38;
	[tilespmem:$0x10500] =	vst v63  }
0x5a9: {  	_ =	swait.ge [sflag:s1], $0x80  }
0x5aa: {  	s30 =	rddreg [dreg:$0xd]  }
0x5ab: {  	s31 =	rddreg [dreg:$0xc];
	s2 =	sadd.s32 $0x1, s30  }
0x5ac: {  	p0 =	sne.s32 s2, s31  }
.Ltmp9:
0x5ad: {  	_ = 	snop;
	(pc) =	sbr.rel @p0 .LBB2_1-.Ltmp9, $3  }
0x5ae: {  	_ =	sdelay $0x1  }
0x5af: {  	[sflag:s1] =	ssyncset.done $0x0  }
0x5b0: {  	s10 =	simm.s32 $0x80;
	[sflag:s1] =	ssyncadd.s32 $0xFFFFFF80  }
0x5b1: {  	_ =	sfence.sel $0x180000  }
0x5b2: {  	[bflag:$0x0] =	sbarrier.arrive $0xFFFF  }
0x5b3: {  	_ =	strace $0x90000047  }
0x5b4: {  	s0 =	stileid.u32;
	[bflag:$0x2] =	sbarrier.arrive $0xFFFF  }
0x5b5: {  	p0 =	sne.s32 s0, $0x0;
	s0 =	rddreg [dreg:$0x3]  }
0x5b6: {  	s0 =	sadd.s32 @!p0 $0x100000, s0  }
0x5b7: {  	[sflag:s0] =	ssyncadd.tile.s32 @!p0 $0x1;
	_ =	shalt  }
.Lfunc_end2:
_tile_overlayer_lowered:
.L_overlay_start_2:
0x5b8: {  	(tag) =	ssettag $0x2  }
0x5b9: {  	s0 =	rddreg [dreg:$0x0];
	s2 =	stileid.u32  }
0x5ba: {  	s1 =	rddreg [dreg:$0x1];
	p0 =	sne.s32 s2, $0x0  }
0x5bb: {  	s3 =	rddreg [dreg:$0x2];
	[bflag:$0x3] =	sbarrier.arrive $0xFFFF;
	s2 =	simm.s32 @!p0 $0x1C04  }
0x5bc: {  	[timem:s3], [sflag:s2] =	dma.local @!p0 [hbm:s0], s1  }
0x5bd: {  	s0 =	simm.s32 @!p0 $0x4  }
0x5be: {  	_ =	swait.ge @!p0 [sflag:s0], s1  }
0x5bf: {  	s1 =	ssub.s32 @!p0 $0x0, s1;
	[sflag:s0] =	ssyncset.done @!p0 $0x0  }
0x5c0: {  	[sflag:s0] =	ssyncadd.s32 @!p0 s1  }
0x5c1: {  	[bflag:$0x3] =	sbarrier.arrive $0xFFFF  }
0x5c2: {  	_ =	shalt  }

</sc_bundles>
